<compile_context>
chip_gen: v7x
topology: tpu7x:2x2x1
jax: 0.10.2.dev20260603
libtpu: 0.0.44.dev20260713+nightly
codegen_flags: <defaults>
</compile_context>

<pallas_src>
import jax
import jax.numpy as jnp
import numpy as np
from jax import lax
from jax.experimental import pallas as pl
from jax.experimental.pallas import tpu as pltpu
from jax.experimental.pallas import tpu_sc as plsc

_NFREQ = 3
_MU = 11.0
_B = 4096
_S = 200
_N = _B * _S
_NWORKERS = 32
_EPW = _N // _NWORKERS
_E = 1280
_NCHUNKS = _EPW // _E
_PA = 39
_PB = 38


def _fourier_table_t() -> np.ndarray:
    b = np.arange(256)
    xi = ((b >> 4) & 15).astype(np.float32)
    yi = (b & 15).astype(np.float32)
    xn = xi / np.float32(_MU - 1.0) * np.float32(2.0) - np.float32(1.0)
    yn = yi / np.float32(_MU - 1.0) * np.float32(2.0) - np.float32(1.0)
    freqs = (2.0 ** np.arange(_NFREQ)).astype(np.float32)
    xs = xn[:, None] * freqs[None, :]
    ys = yn[:, None] * freqs[None, :]
    t = np.zeros((256, 12), dtype=np.float32)
    t[:, 0:3] = np.cos(xs)
    t[:, 3:6] = np.sin(xs)
    t[:, 6:9] = np.cos(ys)
    t[:, 9:12] = np.sin(ys)
    return np.ascontiguousarray(t.T)


_TXYT = _fourier_table_t()


def _sc_body(td_hbm, wt_hbm, txyt_hbm, out_hbm, td_v, out_a, out_b,
             wt_v, txyt_v, sem_in0, sem_in1, sem_a, sem_b):
    wid = lax.axis_index("s") * 2 + lax.axis_index("c")
    base = wid * _EPW
    sems_in = (sem_in0, sem_in1)
    pltpu.sync_copy(wt_hbm, wt_v)
    pltpu.sync_copy(txyt_hbm, txyt_v)
    pltpu.async_copy(td_hbm.at[:, pl.ds(base, _E)], td_v.at[0], sems_in[0])

    def pair(tp, _):
        for b in range(2):
            t = 2 * tp + b
            n0 = base + t * _E
            pltpu.make_async_copy(
                td_hbm.at[:, pl.ds(n0, _E)], td_v.at[b], sems_in[b]).wait()

            @pl.when(t + 1 < _NCHUNKS)
            def _():
                pltpu.async_copy(td_hbm.at[:, pl.ds(n0 + _E, _E)],
                                 td_v.at[1 - b], sems_in[1 - b])

            @pl.when(t >= 1)
            def _():
                pltpu.make_async_copy(
                    out_a, out_hbm.at[pl.ds(0, _PA), pl.ds(n0 - _E, _E)],
                    sem_a).wait()

            @plsc.parallel_loop(0, _E, step=16, unroll=2)
            def grp_a(o):
                attr = td_v[b, 1, pl.ds(o, 16)] & 255
                for p0 in range(0, _PA, 8):
                    k = min(8, _PA - p0)
                    vals = [plsc.load_gather(
                                wt_v,
                                [jnp.full((16,), p0 + i, jnp.int32), attr])
                            for i in range(k)]
                    for i in range(k):
                        out_a[p0 + i, pl.ds(o, 16)] = vals[i]

            pltpu.async_copy(
                out_a, out_hbm.at[pl.ds(0, _PA), pl.ds(n0, _E)], sem_a)

            @pl.when(t >= 1)
            def _():
                pltpu.make_async_copy(
                    out_b, out_hbm.at[pl.ds(_PA, _PB), pl.ds(n0 - _E, _E)],
                    sem_b).wait()

            @plsc.parallel_loop(0, _E, step=16, unroll=2)
            def grp_b(o):
                attr = td_v[b, 1, pl.ds(o, 16)] & 255
                byte = td_v[b, 0, pl.ds(o, 16)] & 255
                for p0 in range(_PA, 64, 8):
                    k = min(8, 64 - p0)
                    vals = [plsc.load_gather(
                                wt_v,
                                [jnp.full((16,), p0 + i, jnp.int32), attr])
                            for i in range(k)]
                    for i in range(k):
                        out_b[p0 - _PA + i, pl.ds(o, 16)] = vals[i]
                fvals = [plsc.load_gather(
                             txyt_v, [jnp.full((16,), p, jnp.int32), byte])
                         for p in range(12)]
                for p in range(12):
                    out_b[64 - _PA + p, pl.ds(o, 16)] = fvals[p]
                out_b[76 - _PA, pl.ds(o, 16)] = (
                    td_v[b, 2, pl.ds(o, 16)].astype(jnp.float32))

            pltpu.async_copy(
                out_b, out_hbm.at[pl.ds(_PA, _PB), pl.ds(n0, _E)], sem_b)
        return 0

    lax.fori_loop(0, _NCHUNKS // 2, pair, 0)
    end = base + (_NCHUNKS - 1) * _E
    pltpu.make_async_copy(
        out_a, out_hbm.at[pl.ds(0, _PA), pl.ds(end, _E)], sem_a).wait()
    pltpu.make_async_copy(
        out_b, out_hbm.at[pl.ds(_PA, _PB), pl.ds(end, _E)], sem_b).wait()


@jax.jit
def _run(td_lin, wt, txyt):
    mesh = plsc.VectorSubcoreMesh(core_axis_name="c", subcore_axis_name="s")
    f = pl.kernel(
        _sc_body,
        out_type=jax.ShapeDtypeStruct((77, _N), jnp.float32),
        mesh=mesh,
        scratch_types=[
            pltpu.VMEM((2, 3, _E), jnp.int32),
            pltpu.VMEM((_PA, _E), jnp.float32),
            pltpu.VMEM((_PB, _E), jnp.float32),
            pltpu.VMEM((64, 256), jnp.float32),
            pltpu.VMEM((12, 256), jnp.float32),
            pltpu.SemaphoreType.DMA,
            pltpu.SemaphoreType.DMA,
            pltpu.SemaphoreType.DMA,
            pltpu.SemaphoreType.DMA,
        ],
        compiler_params=pltpu.CompilerParams(
            use_tc_tiling_on_sc=False, needs_layout_passes=False),
    )
    return f(td_lin, wt, txyt)


def kernel(td, W):
    td_lin = (td.transpose(2, 1, 0)
                .reshape(3, _S // 8, 8, _B // 128, 128)
                .transpose(0, 1, 3, 2, 4)
                .reshape(3, _N))
    k5 = _run(td_lin, W.T, jnp.asarray(_TXYT))
    out = (k5.reshape(77, _S // 8, _B // 128, 8, 128)
             .transpose(2, 4, 1, 3, 0)
             .reshape(_B, _S, 77))
    return out

# --- scband reference (transcript-rebuilt; emitter-appended) ---
"""Pipeline reference for scband-obs-attr-embed-fourier-45406394254128 (READ-ONLY COPY).

The authoritative reference and input builder live on the scoring server;
editing this copy changes nothing except your own understanding.
"""

import jax, jax.numpy as jnp
import numpy as np

ATTR_EMBED_DIM = 64
NUM_FREQS = 3
MAX_EMBEDS = 256
MU = 11.0


def setup_inputs(seed: int = 0) -> dict:
    key = jax.random.key(seed)
    k1, k2 = jax.random.split(key)
    td = jax.random.randint(k1, (4096, 200, 3), 0, 255, dtype=jnp.int32)
    W = 0.02 * jax.random.truncated_normal(k2, -2.0, 2.0, (MAX_EMBEDS, ATTR_EMBED_DIM), dtype=jnp.float32)
    W = W.at[255].set(0.0)  # padding_idx=255
    return {"td": td, "W": W}


def reference(td, W):
    attr_indices = td[..., 1]
    attr_embeds = jnp.take(W, attr_indices, axis=0)
    coords_byte = td[..., 0].astype(jnp.uint8)
    x_coord_indices = ((coords_byte >> 4) & 15).astype(jnp.float32)
    y_coord_indices = (coords_byte & 15).astype(jnp.float32)
    x_coords_norm = (x_coord_indices / (MU - 1.0) * 2.0 - 1.0)[..., None]
    y_coords_norm = (y_coord_indices / (MU - 1.0) * 2.0 - 1.0)[..., None]
    frequencies = (2.0 ** jnp.arange(NUM_FREQS, dtype=jnp.float32)).reshape(1, 1, -1)
    x_scaled = x_coords_norm * frequencies
    y_scaled = y_coords_norm * frequencies
    attr_values = td[..., 2].astype(jnp.float32)[..., None]
    feat_vectors = jnp.concatenate(
        [attr_embeds, jnp.cos(x_scaled), jnp.sin(x_scaled), jnp.cos(y_scaled), jnp.sin(y_scaled), attr_values],
        axis=-1,
    )
    return feat_vectors

if __name__ == "__main__":
    import jax
    _d = setup_inputs()
    print(jax.jit(kernel)(*tuple(_d.values())))

</pallas_src>

<mosaic_0001>
#map = affine_map<(d0, d1) -> (0, 0)>
module attributes {stable_mosaic.version = 14 : i64} {
  func.func @_sc_body(%arg0: i32, %arg1: i32, %arg2: memref<3x819200xi32, #tpu.memory_space<hbm>>, %arg3: memref<64x256xf32, #tpu.memory_space<hbm>>, %arg4: memref<12x256xf32, #tpu.memory_space<hbm>>, %arg5: memref<77x819200xf32, #tpu.memory_space<hbm>>, %arg6: memref<2x3x1280xi32, #tpu.memory_space<vmem>>, %arg7: memref<39x1280xf32, #tpu.memory_space<vmem>>, %arg8: memref<38x1280xf32, #tpu.memory_space<vmem>>, %arg9: memref<64x256xf32, #tpu.memory_space<vmem>>, %arg10: memref<12x256xf32, #tpu.memory_space<vmem>>, %arg11: memref<!tpu.dma_semaphore, #tpu.memory_space<semaphore_mem>>, %arg12: memref<!tpu.dma_semaphore, #tpu.memory_space<semaphore_mem>>, %arg13: memref<!tpu.dma_semaphore, #tpu.memory_space<semaphore_mem>>, %arg14: memref<!tpu.dma_semaphore, #tpu.memory_space<semaphore_mem>>) attributes {dimension_semantics = [#tpu.dimension_semantics<core_parallel>, #tpu.dimension_semantics<subcore_parallel>], iteration_bounds = array<i64: 2, 16>, scalar_prefetch = 0 : i64, scratch_operands = 9 : i64, tpu.core_type = #tpu.core_type<sc_vector_subcore>, window_params = [{transform_indices = #map}, {transform_indices = #map}, {transform_indices = #map}, {transform_indices = #map}]} {
    %mul3A = arith.constant 2 : i32
    %mul3A_0 = arith.muli %arg1, %mul3A : i32
    %add3A = arith.addi %mul3A_0, %arg0 : i32
    %mul3A_1 = arith.constant 25600 : i32
    %mul3A_2 = arith.muli %add3A, %mul3A_1 : i32
    "tpu.region"() ({
      %run_scoped3A = tpu.sem_alloc : memref<!tpu.dma_semaphore, #tpu.memory_space<semaphore_mem>>
      tpu.enqueue_dma source(%arg3 : memref<64x256xf32, #tpu.memory_space<hbm>>) target(%arg9 : memref<64x256xf32, #tpu.memory_space<vmem>>) target_semaphore(%run_scoped3A : memref<!tpu.dma_semaphore, #tpu.memory_space<semaphore_mem>>)
      tpu.wait_dma2 semaphore(%run_scoped3A : memref<!tpu.dma_semaphore, #tpu.memory_space<semaphore_mem>>) src(%arg3 : memref<64x256xf32, #tpu.memory_space<hbm>>) dst(%arg9 : memref<64x256xf32, #tpu.memory_space<vmem>>)
      tpu.yield
    }) : () -> ()
    "tpu.region"() ({
      %run_scoped3A = tpu.sem_alloc : memref<!tpu.dma_semaphore, #tpu.memory_space<semaphore_mem>>
      tpu.enqueue_dma source(%arg4 : memref<12x256xf32, #tpu.memory_space<hbm>>) target(%arg10 : memref<12x256xf32, #tpu.memory_space<vmem>>) target_semaphore(%run_scoped3A : memref<!tpu.dma_semaphore, #tpu.memory_space<semaphore_mem>>)
      tpu.wait_dma2 semaphore(%run_scoped3A : memref<!tpu.dma_semaphore, #tpu.memory_space<semaphore_mem>>) src(%arg4 : memref<12x256xf32, #tpu.memory_space<hbm>>) dst(%arg10 : memref<12x256xf32, #tpu.memory_space<vmem>>)
      tpu.yield
    }) : () -> ()
    %dma_start3A = arith.constant 0 : i32
    %dma_start3A_3 = arith.constant 0 : i32
    %dma_start3A_4 = arith.constant 0 : i32
    %dma_start3A_5 = tpu.memref_slice %arg6[%dma_start3A, %dma_start3A_3, %dma_start3A_4] : memref<2x3x1280xi32, #tpu.memory_space<vmem>> -> memref<1x3x1280xi32, #tpu.memory_space<vmem>>
    %dma_start3A_6 = tpu.memref_squeeze %dma_start3A_5 : memref<1x3x1280xi32, #tpu.memory_space<vmem>> -> memref<3x1280xi32, #tpu.memory_space<vmem>>
    %dma_start3A_7 = arith.constant 0 : i32
    %dma_start3A_8 = tpu.memref_slice %arg2[%dma_start3A_7, %mul3A_2] : memref<3x819200xi32, #tpu.memory_space<hbm>> -> memref<3x1280xi32, #tpu.memory_space<hbm>>
    %dma_start3A_9 = arith.constant 0 : i32
    %dma_start3A_10 = arith.constant 0 : i32
    %dma_start3A_11 = tpu.memref_slice %arg6[%dma_start3A, %dma_start3A_9, %dma_start3A_10] : memref<2x3x1280xi32, #tpu.memory_space<vmem>> -> memref<1x3x1280xi32, #tpu.memory_space<vmem>>
    %dma_start3A_12 = tpu.memref_squeeze %dma_start3A_11 : memref<1x3x1280xi32, #tpu.memory_space<vmem>> -> memref<3x1280xi32, #tpu.memory_space<vmem>>
    %dma_start3A_13 = arith.constant 0 : i32
    %dma_start3A_14 = tpu.memref_slice %arg2[%dma_start3A_13, %mul3A_2] : memref<3x819200xi32, #tpu.memory_space<hbm>> -> memref<3x1280xi32, #tpu.memory_space<hbm>>
    tpu.enqueue_dma source(%dma_start3A_14 : memref<3x1280xi32, #tpu.memory_space<hbm>>) target(%dma_start3A_12 : memref<3x1280xi32, #tpu.memory_space<vmem>>) target_semaphore(%arg11 : memref<!tpu.dma_semaphore, #tpu.memory_space<semaphore_mem>>)
    %scan3A = arith.constant 0 : i32
    %scan3A_15 = arith.constant 0 : i32
    %scan3A_16 = arith.constant 10 : i32
    %scan3A_17 = arith.addi %scan3A_15, %scan3A_16 : i32
    %scan3A_18 = arith.constant 1 : i32
    %scan3A_19 = scf.for %scan3A_30 = %scan3A_15 to %scan3A_17 step %scan3A_18 iter_args(%scan3A_31 = %scan3A) -> (i32)  : i32 {
      %mul3A_32 = arith.constant 2 : i32
      %mul3A_33 = arith.muli %mul3A_32, %scan3A_30 : i32
      %add3A_34 = arith.constant 0 : i32
      %add3A_35 = arith.addi %mul3A_33, %add3A_34 : i32
      %mul3A_36 = arith.constant 1280 : i32
      %mul3A_37 = arith.muli %add3A_35, %mul3A_36 : i32
      %add3A_38 = arith.addi %mul3A_2, %mul3A_37 : i32
      %dma_wait3A_39 = arith.constant 0 : i32
      %dma_wait3A_40 = arith.constant 0 : i32
      %dma_wait3A_41 = arith.constant 0 : i32
      %dma_wait3A_42 = tpu.memref_slice %arg6[%dma_wait3A_39, %dma_wait3A_40, %dma_wait3A_41] : memref<2x3x1280xi32, #tpu.memory_space<vmem>> -> memref<1x3x1280xi32, #tpu.memory_space<vmem>>
      %dma_wait3A_43 = tpu.memref_squeeze %dma_wait3A_42 : memref<1x3x1280xi32, #tpu.memory_space<vmem>> -> memref<3x1280xi32, #tpu.memory_space<vmem>>
      %dma_wait3A_44 = arith.constant 0 : i32
      %dma_wait3A_45 = tpu.memref_slice %arg2[%dma_wait3A_44, %add3A_38] : memref<3x819200xi32, #tpu.memory_space<hbm>> -> memref<3x1280xi32, #tpu.memory_space<hbm>>
      %dma_wait3A_46 = arith.constant 0 : i32
      %dma_wait3A_47 = arith.constant 0 : i32
      %dma_wait3A_48 = tpu.memref_slice %arg6[%dma_wait3A_39, %dma_wait3A_46, %dma_wait3A_47] : memref<2x3x1280xi32, #tpu.memory_space<vmem>> -> memref<1x3x1280xi32, #tpu.memory_space<vmem>>
      %dma_wait3A_49 = tpu.memref_squeeze %dma_wait3A_48 : memref<1x3x1280xi32, #tpu.memory_space<vmem>> -> memref<3x1280xi32, #tpu.memory_space<vmem>>
      %dma_wait3A_50 = arith.constant 0 : i32
      %dma_wait3A_51 = tpu.memref_slice %arg2[%dma_wait3A_50, %add3A_38] : memref<3x819200xi32, #tpu.memory_space<hbm>> -> memref<3x1280xi32, #tpu.memory_space<hbm>>
      tpu.wait_dma2 semaphore(%arg11 : memref<!tpu.dma_semaphore, #tpu.memory_space<semaphore_mem>>) src(%dma_wait3A_51 : memref<3x1280xi32, #tpu.memory_space<hbm>>) dst(%dma_wait3A_49 : memref<3x1280xi32, #tpu.memory_space<vmem>>)
      %add3A_52 = arith.constant 1 : i32
      %add3A_53 = arith.addi %add3A_35, %add3A_52 : i32
      %lt3A = arith.constant 20 : i32
      %lt3A_54 = arith.cmpi slt, %add3A_53, %lt3A : i32
      %convert_element_type3A = arith.extui %lt3A_54 : i1 to i32
      %cond3A = arith.constant 0 : i32
      %cond3A_55 = arith.cmpi ne, %convert_element_type3A, %cond3A : i32
      scf.if %cond3A_55 {
        %add3A_130 = arith.constant 1280 : i32
        %add3A_131 = arith.addi %add3A_38, %add3A_130 : i32
        %dma_start3A_132 = arith.constant 1 : i32
        %dma_start3A_133 = arith.constant 0 : i32
        %dma_start3A_134 = arith.constant 0 : i32
        %dma_start3A_135 = tpu.memref_slice %arg6[%dma_start3A_132, %dma_start3A_133, %dma_start3A_134] : memref<2x3x1280xi32, #tpu.memory_space<vmem>> -> memref<1x3x1280xi32, #tpu.memory_space<vmem>>
        %dma_start3A_136 = tpu.memref_squeeze %dma_start3A_135 : memref<1x3x1280xi32, #tpu.memory_space<vmem>> -> memref<3x1280xi32, #tpu.memory_space<vmem>>
        %dma_start3A_137 = arith.constant 0 : i32
        %dma_start3A_138 = tpu.memref_slice %arg2[%dma_start3A_137, %add3A_131] : memref<3x819200xi32, #tpu.memory_space<hbm>> -> memref<3x1280xi32, #tpu.memory_space<hbm>>
        %dma_start3A_139 = arith.constant 0 : i32
        %dma_start3A_140 = arith.constant 0 : i32
        %dma_start3A_141 = tpu.memref_slice %arg6[%dma_start3A_132, %dma_start3A_139, %dma_start3A_140] : memref<2x3x1280xi32, #tpu.memory_space<vmem>> -> memref<1x3x1280xi32, #tpu.memory_space<vmem>>
        %dma_start3A_142 = tpu.memref_squeeze %dma_start3A_141 : memref<1x3x1280xi32, #tpu.memory_space<vmem>> -> memref<3x1280xi32, #tpu.memory_space<vmem>>
        %dma_start3A_143 = arith.constant 0 : i32
        %dma_start3A_144 = tpu.memref_slice %arg2[%dma_start3A_143, %add3A_131] : memref<3x819200xi32, #tpu.memory_space<hbm>> -> memref<3x1280xi32, #tpu.memory_space<hbm>>
        tpu.enqueue_dma source(%dma_start3A_144 : memref<3x1280xi32, #tpu.memory_space<hbm>>) target(%dma_start3A_142 : memref<3x1280xi32, #tpu.memory_space<vmem>>) target_semaphore(%arg12 : memref<!tpu.dma_semaphore, #tpu.memory_space<semaphore_mem>>)
      } else {
      }
      %ge3A = arith.constant 1 : i32
      %ge3A_56 = arith.cmpi sge, %add3A_35, %ge3A : i32
      %convert_element_type3A_57 = arith.extui %ge3A_56 : i1 to i32
      %cond3A_58 = arith.constant 0 : i32
      %cond3A_59 = arith.cmpi ne, %convert_element_type3A_57, %cond3A_58 : i32
      scf.if %cond3A_59 {
        %sub3A = arith.constant 1280 : i32
        %sub3A_130 = arith.subi %add3A_38, %sub3A : i32
        %dma_wait3A_131 = arith.constant 0 : i32
        %dma_wait3A_132 = tpu.memref_slice %arg5[%dma_wait3A_131, %sub3A_130] : memref<77x819200xf32, #tpu.memory_space<hbm>> -> memref<39x1280xf32, #tpu.memory_space<hbm>>
        %dma_wait3A_133 = arith.constant 0 : i32
        %dma_wait3A_134 = tpu.memref_slice %arg5[%dma_wait3A_133, %sub3A_130] : memref<77x819200xf32, #tpu.memory_space<hbm>> -> memref<39x1280xf32, #tpu.memory_space<hbm>>
        tpu.wait_dma2 semaphore(%arg13 : memref<!tpu.dma_semaphore, #tpu.memory_space<semaphore_mem>>) src(%arg7 : memref<39x1280xf32, #tpu.memory_space<vmem>>) dst(%dma_wait3A_134 : memref<39x1280xf32, #tpu.memory_space<hbm>>)
      } else {
      }
      %parallel_loop3A = arith.constant 0 : i32
      %parallel_loop3A_60 = arith.constant 1280 : i32
      %parallel_loop3A_61 = arith.constant 16 : i32
      scf.for %parallel_loop3A_130 = %parallel_loop3A to %parallel_loop3A_60 step %parallel_loop3A_61  : i32 {
        %parallel_loop3A_131 = arith.constant 0 : i32
        %parallel_loop3A_132 = arith.constant 1 : i32
        %parallel_loop3A_133 = arith.index_cast %parallel_loop3A_131 : i32 to index
        %parallel_loop3A_134 = arith.index_cast %parallel_loop3A_132 : i32 to index
        %parallel_loop3A_135 = arith.index_cast %parallel_loop3A_130 : i32 to index
        %parallel_loop3A_136 = tpu.vector_load %arg6[%parallel_loop3A_133, %parallel_loop3A_134, %parallel_loop3A_135] {strides = array<i32>} : memref<2x3x1280xi32, #tpu.memory_space<vmem>>, vector<16xi32>,
        %parallel_loop3A_137 = arith.constant 255 : i32
        %parallel_loop3A_138 = vector.broadcast %parallel_loop3A_137 : i32 to vector<16xi32>
        %parallel_loop3A_139 = arith.andi %parallel_loop3A_136, %parallel_loop3A_138 : vector<16xi32>
        %parallel_loop3A_140 = arith.constant 0 : i32
        %parallel_loop3A_141 = vector.broadcast %parallel_loop3A_140 : i32 to vector<16xi32>
        %parallel_loop3A_142 = tpu.vector_load_idx %arg9[%parallel_loop3A_141, %parallel_loop3A_139] : memref<64x256xf32, #tpu.memory_space<vmem>>[vector<16xi32>, vector<16xi32>], vector<16xf32>,
        %parallel_loop3A_143 = arith.constant 1 : i32
        %parallel_loop3A_144 = vector.broadcast %parallel_loop3A_143 : i32 to vector<16xi32>
        %parallel_loop3A_145 = tpu.vector_load_idx %arg9[%parallel_loop3A_144, %parallel_loop3A_139] : memref<64x256xf32, #tpu.memory_space<vmem>>[vector<16xi32>, vector<16xi32>], vector<16xf32>,
        %parallel_loop3A_146 = arith.constant 2 : i32
        %parallel_loop3A_147 = vector.broadcast %parallel_loop3A_146 : i32 to vector<16xi32>
        %parallel_loop3A_148 = tpu.vector_load_idx %arg9[%parallel_loop3A_147, %parallel_loop3A_139] : memref<64x256xf32, #tpu.memory_space<vmem>>[vector<16xi32>, vector<16xi32>], vector<16xf32>,
        %parallel_loop3A_149 = arith.constant 3 : i32
        %parallel_loop3A_150 = vector.broadcast %parallel_loop3A_149 : i32 to vector<16xi32>
        %parallel_loop3A_151 = tpu.vector_load_idx %arg9[%parallel_loop3A_150, %parallel_loop3A_139] : memref<64x256xf32, #tpu.memory_space<vmem>>[vector<16xi32>, vector<16xi32>], vector<16xf32>,
        %parallel_loop3A_152 = arith.constant 4 : i32
        %parallel_loop3A_153 = vector.broadcast %parallel_loop3A_152 : i32 to vector<16xi32>
        %parallel_loop3A_154 = tpu.vector_load_idx %arg9[%parallel_loop3A_153, %parallel_loop3A_139] : memref<64x256xf32, #tpu.memory_space<vmem>>[vector<16xi32>, vector<16xi32>], vector<16xf32>,
        %parallel_loop3A_155 = arith.constant 5 : i32
        %parallel_loop3A_156 = vector.broadcast %parallel_loop3A_155 : i32 to vector<16xi32>
        %parallel_loop3A_157 = tpu.vector_load_idx %arg9[%parallel_loop3A_156, %parallel_loop3A_139] : memref<64x256xf32, #tpu.memory_space<vmem>>[vector<16xi32>, vector<16xi32>], vector<16xf32>,
        %parallel_loop3A_158 = arith.constant 6 : i32
        %parallel_loop3A_159 = vector.broadcast %parallel_loop3A_158 : i32 to vector<16xi32>
        %parallel_loop3A_160 = tpu.vector_load_idx %arg9[%parallel_loop3A_159, %parallel_loop3A_139] : memref<64x256xf32, #tpu.memory_space<vmem>>[vector<16xi32>, vector<16xi32>], vector<16xf32>,
        %parallel_loop3A_161 = arith.constant 7 : i32
        %parallel_loop3A_162 = vector.broadcast %parallel_loop3A_161 : i32 to vector<16xi32>
        %parallel_loop3A_163 = tpu.vector_load_idx %arg9[%parallel_loop3A_162, %parallel_loop3A_139] : memref<64x256xf32, #tpu.memory_space<vmem>>[vector<16xi32>, vector<16xi32>], vector<16xf32>,
        %parallel_loop3A_164 = arith.constant 0 : i32
        %parallel_loop3A_165 = arith.index_cast %parallel_loop3A_164 : i32 to index
        %parallel_loop3A_166 = arith.index_cast %parallel_loop3A_130 : i32 to index
        %parallel_loop3A_167 = tpu.vector_load %arg7[%parallel_loop3A_165, %parallel_loop3A_166] {strides = array<i32>} : memref<39x1280xf32, #tpu.memory_space<vmem>>, vector<16xf32>,
        tpu.vector_store %arg7[%parallel_loop3A_165, %parallel_loop3A_166], %parallel_loop3A_142 {strides = array<i32>} : memref<39x1280xf32, #tpu.memory_space<vmem>>, vector<16xf32>,
        %parallel_loop3A_168 = arith.constant 1 : i32
        %parallel_loop3A_169 = arith.index_cast %parallel_loop3A_168 : i32 to index
        %parallel_loop3A_170 = arith.index_cast %parallel_loop3A_130 : i32 to index
        %parallel_loop3A_171 = tpu.vector_load %arg7[%parallel_loop3A_169, %parallel_loop3A_170] {strides = array<i32>} : memref<39x1280xf32, #tpu.memory_space<vmem>>, vector<16xf32>,
        tpu.vector_store %arg7[%parallel_loop3A_169, %parallel_loop3A_170], %parallel_loop3A_145 {strides = array<i32>} : memref<39x1280xf32, #tpu.memory_space<vmem>>, vector<16xf32>,
        %parallel_loop3A_172 = arith.constant 2 : i32
        %parallel_loop3A_173 = arith.index_cast %parallel_loop3A_172 : i32 to index
        %parallel_loop3A_174 = arith.index_cast %parallel_loop3A_130 : i32 to index
        %parallel_loop3A_175 = tpu.vector_load %arg7[%parallel_loop3A_173, %parallel_loop3A_174] {strides = array<i32>} : memref<39x1280xf32, #tpu.memory_space<vmem>>, vector<16xf32>,
        tpu.vector_store %arg7[%parallel_loop3A_173, %parallel_loop3A_174], %parallel_loop3A_148 {strides = array<i32>} : memref<39x1280xf32, #tpu.memory_space<vmem>>, vector<16xf32>,
        %parallel_loop3A_176 = arith.constant 3 : i32
        %parallel_loop3A_177 = arith.index_cast %parallel_loop3A_176 : i32 to index
        %parallel_loop3A_178 = arith.index_cast %parallel_loop3A_130 : i32 to index
        %parallel_loop3A_179 = tpu.vector_load %arg7[%parallel_loop3A_177, %parallel_loop3A_178] {strides = array<i32>} : memref<39x1280xf32, #tpu.memory_space<vmem>>, vector<16xf32>,
        tpu.vector_store %arg7[%parallel_loop3A_177, %parallel_loop3A_178], %parallel_loop3A_151 {strides = array<i32>} : memref<39x1280xf32, #tpu.memory_space<vmem>>, vector<16xf32>,
        %parallel_loop3A_180 = arith.constant 4 : i32
        %parallel_loop3A_181 = arith.index_cast %parallel_loop3A_180 : i32 to index
        %parallel_loop3A_182 = arith.index_cast %parallel_loop3A_130 : i32 to index
        %parallel_loop3A_183 = tpu.vector_load %arg7[%parallel_loop3A_181, %parallel_loop3A_182] {strides = array<i32>} : memref<39x1280xf32, #tpu.memory_space<vmem>>, vector<16xf32>,
        tpu.vector_store %arg7[%parallel_loop3A_181, %parallel_loop3A_182], %parallel_loop3A_154 {strides = array<i32>} : memref<39x1280xf32, #tpu.memory_space<vmem>>, vector<16xf32>,
        %parallel_loop3A_184 = arith.constant 5 : i32
        %parallel_loop3A_185 = arith.index_cast %parallel_loop3A_184 : i32 to index
        %parallel_loop3A_186 = arith.index_cast %parallel_loop3A_130 : i32 to index
        %parallel_loop3A_187 = tpu.vector_load %arg7[%parallel_loop3A_185, %parallel_loop3A_186] {strides = array<i32>} : memref<39x1280xf32, #tpu.memory_space<vmem>>, vector<16xf32>,
        tpu.vector_store %arg7[%parallel_loop3A_185, %parallel_loop3A_186], %parallel_loop3A_157 {strides = array<i32>} : memref<39x1280xf32, #tpu.memory_space<vmem>>, vector<16xf32>,
        %parallel_loop3A_188 = arith.constant 6 : i32
        %parallel_loop3A_189 = arith.index_cast %parallel_loop3A_188 : i32 to index
        %parallel_loop3A_190 = arith.index_cast %parallel_loop3A_130 : i32 to index
        %parallel_loop3A_191 = tpu.vector_load %arg7[%parallel_loop3A_189, %parallel_loop3A_190] {strides = array<i32>} : memref<39x1280xf32, #tpu.memory_space<vmem>>, vector<16xf32>,
        tpu.vector_store %arg7[%parallel_loop3A_189, %parallel_loop3A_190], %parallel_loop3A_160 {strides = array<i32>} : memref<39x1280xf32, #tpu.memory_space<vmem>>, vector<16xf32>,
        %parallel_loop3A_192 = arith.constant 7 : i32
        %parallel_loop3A_193 = arith.index_cast %parallel_loop3A_192 : i32 to index
        %parallel_loop3A_194 = arith.index_cast %parallel_loop3A_130 : i32 to index
        %parallel_loop3A_195 = tpu.vector_load %arg7[%parallel_loop3A_193, %parallel_loop3A_194] {strides = array<i32>} : memref<39x1280xf32, #tpu.memory_space<vmem>>, vector<16xf32>,
        tpu.vector_store %arg7[%parallel_loop3A_193, %parallel_loop3A_194], %parallel_loop3A_163 {strides = array<i32>} : memref<39x1280xf32, #tpu.memory_space<vmem>>, vector<16xf32>,
        %parallel_loop3A_196 = arith.constant 8 : i32
        %parallel_loop3A_197 = vector.broadcast %parallel_loop3A_196 : i32 to vector<16xi32>
        %parallel_loop3A_198 = tpu.vector_load_idx %arg9[%parallel_loop3A_197, %parallel_loop3A_139] : memref<64x256xf32, #tpu.memory_space<vmem>>[vector<16xi32>, vector<16xi32>], vector<16xf32>,
        %parallel_loop3A_199 = arith.constant 9 : i32
        %parallel_loop3A_200 = vector.broadcast %parallel_loop3A_199 : i32 to vector<16xi32>
        %parallel_loop3A_201 = tpu.vector_load_idx %arg9[%parallel_loop3A_200, %parallel_loop3A_139] : memref<64x256xf32, #tpu.memory_space<vmem>>[vector<16xi32>, vector<16xi32>], vector<16xf32>,
        %parallel_loop3A_202 = arith.constant 10 : i32
        %parallel_loop3A_203 = vector.broadcast %parallel_loop3A_202 : i32 to vector<16xi32>
        %parallel_loop3A_204 = tpu.vector_load_idx %arg9[%parallel_loop3A_203, %parallel_loop3A_139] : memref<64x256xf32, #tpu.memory_space<vmem>>[vector<16xi32>, vector<16xi32>], vector<16xf32>,
        %parallel_loop3A_205 = arith.constant 11 : i32
        %parallel_loop3A_206 = vector.broadcast %parallel_loop3A_205 : i32 to vector<16xi32>
        %parallel_loop3A_207 = tpu.vector_load_idx %arg9[%parallel_loop3A_206, %parallel_loop3A_139] : memref<64x256xf32, #tpu.memory_space<vmem>>[vector<16xi32>, vector<16xi32>], vector<16xf32>,
        %parallel_loop3A_208 = arith.constant 12 : i32
        %parallel_loop3A_209 = vector.broadcast %parallel_loop3A_208 : i32 to vector<16xi32>
        %parallel_loop3A_210 = tpu.vector_load_idx %arg9[%parallel_loop3A_209, %parallel_loop3A_139] : memref<64x256xf32, #tpu.memory_space<vmem>>[vector<16xi32>, vector<16xi32>], vector<16xf32>,
        %parallel_loop3A_211 = arith.constant 13 : i32
        %parallel_loop3A_212 = vector.broadcast %parallel_loop3A_211 : i32 to vector<16xi32>
        %parallel_loop3A_213 = tpu.vector_load_idx %arg9[%parallel_loop3A_212, %parallel_loop3A_139] : memref<64x256xf32, #tpu.memory_space<vmem>>[vector<16xi32>, vector<16xi32>], vector<16xf32>,
        %parallel_loop3A_214 = arith.constant 14 : i32
        %parallel_loop3A_215 = vector.broadcast %parallel_loop3A_214 : i32 to vector<16xi32>
        %parallel_loop3A_216 = tpu.vector_load_idx %arg9[%parallel_loop3A_215, %parallel_loop3A_139] : memref<64x256xf32, #tpu.memory_space<vmem>>[vector<16xi32>, vector<16xi32>], vector<16xf32>,
        %parallel_loop3A_217 = arith.constant 15 : i32
        %parallel_loop3A_218 = vector.broadcast %parallel_loop3A_217 : i32 to vector<16xi32>
        %parallel_loop3A_219 = tpu.vector_load_idx %arg9[%parallel_loop3A_218, %parallel_loop3A_139] : memref<64x256xf32, #tpu.memory_space<vmem>>[vector<16xi32>, vector<16xi32>], vector<16xf32>,
        %parallel_loop3A_220 = arith.constant 8 : i32
        %parallel_loop3A_221 = arith.index_cast %parallel_loop3A_220 : i32 to index
        %parallel_loop3A_222 = arith.index_cast %parallel_loop3A_130 : i32 to index
        %parallel_loop3A_223 = tpu.vector_load %arg7[%parallel_loop3A_221, %parallel_loop3A_222] {strides = array<i32>} : memref<39x1280xf32, #tpu.memory_space<vmem>>, vector<16xf32>,
        tpu.vector_store %arg7[%parallel_loop3A_221, %parallel_loop3A_222], %parallel_loop3A_198 {strides = array<i32>} : memref<39x1280xf32, #tpu.memory_space<vmem>>, vector<16xf32>,
        %parallel_loop3A_224 = arith.constant 9 : i32
        %parallel_loop3A_225 = arith.index_cast %parallel_loop3A_224 : i32 to index
        %parallel_loop3A_226 = arith.index_cast %parallel_loop3A_130 : i32 to index
        %parallel_loop3A_227 = tpu.vector_load %arg7[%parallel_loop3A_225, %parallel_loop3A_226] {strides = array<i32>} : memref<39x1280xf32, #tpu.memory_space<vmem>>, vector<16xf32>,
        tpu.vector_store %arg7[%parallel_loop3A_225, %parallel_loop3A_226], %parallel_loop3A_201 {strides = array<i32>} : memref<39x1280xf32, #tpu.memory_space<vmem>>, vector<16xf32>,
        %parallel_loop3A_228 = arith.constant 10 : i32
        %parallel_loop3A_229 = arith.index_cast %parallel_loop3A_228 : i32 to index
        %parallel_loop3A_230 = arith.index_cast %parallel_loop3A_130 : i32 to index
        %parallel_loop3A_231 = tpu.vector_load %arg7[%parallel_loop3A_229, %parallel_loop3A_230] {strides = array<i32>} : memref<39x1280xf32, #tpu.memory_space<vmem>>, vector<16xf32>,
        tpu.vector_store %arg7[%parallel_loop3A_229, %parallel_loop3A_230], %parallel_loop3A_204 {strides = array<i32>} : memref<39x1280xf32, #tpu.memory_space<vmem>>, vector<16xf32>,
        %parallel_loop3A_232 = arith.constant 11 : i32
        %parallel_loop3A_233 = arith.index_cast %parallel_loop3A_232 : i32 to index
        %parallel_loop3A_234 = arith.index_cast %parallel_loop3A_130 : i32 to index
        %parallel_loop3A_235 = tpu.vector_load %arg7[%parallel_loop3A_233, %parallel_loop3A_234] {strides = array<i32>} : memref<39x1280xf32, #tpu.memory_space<vmem>>, vector<16xf32>,
        tpu.vector_store %arg7[%parallel_loop3A_233, %parallel_loop3A_234], %parallel_loop3A_207 {strides = array<i32>} : memref<39x1280xf32, #tpu.memory_space<vmem>>, vector<16xf32>,
        %parallel_loop3A_236 = arith.constant 12 : i32
        %parallel_loop3A_237 = arith.index_cast %parallel_loop3A_236 : i32 to index
        %parallel_loop3A_238 = arith.index_cast %parallel_loop3A_130 : i32 to index
        %parallel_loop3A_239 = tpu.vector_load %arg7[%parallel_loop3A_237, %parallel_loop3A_238] {strides = array<i32>} : memref<39x1280xf32, #tpu.memory_space<vmem>>, vector<16xf32>,
        tpu.vector_store %arg7[%parallel_loop3A_237, %parallel_loop3A_238], %parallel_loop3A_210 {strides = array<i32>} : memref<39x1280xf32, #tpu.memory_space<vmem>>, vector<16xf32>,
        %parallel_loop3A_240 = arith.constant 13 : i32
        %parallel_loop3A_241 = arith.index_cast %parallel_loop3A_240 : i32 to index
        %parallel_loop3A_242 = arith.index_cast %parallel_loop3A_130 : i32 to index
        %parallel_loop3A_243 = tpu.vector_load %arg7[%parallel_loop3A_241, %parallel_loop3A_242] {strides = array<i32>} : memref<39x1280xf32, #tpu.memory_space<vmem>>, vector<16xf32>,
        tpu.vector_store %arg7[%parallel_loop3A_241, %parallel_loop3A_242], %parallel_loop3A_213 {strides = array<i32>} : memref<39x1280xf32, #tpu.memory_space<vmem>>, vector<16xf32>,
        %parallel_loop3A_244 = arith.constant 14 : i32
        %parallel_loop3A_245 = arith.index_cast %parallel_loop3A_244 : i32 to index
        %parallel_loop3A_246 = arith.index_cast %parallel_loop3A_130 : i32 to index
        %parallel_loop3A_247 = tpu.vector_load %arg7[%parallel_loop3A_245, %parallel_loop3A_246] {strides = array<i32>} : memref<39x1280xf32, #tpu.memory_space<vmem>>, vector<16xf32>,
        tpu.vector_store %arg7[%parallel_loop3A_245, %parallel_loop3A_246], %parallel_loop3A_216 {strides = array<i32>} : memref<39x1280xf32, #tpu.memory_space<vmem>>, vector<16xf32>,
        %parallel_loop3A_248 = arith.constant 15 : i32
        %parallel_loop3A_249 = arith.index_cast %parallel_loop3A_248 : i32 to index
        %parallel_loop3A_250 = arith.index_cast %parallel_loop3A_130 : i32 to index
        %parallel_loop3A_251 = tpu.vector_load %arg7[%parallel_loop3A_249, %parallel_loop3A_250] {strides = array<i32>} : memref<39x1280xf32, #tpu.memory_space<vmem>>, vector<16xf32>,
        tpu.vector_store %arg7[%parallel_loop3A_249, %parallel_loop3A_250], %parallel_loop3A_219 {strides = array<i32>} : memref<39x1280xf32, #tpu.memory_space<vmem>>, vector<16xf32>,
        %parallel_loop3A_252 = arith.constant 16 : i32
        %parallel_loop3A_253 = vector.broadcast %parallel_loop3A_252 : i32 to vector<16xi32>
        %parallel_loop3A_254 = tpu.vector_load_idx %arg9[%parallel_loop3A_253, %parallel_loop3A_139] : memref<64x256xf32, #tpu.memory_space<vmem>>[vector<16xi32>, vector<16xi32>], vector<16xf32>,
        %parallel_loop3A_255 = arith.constant 17 : i32
        %parallel_loop3A_256 = vector.broadcast %parallel_loop3A_255 : i32 to vector<16xi32>
        %parallel_loop3A_257 = tpu.vector_load_idx %arg9[%parallel_loop3A_256, %parallel_loop3A_139] : memref<64x256xf32, #tpu.memory_space<vmem>>[vector<16xi32>, vector<16xi32>], vector<16xf32>,
        %parallel_loop3A_258 = arith.constant 18 : i32
        %parallel_loop3A_259 = vector.broadcast %parallel_loop3A_258 : i32 to vector<16xi32>
        %parallel_loop3A_260 = tpu.vector_load_idx %arg9[%parallel_loop3A_259, %parallel_loop3A_139] : memref<64x256xf32, #tpu.memory_space<vmem>>[vector<16xi32>, vector<16xi32>], vector<16xf32>,
        %parallel_loop3A_261 = arith.constant 19 : i32
        %parallel_loop3A_262 = vector.broadcast %parallel_loop3A_261 : i32 to vector<16xi32>
        %parallel_loop3A_263 = tpu.vector_load_idx %arg9[%parallel_loop3A_262, %parallel_loop3A_139] : memref<64x256xf32, #tpu.memory_space<vmem>>[vector<16xi32>, vector<16xi32>], vector<16xf32>,
        %parallel_loop3A_264 = arith.constant 20 : i32
        %parallel_loop3A_265 = vector.broadcast %parallel_loop3A_264 : i32 to vector<16xi32>
        %parallel_loop3A_266 = tpu.vector_load_idx %arg9[%parallel_loop3A_265, %parallel_loop3A_139] : memref<64x256xf32, #tpu.memory_space<vmem>>[vector<16xi32>, vector<16xi32>], vector<16xf32>,
        %parallel_loop3A_267 = arith.constant 21 : i32
        %parallel_loop3A_268 = vector.broadcast %parallel_loop3A_267 : i32 to vector<16xi32>
        %parallel_loop3A_269 = tpu.vector_load_idx %arg9[%parallel_loop3A_268, %parallel_loop3A_139] : memref<64x256xf32, #tpu.memory_space<vmem>>[vector<16xi32>, vector<16xi32>], vector<16xf32>,
        %parallel_loop3A_270 = arith.constant 22 : i32
        %parallel_loop3A_271 = vector.broadcast %parallel_loop3A_270 : i32 to vector<16xi32>
        %parallel_loop3A_272 = tpu.vector_load_idx %arg9[%parallel_loop3A_271, %parallel_loop3A_139] : memref<64x256xf32, #tpu.memory_space<vmem>>[vector<16xi32>, vector<16xi32>], vector<16xf32>,
        %parallel_loop3A_273 = arith.constant 23 : i32
        %parallel_loop3A_274 = vector.broadcast %parallel_loop3A_273 : i32 to vector<16xi32>
        %parallel_loop3A_275 = tpu.vector_load_idx %arg9[%parallel_loop3A_274, %parallel_loop3A_139] : memref<64x256xf32, #tpu.memory_space<vmem>>[vector<16xi32>, vector<16xi32>], vector<16xf32>,
        %parallel_loop3A_276 = arith.constant 16 : i32
        %parallel_loop3A_277 = arith.index_cast %parallel_loop3A_276 : i32 to index
        %parallel_loop3A_278 = arith.index_cast %parallel_loop3A_130 : i32 to index
        %parallel_loop3A_279 = tpu.vector_load %arg7[%parallel_loop3A_277, %parallel_loop3A_278] {strides = array<i32>} : memref<39x1280xf32, #tpu.memory_space<vmem>>, vector<16xf32>,
        tpu.vector_store %arg7[%parallel_loop3A_277, %parallel_loop3A_278], %parallel_loop3A_254 {strides = array<i32>} : memref<39x1280xf32, #tpu.memory_space<vmem>>, vector<16xf32>,
        %parallel_loop3A_280 = arith.constant 17 : i32
        %parallel_loop3A_281 = arith.index_cast %parallel_loop3A_280 : i32 to index
        %parallel_loop3A_282 = arith.index_cast %parallel_loop3A_130 : i32 to index
        %parallel_loop3A_283 = tpu.vector_load %arg7[%parallel_loop3A_281, %parallel_loop3A_282] {strides = array<i32>} : memref<39x1280xf32, #tpu.memory_space<vmem>>, vector<16xf32>,
        tpu.vector_store %arg7[%parallel_loop3A_281, %parallel_loop3A_282], %parallel_loop3A_257 {strides = array<i32>} : memref<39x1280xf32, #tpu.memory_space<vmem>>, vector<16xf32>,
        %parallel_loop3A_284 = arith.constant 18 : i32
        %parallel_loop3A_285 = arith.index_cast %parallel_loop3A_284 : i32 to index
        %parallel_loop3A_286 = arith.index_cast %parallel_loop3A_130 : i32 to index
        %parallel_loop3A_287 = tpu.vector_load %arg7[%parallel_loop3A_285, %parallel_loop3A_286] {strides = array<i32>} : memref<39x1280xf32, #tpu.memory_space<vmem>>, vector<16xf32>,
        tpu.vector_store %arg7[%parallel_loop3A_285, %parallel_loop3A_286], %parallel_loop3A_260 {strides = array<i32>} : memref<39x1280xf32, #tpu.memory_space<vmem>>, vector<16xf32>,
        %parallel_loop3A_288 = arith.constant 19 : i32
        %parallel_loop3A_289 = arith.index_cast %parallel_loop3A_288 : i32 to index
        %parallel_loop3A_290 = arith.index_cast %parallel_loop3A_130 : i32 to index
        %parallel_loop3A_291 = tpu.vector_load %arg7[%parallel_loop3A_289, %parallel_loop3A_290] {strides = array<i32>} : memref<39x1280xf32, #tpu.memory_space<vmem>>, vector<16xf32>,
        tpu.vector_store %arg7[%parallel_loop3A_289, %parallel_loop3A_290], %parallel_loop3A_263 {strides = array<i32>} : memref<39x1280xf32, #tpu.memory_space<vmem>>, vector<16xf32>,
        %parallel_loop3A_292 = arith.constant 20 : i32
        %parallel_loop3A_293 = arith.index_cast %parallel_loop3A_292 : i32 to index
        %parallel_loop3A_294 = arith.index_cast %parallel_loop3A_130 : i32 to index
        %parallel_loop3A_295 = tpu.vector_load %arg7[%parallel_loop3A_293, %parallel_loop3A_294] {strides = array<i32>} : memref<39x1280xf32, #tpu.memory_space<vmem>>, vector<16xf32>,
        tpu.vector_store %arg7[%parallel_loop3A_293, %parallel_loop3A_294], %parallel_loop3A_266 {strides = array<i32>} : memref<39x1280xf32, #tpu.memory_space<vmem>>, vector<16xf32>,
        %parallel_loop3A_296 = arith.constant 21 : i32
        %parallel_loop3A_297 = arith.index_cast %parallel_loop3A_296 : i32 to index
        %parallel_loop3A_298 = arith.index_cast %parallel_loop3A_130 : i32 to index
        %parallel_loop3A_299 = tpu.vector_load %arg7[%parallel_loop3A_297, %parallel_loop3A_298] {strides = array<i32>} : memref<39x1280xf32, #tpu.memory_space<vmem>>, vector<16xf32>,
        tpu.vector_store %arg7[%parallel_loop3A_297, %parallel_loop3A_298], %parallel_loop3A_269 {strides = array<i32>} : memref<39x1280xf32, #tpu.memory_space<vmem>>, vector<16xf32>,
        %parallel_loop3A_300 = arith.constant 22 : i32
        %parallel_loop3A_301 = arith.index_cast %parallel_loop3A_300 : i32 to index
        %parallel_loop3A_302 = arith.index_cast %parallel_loop3A_130 : i32 to index
        %parallel_loop3A_303 = tpu.vector_load %arg7[%parallel_loop3A_301, %parallel_loop3A_302] {strides = array<i32>} : memref<39x1280xf32, #tpu.memory_space<vmem>>, vector<16xf32>,
        tpu.vector_store %arg7[%parallel_loop3A_301, %parallel_loop3A_302], %parallel_loop3A_272 {strides = array<i32>} : memref<39x1280xf32, #tpu.memory_space<vmem>>, vector<16xf32>,
        %parallel_loop3A_304 = arith.constant 23 : i32
        %parallel_loop3A_305 = arith.index_cast %parallel_loop3A_304 : i32 to index
        %parallel_loop3A_306 = arith.index_cast %parallel_loop3A_130 : i32 to index
        %parallel_loop3A_307 = tpu.vector_load %arg7[%parallel_loop3A_305, %parallel_loop3A_306] {strides = array<i32>} : memref<39x1280xf32, #tpu.memory_space<vmem>>, vector<16xf32>,
        tpu.vector_store %arg7[%parallel_loop3A_305, %parallel_loop3A_306], %parallel_loop3A_275 {strides = array<i32>} : memref<39x1280xf32, #tpu.memory_space<vmem>>, vector<16xf32>,
        %parallel_loop3A_308 = arith.constant 24 : i32
        %parallel_loop3A_309 = vector.broadcast %parallel_loop3A_308 : i32 to vector<16xi32>
        %parallel_loop3A_310 = tpu.vector_load_idx %arg9[%parallel_loop3A_309, %parallel_loop3A_139] : memref<64x256xf32, #tpu.memory_space<vmem>>[vector<16xi32>, vector<16xi32>], vector<16xf32>,
        %parallel_loop3A_311 = arith.constant 25 : i32
        %parallel_loop3A_312 = vector.broadcast %parallel_loop3A_311 : i32 to vector<16xi32>
        %parallel_loop3A_313 = tpu.vector_load_idx %arg9[%parallel_loop3A_312, %parallel_loop3A_139] : memref<64x256xf32, #tpu.memory_space<vmem>>[vector<16xi32>, vector<16xi32>], vector<16xf32>,
        %parallel_loop3A_314 = arith.constant 26 : i32
        %parallel_loop3A_315 = vector.broadcast %parallel_loop3A_314 : i32 to vector<16xi32>
        %parallel_loop3A_316 = tpu.vector_load_idx %arg9[%parallel_loop3A_315, %parallel_loop3A_139] : memref<64x256xf32, #tpu.memory_space<vmem>>[vector<16xi32>, vector<16xi32>], vector<16xf32>,
        %parallel_loop3A_317 = arith.constant 27 : i32
        %parallel_loop3A_318 = vector.broadcast %parallel_loop3A_317 : i32 to vector<16xi32>
        %parallel_loop3A_319 = tpu.vector_load_idx %arg9[%parallel_loop3A_318, %parallel_loop3A_139] : memref<64x256xf32, #tpu.memory_space<vmem>>[vector<16xi32>, vector<16xi32>], vector<16xf32>,
        %parallel_loop3A_320 = arith.constant 28 : i32
        %parallel_loop3A_321 = vector.broadcast %parallel_loop3A_320 : i32 to vector<16xi32>
        %parallel_loop3A_322 = tpu.vector_load_idx %arg9[%parallel_loop3A_321, %parallel_loop3A_139] : memref<64x256xf32, #tpu.memory_space<vmem>>[vector<16xi32>, vector<16xi32>], vector<16xf32>,
        %parallel_loop3A_323 = arith.constant 29 : i32
        %parallel_loop3A_324 = vector.broadcast %parallel_loop3A_323 : i32 to vector<16xi32>
        %parallel_loop3A_325 = tpu.vector_load_idx %arg9[%parallel_loop3A_324, %parallel_loop3A_139] : memref<64x256xf32, #tpu.memory_space<vmem>>[vector<16xi32>, vector<16xi32>], vector<16xf32>,
        %parallel_loop3A_326 = arith.constant 30 : i32
        %parallel_loop3A_327 = vector.broadcast %parallel_loop3A_326 : i32 to vector<16xi32>
        %parallel_loop3A_328 = tpu.vector_load_idx %arg9[%parallel_loop3A_327, %parallel_loop3A_139] : memref<64x256xf32, #tpu.memory_space<vmem>>[vector<16xi32>, vector<16xi32>], vector<16xf32>,
        %parallel_loop3A_329 = arith.constant 31 : i32
        %parallel_loop3A_330 = vector.broadcast %parallel_loop3A_329 : i32 to vector<16xi32>
        %parallel_loop3A_331 = tpu.vector_load_idx %arg9[%parallel_loop3A_330, %parallel_loop3A_139] : memref<64x256xf32, #tpu.memory_space<vmem>>[vector<16xi32>, vector<16xi32>], vector<16xf32>,
        %parallel_loop3A_332 = arith.constant 24 : i32
        %parallel_loop3A_333 = arith.index_cast %parallel_loop3A_332 : i32 to index
        %parallel_loop3A_334 = arith.index_cast %parallel_loop3A_130 : i32 to index
        %parallel_loop3A_335 = tpu.vector_load %arg7[%parallel_loop3A_333, %parallel_loop3A_334] {strides = array<i32>} : memref<39x1280xf32, #tpu.memory_space<vmem>>, vector<16xf32>,
        tpu.vector_store %arg7[%parallel_loop3A_333, %parallel_loop3A_334], %parallel_loop3A_310 {strides = array<i32>} : memref<39x1280xf32, #tpu.memory_space<vmem>>, vector<16xf32>,
        %parallel_loop3A_336 = arith.constant 25 : i32
        %parallel_loop3A_337 = arith.index_cast %parallel_loop3A_336 : i32 to index
        %parallel_loop3A_338 = arith.index_cast %parallel_loop3A_130 : i32 to index
        %parallel_loop3A_339 = tpu.vector_load %arg7[%parallel_loop3A_337, %parallel_loop3A_338] {strides = array<i32>} : memref<39x1280xf32, #tpu.memory_space<vmem>>, vector<16xf32>,
        tpu.vector_store %arg7[%parallel_loop3A_337, %parallel_loop3A_338], %parallel_loop3A_313 {strides = array<i32>} : memref<39x1280xf32, #tpu.memory_space<vmem>>, vector<16xf32>,
        %parallel_loop3A_340 = arith.constant 26 : i32
        %parallel_loop3A_341 = arith.index_cast %parallel_loop3A_340 : i32 to index
        %parallel_loop3A_342 = arith.index_cast %parallel_loop3A_130 : i32 to index
        %parallel_loop3A_343 = tpu.vector_load %arg7[%parallel_loop3A_341, %parallel_loop3A_342] {strides = array<i32>} : memref<39x1280xf32, #tpu.memory_space<vmem>>, vector<16xf32>,
        tpu.vector_store %arg7[%parallel_loop3A_341, %parallel_loop3A_342], %parallel_loop3A_316 {strides = array<i32>} : memref<39x1280xf32, #tpu.memory_space<vmem>>, vector<16xf32>,
        %parallel_loop3A_344 = arith.constant 27 : i32
        %parallel_loop3A_345 = arith.index_cast %parallel_loop3A_344 : i32 to index
        %parallel_loop3A_346 = arith.index_cast %parallel_loop3A_130 : i32 to index
        %parallel_loop3A_347 = tpu.vector_load %arg7[%parallel_loop3A_345, %parallel_loop3A_346] {strides = array<i32>} : memref<39x1280xf32, #tpu.memory_space<vmem>>, vector<16xf32>,
        tpu.vector_store %arg7[%parallel_loop3A_345, %parallel_loop3A_346], %parallel_loop3A_319 {strides = array<i32>} : memref<39x1280xf32, #tpu.memory_space<vmem>>, vector<16xf32>,
        %parallel_loop3A_348 = arith.constant 28 : i32
        %parallel_loop3A_349 = arith.index_cast %parallel_loop3A_348 : i32 to index
        %parallel_loop3A_350 = arith.index_cast %parallel_loop3A_130 : i32 to index
        %parallel_loop3A_351 = tpu.vector_load %arg7[%parallel_loop3A_349, %parallel_loop3A_350] {strides = array<i32>} : memref<39x1280xf32, #tpu.memory_space<vmem>>, vector<16xf32>,
        tpu.vector_store %arg7[%parallel_loop3A_349, %parallel_loop3A_350], %parallel_loop3A_322 {strides = array<i32>} : memref<39x1280xf32, #tpu.memory_space<vmem>>, vector<16xf32>,
        %parallel_loop3A_352 = arith.constant 29 : i32
        %parallel_loop3A_353 = arith.index_cast %parallel_loop3A_352 : i32 to index
        %parallel_loop3A_354 = arith.index_cast %parallel_loop3A_130 : i32 to index
        %parallel_loop3A_355 = tpu.vector_load %arg7[%parallel_loop3A_353, %parallel_loop3A_354] {strides = array<i32>} : memref<39x1280xf32, #tpu.memory_space<vmem>>, vector<16xf32>,
        tpu.vector_store %arg7[%parallel_loop3A_353, %parallel_loop3A_354], %parallel_loop3A_325 {strides = array<i32>} : memref<39x1280xf32, #tpu.memory_space<vmem>>, vector<16xf32>,
        %parallel_loop3A_356 = arith.constant 30 : i32
        %parallel_loop3A_357 = arith.index_cast %parallel_loop3A_356 : i32 to index
        %parallel_loop3A_358 = arith.index_cast %parallel_loop3A_130 : i32 to index
        %parallel_loop3A_359 = tpu.vector_load %arg7[%parallel_loop3A_357, %parallel_loop3A_358] {strides = array<i32>} : memref<39x1280xf32, #tpu.memory_space<vmem>>, vector<16xf32>,
        tpu.vector_store %arg7[%parallel_loop3A_357, %parallel_loop3A_358], %parallel_loop3A_328 {strides = array<i32>} : memref<39x1280xf32, #tpu.memory_space<vmem>>, vector<16xf32>,
        %parallel_loop3A_360 = arith.constant 31 : i32
        %parallel_loop3A_361 = arith.index_cast %parallel_loop3A_360 : i32 to index
        %parallel_loop3A_362 = arith.index_cast %parallel_loop3A_130 : i32 to index
        %parallel_loop3A_363 = tpu.vector_load %arg7[%parallel_loop3A_361, %parallel_loop3A_362] {strides = array<i32>} : memref<39x1280xf32, #tpu.memory_space<vmem>>, vector<16xf32>,
        tpu.vector_store %arg7[%parallel_loop3A_361, %parallel_loop3A_362], %parallel_loop3A_331 {strides = array<i32>} : memref<39x1280xf32, #tpu.memory_space<vmem>>, vector<16xf32>,
        %parallel_loop3A_364 = arith.constant 32 : i32
        %parallel_loop3A_365 = vector.broadcast %parallel_loop3A_364 : i32 to vector<16xi32>
        %parallel_loop3A_366 = tpu.vector_load_idx %arg9[%parallel_loop3A_365, %parallel_loop3A_139] : memref<64x256xf32, #tpu.memory_space<vmem>>[vector<16xi32>, vector<16xi32>], vector<16xf32>,
        %parallel_loop3A_367 = arith.constant 33 : i32
        %parallel_loop3A_368 = vector.broadcast %parallel_loop3A_367 : i32 to vector<16xi32>
        %parallel_loop3A_369 = tpu.vector_load_idx %arg9[%parallel_loop3A_368, %parallel_loop3A_139] : memref<64x256xf32, #tpu.memory_space<vmem>>[vector<16xi32>, vector<16xi32>], vector<16xf32>,
        %parallel_loop3A_370 = arith.constant 34 : i32
        %parallel_loop3A_371 = vector.broadcast %parallel_loop3A_370 : i32 to vector<16xi32>
        %parallel_loop3A_372 = tpu.vector_load_idx %arg9[%parallel_loop3A_371, %parallel_loop3A_139] : memref<64x256xf32, #tpu.memory_space<vmem>>[vector<16xi32>, vector<16xi32>], vector<16xf32>,
        %parallel_loop3A_373 = arith.constant 35 : i32
        %parallel_loop3A_374 = vector.broadcast %parallel_loop3A_373 : i32 to vector<16xi32>
        %parallel_loop3A_375 = tpu.vector_load_idx %arg9[%parallel_loop3A_374, %parallel_loop3A_139] : memref<64x256xf32, #tpu.memory_space<vmem>>[vector<16xi32>, vector<16xi32>], vector<16xf32>,
        %parallel_loop3A_376 = arith.constant 36 : i32
        %parallel_loop3A_377 = vector.broadcast %parallel_loop3A_376 : i32 to vector<16xi32>
        %parallel_loop3A_378 = tpu.vector_load_idx %arg9[%parallel_loop3A_377, %parallel_loop3A_139] : memref<64x256xf32, #tpu.memory_space<vmem>>[vector<16xi32>, vector<16xi32>], vector<16xf32>,
        %parallel_loop3A_379 = arith.constant 37 : i32
        %parallel_loop3A_380 = vector.broadcast %parallel_loop3A_379 : i32 to vector<16xi32>
        %parallel_loop3A_381 = tpu.vector_load_idx %arg9[%parallel_loop3A_380, %parallel_loop3A_139] : memref<64x256xf32, #tpu.memory_space<vmem>>[vector<16xi32>, vector<16xi32>], vector<16xf32>,
        %parallel_loop3A_382 = arith.constant 38 : i32
        %parallel_loop3A_383 = vector.broadcast %parallel_loop3A_382 : i32 to vector<16xi32>
        %parallel_loop3A_384 = tpu.vector_load_idx %arg9[%parallel_loop3A_383, %parallel_loop3A_139] : memref<64x256xf32, #tpu.memory_space<vmem>>[vector<16xi32>, vector<16xi32>], vector<16xf32>,
        %parallel_loop3A_385 = arith.constant 32 : i32
        %parallel_loop3A_386 = arith.index_cast %parallel_loop3A_385 : i32 to index
        %parallel_loop3A_387 = arith.index_cast %parallel_loop3A_130 : i32 to index
        %parallel_loop3A_388 = tpu.vector_load %arg7[%parallel_loop3A_386, %parallel_loop3A_387] {strides = array<i32>} : memref<39x1280xf32, #tpu.memory_space<vmem>>, vector<16xf32>,
        tpu.vector_store %arg7[%parallel_loop3A_386, %parallel_loop3A_387], %parallel_loop3A_366 {strides = array<i32>} : memref<39x1280xf32, #tpu.memory_space<vmem>>, vector<16xf32>,
        %parallel_loop3A_389 = arith.constant 33 : i32
        %parallel_loop3A_390 = arith.index_cast %parallel_loop3A_389 : i32 to index
        %parallel_loop3A_391 = arith.index_cast %parallel_loop3A_130 : i32 to index
        %parallel_loop3A_392 = tpu.vector_load %arg7[%parallel_loop3A_390, %parallel_loop3A_391] {strides = array<i32>} : memref<39x1280xf32, #tpu.memory_space<vmem>>, vector<16xf32>,
        tpu.vector_store %arg7[%parallel_loop3A_390, %parallel_loop3A_391], %parallel_loop3A_369 {strides = array<i32>} : memref<39x1280xf32, #tpu.memory_space<vmem>>, vector<16xf32>,
        %parallel_loop3A_393 = arith.constant 34 : i32
        %parallel_loop3A_394 = arith.index_cast %parallel_loop3A_393 : i32 to index
        %parallel_loop3A_395 = arith.index_cast %parallel_loop3A_130 : i32 to index
        %parallel_loop3A_396 = tpu.vector_load %arg7[%parallel_loop3A_394, %parallel_loop3A_395] {strides = array<i32>} : memref<39x1280xf32, #tpu.memory_space<vmem>>, vector<16xf32>,
        tpu.vector_store %arg7[%parallel_loop3A_394, %parallel_loop3A_395], %parallel_loop3A_372 {strides = array<i32>} : memref<39x1280xf32, #tpu.memory_space<vmem>>, vector<16xf32>,
        %parallel_loop3A_397 = arith.constant 35 : i32
        %parallel_loop3A_398 = arith.index_cast %parallel_loop3A_397 : i32 to index
        %parallel_loop3A_399 = arith.index_cast %parallel_loop3A_130 : i32 to index
        %parallel_loop3A_400 = tpu.vector_load %arg7[%parallel_loop3A_398, %parallel_loop3A_399] {strides = array<i32>} : memref<39x1280xf32, #tpu.memory_space<vmem>>, vector<16xf32>,
        tpu.vector_store %arg7[%parallel_loop3A_398, %parallel_loop3A_399], %parallel_loop3A_375 {strides = array<i32>} : memref<39x1280xf32, #tpu.memory_space<vmem>>, vector<16xf32>,
        %parallel_loop3A_401 = arith.constant 36 : i32
        %parallel_loop3A_402 = arith.index_cast %parallel_loop3A_401 : i32 to index
        %parallel_loop3A_403 = arith.index_cast %parallel_loop3A_130 : i32 to index
        %parallel_loop3A_404 = tpu.vector_load %arg7[%parallel_loop3A_402, %parallel_loop3A_403] {strides = array<i32>} : memref<39x1280xf32, #tpu.memory_space<vmem>>, vector<16xf32>,
        tpu.vector_store %arg7[%parallel_loop3A_402, %parallel_loop3A_403], %parallel_loop3A_378 {strides = array<i32>} : memref<39x1280xf32, #tpu.memory_space<vmem>>, vector<16xf32>,
        %parallel_loop3A_405 = arith.constant 37 : i32
        %parallel_loop3A_406 = arith.index_cast %parallel_loop3A_405 : i32 to index
        %parallel_loop3A_407 = arith.index_cast %parallel_loop3A_130 : i32 to index
        %parallel_loop3A_408 = tpu.vector_load %arg7[%parallel_loop3A_406, %parallel_loop3A_407] {strides = array<i32>} : memref<39x1280xf32, #tpu.memory_space<vmem>>, vector<16xf32>,
        tpu.vector_store %arg7[%parallel_loop3A_406, %parallel_loop3A_407], %parallel_loop3A_381 {strides = array<i32>} : memref<39x1280xf32, #tpu.memory_space<vmem>>, vector<16xf32>,
        %parallel_loop3A_409 = arith.constant 38 : i32
        %parallel_loop3A_410 = arith.index_cast %parallel_loop3A_409 : i32 to index
        %parallel_loop3A_411 = arith.index_cast %parallel_loop3A_130 : i32 to index
        %parallel_loop3A_412 = tpu.vector_load %arg7[%parallel_loop3A_410, %parallel_loop3A_411] {strides = array<i32>} : memref<39x1280xf32, #tpu.memory_space<vmem>>, vector<16xf32>,
        tpu.vector_store %arg7[%parallel_loop3A_410, %parallel_loop3A_411], %parallel_loop3A_384 {strides = array<i32>} : memref<39x1280xf32, #tpu.memory_space<vmem>>, vector<16xf32>,
      } {sc.loop_unroll_factor = 2 : i64, sc.parallel_access}
      %dma_start3A_62 = arith.constant 0 : i32
      %dma_start3A_63 = tpu.memref_slice %arg5[%dma_start3A_62, %add3A_38] : memref<77x819200xf32, #tpu.memory_space<hbm>> -> memref<39x1280xf32, #tpu.memory_space<hbm>>
      %dma_start3A_64 = arith.constant 0 : i32
      %dma_start3A_65 = tpu.memref_slice %arg5[%dma_start3A_64, %add3A_38] : memref<77x819200xf32, #tpu.memory_space<hbm>> -> memref<39x1280xf32, #tpu.memory_space<hbm>>
      tpu.enqueue_dma source(%arg7 : memref<39x1280xf32, #tpu.memory_space<vmem>>) target(%dma_start3A_65 : memref<39x1280xf32, #tpu.memory_space<hbm>>) target_semaphore(%arg13 : memref<!tpu.dma_semaphore, #tpu.memory_space<semaphore_mem>>)
      %ge3A_66 = arith.constant 1 : i32
      %ge3A_67 = arith.cmpi sge, %add3A_35, %ge3A_66 : i32
      %convert_element_type3A_68 = arith.extui %ge3A_67 : i1 to i32
      %cond3A_69 = arith.constant 0 : i32
      %cond3A_70 = arith.cmpi ne, %convert_element_type3A_68, %cond3A_69 : i32
      scf.if %cond3A_70 {
        %sub3A = arith.constant 1280 : i32
        %sub3A_130 = arith.subi %add3A_38, %sub3A : i32
        %dma_wait3A_131 = arith.constant 39 : i32
        %dma_wait3A_132 = tpu.memref_slice %arg5[%dma_wait3A_131, %sub3A_130] : memref<77x819200xf32, #tpu.memory_space<hbm>> -> memref<38x1280xf32, #tpu.memory_space<hbm>>
        %dma_wait3A_133 = arith.constant 39 : i32
        %dma_wait3A_134 = tpu.memref_slice %arg5[%dma_wait3A_133, %sub3A_130] : memref<77x819200xf32, #tpu.memory_space<hbm>> -> memref<38x1280xf32, #tpu.memory_space<hbm>>
        tpu.wait_dma2 semaphore(%arg14 : memref<!tpu.dma_semaphore, #tpu.memory_space<semaphore_mem>>) src(%arg8 : memref<38x1280xf32, #tpu.memory_space<vmem>>) dst(%dma_wait3A_134 : memref<38x1280xf32, #tpu.memory_space<hbm>>)
      } else {
      }
      %parallel_loop3A_71 = arith.constant 0 : i32
      %parallel_loop3A_72 = arith.constant 1280 : i32
      %parallel_loop3A_73 = arith.constant 16 : i32
      scf.for %parallel_loop3A_130 = %parallel_loop3A_71 to %parallel_loop3A_72 step %parallel_loop3A_73  : i32 {
        %parallel_loop3A_131 = arith.constant 0 : i32
        %parallel_loop3A_132 = arith.constant 1 : i32
        %parallel_loop3A_133 = arith.index_cast %parallel_loop3A_131 : i32 to index
        %parallel_loop3A_134 = arith.index_cast %parallel_loop3A_132 : i32 to index
        %parallel_loop3A_135 = arith.index_cast %parallel_loop3A_130 : i32 to index
        %parallel_loop3A_136 = tpu.vector_load %arg6[%parallel_loop3A_133, %parallel_loop3A_134, %parallel_loop3A_135] {strides = array<i32>} : memref<2x3x1280xi32, #tpu.memory_space<vmem>>, vector<16xi32>,
        %parallel_loop3A_137 = arith.constant 255 : i32
        %parallel_loop3A_138 = vector.broadcast %parallel_loop3A_137 : i32 to vector<16xi32>
        %parallel_loop3A_139 = arith.andi %parallel_loop3A_136, %parallel_loop3A_138 : vector<16xi32>
        %parallel_loop3A_140 = arith.constant 0 : i32
        %parallel_loop3A_141 = arith.constant 0 : i32
        %parallel_loop3A_142 = arith.index_cast %parallel_loop3A_140 : i32 to index
        %parallel_loop3A_143 = arith.index_cast %parallel_loop3A_141 : i32 to index
        %parallel_loop3A_144 = arith.index_cast %parallel_loop3A_130 : i32 to index
        %parallel_loop3A_145 = tpu.vector_load %arg6[%parallel_loop3A_142, %parallel_loop3A_143, %parallel_loop3A_144] {strides = array<i32>} : memref<2x3x1280xi32, #tpu.memory_space<vmem>>, vector<16xi32>,
        %parallel_loop3A_146 = arith.constant 255 : i32
        %parallel_loop3A_147 = vector.broadcast %parallel_loop3A_146 : i32 to vector<16xi32>
        %parallel_loop3A_148 = arith.andi %parallel_loop3A_145, %parallel_loop3A_147 : vector<16xi32>
        %parallel_loop3A_149 = arith.constant 39 : i32
        %parallel_loop3A_150 = vector.broadcast %parallel_loop3A_149 : i32 to vector<16xi32>
        %parallel_loop3A_151 = tpu.vector_load_idx %arg9[%parallel_loop3A_150, %parallel_loop3A_139] : memref<64x256xf32, #tpu.memory_space<vmem>>[vector<16xi32>, vector<16xi32>], vector<16xf32>,
        %parallel_loop3A_152 = arith.constant 40 : i32
        %parallel_loop3A_153 = vector.broadcast %parallel_loop3A_152 : i32 to vector<16xi32>
        %parallel_loop3A_154 = tpu.vector_load_idx %arg9[%parallel_loop3A_153, %parallel_loop3A_139] : memref<64x256xf32, #tpu.memory_space<vmem>>[vector<16xi32>, vector<16xi32>], vector<16xf32>,
        %parallel_loop3A_155 = arith.constant 41 : i32
        %parallel_loop3A_156 = vector.broadcast %parallel_loop3A_155 : i32 to vector<16xi32>
        %parallel_loop3A_157 = tpu.vector_load_idx %arg9[%parallel_loop3A_156, %parallel_loop3A_139] : memref<64x256xf32, #tpu.memory_space<vmem>>[vector<16xi32>, vector<16xi32>], vector<16xf32>,
        %parallel_loop3A_158 = arith.constant 42 : i32
        %parallel_loop3A_159 = vector.broadcast %parallel_loop3A_158 : i32 to vector<16xi32>
        %parallel_loop3A_160 = tpu.vector_load_idx %arg9[%parallel_loop3A_159, %parallel_loop3A_139] : memref<64x256xf32, #tpu.memory_space<vmem>>[vector<16xi32>, vector<16xi32>], vector<16xf32>,
        %parallel_loop3A_161 = arith.constant 43 : i32
        %parallel_loop3A_162 = vector.broadcast %parallel_loop3A_161 : i32 to vector<16xi32>
        %parallel_loop3A_163 = tpu.vector_load_idx %arg9[%parallel_loop3A_162, %parallel_loop3A_139] : memref<64x256xf32, #tpu.memory_space<vmem>>[vector<16xi32>, vector<16xi32>], vector<16xf32>,
        %parallel_loop3A_164 = arith.constant 44 : i32
        %parallel_loop3A_165 = vector.broadcast %parallel_loop3A_164 : i32 to vector<16xi32>
        %parallel_loop3A_166 = tpu.vector_load_idx %arg9[%parallel_loop3A_165, %parallel_loop3A_139] : memref<64x256xf32, #tpu.memory_space<vmem>>[vector<16xi32>, vector<16xi32>], vector<16xf32>,
        %parallel_loop3A_167 = arith.constant 45 : i32
        %parallel_loop3A_168 = vector.broadcast %parallel_loop3A_167 : i32 to vector<16xi32>
        %parallel_loop3A_169 = tpu.vector_load_idx %arg9[%parallel_loop3A_168, %parallel_loop3A_139] : memref<64x256xf32, #tpu.memory_space<vmem>>[vector<16xi32>, vector<16xi32>], vector<16xf32>,
        %parallel_loop3A_170 = arith.constant 46 : i32
        %parallel_loop3A_171 = vector.broadcast %parallel_loop3A_170 : i32 to vector<16xi32>
        %parallel_loop3A_172 = tpu.vector_load_idx %arg9[%parallel_loop3A_171, %parallel_loop3A_139] : memref<64x256xf32, #tpu.memory_space<vmem>>[vector<16xi32>, vector<16xi32>], vector<16xf32>,
        %parallel_loop3A_173 = arith.constant 0 : i32
        %parallel_loop3A_174 = arith.index_cast %parallel_loop3A_173 : i32 to index
        %parallel_loop3A_175 = arith.index_cast %parallel_loop3A_130 : i32 to index
        %parallel_loop3A_176 = tpu.vector_load %arg8[%parallel_loop3A_174, %parallel_loop3A_175] {strides = array<i32>} : memref<38x1280xf32, #tpu.memory_space<vmem>>, vector<16xf32>,
        tpu.vector_store %arg8[%parallel_loop3A_174, %parallel_loop3A_175], %parallel_loop3A_151 {strides = array<i32>} : memref<38x1280xf32, #tpu.memory_space<vmem>>, vector<16xf32>,
        %parallel_loop3A_177 = arith.constant 1 : i32
        %parallel_loop3A_178 = arith.index_cast %parallel_loop3A_177 : i32 to index
        %parallel_loop3A_179 = arith.index_cast %parallel_loop3A_130 : i32 to index
        %parallel_loop3A_180 = tpu.vector_load %arg8[%parallel_loop3A_178, %parallel_loop3A_179] {strides = array<i32>} : memref<38x1280xf32, #tpu.memory_space<vmem>>, vector<16xf32>,
        tpu.vector_store %arg8[%parallel_loop3A_178, %parallel_loop3A_179], %parallel_loop3A_154 {strides = array<i32>} : memref<38x1280xf32, #tpu.memory_space<vmem>>, vector<16xf32>,
        %parallel_loop3A_181 = arith.constant 2 : i32
        %parallel_loop3A_182 = arith.index_cast %parallel_loop3A_181 : i32 to index
        %parallel_loop3A_183 = arith.index_cast %parallel_loop3A_130 : i32 to index
        %parallel_loop3A_184 = tpu.vector_load %arg8[%parallel_loop3A_182, %parallel_loop3A_183] {strides = array<i32>} : memref<38x1280xf32, #tpu.memory_space<vmem>>, vector<16xf32>,
        tpu.vector_store %arg8[%parallel_loop3A_182, %parallel_loop3A_183], %parallel_loop3A_157 {strides = array<i32>} : memref<38x1280xf32, #tpu.memory_space<vmem>>, vector<16xf32>,
        %parallel_loop3A_185 = arith.constant 3 : i32
        %parallel_loop3A_186 = arith.index_cast %parallel_loop3A_185 : i32 to index
        %parallel_loop3A_187 = arith.index_cast %parallel_loop3A_130 : i32 to index
        %parallel_loop3A_188 = tpu.vector_load %arg8[%parallel_loop3A_186, %parallel_loop3A_187] {strides = array<i32>} : memref<38x1280xf32, #tpu.memory_space<vmem>>, vector<16xf32>,
        tpu.vector_store %arg8[%parallel_loop3A_186, %parallel_loop3A_187], %parallel_loop3A_160 {strides = array<i32>} : memref<38x1280xf32, #tpu.memory_space<vmem>>, vector<16xf32>,
        %parallel_loop3A_189 = arith.constant 4 : i32
        %parallel_loop3A_190 = arith.index_cast %parallel_loop3A_189 : i32 to index
        %parallel_loop3A_191 = arith.index_cast %parallel_loop3A_130 : i32 to index
        %parallel_loop3A_192 = tpu.vector_load %arg8[%parallel_loop3A_190, %parallel_loop3A_191] {strides = array<i32>} : memref<38x1280xf32, #tpu.memory_space<vmem>>, vector<16xf32>,
        tpu.vector_store %arg8[%parallel_loop3A_190, %parallel_loop3A_191], %parallel_loop3A_163 {strides = array<i32>} : memref<38x1280xf32, #tpu.memory_space<vmem>>, vector<16xf32>,
        %parallel_loop3A_193 = arith.constant 5 : i32
        %parallel_loop3A_194 = arith.index_cast %parallel_loop3A_193 : i32 to index
        %parallel_loop3A_195 = arith.index_cast %parallel_loop3A_130 : i32 to index
        %parallel_loop3A_196 = tpu.vector_load %arg8[%parallel_loop3A_194, %parallel_loop3A_195] {strides = array<i32>} : memref<38x1280xf32, #tpu.memory_space<vmem>>, vector<16xf32>,
        tpu.vector_store %arg8[%parallel_loop3A_194, %parallel_loop3A_195], %parallel_loop3A_166 {strides = array<i32>} : memref<38x1280xf32, #tpu.memory_space<vmem>>, vector<16xf32>,
        %parallel_loop3A_197 = arith.constant 6 : i32
        %parallel_loop3A_198 = arith.index_cast %parallel_loop3A_197 : i32 to index
        %parallel_loop3A_199 = arith.index_cast %parallel_loop3A_130 : i32 to index
        %parallel_loop3A_200 = tpu.vector_load %arg8[%parallel_loop3A_198, %parallel_loop3A_199] {strides = array<i32>} : memref<38x1280xf32, #tpu.memory_space<vmem>>, vector<16xf32>,
        tpu.vector_store %arg8[%parallel_loop3A_198, %parallel_loop3A_199], %parallel_loop3A_169 {strides = array<i32>} : memref<38x1280xf32, #tpu.memory_space<vmem>>, vector<16xf32>,
        %parallel_loop3A_201 = arith.constant 7 : i32
        %parallel_loop3A_202 = arith.index_cast %parallel_loop3A_201 : i32 to index
        %parallel_loop3A_203 = arith.index_cast %parallel_loop3A_130 : i32 to index
        %parallel_loop3A_204 = tpu.vector_load %arg8[%parallel_loop3A_202, %parallel_loop3A_203] {strides = array<i32>} : memref<38x1280xf32, #tpu.memory_space<vmem>>, vector<16xf32>,
        tpu.vector_store %arg8[%parallel_loop3A_202, %parallel_loop3A_203], %parallel_loop3A_172 {strides = array<i32>} : memref<38x1280xf32, #tpu.memory_space<vmem>>, vector<16xf32>,
        %parallel_loop3A_205 = arith.constant 47 : i32
        %parallel_loop3A_206 = vector.broadcast %parallel_loop3A_205 : i32 to vector<16xi32>
        %parallel_loop3A_207 = tpu.vector_load_idx %arg9[%parallel_loop3A_206, %parallel_loop3A_139] : memref<64x256xf32, #tpu.memory_space<vmem>>[vector<16xi32>, vector<16xi32>], vector<16xf32>,
        %parallel_loop3A_208 = arith.constant 48 : i32
        %parallel_loop3A_209 = vector.broadcast %parallel_loop3A_208 : i32 to vector<16xi32>
        %parallel_loop3A_210 = tpu.vector_load_idx %arg9[%parallel_loop3A_209, %parallel_loop3A_139] : memref<64x256xf32, #tpu.memory_space<vmem>>[vector<16xi32>, vector<16xi32>], vector<16xf32>,
        %parallel_loop3A_211 = arith.constant 49 : i32
        %parallel_loop3A_212 = vector.broadcast %parallel_loop3A_211 : i32 to vector<16xi32>
        %parallel_loop3A_213 = tpu.vector_load_idx %arg9[%parallel_loop3A_212, %parallel_loop3A_139] : memref<64x256xf32, #tpu.memory_space<vmem>>[vector<16xi32>, vector<16xi32>], vector<16xf32>,
        %parallel_loop3A_214 = arith.constant 50 : i32
        %parallel_loop3A_215 = vector.broadcast %parallel_loop3A_214 : i32 to vector<16xi32>
        %parallel_loop3A_216 = tpu.vector_load_idx %arg9[%parallel_loop3A_215, %parallel_loop3A_139] : memref<64x256xf32, #tpu.memory_space<vmem>>[vector<16xi32>, vector<16xi32>], vector<16xf32>,
        %parallel_loop3A_217 = arith.constant 51 : i32
        %parallel_loop3A_218 = vector.broadcast %parallel_loop3A_217 : i32 to vector<16xi32>
        %parallel_loop3A_219 = tpu.vector_load_idx %arg9[%parallel_loop3A_218, %parallel_loop3A_139] : memref<64x256xf32, #tpu.memory_space<vmem>>[vector<16xi32>, vector<16xi32>], vector<16xf32>,
        %parallel_loop3A_220 = arith.constant 52 : i32
        %parallel_loop3A_221 = vector.broadcast %parallel_loop3A_220 : i32 to vector<16xi32>
        %parallel_loop3A_222 = tpu.vector_load_idx %arg9[%parallel_loop3A_221, %parallel_loop3A_139] : memref<64x256xf32, #tpu.memory_space<vmem>>[vector<16xi32>, vector<16xi32>], vector<16xf32>,
        %parallel_loop3A_223 = arith.constant 53 : i32
        %parallel_loop3A_224 = vector.broadcast %parallel_loop3A_223 : i32 to vector<16xi32>
        %parallel_loop3A_225 = tpu.vector_load_idx %arg9[%parallel_loop3A_224, %parallel_loop3A_139] : memref<64x256xf32, #tpu.memory_space<vmem>>[vector<16xi32>, vector<16xi32>], vector<16xf32>,
        %parallel_loop3A_226 = arith.constant 54 : i32
        %parallel_loop3A_227 = vector.broadcast %parallel_loop3A_226 : i32 to vector<16xi32>
        %parallel_loop3A_228 = tpu.vector_load_idx %arg9[%parallel_loop3A_227, %parallel_loop3A_139] : memref<64x256xf32, #tpu.memory_space<vmem>>[vector<16xi32>, vector<16xi32>], vector<16xf32>,
        %parallel_loop3A_229 = arith.constant 8 : i32
        %parallel_loop3A_230 = arith.index_cast %parallel_loop3A_229 : i32 to index
        %parallel_loop3A_231 = arith.index_cast %parallel_loop3A_130 : i32 to index
        %parallel_loop3A_232 = tpu.vector_load %arg8[%parallel_loop3A_230, %parallel_loop3A_231] {strides = array<i32>} : memref<38x1280xf32, #tpu.memory_space<vmem>>, vector<16xf32>,
        tpu.vector_store %arg8[%parallel_loop3A_230, %parallel_loop3A_231], %parallel_loop3A_207 {strides = array<i32>} : memref<38x1280xf32, #tpu.memory_space<vmem>>, vector<16xf32>,
        %parallel_loop3A_233 = arith.constant 9 : i32
        %parallel_loop3A_234 = arith.index_cast %parallel_loop3A_233 : i32 to index
        %parallel_loop3A_235 = arith.index_cast %parallel_loop3A_130 : i32 to index
        %parallel_loop3A_236 = tpu.vector_load %arg8[%parallel_loop3A_234, %parallel_loop3A_235] {strides = array<i32>} : memref<38x1280xf32, #tpu.memory_space<vmem>>, vector<16xf32>,
        tpu.vector_store %arg8[%parallel_loop3A_234, %parallel_loop3A_235], %parallel_loop3A_210 {strides = array<i32>} : memref<38x1280xf32, #tpu.memory_space<vmem>>, vector<16xf32>,
        %parallel_loop3A_237 = arith.constant 10 : i32
        %parallel_loop3A_238 = arith.index_cast %parallel_loop3A_237 : i32 to index
        %parallel_loop3A_239 = arith.index_cast %parallel_loop3A_130 : i32 to index
        %parallel_loop3A_240 = tpu.vector_load %arg8[%parallel_loop3A_238, %parallel_loop3A_239] {strides = array<i32>} : memref<38x1280xf32, #tpu.memory_space<vmem>>, vector<16xf32>,
        tpu.vector_store %arg8[%parallel_loop3A_238, %parallel_loop3A_239], %parallel_loop3A_213 {strides = array<i32>} : memref<38x1280xf32, #tpu.memory_space<vmem>>, vector<16xf32>,
        %parallel_loop3A_241 = arith.constant 11 : i32
        %parallel_loop3A_242 = arith.index_cast %parallel_loop3A_241 : i32 to index
        %parallel_loop3A_243 = arith.index_cast %parallel_loop3A_130 : i32 to index
        %parallel_loop3A_244 = tpu.vector_load %arg8[%parallel_loop3A_242, %parallel_loop3A_243] {strides = array<i32>} : memref<38x1280xf32, #tpu.memory_space<vmem>>, vector<16xf32>,
        tpu.vector_store %arg8[%parallel_loop3A_242, %parallel_loop3A_243], %parallel_loop3A_216 {strides = array<i32>} : memref<38x1280xf32, #tpu.memory_space<vmem>>, vector<16xf32>,
        %parallel_loop3A_245 = arith.constant 12 : i32
        %parallel_loop3A_246 = arith.index_cast %parallel_loop3A_245 : i32 to index
        %parallel_loop3A_247 = arith.index_cast %parallel_loop3A_130 : i32 to index
        %parallel_loop3A_248 = tpu.vector_load %arg8[%parallel_loop3A_246, %parallel_loop3A_247] {strides = array<i32>} : memref<38x1280xf32, #tpu.memory_space<vmem>>, vector<16xf32>,
        tpu.vector_store %arg8[%parallel_loop3A_246, %parallel_loop3A_247], %parallel_loop3A_219 {strides = array<i32>} : memref<38x1280xf32, #tpu.memory_space<vmem>>, vector<16xf32>,
        %parallel_loop3A_249 = arith.constant 13 : i32
        %parallel_loop3A_250 = arith.index_cast %parallel_loop3A_249 : i32 to index
        %parallel_loop3A_251 = arith.index_cast %parallel_loop3A_130 : i32 to index
        %parallel_loop3A_252 = tpu.vector_load %arg8[%parallel_loop3A_250, %parallel_loop3A_251] {strides = array<i32>} : memref<38x1280xf32, #tpu.memory_space<vmem>>, vector<16xf32>,
        tpu.vector_store %arg8[%parallel_loop3A_250, %parallel_loop3A_251], %parallel_loop3A_222 {strides = array<i32>} : memref<38x1280xf32, #tpu.memory_space<vmem>>, vector<16xf32>,
        %parallel_loop3A_253 = arith.constant 14 : i32
        %parallel_loop3A_254 = arith.index_cast %parallel_loop3A_253 : i32 to index
        %parallel_loop3A_255 = arith.index_cast %parallel_loop3A_130 : i32 to index
        %parallel_loop3A_256 = tpu.vector_load %arg8[%parallel_loop3A_254, %parallel_loop3A_255] {strides = array<i32>} : memref<38x1280xf32, #tpu.memory_space<vmem>>, vector<16xf32>,
        tpu.vector_store %arg8[%parallel_loop3A_254, %parallel_loop3A_255], %parallel_loop3A_225 {strides = array<i32>} : memref<38x1280xf32, #tpu.memory_space<vmem>>, vector<16xf32>,
        %parallel_loop3A_257 = arith.constant 15 : i32
        %parallel_loop3A_258 = arith.index_cast %parallel_loop3A_257 : i32 to index
        %parallel_loop3A_259 = arith.index_cast %parallel_loop3A_130 : i32 to index
        %parallel_loop3A_260 = tpu.vector_load %arg8[%parallel_loop3A_258, %parallel_loop3A_259] {strides = array<i32>} : memref<38x1280xf32, #tpu.memory_space<vmem>>, vector<16xf32>,
        tpu.vector_store %arg8[%parallel_loop3A_258, %parallel_loop3A_259], %parallel_loop3A_228 {strides = array<i32>} : memref<38x1280xf32, #tpu.memory_space<vmem>>, vector<16xf32>,
        %parallel_loop3A_261 = arith.constant 55 : i32
        %parallel_loop3A_262 = vector.broadcast %parallel_loop3A_261 : i32 to vector<16xi32>
        %parallel_loop3A_263 = tpu.vector_load_idx %arg9[%parallel_loop3A_262, %parallel_loop3A_139] : memref<64x256xf32, #tpu.memory_space<vmem>>[vector<16xi32>, vector<16xi32>], vector<16xf32>,
        %parallel_loop3A_264 = arith.constant 56 : i32
        %parallel_loop3A_265 = vector.broadcast %parallel_loop3A_264 : i32 to vector<16xi32>
        %parallel_loop3A_266 = tpu.vector_load_idx %arg9[%parallel_loop3A_265, %parallel_loop3A_139] : memref<64x256xf32, #tpu.memory_space<vmem>>[vector<16xi32>, vector<16xi32>], vector<16xf32>,
        %parallel_loop3A_267 = arith.constant 57 : i32
        %parallel_loop3A_268 = vector.broadcast %parallel_loop3A_267 : i32 to vector<16xi32>
        %parallel_loop3A_269 = tpu.vector_load_idx %arg9[%parallel_loop3A_268, %parallel_loop3A_139] : memref<64x256xf32, #tpu.memory_space<vmem>>[vector<16xi32>, vector<16xi32>], vector<16xf32>,
        %parallel_loop3A_270 = arith.constant 58 : i32
        %parallel_loop3A_271 = vector.broadcast %parallel_loop3A_270 : i32 to vector<16xi32>
        %parallel_loop3A_272 = tpu.vector_load_idx %arg9[%parallel_loop3A_271, %parallel_loop3A_139] : memref<64x256xf32, #tpu.memory_space<vmem>>[vector<16xi32>, vector<16xi32>], vector<16xf32>,
        %parallel_loop3A_273 = arith.constant 59 : i32
        %parallel_loop3A_274 = vector.broadcast %parallel_loop3A_273 : i32 to vector<16xi32>
        %parallel_loop3A_275 = tpu.vector_load_idx %arg9[%parallel_loop3A_274, %parallel_loop3A_139] : memref<64x256xf32, #tpu.memory_space<vmem>>[vector<16xi32>, vector<16xi32>], vector<16xf32>,
        %parallel_loop3A_276 = arith.constant 60 : i32
        %parallel_loop3A_277 = vector.broadcast %parallel_loop3A_276 : i32 to vector<16xi32>
        %parallel_loop3A_278 = tpu.vector_load_idx %arg9[%parallel_loop3A_277, %parallel_loop3A_139] : memref<64x256xf32, #tpu.memory_space<vmem>>[vector<16xi32>, vector<16xi32>], vector<16xf32>,
        %parallel_loop3A_279 = arith.constant 61 : i32
        %parallel_loop3A_280 = vector.broadcast %parallel_loop3A_279 : i32 to vector<16xi32>
        %parallel_loop3A_281 = tpu.vector_load_idx %arg9[%parallel_loop3A_280, %parallel_loop3A_139] : memref<64x256xf32, #tpu.memory_space<vmem>>[vector<16xi32>, vector<16xi32>], vector<16xf32>,
        %parallel_loop3A_282 = arith.constant 62 : i32
        %parallel_loop3A_283 = vector.broadcast %parallel_loop3A_282 : i32 to vector<16xi32>
        %parallel_loop3A_284 = tpu.vector_load_idx %arg9[%parallel_loop3A_283, %parallel_loop3A_139] : memref<64x256xf32, #tpu.memory_space<vmem>>[vector<16xi32>, vector<16xi32>], vector<16xf32>,
        %parallel_loop3A_285 = arith.constant 16 : i32
        %parallel_loop3A_286 = arith.index_cast %parallel_loop3A_285 : i32 to index
        %parallel_loop3A_287 = arith.index_cast %parallel_loop3A_130 : i32 to index
        %parallel_loop3A_288 = tpu.vector_load %arg8[%parallel_loop3A_286, %parallel_loop3A_287] {strides = array<i32>} : memref<38x1280xf32, #tpu.memory_space<vmem>>, vector<16xf32>,
        tpu.vector_store %arg8[%parallel_loop3A_286, %parallel_loop3A_287], %parallel_loop3A_263 {strides = array<i32>} : memref<38x1280xf32, #tpu.memory_space<vmem>>, vector<16xf32>,
        %parallel_loop3A_289 = arith.constant 17 : i32
        %parallel_loop3A_290 = arith.index_cast %parallel_loop3A_289 : i32 to index
        %parallel_loop3A_291 = arith.index_cast %parallel_loop3A_130 : i32 to index
        %parallel_loop3A_292 = tpu.vector_load %arg8[%parallel_loop3A_290, %parallel_loop3A_291] {strides = array<i32>} : memref<38x1280xf32, #tpu.memory_space<vmem>>, vector<16xf32>,
        tpu.vector_store %arg8[%parallel_loop3A_290, %parallel_loop3A_291], %parallel_loop3A_266 {strides = array<i32>} : memref<38x1280xf32, #tpu.memory_space<vmem>>, vector<16xf32>,
        %parallel_loop3A_293 = arith.constant 18 : i32
        %parallel_loop3A_294 = arith.index_cast %parallel_loop3A_293 : i32 to index
        %parallel_loop3A_295 = arith.index_cast %parallel_loop3A_130 : i32 to index
        %parallel_loop3A_296 = tpu.vector_load %arg8[%parallel_loop3A_294, %parallel_loop3A_295] {strides = array<i32>} : memref<38x1280xf32, #tpu.memory_space<vmem>>, vector<16xf32>,
        tpu.vector_store %arg8[%parallel_loop3A_294, %parallel_loop3A_295], %parallel_loop3A_269 {strides = array<i32>} : memref<38x1280xf32, #tpu.memory_space<vmem>>, vector<16xf32>,
        %parallel_loop3A_297 = arith.constant 19 : i32
        %parallel_loop3A_298 = arith.index_cast %parallel_loop3A_297 : i32 to index
        %parallel_loop3A_299 = arith.index_cast %parallel_loop3A_130 : i32 to index
        %parallel_loop3A_300 = tpu.vector_load %arg8[%parallel_loop3A_298, %parallel_loop3A_299] {strides = array<i32>} : memref<38x1280xf32, #tpu.memory_space<vmem>>, vector<16xf32>,
        tpu.vector_store %arg8[%parallel_loop3A_298, %parallel_loop3A_299], %parallel_loop3A_272 {strides = array<i32>} : memref<38x1280xf32, #tpu.memory_space<vmem>>, vector<16xf32>,
        %parallel_loop3A_301 = arith.constant 20 : i32
        %parallel_loop3A_302 = arith.index_cast %parallel_loop3A_301 : i32 to index
        %parallel_loop3A_303 = arith.index_cast %parallel_loop3A_130 : i32 to index
        %parallel_loop3A_304 = tpu.vector_load %arg8[%parallel_loop3A_302, %parallel_loop3A_303] {strides = array<i32>} : memref<38x1280xf32, #tpu.memory_space<vmem>>, vector<16xf32>,
        tpu.vector_store %arg8[%parallel_loop3A_302, %parallel_loop3A_303], %parallel_loop3A_275 {strides = array<i32>} : memref<38x1280xf32, #tpu.memory_space<vmem>>, vector<16xf32>,
        %parallel_loop3A_305 = arith.constant 21 : i32
        %parallel_loop3A_306 = arith.index_cast %parallel_loop3A_305 : i32 to index
        %parallel_loop3A_307 = arith.index_cast %parallel_loop3A_130 : i32 to index
        %parallel_loop3A_308 = tpu.vector_load %arg8[%parallel_loop3A_306, %parallel_loop3A_307] {strides = array<i32>} : memref<38x1280xf32, #tpu.memory_space<vmem>>, vector<16xf32>,
        tpu.vector_store %arg8[%parallel_loop3A_306, %parallel_loop3A_307], %parallel_loop3A_278 {strides = array<i32>} : memref<38x1280xf32, #tpu.memory_space<vmem>>, vector<16xf32>,
        %parallel_loop3A_309 = arith.constant 22 : i32
        %parallel_loop3A_310 = arith.index_cast %parallel_loop3A_309 : i32 to index
        %parallel_loop3A_311 = arith.index_cast %parallel_loop3A_130 : i32 to index
        %parallel_loop3A_312 = tpu.vector_load %arg8[%parallel_loop3A_310, %parallel_loop3A_311] {strides = array<i32>} : memref<38x1280xf32, #tpu.memory_space<vmem>>, vector<16xf32>,
        tpu.vector_store %arg8[%parallel_loop3A_310, %parallel_loop3A_311], %parallel_loop3A_281 {strides = array<i32>} : memref<38x1280xf32, #tpu.memory_space<vmem>>, vector<16xf32>,
        %parallel_loop3A_313 = arith.constant 23 : i32
        %parallel_loop3A_314 = arith.index_cast %parallel_loop3A_313 : i32 to index
        %parallel_loop3A_315 = arith.index_cast %parallel_loop3A_130 : i32 to index
        %parallel_loop3A_316 = tpu.vector_load %arg8[%parallel_loop3A_314, %parallel_loop3A_315] {strides = array<i32>} : memref<38x1280xf32, #tpu.memory_space<vmem>>, vector<16xf32>,
        tpu.vector_store %arg8[%parallel_loop3A_314, %parallel_loop3A_315], %parallel_loop3A_284 {strides = array<i32>} : memref<38x1280xf32, #tpu.memory_space<vmem>>, vector<16xf32>,
        %parallel_loop3A_317 = arith.constant 63 : i32
        %parallel_loop3A_318 = vector.broadcast %parallel_loop3A_317 : i32 to vector<16xi32>
        %parallel_loop3A_319 = tpu.vector_load_idx %arg9[%parallel_loop3A_318, %parallel_loop3A_139] : memref<64x256xf32, #tpu.memory_space<vmem>>[vector<16xi32>, vector<16xi32>], vector<16xf32>,
        %parallel_loop3A_320 = arith.constant 24 : i32
        %parallel_loop3A_321 = arith.index_cast %parallel_loop3A_320 : i32 to index
        %parallel_loop3A_322 = arith.index_cast %parallel_loop3A_130 : i32 to index
        %parallel_loop3A_323 = tpu.vector_load %arg8[%parallel_loop3A_321, %parallel_loop3A_322] {strides = array<i32>} : memref<38x1280xf32, #tpu.memory_space<vmem>>, vector<16xf32>,
        tpu.vector_store %arg8[%parallel_loop3A_321, %parallel_loop3A_322], %parallel_loop3A_319 {strides = array<i32>} : memref<38x1280xf32, #tpu.memory_space<vmem>>, vector<16xf32>,
        %parallel_loop3A_324 = arith.constant 0 : i32
        %parallel_loop3A_325 = vector.broadcast %parallel_loop3A_324 : i32 to vector<16xi32>
        %parallel_loop3A_326 = tpu.vector_load_idx %arg10[%parallel_loop3A_325, %parallel_loop3A_148] : memref<12x256xf32, #tpu.memory_space<vmem>>[vector<16xi32>, vector<16xi32>], vector<16xf32>,
        %parallel_loop3A_327 = arith.constant 1 : i32
        %parallel_loop3A_328 = vector.broadcast %parallel_loop3A_327 : i32 to vector<16xi32>
        %parallel_loop3A_329 = tpu.vector_load_idx %arg10[%parallel_loop3A_328, %parallel_loop3A_148] : memref<12x256xf32, #tpu.memory_space<vmem>>[vector<16xi32>, vector<16xi32>], vector<16xf32>,
        %parallel_loop3A_330 = arith.constant 2 : i32
        %parallel_loop3A_331 = vector.broadcast %parallel_loop3A_330 : i32 to vector<16xi32>
        %parallel_loop3A_332 = tpu.vector_load_idx %arg10[%parallel_loop3A_331, %parallel_loop3A_148] : memref<12x256xf32, #tpu.memory_space<vmem>>[vector<16xi32>, vector<16xi32>], vector<16xf32>,
        %parallel_loop3A_333 = arith.constant 3 : i32
        %parallel_loop3A_334 = vector.broadcast %parallel_loop3A_333 : i32 to vector<16xi32>
        %parallel_loop3A_335 = tpu.vector_load_idx %arg10[%parallel_loop3A_334, %parallel_loop3A_148] : memref<12x256xf32, #tpu.memory_space<vmem>>[vector<16xi32>, vector<16xi32>], vector<16xf32>,
        %parallel_loop3A_336 = arith.constant 4 : i32
        %parallel_loop3A_337 = vector.broadcast %parallel_loop3A_336 : i32 to vector<16xi32>
        %parallel_loop3A_338 = tpu.vector_load_idx %arg10[%parallel_loop3A_337, %parallel_loop3A_148] : memref<12x256xf32, #tpu.memory_space<vmem>>[vector<16xi32>, vector<16xi32>], vector<16xf32>,
        %parallel_loop3A_339 = arith.constant 5 : i32
        %parallel_loop3A_340 = vector.broadcast %parallel_loop3A_339 : i32 to vector<16xi32>
        %parallel_loop3A_341 = tpu.vector_load_idx %arg10[%parallel_loop3A_340, %parallel_loop3A_148] : memref<12x256xf32, #tpu.memory_space<vmem>>[vector<16xi32>, vector<16xi32>], vector<16xf32>,
        %parallel_loop3A_342 = arith.constant 6 : i32
        %parallel_loop3A_343 = vector.broadcast %parallel_loop3A_342 : i32 to vector<16xi32>
        %parallel_loop3A_344 = tpu.vector_load_idx %arg10[%parallel_loop3A_343, %parallel_loop3A_148] : memref<12x256xf32, #tpu.memory_space<vmem>>[vector<16xi32>, vector<16xi32>], vector<16xf32>,
        %parallel_loop3A_345 = arith.constant 7 : i32
        %parallel_loop3A_346 = vector.broadcast %parallel_loop3A_345 : i32 to vector<16xi32>
        %parallel_loop3A_347 = tpu.vector_load_idx %arg10[%parallel_loop3A_346, %parallel_loop3A_148] : memref<12x256xf32, #tpu.memory_space<vmem>>[vector<16xi32>, vector<16xi32>], vector<16xf32>,
        %parallel_loop3A_348 = arith.constant 8 : i32
        %parallel_loop3A_349 = vector.broadcast %parallel_loop3A_348 : i32 to vector<16xi32>
        %parallel_loop3A_350 = tpu.vector_load_idx %arg10[%parallel_loop3A_349, %parallel_loop3A_148] : memref<12x256xf32, #tpu.memory_space<vmem>>[vector<16xi32>, vector<16xi32>], vector<16xf32>,
        %parallel_loop3A_351 = arith.constant 9 : i32
        %parallel_loop3A_352 = vector.broadcast %parallel_loop3A_351 : i32 to vector<16xi32>
        %parallel_loop3A_353 = tpu.vector_load_idx %arg10[%parallel_loop3A_352, %parallel_loop3A_148] : memref<12x256xf32, #tpu.memory_space<vmem>>[vector<16xi32>, vector<16xi32>], vector<16xf32>,
        %parallel_loop3A_354 = arith.constant 10 : i32
        %parallel_loop3A_355 = vector.broadcast %parallel_loop3A_354 : i32 to vector<16xi32>
        %parallel_loop3A_356 = tpu.vector_load_idx %arg10[%parallel_loop3A_355, %parallel_loop3A_148] : memref<12x256xf32, #tpu.memory_space<vmem>>[vector<16xi32>, vector<16xi32>], vector<16xf32>,
        %parallel_loop3A_357 = arith.constant 11 : i32
        %parallel_loop3A_358 = vector.broadcast %parallel_loop3A_357 : i32 to vector<16xi32>
        %parallel_loop3A_359 = tpu.vector_load_idx %arg10[%parallel_loop3A_358, %parallel_loop3A_148] : memref<12x256xf32, #tpu.memory_space<vmem>>[vector<16xi32>, vector<16xi32>], vector<16xf32>,
        %parallel_loop3A_360 = arith.constant 25 : i32
        %parallel_loop3A_361 = arith.index_cast %parallel_loop3A_360 : i32 to index
        %parallel_loop3A_362 = arith.index_cast %parallel_loop3A_130 : i32 to index
        %parallel_loop3A_363 = tpu.vector_load %arg8[%parallel_loop3A_361, %parallel_loop3A_362] {strides = array<i32>} : memref<38x1280xf32, #tpu.memory_space<vmem>>, vector<16xf32>,
        tpu.vector_store %arg8[%parallel_loop3A_361, %parallel_loop3A_362], %parallel_loop3A_326 {strides = array<i32>} : memref<38x1280xf32, #tpu.memory_space<vmem>>, vector<16xf32>,
        %parallel_loop3A_364 = arith.constant 26 : i32
        %parallel_loop3A_365 = arith.index_cast %parallel_loop3A_364 : i32 to index
        %parallel_loop3A_366 = arith.index_cast %parallel_loop3A_130 : i32 to index
        %parallel_loop3A_367 = tpu.vector_load %arg8[%parallel_loop3A_365, %parallel_loop3A_366] {strides = array<i32>} : memref<38x1280xf32, #tpu.memory_space<vmem>>, vector<16xf32>,
        tpu.vector_store %arg8[%parallel_loop3A_365, %parallel_loop3A_366], %parallel_loop3A_329 {strides = array<i32>} : memref<38x1280xf32, #tpu.memory_space<vmem>>, vector<16xf32>,
        %parallel_loop3A_368 = arith.constant 27 : i32
        %parallel_loop3A_369 = arith.index_cast %parallel_loop3A_368 : i32 to index
        %parallel_loop3A_370 = arith.index_cast %parallel_loop3A_130 : i32 to index
        %parallel_loop3A_371 = tpu.vector_load %arg8[%parallel_loop3A_369, %parallel_loop3A_370] {strides = array<i32>} : memref<38x1280xf32, #tpu.memory_space<vmem>>, vector<16xf32>,
        tpu.vector_store %arg8[%parallel_loop3A_369, %parallel_loop3A_370], %parallel_loop3A_332 {strides = array<i32>} : memref<38x1280xf32, #tpu.memory_space<vmem>>, vector<16xf32>,
        %parallel_loop3A_372 = arith.constant 28 : i32
        %parallel_loop3A_373 = arith.index_cast %parallel_loop3A_372 : i32 to index
        %parallel_loop3A_374 = arith.index_cast %parallel_loop3A_130 : i32 to index
        %parallel_loop3A_375 = tpu.vector_load %arg8[%parallel_loop3A_373, %parallel_loop3A_374] {strides = array<i32>} : memref<38x1280xf32, #tpu.memory_space<vmem>>, vector<16xf32>,
        tpu.vector_store %arg8[%parallel_loop3A_373, %parallel_loop3A_374], %parallel_loop3A_335 {strides = array<i32>} : memref<38x1280xf32, #tpu.memory_space<vmem>>, vector<16xf32>,
        %parallel_loop3A_376 = arith.constant 29 : i32
        %parallel_loop3A_377 = arith.index_cast %parallel_loop3A_376 : i32 to index
        %parallel_loop3A_378 = arith.index_cast %parallel_loop3A_130 : i32 to index
        %parallel_loop3A_379 = tpu.vector_load %arg8[%parallel_loop3A_377, %parallel_loop3A_378] {strides = array<i32>} : memref<38x1280xf32, #tpu.memory_space<vmem>>, vector<16xf32>,
        tpu.vector_store %arg8[%parallel_loop3A_377, %parallel_loop3A_378], %parallel_loop3A_338 {strides = array<i32>} : memref<38x1280xf32, #tpu.memory_space<vmem>>, vector<16xf32>,
        %parallel_loop3A_380 = arith.constant 30 : i32
        %parallel_loop3A_381 = arith.index_cast %parallel_loop3A_380 : i32 to index
        %parallel_loop3A_382 = arith.index_cast %parallel_loop3A_130 : i32 to index
        %parallel_loop3A_383 = tpu.vector_load %arg8[%parallel_loop3A_381, %parallel_loop3A_382] {strides = array<i32>} : memref<38x1280xf32, #tpu.memory_space<vmem>>, vector<16xf32>,
        tpu.vector_store %arg8[%parallel_loop3A_381, %parallel_loop3A_382], %parallel_loop3A_341 {strides = array<i32>} : memref<38x1280xf32, #tpu.memory_space<vmem>>, vector<16xf32>,
        %parallel_loop3A_384 = arith.constant 31 : i32
        %parallel_loop3A_385 = arith.index_cast %parallel_loop3A_384 : i32 to index
        %parallel_loop3A_386 = arith.index_cast %parallel_loop3A_130 : i32 to index
        %parallel_loop3A_387 = tpu.vector_load %arg8[%parallel_loop3A_385, %parallel_loop3A_386] {strides = array<i32>} : memref<38x1280xf32, #tpu.memory_space<vmem>>, vector<16xf32>,
        tpu.vector_store %arg8[%parallel_loop3A_385, %parallel_loop3A_386], %parallel_loop3A_344 {strides = array<i32>} : memref<38x1280xf32, #tpu.memory_space<vmem>>, vector<16xf32>,
        %parallel_loop3A_388 = arith.constant 32 : i32
        %parallel_loop3A_389 = arith.index_cast %parallel_loop3A_388 : i32 to index
        %parallel_loop3A_390 = arith.index_cast %parallel_loop3A_130 : i32 to index
        %parallel_loop3A_391 = tpu.vector_load %arg8[%parallel_loop3A_389, %parallel_loop3A_390] {strides = array<i32>} : memref<38x1280xf32, #tpu.memory_space<vmem>>, vector<16xf32>,
        tpu.vector_store %arg8[%parallel_loop3A_389, %parallel_loop3A_390], %parallel_loop3A_347 {strides = array<i32>} : memref<38x1280xf32, #tpu.memory_space<vmem>>, vector<16xf32>,
        %parallel_loop3A_392 = arith.constant 33 : i32
        %parallel_loop3A_393 = arith.index_cast %parallel_loop3A_392 : i32 to index
        %parallel_loop3A_394 = arith.index_cast %parallel_loop3A_130 : i32 to index
        %parallel_loop3A_395 = tpu.vector_load %arg8[%parallel_loop3A_393, %parallel_loop3A_394] {strides = array<i32>} : memref<38x1280xf32, #tpu.memory_space<vmem>>, vector<16xf32>,
        tpu.vector_store %arg8[%parallel_loop3A_393, %parallel_loop3A_394], %parallel_loop3A_350 {strides = array<i32>} : memref<38x1280xf32, #tpu.memory_space<vmem>>, vector<16xf32>,
        %parallel_loop3A_396 = arith.constant 34 : i32
        %parallel_loop3A_397 = arith.index_cast %parallel_loop3A_396 : i32 to index
        %parallel_loop3A_398 = arith.index_cast %parallel_loop3A_130 : i32 to index
        %parallel_loop3A_399 = tpu.vector_load %arg8[%parallel_loop3A_397, %parallel_loop3A_398] {strides = array<i32>} : memref<38x1280xf32, #tpu.memory_space<vmem>>, vector<16xf32>,
        tpu.vector_store %arg8[%parallel_loop3A_397, %parallel_loop3A_398], %parallel_loop3A_353 {strides = array<i32>} : memref<38x1280xf32, #tpu.memory_space<vmem>>, vector<16xf32>,
        %parallel_loop3A_400 = arith.constant 35 : i32
        %parallel_loop3A_401 = arith.index_cast %parallel_loop3A_400 : i32 to index
        %parallel_loop3A_402 = arith.index_cast %parallel_loop3A_130 : i32 to index
        %parallel_loop3A_403 = tpu.vector_load %arg8[%parallel_loop3A_401, %parallel_loop3A_402] {strides = array<i32>} : memref<38x1280xf32, #tpu.memory_space<vmem>>, vector<16xf32>,
        tpu.vector_store %arg8[%parallel_loop3A_401, %parallel_loop3A_402], %parallel_loop3A_356 {strides = array<i32>} : memref<38x1280xf32, #tpu.memory_space<vmem>>, vector<16xf32>,
        %parallel_loop3A_404 = arith.constant 36 : i32
        %parallel_loop3A_405 = arith.index_cast %parallel_loop3A_404 : i32 to index
        %parallel_loop3A_406 = arith.index_cast %parallel_loop3A_130 : i32 to index
        %parallel_loop3A_407 = tpu.vector_load %arg8[%parallel_loop3A_405, %parallel_loop3A_406] {strides = array<i32>} : memref<38x1280xf32, #tpu.memory_space<vmem>>, vector<16xf32>,
        tpu.vector_store %arg8[%parallel_loop3A_405, %parallel_loop3A_406], %parallel_loop3A_359 {strides = array<i32>} : memref<38x1280xf32, #tpu.memory_space<vmem>>, vector<16xf32>,
        %parallel_loop3A_408 = arith.constant 0 : i32
        %parallel_loop3A_409 = arith.constant 2 : i32
        %parallel_loop3A_410 = arith.index_cast %parallel_loop3A_408 : i32 to index
        %parallel_loop3A_411 = arith.index_cast %parallel_loop3A_409 : i32 to index
        %parallel_loop3A_412 = arith.index_cast %parallel_loop3A_130 : i32 to index
        %parallel_loop3A_413 = tpu.vector_load %arg6[%parallel_loop3A_410, %parallel_loop3A_411, %parallel_loop3A_412] {strides = array<i32>} : memref<2x3x1280xi32, #tpu.memory_space<vmem>>, vector<16xi32>,
        %parallel_loop3A_414 = arith.sitofp %parallel_loop3A_413 : vector<16xi32> to vector<16xf32>
        %parallel_loop3A_415 = arith.constant 37 : i32
        %parallel_loop3A_416 = arith.index_cast %parallel_loop3A_415 : i32 to index
        %parallel_loop3A_417 = arith.index_cast %parallel_loop3A_130 : i32 to index
        %parallel_loop3A_418 = tpu.vector_load %arg8[%parallel_loop3A_416, %parallel_loop3A_417] {strides = array<i32>} : memref<38x1280xf32, #tpu.memory_space<vmem>>, vector<16xf32>,
        tpu.vector_store %arg8[%parallel_loop3A_416, %parallel_loop3A_417], %parallel_loop3A_414 {strides = array<i32>} : memref<38x1280xf32, #tpu.memory_space<vmem>>, vector<16xf32>,
      } {sc.loop_unroll_factor = 2 : i64, sc.parallel_access}
      %dma_start3A_74 = arith.constant 39 : i32
      %dma_start3A_75 = tpu.memref_slice %arg5[%dma_start3A_74, %add3A_38] : memref<77x819200xf32, #tpu.memory_space<hbm>> -> memref<38x1280xf32, #tpu.memory_space<hbm>>
      %dma_start3A_76 = arith.constant 39 : i32
      %dma_start3A_77 = tpu.memref_slice %arg5[%dma_start3A_76, %add3A_38] : memref<77x819200xf32, #tpu.memory_space<hbm>> -> memref<38x1280xf32, #tpu.memory_space<hbm>>
      tpu.enqueue_dma source(%arg8 : memref<38x1280xf32, #tpu.memory_space<vmem>>) target(%dma_start3A_77 : memref<38x1280xf32, #tpu.memory_space<hbm>>) target_semaphore(%arg14 : memref<!tpu.dma_semaphore, #tpu.memory_space<semaphore_mem>>)
      %mul3A_78 = arith.constant 2 : i32
      %mul3A_79 = arith.muli %mul3A_78, %scan3A_30 : i32
      %add3A_80 = arith.constant 1 : i32
      %add3A_81 = arith.addi %mul3A_79, %add3A_80 : i32
      %mul3A_82 = arith.constant 1280 : i32
      %mul3A_83 = arith.muli %add3A_81, %mul3A_82 : i32
      %add3A_84 = arith.addi %mul3A_2, %mul3A_83 : i32
      %dma_wait3A_85 = arith.constant 1 : i32
      %dma_wait3A_86 = arith.constant 0 : i32
      %dma_wait3A_87 = arith.constant 0 : i32
      %dma_wait3A_88 = tpu.memref_slice %arg6[%dma_wait3A_85, %dma_wait3A_86, %dma_wait3A_87] : memref<2x3x1280xi32, #tpu.memory_space<vmem>> -> memref<1x3x1280xi32, #tpu.memory_space<vmem>>
      %dma_wait3A_89 = tpu.memref_squeeze %dma_wait3A_88 : memref<1x3x1280xi32, #tpu.memory_space<vmem>> -> memref<3x1280xi32, #tpu.memory_space<vmem>>
      %dma_wait3A_90 = arith.constant 0 : i32
      %dma_wait3A_91 = tpu.memref_slice %arg2[%dma_wait3A_90, %add3A_84] : memref<3x819200xi32, #tpu.memory_space<hbm>> -> memref<3x1280xi32, #tpu.memory_space<hbm>>
      %dma_wait3A_92 = arith.constant 0 : i32
      %dma_wait3A_93 = arith.constant 0 : i32
      %dma_wait3A_94 = tpu.memref_slice %arg6[%dma_wait3A_85, %dma_wait3A_92, %dma_wait3A_93] : memref<2x3x1280xi32, #tpu.memory_space<vmem>> -> memref<1x3x1280xi32, #tpu.memory_space<vmem>>
      %dma_wait3A_95 = tpu.memref_squeeze %dma_wait3A_94 : memref<1x3x1280xi32, #tpu.memory_space<vmem>> -> memref<3x1280xi32, #tpu.memory_space<vmem>>
      %dma_wait3A_96 = arith.constant 0 : i32
      %dma_wait3A_97 = tpu.memref_slice %arg2[%dma_wait3A_96, %add3A_84] : memref<3x819200xi32, #tpu.memory_space<hbm>> -> memref<3x1280xi32, #tpu.memory_space<hbm>>
      tpu.wait_dma2 semaphore(%arg12 : memref<!tpu.dma_semaphore, #tpu.memory_space<semaphore_mem>>) src(%dma_wait3A_97 : memref<3x1280xi32, #tpu.memory_space<hbm>>) dst(%dma_wait3A_95 : memref<3x1280xi32, #tpu.memory_space<vmem>>)
      %add3A_98 = arith.constant 1 : i32
      %add3A_99 = arith.addi %add3A_81, %add3A_98 : i32
      %lt3A_100 = arith.constant 20 : i32
      %lt3A_101 = arith.cmpi slt, %add3A_99, %lt3A_100 : i32
      %convert_element_type3A_102 = arith.extui %lt3A_101 : i1 to i32
      %cond3A_103 = arith.constant 0 : i32
      %cond3A_104 = arith.cmpi ne, %convert_element_type3A_102, %cond3A_103 : i32
      scf.if %cond3A_104 {
        %add3A_130 = arith.constant 1280 : i32
        %add3A_131 = arith.addi %add3A_84, %add3A_130 : i32
        %dma_start3A_132 = arith.constant 0 : i32
        %dma_start3A_133 = arith.constant 0 : i32
        %dma_start3A_134 = arith.constant 0 : i32
        %dma_start3A_135 = tpu.memref_slice %arg6[%dma_start3A_132, %dma_start3A_133, %dma_start3A_134] : memref<2x3x1280xi32, #tpu.memory_space<vmem>> -> memref<1x3x1280xi32, #tpu.memory_space<vmem>>
        %dma_start3A_136 = tpu.memref_squeeze %dma_start3A_135 : memref<1x3x1280xi32, #tpu.memory_space<vmem>> -> memref<3x1280xi32, #tpu.memory_space<vmem>>
        %dma_start3A_137 = arith.constant 0 : i32
        %dma_start3A_138 = tpu.memref_slice %arg2[%dma_start3A_137, %add3A_131] : memref<3x819200xi32, #tpu.memory_space<hbm>> -> memref<3x1280xi32, #tpu.memory_space<hbm>>
        %dma_start3A_139 = arith.constant 0 : i32
        %dma_start3A_140 = arith.constant 0 : i32
        %dma_start3A_141 = tpu.memref_slice %arg6[%dma_start3A_132, %dma_start3A_139, %dma_start3A_140] : memref<2x3x1280xi32, #tpu.memory_space<vmem>> -> memref<1x3x1280xi32, #tpu.memory_space<vmem>>
        %dma_start3A_142 = tpu.memref_squeeze %dma_start3A_141 : memref<1x3x1280xi32, #tpu.memory_space<vmem>> -> memref<3x1280xi32, #tpu.memory_space<vmem>>
        %dma_start3A_143 = arith.constant 0 : i32
        %dma_start3A_144 = tpu.memref_slice %arg2[%dma_start3A_143, %add3A_131] : memref<3x819200xi32, #tpu.memory_space<hbm>> -> memref<3x1280xi32, #tpu.memory_space<hbm>>
        tpu.enqueue_dma source(%dma_start3A_144 : memref<3x1280xi32, #tpu.memory_space<hbm>>) target(%dma_start3A_142 : memref<3x1280xi32, #tpu.memory_space<vmem>>) target_semaphore(%arg11 : memref<!tpu.dma_semaphore, #tpu.memory_space<semaphore_mem>>)
      } else {
      }
      %ge3A_105 = arith.constant 1 : i32
      %ge3A_106 = arith.cmpi sge, %add3A_81, %ge3A_105 : i32
      %convert_element_type3A_107 = arith.extui %ge3A_106 : i1 to i32
      %cond3A_108 = arith.constant 0 : i32
      %cond3A_109 = arith.cmpi ne, %convert_element_type3A_107, %cond3A_108 : i32
      scf.if %cond3A_109 {
        %sub3A = arith.constant 1280 : i32
        %sub3A_130 = arith.subi %add3A_84, %sub3A : i32
        %dma_wait3A_131 = arith.constant 0 : i32
        %dma_wait3A_132 = tpu.memref_slice %arg5[%dma_wait3A_131, %sub3A_130] : memref<77x819200xf32, #tpu.memory_space<hbm>> -> memref<39x1280xf32, #tpu.memory_space<hbm>>
        %dma_wait3A_133 = arith.constant 0 : i32
        %dma_wait3A_134 = tpu.memref_slice %arg5[%dma_wait3A_133, %sub3A_130] : memref<77x819200xf32, #tpu.memory_space<hbm>> -> memref<39x1280xf32, #tpu.memory_space<hbm>>
        tpu.wait_dma2 semaphore(%arg13 : memref<!tpu.dma_semaphore, #tpu.memory_space<semaphore_mem>>) src(%arg7 : memref<39x1280xf32, #tpu.memory_space<vmem>>) dst(%dma_wait3A_134 : memref<39x1280xf32, #tpu.memory_space<hbm>>)
      } else {
      }
      %parallel_loop3A_110 = arith.constant 0 : i32
      %parallel_loop3A_111 = arith.constant 1280 : i32
      %parallel_loop3A_112 = arith.constant 16 : i32
      scf.for %parallel_loop3A_130 = %parallel_loop3A_110 to %parallel_loop3A_111 step %parallel_loop3A_112  : i32 {
        %parallel_loop3A_131 = arith.constant 1 : i32
        %parallel_loop3A_132 = arith.constant 1 : i32
        %parallel_loop3A_133 = arith.index_cast %parallel_loop3A_131 : i32 to index
        %parallel_loop3A_134 = arith.index_cast %parallel_loop3A_132 : i32 to index
        %parallel_loop3A_135 = arith.index_cast %parallel_loop3A_130 : i32 to index
        %parallel_loop3A_136 = tpu.vector_load %arg6[%parallel_loop3A_133, %parallel_loop3A_134, %parallel_loop3A_135] {strides = array<i32>} : memref<2x3x1280xi32, #tpu.memory_space<vmem>>, vector<16xi32>,
        %parallel_loop3A_137 = arith.constant 255 : i32
        %parallel_loop3A_138 = vector.broadcast %parallel_loop3A_137 : i32 to vector<16xi32>
        %parallel_loop3A_139 = arith.andi %parallel_loop3A_136, %parallel_loop3A_138 : vector<16xi32>
        %parallel_loop3A_140 = arith.constant 0 : i32
        %parallel_loop3A_141 = vector.broadcast %parallel_loop3A_140 : i32 to vector<16xi32>
        %parallel_loop3A_142 = tpu.vector_load_idx %arg9[%parallel_loop3A_141, %parallel_loop3A_139] : memref<64x256xf32, #tpu.memory_space<vmem>>[vector<16xi32>, vector<16xi32>], vector<16xf32>,
        %parallel_loop3A_143 = arith.constant 1 : i32
        %parallel_loop3A_144 = vector.broadcast %parallel_loop3A_143 : i32 to vector<16xi32>
        %parallel_loop3A_145 = tpu.vector_load_idx %arg9[%parallel_loop3A_144, %parallel_loop3A_139] : memref<64x256xf32, #tpu.memory_space<vmem>>[vector<16xi32>, vector<16xi32>], vector<16xf32>,
        %parallel_loop3A_146 = arith.constant 2 : i32
        %parallel_loop3A_147 = vector.broadcast %parallel_loop3A_146 : i32 to vector<16xi32>
        %parallel_loop3A_148 = tpu.vector_load_idx %arg9[%parallel_loop3A_147, %parallel_loop3A_139] : memref<64x256xf32, #tpu.memory_space<vmem>>[vector<16xi32>, vector<16xi32>], vector<16xf32>,
        %parallel_loop3A_149 = arith.constant 3 : i32
        %parallel_loop3A_150 = vector.broadcast %parallel_loop3A_149 : i32 to vector<16xi32>
        %parallel_loop3A_151 = tpu.vector_load_idx %arg9[%parallel_loop3A_150, %parallel_loop3A_139] : memref<64x256xf32, #tpu.memory_space<vmem>>[vector<16xi32>, vector<16xi32>], vector<16xf32>,
        %parallel_loop3A_152 = arith.constant 4 : i32
        %parallel_loop3A_153 = vector.broadcast %parallel_loop3A_152 : i32 to vector<16xi32>
        %parallel_loop3A_154 = tpu.vector_load_idx %arg9[%parallel_loop3A_153, %parallel_loop3A_139] : memref<64x256xf32, #tpu.memory_space<vmem>>[vector<16xi32>, vector<16xi32>], vector<16xf32>,
        %parallel_loop3A_155 = arith.constant 5 : i32
        %parallel_loop3A_156 = vector.broadcast %parallel_loop3A_155 : i32 to vector<16xi32>
        %parallel_loop3A_157 = tpu.vector_load_idx %arg9[%parallel_loop3A_156, %parallel_loop3A_139] : memref<64x256xf32, #tpu.memory_space<vmem>>[vector<16xi32>, vector<16xi32>], vector<16xf32>,
        %parallel_loop3A_158 = arith.constant 6 : i32
        %parallel_loop3A_159 = vector.broadcast %parallel_loop3A_158 : i32 to vector<16xi32>
        %parallel_loop3A_160 = tpu.vector_load_idx %arg9[%parallel_loop3A_159, %parallel_loop3A_139] : memref<64x256xf32, #tpu.memory_space<vmem>>[vector<16xi32>, vector<16xi32>], vector<16xf32>,
        %parallel_loop3A_161 = arith.constant 7 : i32
        %parallel_loop3A_162 = vector.broadcast %parallel_loop3A_161 : i32 to vector<16xi32>
        %parallel_loop3A_163 = tpu.vector_load_idx %arg9[%parallel_loop3A_162, %parallel_loop3A_139] : memref<64x256xf32, #tpu.memory_space<vmem>>[vector<16xi32>, vector<16xi32>], vector<16xf32>,
        %parallel_loop3A_164 = arith.constant 0 : i32
        %parallel_loop3A_165 = arith.index_cast %parallel_loop3A_164 : i32 to index
        %parallel_loop3A_166 = arith.index_cast %parallel_loop3A_130 : i32 to index
        %parallel_loop3A_167 = tpu.vector_load %arg7[%parallel_loop3A_165, %parallel_loop3A_166] {strides = array<i32>} : memref<39x1280xf32, #tpu.memory_space<vmem>>, vector<16xf32>,
        tpu.vector_store %arg7[%parallel_loop3A_165, %parallel_loop3A_166], %parallel_loop3A_142 {strides = array<i32>} : memref<39x1280xf32, #tpu.memory_space<vmem>>, vector<16xf32>,
        %parallel_loop3A_168 = arith.constant 1 : i32
        %parallel_loop3A_169 = arith.index_cast %parallel_loop3A_168 : i32 to index
        %parallel_loop3A_170 = arith.index_cast %parallel_loop3A_130 : i32 to index
        %parallel_loop3A_171 = tpu.vector_load %arg7[%parallel_loop3A_169, %parallel_loop3A_170] {strides = array<i32>} : memref<39x1280xf32, #tpu.memory_space<vmem>>, vector<16xf32>,
        tpu.vector_store %arg7[%parallel_loop3A_169, %parallel_loop3A_170], %parallel_loop3A_145 {strides = array<i32>} : memref<39x1280xf32, #tpu.memory_space<vmem>>, vector<16xf32>,
        %parallel_loop3A_172 = arith.constant 2 : i32
        %parallel_loop3A_173 = arith.index_cast %parallel_loop3A_172 : i32 to index
        %parallel_loop3A_174 = arith.index_cast %parallel_loop3A_130 : i32 to index
        %parallel_loop3A_175 = tpu.vector_load %arg7[%parallel_loop3A_173, %parallel_loop3A_174] {strides = array<i32>} : memref<39x1280xf32, #tpu.memory_space<vmem>>, vector<16xf32>,
        tpu.vector_store %arg7[%parallel_loop3A_173, %parallel_loop3A_174], %parallel_loop3A_148 {strides = array<i32>} : memref<39x1280xf32, #tpu.memory_space<vmem>>, vector<16xf32>,
        %parallel_loop3A_176 = arith.constant 3 : i32
        %parallel_loop3A_177 = arith.index_cast %parallel_loop3A_176 : i32 to index
        %parallel_loop3A_178 = arith.index_cast %parallel_loop3A_130 : i32 to index
        %parallel_loop3A_179 = tpu.vector_load %arg7[%parallel_loop3A_177, %parallel_loop3A_178] {strides = array<i32>} : memref<39x1280xf32, #tpu.memory_space<vmem>>, vector<16xf32>,
        tpu.vector_store %arg7[%parallel_loop3A_177, %parallel_loop3A_178], %parallel_loop3A_151 {strides = array<i32>} : memref<39x1280xf32, #tpu.memory_space<vmem>>, vector<16xf32>,
        %parallel_loop3A_180 = arith.constant 4 : i32
        %parallel_loop3A_181 = arith.index_cast %parallel_loop3A_180 : i32 to index
        %parallel_loop3A_182 = arith.index_cast %parallel_loop3A_130 : i32 to index
        %parallel_loop3A_183 = tpu.vector_load %arg7[%parallel_loop3A_181, %parallel_loop3A_182] {strides = array<i32>} : memref<39x1280xf32, #tpu.memory_space<vmem>>, vector<16xf32>,
        tpu.vector_store %arg7[%parallel_loop3A_181, %parallel_loop3A_182], %parallel_loop3A_154 {strides = array<i32>} : memref<39x1280xf32, #tpu.memory_space<vmem>>, vector<16xf32>,
        %parallel_loop3A_184 = arith.constant 5 : i32
        %parallel_loop3A_185 = arith.index_cast %parallel_loop3A_184 : i32 to index
        %parallel_loop3A_186 = arith.index_cast %parallel_loop3A_130 : i32 to index
        %parallel_loop3A_187 = tpu.vector_load %arg7[%parallel_loop3A_185, %parallel_loop3A_186] {strides = array<i32>} : memref<39x1280xf32, #tpu.memory_space<vmem>>, vector<16xf32>,
        tpu.vector_store %arg7[%parallel_loop3A_185, %parallel_loop3A_186], %parallel_loop3A_157 {strides = array<i32>} : memref<39x1280xf32, #tpu.memory_space<vmem>>, vector<16xf32>,
        %parallel_loop3A_188 = arith.constant 6 : i32
        %parallel_loop3A_189 = arith.index_cast %parallel_loop3A_188 : i32 to index
        %parallel_loop3A_190 = arith.index_cast %parallel_loop3A_130 : i32 to index
        %parallel_loop3A_191 = tpu.vector_load %arg7[%parallel_loop3A_189, %parallel_loop3A_190] {strides = array<i32>} : memref<39x1280xf32, #tpu.memory_space<vmem>>, vector<16xf32>,
        tpu.vector_store %arg7[%parallel_loop3A_189, %parallel_loop3A_190], %parallel_loop3A_160 {strides = array<i32>} : memref<39x1280xf32, #tpu.memory_space<vmem>>, vector<16xf32>,
        %parallel_loop3A_192 = arith.constant 7 : i32
        %parallel_loop3A_193 = arith.index_cast %parallel_loop3A_192 : i32 to index
        %parallel_loop3A_194 = arith.index_cast %parallel_loop3A_130 : i32 to index
        %parallel_loop3A_195 = tpu.vector_load %arg7[%parallel_loop3A_193, %parallel_loop3A_194] {strides = array<i32>} : memref<39x1280xf32, #tpu.memory_space<vmem>>, vector<16xf32>,
        tpu.vector_store %arg7[%parallel_loop3A_193, %parallel_loop3A_194], %parallel_loop3A_163 {strides = array<i32>} : memref<39x1280xf32, #tpu.memory_space<vmem>>, vector<16xf32>,
        %parallel_loop3A_196 = arith.constant 8 : i32
        %parallel_loop3A_197 = vector.broadcast %parallel_loop3A_196 : i32 to vector<16xi32>
        %parallel_loop3A_198 = tpu.vector_load_idx %arg9[%parallel_loop3A_197, %parallel_loop3A_139] : memref<64x256xf32, #tpu.memory_space<vmem>>[vector<16xi32>, vector<16xi32>], vector<16xf32>,
        %parallel_loop3A_199 = arith.constant 9 : i32
        %parallel_loop3A_200 = vector.broadcast %parallel_loop3A_199 : i32 to vector<16xi32>
        %parallel_loop3A_201 = tpu.vector_load_idx %arg9[%parallel_loop3A_200, %parallel_loop3A_139] : memref<64x256xf32, #tpu.memory_space<vmem>>[vector<16xi32>, vector<16xi32>], vector<16xf32>,
        %parallel_loop3A_202 = arith.constant 10 : i32
        %parallel_loop3A_203 = vector.broadcast %parallel_loop3A_202 : i32 to vector<16xi32>
        %parallel_loop3A_204 = tpu.vector_load_idx %arg9[%parallel_loop3A_203, %parallel_loop3A_139] : memref<64x256xf32, #tpu.memory_space<vmem>>[vector<16xi32>, vector<16xi32>], vector<16xf32>,
        %parallel_loop3A_205 = arith.constant 11 : i32
        %parallel_loop3A_206 = vector.broadcast %parallel_loop3A_205 : i32 to vector<16xi32>
        %parallel_loop3A_207 = tpu.vector_load_idx %arg9[%parallel_loop3A_206, %parallel_loop3A_139] : memref<64x256xf32, #tpu.memory_space<vmem>>[vector<16xi32>, vector<16xi32>], vector<16xf32>,
        %parallel_loop3A_208 = arith.constant 12 : i32
        %parallel_loop3A_209 = vector.broadcast %parallel_loop3A_208 : i32 to vector<16xi32>
        %parallel_loop3A_210 = tpu.vector_load_idx %arg9[%parallel_loop3A_209, %parallel_loop3A_139] : memref<64x256xf32, #tpu.memory_space<vmem>>[vector<16xi32>, vector<16xi32>], vector<16xf32>,
        %parallel_loop3A_211 = arith.constant 13 : i32
        %parallel_loop3A_212 = vector.broadcast %parallel_loop3A_211 : i32 to vector<16xi32>
        %parallel_loop3A_213 = tpu.vector_load_idx %arg9[%parallel_loop3A_212, %parallel_loop3A_139] : memref<64x256xf32, #tpu.memory_space<vmem>>[vector<16xi32>, vector<16xi32>], vector<16xf32>,
        %parallel_loop3A_214 = arith.constant 14 : i32
        %parallel_loop3A_215 = vector.broadcast %parallel_loop3A_214 : i32 to vector<16xi32>
        %parallel_loop3A_216 = tpu.vector_load_idx %arg9[%parallel_loop3A_215, %parallel_loop3A_139] : memref<64x256xf32, #tpu.memory_space<vmem>>[vector<16xi32>, vector<16xi32>], vector<16xf32>,
        %parallel_loop3A_217 = arith.constant 15 : i32
        %parallel_loop3A_218 = vector.broadcast %parallel_loop3A_217 : i32 to vector<16xi32>
        %parallel_loop3A_219 = tpu.vector_load_idx %arg9[%parallel_loop3A_218, %parallel_loop3A_139] : memref<64x256xf32, #tpu.memory_space<vmem>>[vector<16xi32>, vector<16xi32>], vector<16xf32>,
        %parallel_loop3A_220 = arith.constant 8 : i32
        %parallel_loop3A_221 = arith.index_cast %parallel_loop3A_220 : i32 to index
        %parallel_loop3A_222 = arith.index_cast %parallel_loop3A_130 : i32 to index
        %parallel_loop3A_223 = tpu.vector_load %arg7[%parallel_loop3A_221, %parallel_loop3A_222] {strides = array<i32>} : memref<39x1280xf32, #tpu.memory_space<vmem>>, vector<16xf32>,
        tpu.vector_store %arg7[%parallel_loop3A_221, %parallel_loop3A_222], %parallel_loop3A_198 {strides = array<i32>} : memref<39x1280xf32, #tpu.memory_space<vmem>>, vector<16xf32>,
        %parallel_loop3A_224 = arith.constant 9 : i32
        %parallel_loop3A_225 = arith.index_cast %parallel_loop3A_224 : i32 to index
        %parallel_loop3A_226 = arith.index_cast %parallel_loop3A_130 : i32 to index
        %parallel_loop3A_227 = tpu.vector_load %arg7[%parallel_loop3A_225, %parallel_loop3A_226] {strides = array<i32>} : memref<39x1280xf32, #tpu.memory_space<vmem>>, vector<16xf32>,
        tpu.vector_store %arg7[%parallel_loop3A_225, %parallel_loop3A_226], %parallel_loop3A_201 {strides = array<i32>} : memref<39x1280xf32, #tpu.memory_space<vmem>>, vector<16xf32>,
        %parallel_loop3A_228 = arith.constant 10 : i32
        %parallel_loop3A_229 = arith.index_cast %parallel_loop3A_228 : i32 to index
        %parallel_loop3A_230 = arith.index_cast %parallel_loop3A_130 : i32 to index
        %parallel_loop3A_231 = tpu.vector_load %arg7[%parallel_loop3A_229, %parallel_loop3A_230] {strides = array<i32>} : memref<39x1280xf32, #tpu.memory_space<vmem>>, vector<16xf32>,
        tpu.vector_store %arg7[%parallel_loop3A_229, %parallel_loop3A_230], %parallel_loop3A_204 {strides = array<i32>} : memref<39x1280xf32, #tpu.memory_space<vmem>>, vector<16xf32>,
        %parallel_loop3A_232 = arith.constant 11 : i32
        %parallel_loop3A_233 = arith.index_cast %parallel_loop3A_232 : i32 to index
        %parallel_loop3A_234 = arith.index_cast %parallel_loop3A_130 : i32 to index
        %parallel_loop3A_235 = tpu.vector_load %arg7[%parallel_loop3A_233, %parallel_loop3A_234] {strides = array<i32>} : memref<39x1280xf32, #tpu.memory_space<vmem>>, vector<16xf32>,
        tpu.vector_store %arg7[%parallel_loop3A_233, %parallel_loop3A_234], %parallel_loop3A_207 {strides = array<i32>} : memref<39x1280xf32, #tpu.memory_space<vmem>>, vector<16xf32>,
        %parallel_loop3A_236 = arith.constant 12 : i32
        %parallel_loop3A_237 = arith.index_cast %parallel_loop3A_236 : i32 to index
        %parallel_loop3A_238 = arith.index_cast %parallel_loop3A_130 : i32 to index
        %parallel_loop3A_239 = tpu.vector_load %arg7[%parallel_loop3A_237, %parallel_loop3A_238] {strides = array<i32>} : memref<39x1280xf32, #tpu.memory_space<vmem>>, vector<16xf32>,
        tpu.vector_store %arg7[%parallel_loop3A_237, %parallel_loop3A_238], %parallel_loop3A_210 {strides = array<i32>} : memref<39x1280xf32, #tpu.memory_space<vmem>>, vector<16xf32>,
        %parallel_loop3A_240 = arith.constant 13 : i32
        %parallel_loop3A_241 = arith.index_cast %parallel_loop3A_240 : i32 to index
        %parallel_loop3A_242 = arith.index_cast %parallel_loop3A_130 : i32 to index
        %parallel_loop3A_243 = tpu.vector_load %arg7[%parallel_loop3A_241, %parallel_loop3A_242] {strides = array<i32>} : memref<39x1280xf32, #tpu.memory_space<vmem>>, vector<16xf32>,
        tpu.vector_store %arg7[%parallel_loop3A_241, %parallel_loop3A_242], %parallel_loop3A_213 {strides = array<i32>} : memref<39x1280xf32, #tpu.memory_space<vmem>>, vector<16xf32>,
        %parallel_loop3A_244 = arith.constant 14 : i32
        %parallel_loop3A_245 = arith.index_cast %parallel_loop3A_244 : i32 to index
        %parallel_loop3A_246 = arith.index_cast %parallel_loop3A_130 : i32 to index
        %parallel_loop3A_247 = tpu.vector_load %arg7[%parallel_loop3A_245, %parallel_loop3A_246] {strides = array<i32>} : memref<39x1280xf32, #tpu.memory_space<vmem>>, vector<16xf32>,
        tpu.vector_store %arg7[%parallel_loop3A_245, %parallel_loop3A_246], %parallel_loop3A_216 {strides = array<i32>} : memref<39x1280xf32, #tpu.memory_space<vmem>>, vector<16xf32>,
        %parallel_loop3A_248 = arith.constant 15 : i32
        %parallel_loop3A_249 = arith.index_cast %parallel_loop3A_248 : i32 to index
        %parallel_loop3A_250 = arith.index_cast %parallel_loop3A_130 : i32 to index
        %parallel_loop3A_251 = tpu.vector_load %arg7[%parallel_loop3A_249, %parallel_loop3A_250] {strides = array<i32>} : memref<39x1280xf32, #tpu.memory_space<vmem>>, vector<16xf32>,
        tpu.vector_store %arg7[%parallel_loop3A_249, %parallel_loop3A_250], %parallel_loop3A_219 {strides = array<i32>} : memref<39x1280xf32, #tpu.memory_space<vmem>>, vector<16xf32>,
        %parallel_loop3A_252 = arith.constant 16 : i32
        %parallel_loop3A_253 = vector.broadcast %parallel_loop3A_252 : i32 to vector<16xi32>
        %parallel_loop3A_254 = tpu.vector_load_idx %arg9[%parallel_loop3A_253, %parallel_loop3A_139] : memref<64x256xf32, #tpu.memory_space<vmem>>[vector<16xi32>, vector<16xi32>], vector<16xf32>,
        %parallel_loop3A_255 = arith.constant 17 : i32
        %parallel_loop3A_256 = vector.broadcast %parallel_loop3A_255 : i32 to vector<16xi32>
        %parallel_loop3A_257 = tpu.vector_load_idx %arg9[%parallel_loop3A_256, %parallel_loop3A_139] : memref<64x256xf32, #tpu.memory_space<vmem>>[vector<16xi32>, vector<16xi32>], vector<16xf32>,
        %parallel_loop3A_258 = arith.constant 18 : i32
        %parallel_loop3A_259 = vector.broadcast %parallel_loop3A_258 : i32 to vector<16xi32>
        %parallel_loop3A_260 = tpu.vector_load_idx %arg9[%parallel_loop3A_259, %parallel_loop3A_139] : memref<64x256xf32, #tpu.memory_space<vmem>>[vector<16xi32>, vector<16xi32>], vector<16xf32>,
        %parallel_loop3A_261 = arith.constant 19 : i32
        %parallel_loop3A_262 = vector.broadcast %parallel_loop3A_261 : i32 to vector<16xi32>
        %parallel_loop3A_263 = tpu.vector_load_idx %arg9[%parallel_loop3A_262, %parallel_loop3A_139] : memref<64x256xf32, #tpu.memory_space<vmem>>[vector<16xi32>, vector<16xi32>], vector<16xf32>,
        %parallel_loop3A_264 = arith.constant 20 : i32
        %parallel_loop3A_265 = vector.broadcast %parallel_loop3A_264 : i32 to vector<16xi32>
        %parallel_loop3A_266 = tpu.vector_load_idx %arg9[%parallel_loop3A_265, %parallel_loop3A_139] : memref<64x256xf32, #tpu.memory_space<vmem>>[vector<16xi32>, vector<16xi32>], vector<16xf32>,
        %parallel_loop3A_267 = arith.constant 21 : i32
        %parallel_loop3A_268 = vector.broadcast %parallel_loop3A_267 : i32 to vector<16xi32>
        %parallel_loop3A_269 = tpu.vector_load_idx %arg9[%parallel_loop3A_268, %parallel_loop3A_139] : memref<64x256xf32, #tpu.memory_space<vmem>>[vector<16xi32>, vector<16xi32>], vector<16xf32>,
        %parallel_loop3A_270 = arith.constant 22 : i32
        %parallel_loop3A_271 = vector.broadcast %parallel_loop3A_270 : i32 to vector<16xi32>
        %parallel_loop3A_272 = tpu.vector_load_idx %arg9[%parallel_loop3A_271, %parallel_loop3A_139] : memref<64x256xf32, #tpu.memory_space<vmem>>[vector<16xi32>, vector<16xi32>], vector<16xf32>,
        %parallel_loop3A_273 = arith.constant 23 : i32
        %parallel_loop3A_274 = vector.broadcast %parallel_loop3A_273 : i32 to vector<16xi32>
        %parallel_loop3A_275 = tpu.vector_load_idx %arg9[%parallel_loop3A_274, %parallel_loop3A_139] : memref<64x256xf32, #tpu.memory_space<vmem>>[vector<16xi32>, vector<16xi32>], vector<16xf32>,
        %parallel_loop3A_276 = arith.constant 16 : i32
        %parallel_loop3A_277 = arith.index_cast %parallel_loop3A_276 : i32 to index
        %parallel_loop3A_278 = arith.index_cast %parallel_loop3A_130 : i32 to index
        %parallel_loop3A_279 = tpu.vector_load %arg7[%parallel_loop3A_277, %parallel_loop3A_278] {strides = array<i32>} : memref<39x1280xf32, #tpu.memory_space<vmem>>, vector<16xf32>,
        tpu.vector_store %arg7[%parallel_loop3A_277, %parallel_loop3A_278], %parallel_loop3A_254 {strides = array<i32>} : memref<39x1280xf32, #tpu.memory_space<vmem>>, vector<16xf32>,
        %parallel_loop3A_280 = arith.constant 17 : i32
        %parallel_loop3A_281 = arith.index_cast %parallel_loop3A_280 : i32 to index
        %parallel_loop3A_282 = arith.index_cast %parallel_loop3A_130 : i32 to index
        %parallel_loop3A_283 = tpu.vector_load %arg7[%parallel_loop3A_281, %parallel_loop3A_282] {strides = array<i32>} : memref<39x1280xf32, #tpu.memory_space<vmem>>, vector<16xf32>,
        tpu.vector_store %arg7[%parallel_loop3A_281, %parallel_loop3A_282], %parallel_loop3A_257 {strides = array<i32>} : memref<39x1280xf32, #tpu.memory_space<vmem>>, vector<16xf32>,
        %parallel_loop3A_284 = arith.constant 18 : i32
        %parallel_loop3A_285 = arith.index_cast %parallel_loop3A_284 : i32 to index
        %parallel_loop3A_286 = arith.index_cast %parallel_loop3A_130 : i32 to index
        %parallel_loop3A_287 = tpu.vector_load %arg7[%parallel_loop3A_285, %parallel_loop3A_286] {strides = array<i32>} : memref<39x1280xf32, #tpu.memory_space<vmem>>, vector<16xf32>,
        tpu.vector_store %arg7[%parallel_loop3A_285, %parallel_loop3A_286], %parallel_loop3A_260 {strides = array<i32>} : memref<39x1280xf32, #tpu.memory_space<vmem>>, vector<16xf32>,
        %parallel_loop3A_288 = arith.constant 19 : i32
        %parallel_loop3A_289 = arith.index_cast %parallel_loop3A_288 : i32 to index
        %parallel_loop3A_290 = arith.index_cast %parallel_loop3A_130 : i32 to index
        %parallel_loop3A_291 = tpu.vector_load %arg7[%parallel_loop3A_289, %parallel_loop3A_290] {strides = array<i32>} : memref<39x1280xf32, #tpu.memory_space<vmem>>, vector<16xf32>,
        tpu.vector_store %arg7[%parallel_loop3A_289, %parallel_loop3A_290], %parallel_loop3A_263 {strides = array<i32>} : memref<39x1280xf32, #tpu.memory_space<vmem>>, vector<16xf32>,
        %parallel_loop3A_292 = arith.constant 20 : i32
        %parallel_loop3A_293 = arith.index_cast %parallel_loop3A_292 : i32 to index
        %parallel_loop3A_294 = arith.index_cast %parallel_loop3A_130 : i32 to index
        %parallel_loop3A_295 = tpu.vector_load %arg7[%parallel_loop3A_293, %parallel_loop3A_294] {strides = array<i32>} : memref<39x1280xf32, #tpu.memory_space<vmem>>, vector<16xf32>,
        tpu.vector_store %arg7[%parallel_loop3A_293, %parallel_loop3A_294], %parallel_loop3A_266 {strides = array<i32>} : memref<39x1280xf32, #tpu.memory_space<vmem>>, vector<16xf32>,
        %parallel_loop3A_296 = arith.constant 21 : i32
        %parallel_loop3A_297 = arith.index_cast %parallel_loop3A_296 : i32 to index
        %parallel_loop3A_298 = arith.index_cast %parallel_loop3A_130 : i32 to index
        %parallel_loop3A_299 = tpu.vector_load %arg7[%parallel_loop3A_297, %parallel_loop3A_298] {strides = array<i32>} : memref<39x1280xf32, #tpu.memory_space<vmem>>, vector<16xf32>,
        tpu.vector_store %arg7[%parallel_loop3A_297, %parallel_loop3A_298], %parallel_loop3A_269 {strides = array<i32>} : memref<39x1280xf32, #tpu.memory_space<vmem>>, vector<16xf32>,
        %parallel_loop3A_300 = arith.constant 22 : i32
        %parallel_loop3A_301 = arith.index_cast %parallel_loop3A_300 : i32 to index
        %parallel_loop3A_302 = arith.index_cast %parallel_loop3A_130 : i32 to index
        %parallel_loop3A_303 = tpu.vector_load %arg7[%parallel_loop3A_301, %parallel_loop3A_302] {strides = array<i32>} : memref<39x1280xf32, #tpu.memory_space<vmem>>, vector<16xf32>,
        tpu.vector_store %arg7[%parallel_loop3A_301, %parallel_loop3A_302], %parallel_loop3A_272 {strides = array<i32>} : memref<39x1280xf32, #tpu.memory_space<vmem>>, vector<16xf32>,
        %parallel_loop3A_304 = arith.constant 23 : i32
        %parallel_loop3A_305 = arith.index_cast %parallel_loop3A_304 : i32 to index
        %parallel_loop3A_306 = arith.index_cast %parallel_loop3A_130 : i32 to index
        %parallel_loop3A_307 = tpu.vector_load %arg7[%parallel_loop3A_305, %parallel_loop3A_306] {strides = array<i32>} : memref<39x1280xf32, #tpu.memory_space<vmem>>, vector<16xf32>,
        tpu.vector_store %arg7[%parallel_loop3A_305, %parallel_loop3A_306], %parallel_loop3A_275 {strides = array<i32>} : memref<39x1280xf32, #tpu.memory_space<vmem>>, vector<16xf32>,
        %parallel_loop3A_308 = arith.constant 24 : i32
        %parallel_loop3A_309 = vector.broadcast %parallel_loop3A_308 : i32 to vector<16xi32>
        %parallel_loop3A_310 = tpu.vector_load_idx %arg9[%parallel_loop3A_309, %parallel_loop3A_139] : memref<64x256xf32, #tpu.memory_space<vmem>>[vector<16xi32>, vector<16xi32>], vector<16xf32>,
        %parallel_loop3A_311 = arith.constant 25 : i32
        %parallel_loop3A_312 = vector.broadcast %parallel_loop3A_311 : i32 to vector<16xi32>
        %parallel_loop3A_313 = tpu.vector_load_idx %arg9[%parallel_loop3A_312, %parallel_loop3A_139] : memref<64x256xf32, #tpu.memory_space<vmem>>[vector<16xi32>, vector<16xi32>], vector<16xf32>,
        %parallel_loop3A_314 = arith.constant 26 : i32
        %parallel_loop3A_315 = vector.broadcast %parallel_loop3A_314 : i32 to vector<16xi32>
        %parallel_loop3A_316 = tpu.vector_load_idx %arg9[%parallel_loop3A_315, %parallel_loop3A_139] : memref<64x256xf32, #tpu.memory_space<vmem>>[vector<16xi32>, vector<16xi32>], vector<16xf32>,
        %parallel_loop3A_317 = arith.constant 27 : i32
        %parallel_loop3A_318 = vector.broadcast %parallel_loop3A_317 : i32 to vector<16xi32>
        %parallel_loop3A_319 = tpu.vector_load_idx %arg9[%parallel_loop3A_318, %parallel_loop3A_139] : memref<64x256xf32, #tpu.memory_space<vmem>>[vector<16xi32>, vector<16xi32>], vector<16xf32>,
        %parallel_loop3A_320 = arith.constant 28 : i32
        %parallel_loop3A_321 = vector.broadcast %parallel_loop3A_320 : i32 to vector<16xi32>
        %parallel_loop3A_322 = tpu.vector_load_idx %arg9[%parallel_loop3A_321, %parallel_loop3A_139] : memref<64x256xf32, #tpu.memory_space<vmem>>[vector<16xi32>, vector<16xi32>], vector<16xf32>,
        %parallel_loop3A_323 = arith.constant 29 : i32
        %parallel_loop3A_324 = vector.broadcast %parallel_loop3A_323 : i32 to vector<16xi32>
        %parallel_loop3A_325 = tpu.vector_load_idx %arg9[%parallel_loop3A_324, %parallel_loop3A_139] : memref<64x256xf32, #tpu.memory_space<vmem>>[vector<16xi32>, vector<16xi32>], vector<16xf32>,
        %parallel_loop3A_326 = arith.constant 30 : i32
        %parallel_loop3A_327 = vector.broadcast %parallel_loop3A_326 : i32 to vector<16xi32>
        %parallel_loop3A_328 = tpu.vector_load_idx %arg9[%parallel_loop3A_327, %parallel_loop3A_139] : memref<64x256xf32, #tpu.memory_space<vmem>>[vector<16xi32>, vector<16xi32>], vector<16xf32>,
        %parallel_loop3A_329 = arith.constant 31 : i32
        %parallel_loop3A_330 = vector.broadcast %parallel_loop3A_329 : i32 to vector<16xi32>
        %parallel_loop3A_331 = tpu.vector_load_idx %arg9[%parallel_loop3A_330, %parallel_loop3A_139] : memref<64x256xf32, #tpu.memory_space<vmem>>[vector<16xi32>, vector<16xi32>], vector<16xf32>,
        %parallel_loop3A_332 = arith.constant 24 : i32
        %parallel_loop3A_333 = arith.index_cast %parallel_loop3A_332 : i32 to index
        %parallel_loop3A_334 = arith.index_cast %parallel_loop3A_130 : i32 to index
        %parallel_loop3A_335 = tpu.vector_load %arg7[%parallel_loop3A_333, %parallel_loop3A_334] {strides = array<i32>} : memref<39x1280xf32, #tpu.memory_space<vmem>>, vector<16xf32>,
        tpu.vector_store %arg7[%parallel_loop3A_333, %parallel_loop3A_334], %parallel_loop3A_310 {strides = array<i32>} : memref<39x1280xf32, #tpu.memory_space<vmem>>, vector<16xf32>,
        %parallel_loop3A_336 = arith.constant 25 : i32
        %parallel_loop3A_337 = arith.index_cast %parallel_loop3A_336 : i32 to index
        %parallel_loop3A_338 = arith.index_cast %parallel_loop3A_130 : i32 to index
        %parallel_loop3A_339 = tpu.vector_load %arg7[%parallel_loop3A_337, %parallel_loop3A_338] {strides = array<i32>} : memref<39x1280xf32, #tpu.memory_space<vmem>>, vector<16xf32>,
        tpu.vector_store %arg7[%parallel_loop3A_337, %parallel_loop3A_338], %parallel_loop3A_313 {strides = array<i32>} : memref<39x1280xf32, #tpu.memory_space<vmem>>, vector<16xf32>,
        %parallel_loop3A_340 = arith.constant 26 : i32
        %parallel_loop3A_341 = arith.index_cast %parallel_loop3A_340 : i32 to index
        %parallel_loop3A_342 = arith.index_cast %parallel_loop3A_130 : i32 to index
        %parallel_loop3A_343 = tpu.vector_load %arg7[%parallel_loop3A_341, %parallel_loop3A_342] {strides = array<i32>} : memref<39x1280xf32, #tpu.memory_space<vmem>>, vector<16xf32>,
        tpu.vector_store %arg7[%parallel_loop3A_341, %parallel_loop3A_342], %parallel_loop3A_316 {strides = array<i32>} : memref<39x1280xf32, #tpu.memory_space<vmem>>, vector<16xf32>,
        %parallel_loop3A_344 = arith.constant 27 : i32
        %parallel_loop3A_345 = arith.index_cast %parallel_loop3A_344 : i32 to index
        %parallel_loop3A_346 = arith.index_cast %parallel_loop3A_130 : i32 to index
        %parallel_loop3A_347 = tpu.vector_load %arg7[%parallel_loop3A_345, %parallel_loop3A_346] {strides = array<i32>} : memref<39x1280xf32, #tpu.memory_space<vmem>>, vector<16xf32>,
        tpu.vector_store %arg7[%parallel_loop3A_345, %parallel_loop3A_346], %parallel_loop3A_319 {strides = array<i32>} : memref<39x1280xf32, #tpu.memory_space<vmem>>, vector<16xf32>,
        %parallel_loop3A_348 = arith.constant 28 : i32
        %parallel_loop3A_349 = arith.index_cast %parallel_loop3A_348 : i32 to index
        %parallel_loop3A_350 = arith.index_cast %parallel_loop3A_130 : i32 to index
        %parallel_loop3A_351 = tpu.vector_load %arg7[%parallel_loop3A_349, %parallel_loop3A_350] {strides = array<i32>} : memref<39x1280xf32, #tpu.memory_space<vmem>>, vector<16xf32>,
        tpu.vector_store %arg7[%parallel_loop3A_349, %parallel_loop3A_350], %parallel_loop3A_322 {strides = array<i32>} : memref<39x1280xf32, #tpu.memory_space<vmem>>, vector<16xf32>,
        %parallel_loop3A_352 = arith.constant 29 : i32
        %parallel_loop3A_353 = arith.index_cast %parallel_loop3A_352 : i32 to index
        %parallel_loop3A_354 = arith.index_cast %parallel_loop3A_130 : i32 to index
        %parallel_loop3A_355 = tpu.vector_load %arg7[%parallel_loop3A_353, %parallel_loop3A_354] {strides = array<i32>} : memref<39x1280xf32, #tpu.memory_space<vmem>>, vector<16xf32>,
        tpu.vector_store %arg7[%parallel_loop3A_353, %parallel_loop3A_354], %parallel_loop3A_325 {strides = array<i32>} : memref<39x1280xf32, #tpu.memory_space<vmem>>, vector<16xf32>,
        %parallel_loop3A_356 = arith.constant 30 : i32
        %parallel_loop3A_357 = arith.index_cast %parallel_loop3A_356 : i32 to index
        %parallel_loop3A_358 = arith.index_cast %parallel_loop3A_130 : i32 to index
        %parallel_loop3A_359 = tpu.vector_load %arg7[%parallel_loop3A_357, %parallel_loop3A_358] {strides = array<i32>} : memref<39x1280xf32, #tpu.memory_space<vmem>>, vector<16xf32>,
        tpu.vector_store %arg7[%parallel_loop3A_357, %parallel_loop3A_358], %parallel_loop3A_328 {strides = array<i32>} : memref<39x1280xf32, #tpu.memory_space<vmem>>, vector<16xf32>,
        %parallel_loop3A_360 = arith.constant 31 : i32
        %parallel_loop3A_361 = arith.index_cast %parallel_loop3A_360 : i32 to index
        %parallel_loop3A_362 = arith.index_cast %parallel_loop3A_130 : i32 to index
        %parallel_loop3A_363 = tpu.vector_load %arg7[%parallel_loop3A_361, %parallel_loop3A_362] {strides = array<i32>} : memref<39x1280xf32, #tpu.memory_space<vmem>>, vector<16xf32>,
        tpu.vector_store %arg7[%parallel_loop3A_361, %parallel_loop3A_362], %parallel_loop3A_331 {strides = array<i32>} : memref<39x1280xf32, #tpu.memory_space<vmem>>, vector<16xf32>,
        %parallel_loop3A_364 = arith.constant 32 : i32
        %parallel_loop3A_365 = vector.broadcast %parallel_loop3A_364 : i32 to vector<16xi32>
        %parallel_loop3A_366 = tpu.vector_load_idx %arg9[%parallel_loop3A_365, %parallel_loop3A_139] : memref<64x256xf32, #tpu.memory_space<vmem>>[vector<16xi32>, vector<16xi32>], vector<16xf32>,
        %parallel_loop3A_367 = arith.constant 33 : i32
        %parallel_loop3A_368 = vector.broadcast %parallel_loop3A_367 : i32 to vector<16xi32>
        %parallel_loop3A_369 = tpu.vector_load_idx %arg9[%parallel_loop3A_368, %parallel_loop3A_139] : memref<64x256xf32, #tpu.memory_space<vmem>>[vector<16xi32>, vector<16xi32>], vector<16xf32>,
        %parallel_loop3A_370 = arith.constant 34 : i32
        %parallel_loop3A_371 = vector.broadcast %parallel_loop3A_370 : i32 to vector<16xi32>
        %parallel_loop3A_372 = tpu.vector_load_idx %arg9[%parallel_loop3A_371, %parallel_loop3A_139] : memref<64x256xf32, #tpu.memory_space<vmem>>[vector<16xi32>, vector<16xi32>], vector<16xf32>,
        %parallel_loop3A_373 = arith.constant 35 : i32
        %parallel_loop3A_374 = vector.broadcast %parallel_loop3A_373 : i32 to vector<16xi32>
        %parallel_loop3A_375 = tpu.vector_load_idx %arg9[%parallel_loop3A_374, %parallel_loop3A_139] : memref<64x256xf32, #tpu.memory_space<vmem>>[vector<16xi32>, vector<16xi32>], vector<16xf32>,
        %parallel_loop3A_376 = arith.constant 36 : i32
        %parallel_loop3A_377 = vector.broadcast %parallel_loop3A_376 : i32 to vector<16xi32>
        %parallel_loop3A_378 = tpu.vector_load_idx %arg9[%parallel_loop3A_377, %parallel_loop3A_139] : memref<64x256xf32, #tpu.memory_space<vmem>>[vector<16xi32>, vector<16xi32>], vector<16xf32>,
        %parallel_loop3A_379 = arith.constant 37 : i32
        %parallel_loop3A_380 = vector.broadcast %parallel_loop3A_379 : i32 to vector<16xi32>
        %parallel_loop3A_381 = tpu.vector_load_idx %arg9[%parallel_loop3A_380, %parallel_loop3A_139] : memref<64x256xf32, #tpu.memory_space<vmem>>[vector<16xi32>, vector<16xi32>], vector<16xf32>,
        %parallel_loop3A_382 = arith.constant 38 : i32
        %parallel_loop3A_383 = vector.broadcast %parallel_loop3A_382 : i32 to vector<16xi32>
        %parallel_loop3A_384 = tpu.vector_load_idx %arg9[%parallel_loop3A_383, %parallel_loop3A_139] : memref<64x256xf32, #tpu.memory_space<vmem>>[vector<16xi32>, vector<16xi32>], vector<16xf32>,
        %parallel_loop3A_385 = arith.constant 32 : i32
        %parallel_loop3A_386 = arith.index_cast %parallel_loop3A_385 : i32 to index
        %parallel_loop3A_387 = arith.index_cast %parallel_loop3A_130 : i32 to index
        %parallel_loop3A_388 = tpu.vector_load %arg7[%parallel_loop3A_386, %parallel_loop3A_387] {strides = array<i32>} : memref<39x1280xf32, #tpu.memory_space<vmem>>, vector<16xf32>,
        tpu.vector_store %arg7[%parallel_loop3A_386, %parallel_loop3A_387], %parallel_loop3A_366 {strides = array<i32>} : memref<39x1280xf32, #tpu.memory_space<vmem>>, vector<16xf32>,
        %parallel_loop3A_389 = arith.constant 33 : i32
        %parallel_loop3A_390 = arith.index_cast %parallel_loop3A_389 : i32 to index
        %parallel_loop3A_391 = arith.index_cast %parallel_loop3A_130 : i32 to index
        %parallel_loop3A_392 = tpu.vector_load %arg7[%parallel_loop3A_390, %parallel_loop3A_391] {strides = array<i32>} : memref<39x1280xf32, #tpu.memory_space<vmem>>, vector<16xf32>,
        tpu.vector_store %arg7[%parallel_loop3A_390, %parallel_loop3A_391], %parallel_loop3A_369 {strides = array<i32>} : memref<39x1280xf32, #tpu.memory_space<vmem>>, vector<16xf32>,
        %parallel_loop3A_393 = arith.constant 34 : i32
        %parallel_loop3A_394 = arith.index_cast %parallel_loop3A_393 : i32 to index
        %parallel_loop3A_395 = arith.index_cast %parallel_loop3A_130 : i32 to index
        %parallel_loop3A_396 = tpu.vector_load %arg7[%parallel_loop3A_394, %parallel_loop3A_395] {strides = array<i32>} : memref<39x1280xf32, #tpu.memory_space<vmem>>, vector<16xf32>,
        tpu.vector_store %arg7[%parallel_loop3A_394, %parallel_loop3A_395], %parallel_loop3A_372 {strides = array<i32>} : memref<39x1280xf32, #tpu.memory_space<vmem>>, vector<16xf32>,
        %parallel_loop3A_397 = arith.constant 35 : i32
        %parallel_loop3A_398 = arith.index_cast %parallel_loop3A_397 : i32 to index
        %parallel_loop3A_399 = arith.index_cast %parallel_loop3A_130 : i32 to index
        %parallel_loop3A_400 = tpu.vector_load %arg7[%parallel_loop3A_398, %parallel_loop3A_399] {strides = array<i32>} : memref<39x1280xf32, #tpu.memory_space<vmem>>, vector<16xf32>,
        tpu.vector_store %arg7[%parallel_loop3A_398, %parallel_loop3A_399], %parallel_loop3A_375 {strides = array<i32>} : memref<39x1280xf32, #tpu.memory_space<vmem>>, vector<16xf32>,
        %parallel_loop3A_401 = arith.constant 36 : i32
        %parallel_loop3A_402 = arith.index_cast %parallel_loop3A_401 : i32 to index
        %parallel_loop3A_403 = arith.index_cast %parallel_loop3A_130 : i32 to index
        %parallel_loop3A_404 = tpu.vector_load %arg7[%parallel_loop3A_402, %parallel_loop3A_403] {strides = array<i32>} : memref<39x1280xf32, #tpu.memory_space<vmem>>, vector<16xf32>,
        tpu.vector_store %arg7[%parallel_loop3A_402, %parallel_loop3A_403], %parallel_loop3A_378 {strides = array<i32>} : memref<39x1280xf32, #tpu.memory_space<vmem>>, vector<16xf32>,
        %parallel_loop3A_405 = arith.constant 37 : i32
        %parallel_loop3A_406 = arith.index_cast %parallel_loop3A_405 : i32 to index
        %parallel_loop3A_407 = arith.index_cast %parallel_loop3A_130 : i32 to index
        %parallel_loop3A_408 = tpu.vector_load %arg7[%parallel_loop3A_406, %parallel_loop3A_407] {strides = array<i32>} : memref<39x1280xf32, #tpu.memory_space<vmem>>, vector<16xf32>,
        tpu.vector_store %arg7[%parallel_loop3A_406, %parallel_loop3A_407], %parallel_loop3A_381 {strides = array<i32>} : memref<39x1280xf32, #tpu.memory_space<vmem>>, vector<16xf32>,
        %parallel_loop3A_409 = arith.constant 38 : i32
        %parallel_loop3A_410 = arith.index_cast %parallel_loop3A_409 : i32 to index
        %parallel_loop3A_411 = arith.index_cast %parallel_loop3A_130 : i32 to index
        %parallel_loop3A_412 = tpu.vector_load %arg7[%parallel_loop3A_410, %parallel_loop3A_411] {strides = array<i32>} : memref<39x1280xf32, #tpu.memory_space<vmem>>, vector<16xf32>,
        tpu.vector_store %arg7[%parallel_loop3A_410, %parallel_loop3A_411], %parallel_loop3A_384 {strides = array<i32>} : memref<39x1280xf32, #tpu.memory_space<vmem>>, vector<16xf32>,
      } {sc.loop_unroll_factor = 2 : i64, sc.parallel_access}
      %dma_start3A_113 = arith.constant 0 : i32
      %dma_start3A_114 = tpu.memref_slice %arg5[%dma_start3A_113, %add3A_84] : memref<77x819200xf32, #tpu.memory_space<hbm>> -> memref<39x1280xf32, #tpu.memory_space<hbm>>
      %dma_start3A_115 = arith.constant 0 : i32
      %dma_start3A_116 = tpu.memref_slice %arg5[%dma_start3A_115, %add3A_84] : memref<77x819200xf32, #tpu.memory_space<hbm>> -> memref<39x1280xf32, #tpu.memory_space<hbm>>
      tpu.enqueue_dma source(%arg7 : memref<39x1280xf32, #tpu.memory_space<vmem>>) target(%dma_start3A_116 : memref<39x1280xf32, #tpu.memory_space<hbm>>) target_semaphore(%arg13 : memref<!tpu.dma_semaphore, #tpu.memory_space<semaphore_mem>>)
      %ge3A_117 = arith.constant 1 : i32
      %ge3A_118 = arith.cmpi sge, %add3A_81, %ge3A_117 : i32
      %convert_element_type3A_119 = arith.extui %ge3A_118 : i1 to i32
      %cond3A_120 = arith.constant 0 : i32
      %cond3A_121 = arith.cmpi ne, %convert_element_type3A_119, %cond3A_120 : i32
      scf.if %cond3A_121 {
        %sub3A = arith.constant 1280 : i32
        %sub3A_130 = arith.subi %add3A_84, %sub3A : i32
        %dma_wait3A_131 = arith.constant 39 : i32
        %dma_wait3A_132 = tpu.memref_slice %arg5[%dma_wait3A_131, %sub3A_130] : memref<77x819200xf32, #tpu.memory_space<hbm>> -> memref<38x1280xf32, #tpu.memory_space<hbm>>
        %dma_wait3A_133 = arith.constant 39 : i32
        %dma_wait3A_134 = tpu.memref_slice %arg5[%dma_wait3A_133, %sub3A_130] : memref<77x819200xf32, #tpu.memory_space<hbm>> -> memref<38x1280xf32, #tpu.memory_space<hbm>>
        tpu.wait_dma2 semaphore(%arg14 : memref<!tpu.dma_semaphore, #tpu.memory_space<semaphore_mem>>) src(%arg8 : memref<38x1280xf32, #tpu.memory_space<vmem>>) dst(%dma_wait3A_134 : memref<38x1280xf32, #tpu.memory_space<hbm>>)
      } else {
      }
      %parallel_loop3A_122 = arith.constant 0 : i32
      %parallel_loop3A_123 = arith.constant 1280 : i32
      %parallel_loop3A_124 = arith.constant 16 : i32
      scf.for %parallel_loop3A_130 = %parallel_loop3A_122 to %parallel_loop3A_123 step %parallel_loop3A_124  : i32 {
        %parallel_loop3A_131 = arith.constant 1 : i32
        %parallel_loop3A_132 = arith.constant 1 : i32
        %parallel_loop3A_133 = arith.index_cast %parallel_loop3A_131 : i32 to index
        %parallel_loop3A_134 = arith.index_cast %parallel_loop3A_132 : i32 to index
        %parallel_loop3A_135 = arith.index_cast %parallel_loop3A_130 : i32 to index
        %parallel_loop3A_136 = tpu.vector_load %arg6[%parallel_loop3A_133, %parallel_loop3A_134, %parallel_loop3A_135] {strides = array<i32>} : memref<2x3x1280xi32, #tpu.memory_space<vmem>>, vector<16xi32>,
        %parallel_loop3A_137 = arith.constant 255 : i32
        %parallel_loop3A_138 = vector.broadcast %parallel_loop3A_137 : i32 to vector<16xi32>
        %parallel_loop3A_139 = arith.andi %parallel_loop3A_136, %parallel_loop3A_138 : vector<16xi32>
        %parallel_loop3A_140 = arith.constant 1 : i32
        %parallel_loop3A_141 = arith.constant 0 : i32
        %parallel_loop3A_142 = arith.index_cast %parallel_loop3A_140 : i32 to index
        %parallel_loop3A_143 = arith.index_cast %parallel_loop3A_141 : i32 to index
        %parallel_loop3A_144 = arith.index_cast %parallel_loop3A_130 : i32 to index
        %parallel_loop3A_145 = tpu.vector_load %arg6[%parallel_loop3A_142, %parallel_loop3A_143, %parallel_loop3A_144] {strides = array<i32>} : memref<2x3x1280xi32, #tpu.memory_space<vmem>>, vector<16xi32>,
        %parallel_loop3A_146 = arith.constant 255 : i32
        %parallel_loop3A_147 = vector.broadcast %parallel_loop3A_146 : i32 to vector<16xi32>
        %parallel_loop3A_148 = arith.andi %parallel_loop3A_145, %parallel_loop3A_147 : vector<16xi32>
        %parallel_loop3A_149 = arith.constant 39 : i32
        %parallel_loop3A_150 = vector.broadcast %parallel_loop3A_149 : i32 to vector<16xi32>
        %parallel_loop3A_151 = tpu.vector_load_idx %arg9[%parallel_loop3A_150, %parallel_loop3A_139] : memref<64x256xf32, #tpu.memory_space<vmem>>[vector<16xi32>, vector<16xi32>], vector<16xf32>,
        %parallel_loop3A_152 = arith.constant 40 : i32
        %parallel_loop3A_153 = vector.broadcast %parallel_loop3A_152 : i32 to vector<16xi32>
        %parallel_loop3A_154 = tpu.vector_load_idx %arg9[%parallel_loop3A_153, %parallel_loop3A_139] : memref<64x256xf32, #tpu.memory_space<vmem>>[vector<16xi32>, vector<16xi32>], vector<16xf32>,
        %parallel_loop3A_155 = arith.constant 41 : i32
        %parallel_loop3A_156 = vector.broadcast %parallel_loop3A_155 : i32 to vector<16xi32>
        %parallel_loop3A_157 = tpu.vector_load_idx %arg9[%parallel_loop3A_156, %parallel_loop3A_139] : memref<64x256xf32, #tpu.memory_space<vmem>>[vector<16xi32>, vector<16xi32>], vector<16xf32>,
        %parallel_loop3A_158 = arith.constant 42 : i32
        %parallel_loop3A_159 = vector.broadcast %parallel_loop3A_158 : i32 to vector<16xi32>
        %parallel_loop3A_160 = tpu.vector_load_idx %arg9[%parallel_loop3A_159, %parallel_loop3A_139] : memref<64x256xf32, #tpu.memory_space<vmem>>[vector<16xi32>, vector<16xi32>], vector<16xf32>,
        %parallel_loop3A_161 = arith.constant 43 : i32
        %parallel_loop3A_162 = vector.broadcast %parallel_loop3A_161 : i32 to vector<16xi32>
        %parallel_loop3A_163 = tpu.vector_load_idx %arg9[%parallel_loop3A_162, %parallel_loop3A_139] : memref<64x256xf32, #tpu.memory_space<vmem>>[vector<16xi32>, vector<16xi32>], vector<16xf32>,
        %parallel_loop3A_164 = arith.constant 44 : i32
        %parallel_loop3A_165 = vector.broadcast %parallel_loop3A_164 : i32 to vector<16xi32>
        %parallel_loop3A_166 = tpu.vector_load_idx %arg9[%parallel_loop3A_165, %parallel_loop3A_139] : memref<64x256xf32, #tpu.memory_space<vmem>>[vector<16xi32>, vector<16xi32>], vector<16xf32>,
        %parallel_loop3A_167 = arith.constant 45 : i32
        %parallel_loop3A_168 = vector.broadcast %parallel_loop3A_167 : i32 to vector<16xi32>
        %parallel_loop3A_169 = tpu.vector_load_idx %arg9[%parallel_loop3A_168, %parallel_loop3A_139] : memref<64x256xf32, #tpu.memory_space<vmem>>[vector<16xi32>, vector<16xi32>], vector<16xf32>,
        %parallel_loop3A_170 = arith.constant 46 : i32
        %parallel_loop3A_171 = vector.broadcast %parallel_loop3A_170 : i32 to vector<16xi32>
        %parallel_loop3A_172 = tpu.vector_load_idx %arg9[%parallel_loop3A_171, %parallel_loop3A_139] : memref<64x256xf32, #tpu.memory_space<vmem>>[vector<16xi32>, vector<16xi32>], vector<16xf32>,
        %parallel_loop3A_173 = arith.constant 0 : i32
        %parallel_loop3A_174 = arith.index_cast %parallel_loop3A_173 : i32 to index
        %parallel_loop3A_175 = arith.index_cast %parallel_loop3A_130 : i32 to index
        %parallel_loop3A_176 = tpu.vector_load %arg8[%parallel_loop3A_174, %parallel_loop3A_175] {strides = array<i32>} : memref<38x1280xf32, #tpu.memory_space<vmem>>, vector<16xf32>,
        tpu.vector_store %arg8[%parallel_loop3A_174, %parallel_loop3A_175], %parallel_loop3A_151 {strides = array<i32>} : memref<38x1280xf32, #tpu.memory_space<vmem>>, vector<16xf32>,
        %parallel_loop3A_177 = arith.constant 1 : i32
        %parallel_loop3A_178 = arith.index_cast %parallel_loop3A_177 : i32 to index
        %parallel_loop3A_179 = arith.index_cast %parallel_loop3A_130 : i32 to index
        %parallel_loop3A_180 = tpu.vector_load %arg8[%parallel_loop3A_178, %parallel_loop3A_179] {strides = array<i32>} : memref<38x1280xf32, #tpu.memory_space<vmem>>, vector<16xf32>,
        tpu.vector_store %arg8[%parallel_loop3A_178, %parallel_loop3A_179], %parallel_loop3A_154 {strides = array<i32>} : memref<38x1280xf32, #tpu.memory_space<vmem>>, vector<16xf32>,
        %parallel_loop3A_181 = arith.constant 2 : i32
        %parallel_loop3A_182 = arith.index_cast %parallel_loop3A_181 : i32 to index
        %parallel_loop3A_183 = arith.index_cast %parallel_loop3A_130 : i32 to index
        %parallel_loop3A_184 = tpu.vector_load %arg8[%parallel_loop3A_182, %parallel_loop3A_183] {strides = array<i32>} : memref<38x1280xf32, #tpu.memory_space<vmem>>, vector<16xf32>,
        tpu.vector_store %arg8[%parallel_loop3A_182, %parallel_loop3A_183], %parallel_loop3A_157 {strides = array<i32>} : memref<38x1280xf32, #tpu.memory_space<vmem>>, vector<16xf32>,
        %parallel_loop3A_185 = arith.constant 3 : i32
        %parallel_loop3A_186 = arith.index_cast %parallel_loop3A_185 : i32 to index
        %parallel_loop3A_187 = arith.index_cast %parallel_loop3A_130 : i32 to index
        %parallel_loop3A_188 = tpu.vector_load %arg8[%parallel_loop3A_186, %parallel_loop3A_187] {strides = array<i32>} : memref<38x1280xf32, #tpu.memory_space<vmem>>, vector<16xf32>,
        tpu.vector_store %arg8[%parallel_loop3A_186, %parallel_loop3A_187], %parallel_loop3A_160 {strides = array<i32>} : memref<38x1280xf32, #tpu.memory_space<vmem>>, vector<16xf32>,
        %parallel_loop3A_189 = arith.constant 4 : i32
        %parallel_loop3A_190 = arith.index_cast %parallel_loop3A_189 : i32 to index
        %parallel_loop3A_191 = arith.index_cast %parallel_loop3A_130 : i32 to index
        %parallel_loop3A_192 = tpu.vector_load %arg8[%parallel_loop3A_190, %parallel_loop3A_191] {strides = array<i32>} : memref<38x1280xf32, #tpu.memory_space<vmem>>, vector<16xf32>,
        tpu.vector_store %arg8[%parallel_loop3A_190, %parallel_loop3A_191], %parallel_loop3A_163 {strides = array<i32>} : memref<38x1280xf32, #tpu.memory_space<vmem>>, vector<16xf32>,
        %parallel_loop3A_193 = arith.constant 5 : i32
        %parallel_loop3A_194 = arith.index_cast %parallel_loop3A_193 : i32 to index
        %parallel_loop3A_195 = arith.index_cast %parallel_loop3A_130 : i32 to index
        %parallel_loop3A_196 = tpu.vector_load %arg8[%parallel_loop3A_194, %parallel_loop3A_195] {strides = array<i32>} : memref<38x1280xf32, #tpu.memory_space<vmem>>, vector<16xf32>,
        tpu.vector_store %arg8[%parallel_loop3A_194, %parallel_loop3A_195], %parallel_loop3A_166 {strides = array<i32>} : memref<38x1280xf32, #tpu.memory_space<vmem>>, vector<16xf32>,
        %parallel_loop3A_197 = arith.constant 6 : i32
        %parallel_loop3A_198 = arith.index_cast %parallel_loop3A_197 : i32 to index
        %parallel_loop3A_199 = arith.index_cast %parallel_loop3A_130 : i32 to index
        %parallel_loop3A_200 = tpu.vector_load %arg8[%parallel_loop3A_198, %parallel_loop3A_199] {strides = array<i32>} : memref<38x1280xf32, #tpu.memory_space<vmem>>, vector<16xf32>,
        tpu.vector_store %arg8[%parallel_loop3A_198, %parallel_loop3A_199], %parallel_loop3A_169 {strides = array<i32>} : memref<38x1280xf32, #tpu.memory_space<vmem>>, vector<16xf32>,
        %parallel_loop3A_201 = arith.constant 7 : i32
        %parallel_loop3A_202 = arith.index_cast %parallel_loop3A_201 : i32 to index
        %parallel_loop3A_203 = arith.index_cast %parallel_loop3A_130 : i32 to index
        %parallel_loop3A_204 = tpu.vector_load %arg8[%parallel_loop3A_202, %parallel_loop3A_203] {strides = array<i32>} : memref<38x1280xf32, #tpu.memory_space<vmem>>, vector<16xf32>,
        tpu.vector_store %arg8[%parallel_loop3A_202, %parallel_loop3A_203], %parallel_loop3A_172 {strides = array<i32>} : memref<38x1280xf32, #tpu.memory_space<vmem>>, vector<16xf32>,
        %parallel_loop3A_205 = arith.constant 47 : i32
        %parallel_loop3A_206 = vector.broadcast %parallel_loop3A_205 : i32 to vector<16xi32>
        %parallel_loop3A_207 = tpu.vector_load_idx %arg9[%parallel_loop3A_206, %parallel_loop3A_139] : memref<64x256xf32, #tpu.memory_space<vmem>>[vector<16xi32>, vector<16xi32>], vector<16xf32>,
        %parallel_loop3A_208 = arith.constant 48 : i32
        %parallel_loop3A_209 = vector.broadcast %parallel_loop3A_208 : i32 to vector<16xi32>
        %parallel_loop3A_210 = tpu.vector_load_idx %arg9[%parallel_loop3A_209, %parallel_loop3A_139] : memref<64x256xf32, #tpu.memory_space<vmem>>[vector<16xi32>, vector<16xi32>], vector<16xf32>,
        %parallel_loop3A_211 = arith.constant 49 : i32
        %parallel_loop3A_212 = vector.broadcast %parallel_loop3A_211 : i32 to vector<16xi32>
        %parallel_loop3A_213 = tpu.vector_load_idx %arg9[%parallel_loop3A_212, %parallel_loop3A_139] : memref<64x256xf32, #tpu.memory_space<vmem>>[vector<16xi32>, vector<16xi32>], vector<16xf32>,
        %parallel_loop3A_214 = arith.constant 50 : i32
        %parallel_loop3A_215 = vector.broadcast %parallel_loop3A_214 : i32 to vector<16xi32>
        %parallel_loop3A_216 = tpu.vector_load_idx %arg9[%parallel_loop3A_215, %parallel_loop3A_139] : memref<64x256xf32, #tpu.memory_space<vmem>>[vector<16xi32>, vector<16xi32>], vector<16xf32>,
        %parallel_loop3A_217 = arith.constant 51 : i32
        %parallel_loop3A_218 = vector.broadcast %parallel_loop3A_217 : i32 to vector<16xi32>
        %parallel_loop3A_219 = tpu.vector_load_idx %arg9[%parallel_loop3A_218, %parallel_loop3A_139] : memref<64x256xf32, #tpu.memory_space<vmem>>[vector<16xi32>, vector<16xi32>], vector<16xf32>,
        %parallel_loop3A_220 = arith.constant 52 : i32
        %parallel_loop3A_221 = vector.broadcast %parallel_loop3A_220 : i32 to vector<16xi32>
        %parallel_loop3A_222 = tpu.vector_load_idx %arg9[%parallel_loop3A_221, %parallel_loop3A_139] : memref<64x256xf32, #tpu.memory_space<vmem>>[vector<16xi32>, vector<16xi32>], vector<16xf32>,
        %parallel_loop3A_223 = arith.constant 53 : i32
        %parallel_loop3A_224 = vector.broadcast %parallel_loop3A_223 : i32 to vector<16xi32>
        %parallel_loop3A_225 = tpu.vector_load_idx %arg9[%parallel_loop3A_224, %parallel_loop3A_139] : memref<64x256xf32, #tpu.memory_space<vmem>>[vector<16xi32>, vector<16xi32>], vector<16xf32>,
        %parallel_loop3A_226 = arith.constant 54 : i32
        %parallel_loop3A_227 = vector.broadcast %parallel_loop3A_226 : i32 to vector<16xi32>
        %parallel_loop3A_228 = tpu.vector_load_idx %arg9[%parallel_loop3A_227, %parallel_loop3A_139] : memref<64x256xf32, #tpu.memory_space<vmem>>[vector<16xi32>, vector<16xi32>], vector<16xf32>,
        %parallel_loop3A_229 = arith.constant 8 : i32
        %parallel_loop3A_230 = arith.index_cast %parallel_loop3A_229 : i32 to index
        %parallel_loop3A_231 = arith.index_cast %parallel_loop3A_130 : i32 to index
        %parallel_loop3A_232 = tpu.vector_load %arg8[%parallel_loop3A_230, %parallel_loop3A_231] {strides = array<i32>} : memref<38x1280xf32, #tpu.memory_space<vmem>>, vector<16xf32>,
        tpu.vector_store %arg8[%parallel_loop3A_230, %parallel_loop3A_231], %parallel_loop3A_207 {strides = array<i32>} : memref<38x1280xf32, #tpu.memory_space<vmem>>, vector<16xf32>,
        %parallel_loop3A_233 = arith.constant 9 : i32
        %parallel_loop3A_234 = arith.index_cast %parallel_loop3A_233 : i32 to index
        %parallel_loop3A_235 = arith.index_cast %parallel_loop3A_130 : i32 to index
        %parallel_loop3A_236 = tpu.vector_load %arg8[%parallel_loop3A_234, %parallel_loop3A_235] {strides = array<i32>} : memref<38x1280xf32, #tpu.memory_space<vmem>>, vector<16xf32>,
        tpu.vector_store %arg8[%parallel_loop3A_234, %parallel_loop3A_235], %parallel_loop3A_210 {strides = array<i32>} : memref<38x1280xf32, #tpu.memory_space<vmem>>, vector<16xf32>,
        %parallel_loop3A_237 = arith.constant 10 : i32
        %parallel_loop3A_238 = arith.index_cast %parallel_loop3A_237 : i32 to index
        %parallel_loop3A_239 = arith.index_cast %parallel_loop3A_130 : i32 to index
        %parallel_loop3A_240 = tpu.vector_load %arg8[%parallel_loop3A_238, %parallel_loop3A_239] {strides = array<i32>} : memref<38x1280xf32, #tpu.memory_space<vmem>>, vector<16xf32>,
        tpu.vector_store %arg8[%parallel_loop3A_238, %parallel_loop3A_239], %parallel_loop3A_213 {strides = array<i32>} : memref<38x1280xf32, #tpu.memory_space<vmem>>, vector<16xf32>,
        %parallel_loop3A_241 = arith.constant 11 : i32
        %parallel_loop3A_242 = arith.index_cast %parallel_loop3A_241 : i32 to index
        %parallel_loop3A_243 = arith.index_cast %parallel_loop3A_130 : i32 to index
        %parallel_loop3A_244 = tpu.vector_load %arg8[%parallel_loop3A_242, %parallel_loop3A_243] {strides = array<i32>} : memref<38x1280xf32, #tpu.memory_space<vmem>>, vector<16xf32>,
        tpu.vector_store %arg8[%parallel_loop3A_242, %parallel_loop3A_243], %parallel_loop3A_216 {strides = array<i32>} : memref<38x1280xf32, #tpu.memory_space<vmem>>, vector<16xf32>,
        %parallel_loop3A_245 = arith.constant 12 : i32
        %parallel_loop3A_246 = arith.index_cast %parallel_loop3A_245 : i32 to index
        %parallel_loop3A_247 = arith.index_cast %parallel_loop3A_130 : i32 to index
        %parallel_loop3A_248 = tpu.vector_load %arg8[%parallel_loop3A_246, %parallel_loop3A_247] {strides = array<i32>} : memref<38x1280xf32, #tpu.memory_space<vmem>>, vector<16xf32>,
        tpu.vector_store %arg8[%parallel_loop3A_246, %parallel_loop3A_247], %parallel_loop3A_219 {strides = array<i32>} : memref<38x1280xf32, #tpu.memory_space<vmem>>, vector<16xf32>,
        %parallel_loop3A_249 = arith.constant 13 : i32
        %parallel_loop3A_250 = arith.index_cast %parallel_loop3A_249 : i32 to index
        %parallel_loop3A_251 = arith.index_cast %parallel_loop3A_130 : i32 to index
        %parallel_loop3A_252 = tpu.vector_load %arg8[%parallel_loop3A_250, %parallel_loop3A_251] {strides = array<i32>} : memref<38x1280xf32, #tpu.memory_space<vmem>>, vector<16xf32>,
        tpu.vector_store %arg8[%parallel_loop3A_250, %parallel_loop3A_251], %parallel_loop3A_222 {strides = array<i32>} : memref<38x1280xf32, #tpu.memory_space<vmem>>, vector<16xf32>,
        %parallel_loop3A_253 = arith.constant 14 : i32
        %parallel_loop3A_254 = arith.index_cast %parallel_loop3A_253 : i32 to index
        %parallel_loop3A_255 = arith.index_cast %parallel_loop3A_130 : i32 to index
        %parallel_loop3A_256 = tpu.vector_load %arg8[%parallel_loop3A_254, %parallel_loop3A_255] {strides = array<i32>} : memref<38x1280xf32, #tpu.memory_space<vmem>>, vector<16xf32>,
        tpu.vector_store %arg8[%parallel_loop3A_254, %parallel_loop3A_255], %parallel_loop3A_225 {strides = array<i32>} : memref<38x1280xf32, #tpu.memory_space<vmem>>, vector<16xf32>,
        %parallel_loop3A_257 = arith.constant 15 : i32
        %parallel_loop3A_258 = arith.index_cast %parallel_loop3A_257 : i32 to index
        %parallel_loop3A_259 = arith.index_cast %parallel_loop3A_130 : i32 to index
        %parallel_loop3A_260 = tpu.vector_load %arg8[%parallel_loop3A_258, %parallel_loop3A_259] {strides = array<i32>} : memref<38x1280xf32, #tpu.memory_space<vmem>>, vector<16xf32>,
        tpu.vector_store %arg8[%parallel_loop3A_258, %parallel_loop3A_259], %parallel_loop3A_228 {strides = array<i32>} : memref<38x1280xf32, #tpu.memory_space<vmem>>, vector<16xf32>,
        %parallel_loop3A_261 = arith.constant 55 : i32
        %parallel_loop3A_262 = vector.broadcast %parallel_loop3A_261 : i32 to vector<16xi32>
        %parallel_loop3A_263 = tpu.vector_load_idx %arg9[%parallel_loop3A_262, %parallel_loop3A_139] : memref<64x256xf32, #tpu.memory_space<vmem>>[vector<16xi32>, vector<16xi32>], vector<16xf32>,
        %parallel_loop3A_264 = arith.constant 56 : i32
        %parallel_loop3A_265 = vector.broadcast %parallel_loop3A_264 : i32 to vector<16xi32>
        %parallel_loop3A_266 = tpu.vector_load_idx %arg9[%parallel_loop3A_265, %parallel_loop3A_139] : memref<64x256xf32, #tpu.memory_space<vmem>>[vector<16xi32>, vector<16xi32>], vector<16xf32>,
        %parallel_loop3A_267 = arith.constant 57 : i32
        %parallel_loop3A_268 = vector.broadcast %parallel_loop3A_267 : i32 to vector<16xi32>
        %parallel_loop3A_269 = tpu.vector_load_idx %arg9[%parallel_loop3A_268, %parallel_loop3A_139] : memref<64x256xf32, #tpu.memory_space<vmem>>[vector<16xi32>, vector<16xi32>], vector<16xf32>,
        %parallel_loop3A_270 = arith.constant 58 : i32
        %parallel_loop3A_271 = vector.broadcast %parallel_loop3A_270 : i32 to vector<16xi32>
        %parallel_loop3A_272 = tpu.vector_load_idx %arg9[%parallel_loop3A_271, %parallel_loop3A_139] : memref<64x256xf32, #tpu.memory_space<vmem>>[vector<16xi32>, vector<16xi32>], vector<16xf32>,
        %parallel_loop3A_273 = arith.constant 59 : i32
        %parallel_loop3A_274 = vector.broadcast %parallel_loop3A_273 : i32 to vector<16xi32>
        %parallel_loop3A_275 = tpu.vector_load_idx %arg9[%parallel_loop3A_274, %parallel_loop3A_139] : memref<64x256xf32, #tpu.memory_space<vmem>>[vector<16xi32>, vector<16xi32>], vector<16xf32>,
        %parallel_loop3A_276 = arith.constant 60 : i32
        %parallel_loop3A_277 = vector.broadcast %parallel_loop3A_276 : i32 to vector<16xi32>
        %parallel_loop3A_278 = tpu.vector_load_idx %arg9[%parallel_loop3A_277, %parallel_loop3A_139] : memref<64x256xf32, #tpu.memory_space<vmem>>[vector<16xi32>, vector<16xi32>], vector<16xf32>,
        %parallel_loop3A_279 = arith.constant 61 : i32
        %parallel_loop3A_280 = vector.broadcast %parallel_loop3A_279 : i32 to vector<16xi32>
        %parallel_loop3A_281 = tpu.vector_load_idx %arg9[%parallel_loop3A_280, %parallel_loop3A_139] : memref<64x256xf32, #tpu.memory_space<vmem>>[vector<16xi32>, vector<16xi32>], vector<16xf32>,
        %parallel_loop3A_282 = arith.constant 62 : i32
        %parallel_loop3A_283 = vector.broadcast %parallel_loop3A_282 : i32 to vector<16xi32>
        %parallel_loop3A_284 = tpu.vector_load_idx %arg9[%parallel_loop3A_283, %parallel_loop3A_139] : memref<64x256xf32, #tpu.memory_space<vmem>>[vector<16xi32>, vector<16xi32>], vector<16xf32>,
        %parallel_loop3A_285 = arith.constant 16 : i32
        %parallel_loop3A_286 = arith.index_cast %parallel_loop3A_285 : i32 to index
        %parallel_loop3A_287 = arith.index_cast %parallel_loop3A_130 : i32 to index
        %parallel_loop3A_288 = tpu.vector_load %arg8[%parallel_loop3A_286, %parallel_loop3A_287] {strides = array<i32>} : memref<38x1280xf32, #tpu.memory_space<vmem>>, vector<16xf32>,
        tpu.vector_store %arg8[%parallel_loop3A_286, %parallel_loop3A_287], %parallel_loop3A_263 {strides = array<i32>} : memref<38x1280xf32, #tpu.memory_space<vmem>>, vector<16xf32>,
        %parallel_loop3A_289 = arith.constant 17 : i32
        %parallel_loop3A_290 = arith.index_cast %parallel_loop3A_289 : i32 to index
        %parallel_loop3A_291 = arith.index_cast %parallel_loop3A_130 : i32 to index
        %parallel_loop3A_292 = tpu.vector_load %arg8[%parallel_loop3A_290, %parallel_loop3A_291] {strides = array<i32>} : memref<38x1280xf32, #tpu.memory_space<vmem>>, vector<16xf32>,
        tpu.vector_store %arg8[%parallel_loop3A_290, %parallel_loop3A_291], %parallel_loop3A_266 {strides = array<i32>} : memref<38x1280xf32, #tpu.memory_space<vmem>>, vector<16xf32>,
        %parallel_loop3A_293 = arith.constant 18 : i32
        %parallel_loop3A_294 = arith.index_cast %parallel_loop3A_293 : i32 to index
        %parallel_loop3A_295 = arith.index_cast %parallel_loop3A_130 : i32 to index
        %parallel_loop3A_296 = tpu.vector_load %arg8[%parallel_loop3A_294, %parallel_loop3A_295] {strides = array<i32>} : memref<38x1280xf32, #tpu.memory_space<vmem>>, vector<16xf32>,
        tpu.vector_store %arg8[%parallel_loop3A_294, %parallel_loop3A_295], %parallel_loop3A_269 {strides = array<i32>} : memref<38x1280xf32, #tpu.memory_space<vmem>>, vector<16xf32>,
        %parallel_loop3A_297 = arith.constant 19 : i32
        %parallel_loop3A_298 = arith.index_cast %parallel_loop3A_297 : i32 to index
        %parallel_loop3A_299 = arith.index_cast %parallel_loop3A_130 : i32 to index
        %parallel_loop3A_300 = tpu.vector_load %arg8[%parallel_loop3A_298, %parallel_loop3A_299] {strides = array<i32>} : memref<38x1280xf32, #tpu.memory_space<vmem>>, vector<16xf32>,
        tpu.vector_store %arg8[%parallel_loop3A_298, %parallel_loop3A_299], %parallel_loop3A_272 {strides = array<i32>} : memref<38x1280xf32, #tpu.memory_space<vmem>>, vector<16xf32>,
        %parallel_loop3A_301 = arith.constant 20 : i32
        %parallel_loop3A_302 = arith.index_cast %parallel_loop3A_301 : i32 to index
        %parallel_loop3A_303 = arith.index_cast %parallel_loop3A_130 : i32 to index
        %parallel_loop3A_304 = tpu.vector_load %arg8[%parallel_loop3A_302, %parallel_loop3A_303] {strides = array<i32>} : memref<38x1280xf32, #tpu.memory_space<vmem>>, vector<16xf32>,
        tpu.vector_store %arg8[%parallel_loop3A_302, %parallel_loop3A_303], %parallel_loop3A_275 {strides = array<i32>} : memref<38x1280xf32, #tpu.memory_space<vmem>>, vector<16xf32>,
        %parallel_loop3A_305 = arith.constant 21 : i32
        %parallel_loop3A_306 = arith.index_cast %parallel_loop3A_305 : i32 to index
        %parallel_loop3A_307 = arith.index_cast %parallel_loop3A_130 : i32 to index
        %parallel_loop3A_308 = tpu.vector_load %arg8[%parallel_loop3A_306, %parallel_loop3A_307] {strides = array<i32>} : memref<38x1280xf32, #tpu.memory_space<vmem>>, vector<16xf32>,
        tpu.vector_store %arg8[%parallel_loop3A_306, %parallel_loop3A_307], %parallel_loop3A_278 {strides = array<i32>} : memref<38x1280xf32, #tpu.memory_space<vmem>>, vector<16xf32>,
        %parallel_loop3A_309 = arith.constant 22 : i32
        %parallel_loop3A_310 = arith.index_cast %parallel_loop3A_309 : i32 to index
        %parallel_loop3A_311 = arith.index_cast %parallel_loop3A_130 : i32 to index
        %parallel_loop3A_312 = tpu.vector_load %arg8[%parallel_loop3A_310, %parallel_loop3A_311] {strides = array<i32>} : memref<38x1280xf32, #tpu.memory_space<vmem>>, vector<16xf32>,
        tpu.vector_store %arg8[%parallel_loop3A_310, %parallel_loop3A_311], %parallel_loop3A_281 {strides = array<i32>} : memref<38x1280xf32, #tpu.memory_space<vmem>>, vector<16xf32>,
        %parallel_loop3A_313 = arith.constant 23 : i32
        %parallel_loop3A_314 = arith.index_cast %parallel_loop3A_313 : i32 to index
        %parallel_loop3A_315 = arith.index_cast %parallel_loop3A_130 : i32 to index
        %parallel_loop3A_316 = tpu.vector_load %arg8[%parallel_loop3A_314, %parallel_loop3A_315] {strides = array<i32>} : memref<38x1280xf32, #tpu.memory_space<vmem>>, vector<16xf32>,
        tpu.vector_store %arg8[%parallel_loop3A_314, %parallel_loop3A_315], %parallel_loop3A_284 {strides = array<i32>} : memref<38x1280xf32, #tpu.memory_space<vmem>>, vector<16xf32>,
        %parallel_loop3A_317 = arith.constant 63 : i32
        %parallel_loop3A_318 = vector.broadcast %parallel_loop3A_317 : i32 to vector<16xi32>
        %parallel_loop3A_319 = tpu.vector_load_idx %arg9[%parallel_loop3A_318, %parallel_loop3A_139] : memref<64x256xf32, #tpu.memory_space<vmem>>[vector<16xi32>, vector<16xi32>], vector<16xf32>,
        %parallel_loop3A_320 = arith.constant 24 : i32
        %parallel_loop3A_321 = arith.index_cast %parallel_loop3A_320 : i32 to index
        %parallel_loop3A_322 = arith.index_cast %parallel_loop3A_130 : i32 to index
        %parallel_loop3A_323 = tpu.vector_load %arg8[%parallel_loop3A_321, %parallel_loop3A_322] {strides = array<i32>} : memref<38x1280xf32, #tpu.memory_space<vmem>>, vector<16xf32>,
        tpu.vector_store %arg8[%parallel_loop3A_321, %parallel_loop3A_322], %parallel_loop3A_319 {strides = array<i32>} : memref<38x1280xf32, #tpu.memory_space<vmem>>, vector<16xf32>,
        %parallel_loop3A_324 = arith.constant 0 : i32
        %parallel_loop3A_325 = vector.broadcast %parallel_loop3A_324 : i32 to vector<16xi32>
        %parallel_loop3A_326 = tpu.vector_load_idx %arg10[%parallel_loop3A_325, %parallel_loop3A_148] : memref<12x256xf32, #tpu.memory_space<vmem>>[vector<16xi32>, vector<16xi32>], vector<16xf32>,
        %parallel_loop3A_327 = arith.constant 1 : i32
        %parallel_loop3A_328 = vector.broadcast %parallel_loop3A_327 : i32 to vector<16xi32>
        %parallel_loop3A_329 = tpu.vector_load_idx %arg10[%parallel_loop3A_328, %parallel_loop3A_148] : memref<12x256xf32, #tpu.memory_space<vmem>>[vector<16xi32>, vector<16xi32>], vector<16xf32>,
        %parallel_loop3A_330 = arith.constant 2 : i32
        %parallel_loop3A_331 = vector.broadcast %parallel_loop3A_330 : i32 to vector<16xi32>
        %parallel_loop3A_332 = tpu.vector_load_idx %arg10[%parallel_loop3A_331, %parallel_loop3A_148] : memref<12x256xf32, #tpu.memory_space<vmem>>[vector<16xi32>, vector<16xi32>], vector<16xf32>,
        %parallel_loop3A_333 = arith.constant 3 : i32
        %parallel_loop3A_334 = vector.broadcast %parallel_loop3A_333 : i32 to vector<16xi32>
        %parallel_loop3A_335 = tpu.vector_load_idx %arg10[%parallel_loop3A_334, %parallel_loop3A_148] : memref<12x256xf32, #tpu.memory_space<vmem>>[vector<16xi32>, vector<16xi32>], vector<16xf32>,
        %parallel_loop3A_336 = arith.constant 4 : i32
        %parallel_loop3A_337 = vector.broadcast %parallel_loop3A_336 : i32 to vector<16xi32>
        %parallel_loop3A_338 = tpu.vector_load_idx %arg10[%parallel_loop3A_337, %parallel_loop3A_148] : memref<12x256xf32, #tpu.memory_space<vmem>>[vector<16xi32>, vector<16xi32>], vector<16xf32>,
        %parallel_loop3A_339 = arith.constant 5 : i32
        %parallel_loop3A_340 = vector.broadcast %parallel_loop3A_339 : i32 to vector<16xi32>
        %parallel_loop3A_341 = tpu.vector_load_idx %arg10[%parallel_loop3A_340, %parallel_loop3A_148] : memref<12x256xf32, #tpu.memory_space<vmem>>[vector<16xi32>, vector<16xi32>], vector<16xf32>,
        %parallel_loop3A_342 = arith.constant 6 : i32
        %parallel_loop3A_343 = vector.broadcast %parallel_loop3A_342 : i32 to vector<16xi32>
        %parallel_loop3A_344 = tpu.vector_load_idx %arg10[%parallel_loop3A_343, %parallel_loop3A_148] : memref<12x256xf32, #tpu.memory_space<vmem>>[vector<16xi32>, vector<16xi32>], vector<16xf32>,
        %parallel_loop3A_345 = arith.constant 7 : i32
        %parallel_loop3A_346 = vector.broadcast %parallel_loop3A_345 : i32 to vector<16xi32>
        %parallel_loop3A_347 = tpu.vector_load_idx %arg10[%parallel_loop3A_346, %parallel_loop3A_148] : memref<12x256xf32, #tpu.memory_space<vmem>>[vector<16xi32>, vector<16xi32>], vector<16xf32>,
        %parallel_loop3A_348 = arith.constant 8 : i32
        %parallel_loop3A_349 = vector.broadcast %parallel_loop3A_348 : i32 to vector<16xi32>
        %parallel_loop3A_350 = tpu.vector_load_idx %arg10[%parallel_loop3A_349, %parallel_loop3A_148] : memref<12x256xf32, #tpu.memory_space<vmem>>[vector<16xi32>, vector<16xi32>], vector<16xf32>,
        %parallel_loop3A_351 = arith.constant 9 : i32
        %parallel_loop3A_352 = vector.broadcast %parallel_loop3A_351 : i32 to vector<16xi32>
        %parallel_loop3A_353 = tpu.vector_load_idx %arg10[%parallel_loop3A_352, %parallel_loop3A_148] : memref<12x256xf32, #tpu.memory_space<vmem>>[vector<16xi32>, vector<16xi32>], vector<16xf32>,
        %parallel_loop3A_354 = arith.constant 10 : i32
        %parallel_loop3A_355 = vector.broadcast %parallel_loop3A_354 : i32 to vector<16xi32>
        %parallel_loop3A_356 = tpu.vector_load_idx %arg10[%parallel_loop3A_355, %parallel_loop3A_148] : memref<12x256xf32, #tpu.memory_space<vmem>>[vector<16xi32>, vector<16xi32>], vector<16xf32>,
        %parallel_loop3A_357 = arith.constant 11 : i32
        %parallel_loop3A_358 = vector.broadcast %parallel_loop3A_357 : i32 to vector<16xi32>
        %parallel_loop3A_359 = tpu.vector_load_idx %arg10[%parallel_loop3A_358, %parallel_loop3A_148] : memref<12x256xf32, #tpu.memory_space<vmem>>[vector<16xi32>, vector<16xi32>], vector<16xf32>,
        %parallel_loop3A_360 = arith.constant 25 : i32
        %parallel_loop3A_361 = arith.index_cast %parallel_loop3A_360 : i32 to index
        %parallel_loop3A_362 = arith.index_cast %parallel_loop3A_130 : i32 to index
        %parallel_loop3A_363 = tpu.vector_load %arg8[%parallel_loop3A_361, %parallel_loop3A_362] {strides = array<i32>} : memref<38x1280xf32, #tpu.memory_space<vmem>>, vector<16xf32>,
        tpu.vector_store %arg8[%parallel_loop3A_361, %parallel_loop3A_362], %parallel_loop3A_326 {strides = array<i32>} : memref<38x1280xf32, #tpu.memory_space<vmem>>, vector<16xf32>,
        %parallel_loop3A_364 = arith.constant 26 : i32
        %parallel_loop3A_365 = arith.index_cast %parallel_loop3A_364 : i32 to index
        %parallel_loop3A_366 = arith.index_cast %parallel_loop3A_130 : i32 to index
        %parallel_loop3A_367 = tpu.vector_load %arg8[%parallel_loop3A_365, %parallel_loop3A_366] {strides = array<i32>} : memref<38x1280xf32, #tpu.memory_space<vmem>>, vector<16xf32>,
        tpu.vector_store %arg8[%parallel_loop3A_365, %parallel_loop3A_366], %parallel_loop3A_329 {strides = array<i32>} : memref<38x1280xf32, #tpu.memory_space<vmem>>, vector<16xf32>,
        %parallel_loop3A_368 = arith.constant 27 : i32
        %parallel_loop3A_369 = arith.index_cast %parallel_loop3A_368 : i32 to index
        %parallel_loop3A_370 = arith.index_cast %parallel_loop3A_130 : i32 to index
        %parallel_loop3A_371 = tpu.vector_load %arg8[%parallel_loop3A_369, %parallel_loop3A_370] {strides = array<i32>} : memref<38x1280xf32, #tpu.memory_space<vmem>>, vector<16xf32>,
        tpu.vector_store %arg8[%parallel_loop3A_369, %parallel_loop3A_370], %parallel_loop3A_332 {strides = array<i32>} : memref<38x1280xf32, #tpu.memory_space<vmem>>, vector<16xf32>,
        %parallel_loop3A_372 = arith.constant 28 : i32
        %parallel_loop3A_373 = arith.index_cast %parallel_loop3A_372 : i32 to index
        %parallel_loop3A_374 = arith.index_cast %parallel_loop3A_130 : i32 to index
        %parallel_loop3A_375 = tpu.vector_load %arg8[%parallel_loop3A_373, %parallel_loop3A_374] {strides = array<i32>} : memref<38x1280xf32, #tpu.memory_space<vmem>>, vector<16xf32>,
        tpu.vector_store %arg8[%parallel_loop3A_373, %parallel_loop3A_374], %parallel_loop3A_335 {strides = array<i32>} : memref<38x1280xf32, #tpu.memory_space<vmem>>, vector<16xf32>,
        %parallel_loop3A_376 = arith.constant 29 : i32
        %parallel_loop3A_377 = arith.index_cast %parallel_loop3A_376 : i32 to index
        %parallel_loop3A_378 = arith.index_cast %parallel_loop3A_130 : i32 to index
        %parallel_loop3A_379 = tpu.vector_load %arg8[%parallel_loop3A_377, %parallel_loop3A_378] {strides = array<i32>} : memref<38x1280xf32, #tpu.memory_space<vmem>>, vector<16xf32>,
        tpu.vector_store %arg8[%parallel_loop3A_377, %parallel_loop3A_378], %parallel_loop3A_338 {strides = array<i32>} : memref<38x1280xf32, #tpu.memory_space<vmem>>, vector<16xf32>,
        %parallel_loop3A_380 = arith.constant 30 : i32
        %parallel_loop3A_381 = arith.index_cast %parallel_loop3A_380 : i32 to index
        %parallel_loop3A_382 = arith.index_cast %parallel_loop3A_130 : i32 to index
        %parallel_loop3A_383 = tpu.vector_load %arg8[%parallel_loop3A_381, %parallel_loop3A_382] {strides = array<i32>} : memref<38x1280xf32, #tpu.memory_space<vmem>>, vector<16xf32>,
        tpu.vector_store %arg8[%parallel_loop3A_381, %parallel_loop3A_382], %parallel_loop3A_341 {strides = array<i32>} : memref<38x1280xf32, #tpu.memory_space<vmem>>, vector<16xf32>,
        %parallel_loop3A_384 = arith.constant 31 : i32
        %parallel_loop3A_385 = arith.index_cast %parallel_loop3A_384 : i32 to index
        %parallel_loop3A_386 = arith.index_cast %parallel_loop3A_130 : i32 to index
        %parallel_loop3A_387 = tpu.vector_load %arg8[%parallel_loop3A_385, %parallel_loop3A_386] {strides = array<i32>} : memref<38x1280xf32, #tpu.memory_space<vmem>>, vector<16xf32>,
        tpu.vector_store %arg8[%parallel_loop3A_385, %parallel_loop3A_386], %parallel_loop3A_344 {strides = array<i32>} : memref<38x1280xf32, #tpu.memory_space<vmem>>, vector<16xf32>,
        %parallel_loop3A_388 = arith.constant 32 : i32
        %parallel_loop3A_389 = arith.index_cast %parallel_loop3A_388 : i32 to index
        %parallel_loop3A_390 = arith.index_cast %parallel_loop3A_130 : i32 to index
        %parallel_loop3A_391 = tpu.vector_load %arg8[%parallel_loop3A_389, %parallel_loop3A_390] {strides = array<i32>} : memref<38x1280xf32, #tpu.memory_space<vmem>>, vector<16xf32>,
        tpu.vector_store %arg8[%parallel_loop3A_389, %parallel_loop3A_390], %parallel_loop3A_347 {strides = array<i32>} : memref<38x1280xf32, #tpu.memory_space<vmem>>, vector<16xf32>,
        %parallel_loop3A_392 = arith.constant 33 : i32
        %parallel_loop3A_393 = arith.index_cast %parallel_loop3A_392 : i32 to index
        %parallel_loop3A_394 = arith.index_cast %parallel_loop3A_130 : i32 to index
        %parallel_loop3A_395 = tpu.vector_load %arg8[%parallel_loop3A_393, %parallel_loop3A_394] {strides = array<i32>} : memref<38x1280xf32, #tpu.memory_space<vmem>>, vector<16xf32>,
        tpu.vector_store %arg8[%parallel_loop3A_393, %parallel_loop3A_394], %parallel_loop3A_350 {strides = array<i32>} : memref<38x1280xf32, #tpu.memory_space<vmem>>, vector<16xf32>,
        %parallel_loop3A_396 = arith.constant 34 : i32
        %parallel_loop3A_397 = arith.index_cast %parallel_loop3A_396 : i32 to index
        %parallel_loop3A_398 = arith.index_cast %parallel_loop3A_130 : i32 to index
        %parallel_loop3A_399 = tpu.vector_load %arg8[%parallel_loop3A_397, %parallel_loop3A_398] {strides = array<i32>} : memref<38x1280xf32, #tpu.memory_space<vmem>>, vector<16xf32>,
        tpu.vector_store %arg8[%parallel_loop3A_397, %parallel_loop3A_398], %parallel_loop3A_353 {strides = array<i32>} : memref<38x1280xf32, #tpu.memory_space<vmem>>, vector<16xf32>,
        %parallel_loop3A_400 = arith.constant 35 : i32
        %parallel_loop3A_401 = arith.index_cast %parallel_loop3A_400 : i32 to index
        %parallel_loop3A_402 = arith.index_cast %parallel_loop3A_130 : i32 to index
        %parallel_loop3A_403 = tpu.vector_load %arg8[%parallel_loop3A_401, %parallel_loop3A_402] {strides = array<i32>} : memref<38x1280xf32, #tpu.memory_space<vmem>>, vector<16xf32>,
        tpu.vector_store %arg8[%parallel_loop3A_401, %parallel_loop3A_402], %parallel_loop3A_356 {strides = array<i32>} : memref<38x1280xf32, #tpu.memory_space<vmem>>, vector<16xf32>,
        %parallel_loop3A_404 = arith.constant 36 : i32
        %parallel_loop3A_405 = arith.index_cast %parallel_loop3A_404 : i32 to index
        %parallel_loop3A_406 = arith.index_cast %parallel_loop3A_130 : i32 to index
        %parallel_loop3A_407 = tpu.vector_load %arg8[%parallel_loop3A_405, %parallel_loop3A_406] {strides = array<i32>} : memref<38x1280xf32, #tpu.memory_space<vmem>>, vector<16xf32>,
        tpu.vector_store %arg8[%parallel_loop3A_405, %parallel_loop3A_406], %parallel_loop3A_359 {strides = array<i32>} : memref<38x1280xf32, #tpu.memory_space<vmem>>, vector<16xf32>,
        %parallel_loop3A_408 = arith.constant 1 : i32
        %parallel_loop3A_409 = arith.constant 2 : i32
        %parallel_loop3A_410 = arith.index_cast %parallel_loop3A_408 : i32 to index
        %parallel_loop3A_411 = arith.index_cast %parallel_loop3A_409 : i32 to index
        %parallel_loop3A_412 = arith.index_cast %parallel_loop3A_130 : i32 to index
        %parallel_loop3A_413 = tpu.vector_load %arg6[%parallel_loop3A_410, %parallel_loop3A_411, %parallel_loop3A_412] {strides = array<i32>} : memref<2x3x1280xi32, #tpu.memory_space<vmem>>, vector<16xi32>,
        %parallel_loop3A_414 = arith.sitofp %parallel_loop3A_413 : vector<16xi32> to vector<16xf32>
        %parallel_loop3A_415 = arith.constant 37 : i32
        %parallel_loop3A_416 = arith.index_cast %parallel_loop3A_415 : i32 to index
        %parallel_loop3A_417 = arith.index_cast %parallel_loop3A_130 : i32 to index
        %parallel_loop3A_418 = tpu.vector_load %arg8[%parallel_loop3A_416, %parallel_loop3A_417] {strides = array<i32>} : memref<38x1280xf32, #tpu.memory_space<vmem>>, vector<16xf32>,
        tpu.vector_store %arg8[%parallel_loop3A_416, %parallel_loop3A_417], %parallel_loop3A_414 {strides = array<i32>} : memref<38x1280xf32, #tpu.memory_space<vmem>>, vector<16xf32>,
      } {sc.loop_unroll_factor = 2 : i64, sc.parallel_access}
      %dma_start3A_125 = arith.constant 39 : i32
      %dma_start3A_126 = tpu.memref_slice %arg5[%dma_start3A_125, %add3A_84] : memref<77x819200xf32, #tpu.memory_space<hbm>> -> memref<38x1280xf32, #tpu.memory_space<hbm>>
      %dma_start3A_127 = arith.constant 39 : i32
      %dma_start3A_128 = tpu.memref_slice %arg5[%dma_start3A_127, %add3A_84] : memref<77x819200xf32, #tpu.memory_space<hbm>> -> memref<38x1280xf32, #tpu.memory_space<hbm>>
      tpu.enqueue_dma source(%arg8 : memref<38x1280xf32, #tpu.memory_space<vmem>>) target(%dma_start3A_128 : memref<38x1280xf32, #tpu.memory_space<hbm>>) target_semaphore(%arg14 : memref<!tpu.dma_semaphore, #tpu.memory_space<semaphore_mem>>)
      %scan3A_129 = arith.constant 0 : i32
      scf.yield %scan3A_129 : i32
    }
    %scan3A_20 = arith.constant 10 : i32
    %add3A_21 = arith.constant 24320 : i32
    %add3A_22 = arith.addi %mul3A_2, %add3A_21 : i32
    %dma_wait3A = arith.constant 0 : i32
    %dma_wait3A_23 = tpu.memref_slice %arg5[%dma_wait3A, %add3A_22] : memref<77x819200xf32, #tpu.memory_space<hbm>> -> memref<39x1280xf32, #tpu.memory_space<hbm>>
    %dma_wait3A_24 = arith.constant 0 : i32
    %dma_wait3A_25 = tpu.memref_slice %arg5[%dma_wait3A_24, %add3A_22] : memref<77x819200xf32, #tpu.memory_space<hbm>> -> memref<39x1280xf32, #tpu.memory_space<hbm>>
    tpu.wait_dma2 semaphore(%arg13 : memref<!tpu.dma_semaphore, #tpu.memory_space<semaphore_mem>>) src(%arg7 : memref<39x1280xf32, #tpu.memory_space<vmem>>) dst(%dma_wait3A_25 : memref<39x1280xf32, #tpu.memory_space<hbm>>)
    %dma_wait3A_26 = arith.constant 39 : i32
    %dma_wait3A_27 = tpu.memref_slice %arg5[%dma_wait3A_26, %add3A_22] : memref<77x819200xf32, #tpu.memory_space<hbm>> -> memref<38x1280xf32, #tpu.memory_space<hbm>>
    %dma_wait3A_28 = arith.constant 39 : i32
    %dma_wait3A_29 = tpu.memref_slice %arg5[%dma_wait3A_28, %add3A_22] : memref<77x819200xf32, #tpu.memory_space<hbm>> -> memref<38x1280xf32, #tpu.memory_space<hbm>>
    tpu.wait_dma2 semaphore(%arg14 : memref<!tpu.dma_semaphore, #tpu.memory_space<semaphore_mem>>) src(%arg8 : memref<38x1280xf32, #tpu.memory_space<vmem>>) dst(%dma_wait3A_29 : memref<38x1280xf32, #tpu.memory_space<hbm>>)
    return
  }
}

</mosaic_0001>

<sc_bundles>
// kernel: _run.3.cloned.1.call-start
scs
__scs_entry_jumppad:
0x0: {  	(pc) =	sbr.rel $0x88, $3  }
0x1: {  	(tag) =	ssettag $0x0;
	lr =	simm.s32 $0x1  }
0x2: {  	[smem:$0x3F9E] =	sst lr;
	_ =	strace $0xD0000000  }
0x3: {  	_ = 	snop  }
0x4: {  	_ = 	snop  }
0x5: {  	_ = 	snop  }
0x6: {  	_ = 	snop  }
0x7: {  	_ = 	snop  }
__scs_overlays_trampoline_lowered:
0x8: {  	[smem:$0x3FAD] =	sst s0  }
0x9: {  	[smem:$0x3FAE] =	sst s1  }
0xa: {  	[smem:$0x3FAF] =	sst s2  }
0xb: {  	[smem:$0x3FB0] =	sst s3  }
0xc: {  	[smem:$0x3FB1] =	sst s4  }
0xd: {  	[smem:$0x3FB2] =	sst s5  }
0xe: {  	[smem:$0x3FB3] =	sst s6  }
0xf: {  	[smem:$0x3FB4] =	sst s7  }
0x10: {  	[smem:$0x3FB5] =	sst s8  }
0x11: {  	[smem:$0x3FB6] =	sst s9;
	s0 =	simm.s32 @!p0 $0x0  }
0x12: {  	s1 =	sld [smem:$0x3F9C];
	s0 =	simm.s32 @p0 $0x1  }
0x13: {  	[smem:$0x3FB7] =	sst s0;
	s0 =	simm.s32 @!p1 $0x0  }
0x14: {  	s2 =	sld [smem:$0x3F9B];
	s0 =	simm.s32 @p1 $0x1  }
0x15: {  	[smem:$0x3FB8] =	sst s0;
	s0 =	simm.s32 @!p2 $0x0  }
0x16: {  	s3 =	sld [smem:$0x3FDB];
	s0 =	simm.s32 @p2 $0x1  }
0x17: {  	s4 =	simm.s32 $0x1BF5;
	[smem:$0x3FBA] =	sst s0  }
0x18: {  	s0 =	sld [smem:$0x3F9D];
	_ =	swait.ge [sflag:s4], $0x0  }
0x19: {  	s7 =	sld [smem:$0x3F9E]  }
0x1a: {  	s8 =	sadd.s32 $0xFFFFE003, lr  }
0x1b: {  	s9 =	sadd.s32 $0xFFFFFEF7, lr;
	s5 =	simm.s32 $0xFFFFFFFF;
	p2 =	slt.u32 s8, $0xFFFFF086  }
0x1c: {  	p1 =	slt.u32 s9, $0xF7A;
	s5 =	simm.s32 @!p2 $0x0  }
0x1d: {  	s5 =	simm.s32 @p1 $0x1;
	p0 =	seq.s32 s7, s2  }
0x1e: {  	s7 =	smul.u32 @!p0 $0xF7A, s2;
	p2 =	seq.s32 @!p0 s5, $0x0  }
0x1f: {  	s9 =	smul.u32 $0xF7A, s1;
	s8 =	simm.s32 @!p0 $0x1BF5;
	p2 =	por !p2, p0  }
0x20: {  	[sflag:s8] =	ssyncset.s32 @!p0 $0xFFFFF086;
	s6 =	sadd.s32 @!p0 s3, s7;
	s7 =	simm.s32 @!p0 $0x108  }
0x21: {  	s3 =	sadd.s32 s3, s9;
	s6 =	sadd.s32 @!p0 $0x88, s6;
	s7 =	simm.s32 @p2 $0x1082  }
0x22: {  	[simem:s7], [sflag:s8] =	dma.local @!p0 [hbm:s6], $0xF7A  }
0x23: {  	s9 =	sor.u32 $0xD0000000, s2;
	s6 =	simm.s32 $0x108;
	_ =	swait.ge @!p0 [sflag:s8], $0x0  }
0x24: {  	s3 =	sadd.s32 $0x88, s3;
	s6 =	simm.s32 @!p1 $0x1082;
	[sflag:s4] =	ssyncset.s32 $0xFFFFF086  }
0x25: {  	[simem:s6], [sflag:s4] =	dma.local [hbm:s3], $0xF7A  }
0x26: {  	[smem:$0x3F9E] =	sst s1;
	(tag) =	ssettag s2;
	_ =	strace s9  }
0x27: {  	s1 =	sld [smem:$0x3FAE]  }
0x28: {  	s2 =	sld [smem:$0x3FAF]  }
0x29: {  	s4 =	sld [smem:$0x3FB1]  }
0x2a: {  	p0 =	seq.s32 s5, $0x0;
	s5 =	sld [smem:$0x3FB2]  }
0x2b: {  	s6 =	sld [smem:$0x3FB3]  }
0x2c: {  	s7 =	sld [smem:$0x3FB4]  }
0x2d: {  	s3 =	simm.s32 $0x108;
	s8 =	sld [smem:$0x3FB5]  }
0x2e: {  	s3 =	simm.s32 @!p0 $0x1082;
	s9 =	sld [smem:$0x3FB6]  }
0x2f: {  	lr =	sadd.s32 s0, s3;
	s0 =	sld [smem:$0x3FAD]  }
0x30: {  	s3 =	sld [smem:$0x3FB0]  }
0x31: {  	[smem:$0x3FB9] =	sst s10  }
0x32: {  	s10 =	sld [smem:$0x3FB7];
	_ =	sdelay $0x3  }
0x33: {  	p0 =	seq.s32 s10, $0x1;
	s10 =	sld [smem:$0x3FB9];
	_ =	sdelay $0x3  }
0x34: {  	[smem:$0x3FB9] =	sst s10  }
0x35: {  	s10 =	sld [smem:$0x3FB8];
	_ =	sdelay $0x3  }
0x36: {  	p1 =	seq.s32 s10, $0x1;
	s10 =	sld [smem:$0x3FB9];
	_ =	sdelay $0x3  }
0x37: {  	[smem:$0x3FB9] =	sst s10  }
0x38: {  	s10 =	sld [smem:$0x3FBA]  }
0x39: {  	_ = 	snop;
	(pc) =	sbr.ind lr, $3  }
0x3a: {  	_ = 	snop  }
0x3b: {  	_ = 	snop  }
0x3c: {  	p2 =	seq.s32 s10, $0x1;
	s10 =	sld [smem:$0x3FB9]  }
0x3d: {  	_ =	shalt  }
0x3e: {  	_ =	shalt  }
0x3f: {  	_ =	shalt  }
0x40: {  	_ =	shalt  }
0x41: {  	_ =	shalt  }
0x42: {  	_ =	shalt  }
0x43: {  	_ =	shalt  }
0x44: {  	_ =	shalt  }
0x45: {  	_ =	shalt  }
0x46: {  	_ =	shalt  }
0x47: {  	_ =	shalt  }
0x48: {  	_ =	shalt  }
0x49: {  	_ =	shalt  }
0x4a: {  	_ =	shalt  }
0x4b: {  	_ =	shalt  }
0x4c: {  	_ =	shalt  }
0x4d: {  	_ =	shalt  }
0x4e: {  	_ =	shalt  }
0x4f: {  	_ =	shalt  }
0x50: {  	_ =	shalt  }
0x51: {  	_ =	shalt  }
0x52: {  	_ =	shalt  }
0x53: {  	_ =	shalt  }
0x54: {  	_ =	shalt  }
0x55: {  	_ =	shalt  }
0x56: {  	_ =	shalt  }
0x57: {  	_ =	shalt  }
0x58: {  	_ =	shalt  }
0x59: {  	_ =	shalt  }
0x5a: {  	_ =	shalt  }
0x5b: {  	_ =	shalt  }
0x5c: {  	_ =	shalt  }
0x5d: {  	_ =	shalt  }
0x5e: {  	_ =	shalt  }
0x5f: {  	_ =	shalt  }
0x60: {  	_ =	shalt  }
0x61: {  	_ =	shalt  }
0x62: {  	_ =	shalt  }
0x63: {  	_ =	shalt  }
0x64: {  	_ =	shalt  }
0x65: {  	_ =	shalt  }
0x66: {  	_ =	shalt  }
0x67: {  	_ =	shalt  }
0x68: {  	_ =	shalt  }
0x69: {  	_ =	shalt  }
0x6a: {  	_ =	shalt  }
0x6b: {  	_ =	shalt  }
0x6c: {  	_ =	shalt  }
0x6d: {  	_ =	shalt  }
0x6e: {  	_ =	shalt  }
0x6f: {  	_ =	shalt  }
0x70: {  	_ =	shalt  }
0x71: {  	_ =	shalt  }
0x72: {  	_ =	shalt  }
0x73: {  	_ =	shalt  }
0x74: {  	_ =	shalt  }
0x75: {  	_ =	shalt  }
0x76: {  	_ =	shalt  }
0x77: {  	_ =	shalt  }
0x78: {  	_ =	shalt  }
0x79: {  	_ =	shalt  }
0x7a: {  	_ =	shalt  }
0x7b: {  	_ =	shalt  }
0x7c: {  	_ =	shalt  }
0x7d: {  	_ =	shalt  }
0x7e: {  	_ =	shalt  }
0x7f: {  	_ =	shalt  }
0x80: {  	_ =	shalt  }
0x81: {  	_ =	shalt  }
0x82: {  	_ =	shalt  }
0x83: {  	_ =	shalt  }
0x84: {  	_ =	shalt  }
0x85: {  	_ =	shalt  }
0x86: {  	_ =	shalt  }
0x87: {  	_ =	shalt  }
.Lfunc_end0:
.L_simem_size_0:
called_computation_lowered:
.L_overlay_start_0:
0x88: {  	s2 =	sld [smem:$0x3FD9]  }
0x89: {  	s3 =	sld [smem:$0x3FFE];
	_ =	sdelay $0x1  }
0x8a: {  	s1 =	srdreg.scid  }
0x8b: {  	s0 =	sand.u32 $0x1, s1  }
0x8c: {  	s16 =	sshll.u32 s0, $0xA;
	s2 =	sadd.s32 s3, s2  }
0x8d: {  	s2 =	sadd.s32 s2, s16  }
0x8e: {  	[smem:$0x3FC5] =	sst s2  }
0x8f: {  	_ = 	snop  }
0x90: {  	(tm) =	ssettm $0x1  }
0x91: {  	s17 =	sld [smem:$0x3FFB];
	_ =	sdelay $0x3  }
0x92: {  	_ =	strace s17  }
0x93: {  	s2 =	sld [smem:$0x3FFC];
	_ =	sdelay $0x3  }
0x94: {  	_ =	strace s2  }
0x95: {  	s2 =	sld [smem:$0x3FFD];
	_ =	sdelay $0x3  }
0x96: {  	_ =	strace s2  }
0x97: {  	_ =	strace $0x8FFFFFFF  }
0x98: {  	s18 =	sld [smem:$0x3FDB];
	_ =	sdelay $0x1  }
0x99: {  	s19 =	simm.s32 $_scs_section_size  }
0x9a: {  	s4 =	simm.s32 $_size__tile_overlayer_lowered;
	s5 =	simm.s32 $_tile_overlayer_lowered  }
0x9b: {  	s22 =	simm.s32 $0x1BFF;
	s21 =	sshll.u32 s5, $0x1;
	s2 =	sadd.s32 s19, s18  }
0x9c: {  	s6 =	simm.s32 $0x0;
	s20 =	sshll.u32 s4, $0x1;
	s4 =	sadd.s32 s21, s2  }
0x9d: {  	[timem:s6], [sflag:s22] =	dma.local [hbm:s4], s20  }
0x9e: {  	_ =	swait.ge [sflag:s22], s20  }
0x9f: {  	s3 =	ssub.s32 $0x0, s20;
	[sflag:s22] =	ssyncset.done $0x0  }
0xa0: {  	[sflag:s22] =	ssyncadd.s32 s3;
	_ =	sdelay $0x1  }
0xa1: {  	s23 =	simm.s32 $0x1B8B  }
0xa2: {  	_ =	swait.ge [sflag:s23], $0x1  }
0xa3: {  	[sflag:s23] =	ssyncset.done $0x0  }
0xa4: {  	s25 =	simm.s32 $0x1B8E;
	s24 =	sld [smem:$0x3FFE];
	[sflag:s23] =	ssyncadd.s32 $0xFFFFFFFF  }
0xa5: {  	s26 =	simm.s32 $execute0_lowered;
	[smem:$0x3FD2] =	sst s25  }
0xa6: {  	s4 =	sshll.u32 s26, $0x1;
	_ =	strace $0x80000046;
	[dreg:$0x1] =	wrdreg $0xFFFFFFFF  }
0xa7: {  	s28 =	simm.s32 $_size_execute0_lowered;
	s2 =	sadd.s32 s2, s4;
	[dreg:$0x0] =	wrdreg $0x0  }
0xa8: {  	s4 =	sshll.u32 s28, $0x1;
	[dreg:$0x2] =	wrdreg s2  }
0xa9: {  	[dreg:$0x3] =	wrdreg s4  }
0xaa: {  	[dreg:$0x4] =	wrdreg $0xC0  }
0xab: {  	_ =	task [dreg:s6], $0x5FFFF  }
0xac: {  	[dreg:$0x1] =	wrdreg $0xFFFFFFFF  }
0xad: {  	[dreg:$0x0] =	wrdreg $0x60  }
0xae: {  	[dreg:$0x2] =	wrdreg s24  }
0xaf: {  	[dreg:$0x3] =	wrdreg $0x9  }
0xb0: {  	_ =	task.clear_ibuf [dreg:s6], $0x4FFFF;
	_ =	strace $0x90000046  }
0xb1: {  	s29 =	simm.s32 $0x9;
	_ =	strace $0x80000048  }
0xb2: {  	_ =	swait.ge [sflag:s29], $0x1  }
0xb3: {  	[sflag:s29] =	ssyncadd.s32 $0xFFFFFFFF  }
0xb4: {  	_ =	strace $0x90000048  }
0xb5: {  	_ =	sfence  }
0xb6: {  	s30 =	sld [smem:$0x0];
	_ =	sdelay $0x2  }
0xb7: {  	s31 =	sshll.u32 s1, $0xD;
	s1 =	sshrl.u32 s1, $0x2  }
0xb8: {  	s3 =	sand.u32 $0x4000, s31;
	s1 =	sadd.s32 s1, s30  }
0xb9: {  	s0 =	sor.u32 s3, s0;
	s1 =	sshll.u32 s1, $0x11  }
0xba: {  	s0 =	sor.u32 s1, s0  }
0xbb: {  	s0 =	sadd.s32 $0x8F2B, s0  }
0xbc: {  	[sflag:s0] =	ssyncadd.remote.s32 $0x1  }
0xbd: {  	_ =	sfence.sel $0xFFFF  }
0xbe: {  	[dreg:$0x0] =	wrdreg $0xFFFFFFFF;
	(pc) =	sbr.abs _section_cstart, $3  }
0xbf: {  	[dreg:$0x1] =	wrdreg $0xFFFFFFFF  }
0xc0: {  	_ =	task.clear_ibuf [dreg:s6], $0x2FFFF;
	_ =	strace $0x9FFFFFFF  }
0xc1: {  	(tm) =	ssettm $0x7FFFFFFF  }
tec
execute0_lowered:
.L_overlay_start_1:
0x0: {  	(tag) =	ssettag $0x1  }
0x1: {  	s0 =	rddreg [dreg:$0x0];
	s1 =	srdreg.scid  }
0x2: {  	s3 =	stileid.u32;
	s2 =	simm.s32 $0x0;
	s11 =	simm.s32 $0x19F00  }
0x3: {  	s12 =	simm.s32 $0x5;
	s13 =	simm.s32 $0x1DF00;
	s14 =	simm.s32 $0x500  }
0x4: {  	s15 =	simm.s32 $0xC8000;
	s16 =	simm.s32 $0x1;
	s17 =	simm.s32 $0xF00  }
0x5: {  	s18 =	simm.s32 $0x1E00;
	s19 =	simm.s32 $0xE100;
	s20 =	simm.s32 $0x2  }
0x6: {  	s21 =	simm.s32 $0x3;
	s22 =	simm.s32 $0x4;
	s23 =	simm.s32 $0x0  }
0x7: {  	s1 =	sand.u32 $0x1, s1;
	s3 =	sshll.u32 s3, $0x1;
	[smem:$0x7FF] =	sst s2  }
0x8: {  	s4 =	sadd.s32 $0x1000, s0;
	s5 =	sadd.s32 $0x800, s0;
	s3 =	sor.u32 s1, s3  }
0x9: {  	s6 =	sadd.s32 $0x600, s0;
	s1 =	ssub.s32 $0x2, s1;
	s3 =	smul.u32 $0x6400, s3  }
0xa: {  	s7 =	sadd.s32 $0x4C000, s0;
	_ =	strace $0x80000047;
	s30 =	sshrl.u32 s1, $0x1  }
0xb: {  	[dreg:$0x2] =	wrdreg s5;
	s31 =	ssub.s32 s1, s30;
	s8 =	sshrl.u32 s3, $0x3  }
0xc: {  	s9 =	sadd.s32 $0x500, s3;
	s10 =	smax.u32 s31, $0x1;
	s8 =	sadd.s32 s4, s8  }
.LBB2_1:
0xd: {  	s0 =	rddreg [dreg:$0x2]  }
0xe: {  	[tilespmem:s11], [sflag:$0x5] =	stream.linear.gather [hbm4b:s0+s2], $0x4000, $0x38;
	[tilespmem:$0x1EB00] =	vst v63  }
0xf: {  	_ =	swait.ge [sflag:s12], $0x4000  }
0x10: {  	[sflag:s12] =	ssyncset.done $0x0  }
0x11: {  	[sflag:s12] =	ssyncadd.s32 $0xFFFFC000  }
0x12: {  	[tilespmem:s13], [sflag:$0x5] =	stream.linear.gather [hbm4b:s6+s2], $0xC00, $0x38;
	[tilespmem:$0x1EB00] =	vst v63  }
0x13: {  	_ =	swait.ge [sflag:s12], $0xC00  }
0x14: {  	[sflag:s12] =	ssyncset.done $0x0  }
0x15: {  	s24 =	simm.s32 $0x0;
	[sflag:s12] =	ssyncadd.s32 $0xFFFFF400  }
0x16: {  	[tilespmem:s2], [sflag:$0x1] =	stream.strided.gather [hbm4b:s8+s14], $0xF00, s15, s14, $0x38;
	[tilespmem:$0x1EB00] =	vst v63  }
.LBB2_2:
0x17: {  	s25 =	smul.u32 $0xA00, s24;
	_ =	sdelay $0x1  }
0x18: {  	s0 =	sadd.s32 s3, s25  }
0x19: {  	_ =	swait.ge [sflag:s16], $0xF00;
	s26 =	sshrl.u32 s0, $0x3  }
0x1a: {  	[sflag:s16] =	ssyncset.done $0x0;
	s0 =	sadd.s32 s4, s26  }
0x1b: {  	p0 =	seq.s32 s24, $0x0;
	[sflag:s16] =	ssyncadd.s32 $0xFFFFF100;
	s0 =	sadd.s32 $0xA0, s0  }
0x1c: {  	[tilespmem:s17], [sflag:$0x2] =	stream.strided.gather [hbm4b:s0+s14], $0xF00, s15, s14, $0x38;
	[tilespmem:$0x1EB00] =	vst v63  }
0x1d: {  	s0 =	simm.s32 @!p0 $0x3  }
0x1e: {  	_ =	swait.ge @!p0 [sflag:s0], $0xC300  }
0x1f: {  	[sflag:s0] =	ssyncset.done @!p0 $0x0  }
0x20: {  	s28 =	simm.s32 $0x0;
	[sflag:s0] =	ssyncadd.s32 @!p0 $0xFFFF3D00  }
0x21: {  	v0 =	vld [tilespmem:s28+$0x510];
	_ =	sdelay $0x4  }
0x22: {  	v1 =	vand.u32 $0xFF, v0  }
0x23: {  	v0 =	vor.u32 $0x100, v1  }
0x24: {  	v2 =	vld [tilespmem:s28+$0x500];
	v3 =	vor.u32 $0x200, v1  }
0x25: {  	v4 =	vor.u32 $0x300, v1  }
0x26: {  	v5 =	vor.u32 $0x400, v1  }
0x27: {  	v7 =	vor.u32 $0x500, v1;
	v6 =	vld.idx.msk [tilespmem:v1+s11+$0x0], $0xffff  }
0x28: {  	v9 =	vor.u32 $0x600, v1;
	v8 =	vld.idx.msk [tilespmem:v0+s11+$0x0], $0xffff  }
0x29: {  	v0 =	vand.u32 $0xFF, v2;
	v2 =	vld.idx.msk [tilespmem:v3+s11+$0x0], $0xffff;
	v3 =	vor.u32 $0x700, v1  }
0x2a: {  	v4 =	vld.idx.msk [tilespmem:v4+s11+$0x0], $0xffff  }
0x2b: {  	v5 =	vld.idx.msk [tilespmem:v5+s11+$0x0], $0xffff  }
0x2c: {  	v7 =	vld.idx.msk [tilespmem:v7+s11+$0x0], $0xffff  }
0x2d: {  	v9 =	vld.idx.msk [tilespmem:v9+s11+$0x0], $0xffff  }
0x2e: {  	v12 =	vor.u32 $0x300, v0;
	v3 =	vld.idx.msk [tilespmem:v3+s11+$0x0], $0xffff;
	[tilespmem:s28+$0x1E10] =	vst v6  }
0x2f: {  	v13 =	vor.u32 $0x400, v0;
	[tilespmem:s28+$0x2310] =	vst v8  }
0x30: {  	v14 =	vor.u32 $0x500, v0;
	[tilespmem:s28+$0x2810] =	vst v2  }
0x31: {  	[tilespmem:s28+$0x2D10] =	vst v4;
	v4 =	vor.u32 $0x800, v1  }
0x32: {  	[tilespmem:s28+$0x3210] =	vst v5;
	v5 =	vor.u32 $0x900, v1  }
0x33: {  	[tilespmem:s28+$0x3710] =	vst v7;
	v7 =	vor.u32 $0xA00, v1;
	v2 =	vld.idx.msk [tilespmem:v12+s11+$0x0], $0xffff  }
0x34: {  	v37 =	vor.u32 $0xB00, v1;
	[tilespmem:s28+$0x3C10] =	vst v9;
	v35 =	vld.idx.msk [tilespmem:v13+s11+$0x0], $0xffff  }
0x35: {  	v36 =	vld.idx.msk [tilespmem:v14+s11+$0x0], $0xffff;
	v12 =	vor.u32 $0xD00, v1;
	[tilespmem:s28+$0x4110] =	vst v3  }
0x36: {  	v13 =	vor.u32 $0xE00, v1;
	v4 =	vld.idx.msk [tilespmem:v4+s11+$0x0], $0xffff  }
0x37: {  	v3 =	vor.u32 $0xC00, v1;
	v5 =	vld.idx.msk [tilespmem:v5+s11+$0x0], $0xffff  }
0x38: {  	v14 =	vor.u32 $0xF00, v1;
	v7 =	vld.idx.msk [tilespmem:v7+s11+$0x0], $0xffff  }
0x39: {  	v9 =	vld.idx.msk [tilespmem:v37+s11+$0x0], $0xffff  }
0x3a: {  	v12 =	vld.idx.msk [tilespmem:v12+s11+$0x0], $0xffff  }
0x3b: {  	v10 =	vor.u32 $0x100, v0;
	v13 =	vld.idx.msk [tilespmem:v13+s11+$0x0], $0xffff  }
0x3c: {  	v11 =	vor.u32 $0x200, v0;
	v3 =	vld.idx.msk [tilespmem:v3+s11+$0x0], $0xffff  }
0x3d: {  	v14 =	vld.idx.msk [tilespmem:v14+s11+$0x0], $0xffff;
	[tilespmem:s28+$0x4610] =	vst v4  }
0x3e: {  	[tilespmem:s28+$0x4B10] =	vst v5  }
0x3f: {  	[tilespmem:s28+$0x5010] =	vst v7  }
0x40: {  	v6 =	vld.idx.msk [tilespmem:v10+s11+$0x0], $0xffff;
	[tilespmem:s28+$0x5510] =	vst v9;
	v4 =	vor.u32 $0x1000, v1  }
0x41: {  	v34 =	vld.idx.msk [tilespmem:v11+s11+$0x0], $0xffff;
	v5 =	vor.u32 $0x1200, v1;
	[tilespmem:s28+$0x5A10] =	vst v3  }
0x42: {  	v7 =	vor.u32 $0x1300, v1;
	[tilespmem:s28+$0x5F10] =	vst v12  }
0x43: {  	v38 =	vor.u32 $0x1400, v1;
	[tilespmem:s28+$0x6410] =	vst v13  }
0x44: {  	v3 =	vor.u32 $0x1100, v1;
	[tilespmem:s28+$0x6910] =	vst v14  }
0x45: {  	v12 =	vor.u32 $0x1500, v1;
	v4 =	vld.idx.msk [tilespmem:v4+s11+$0x0], $0xffff  }
0x46: {  	v13 =	vor.u32 $0x1600, v1;
	v5 =	vld.idx.msk [tilespmem:v5+s11+$0x0], $0xffff  }
0x47: {  	v14 =	vor.u32 $0x1700, v1;
	v7 =	vld.idx.msk [tilespmem:v7+s11+$0x0], $0xffff  }
0x48: {  	v9 =	vld.idx.msk [tilespmem:v38+s11+$0x0], $0xffff  }
0x49: {  	v3 =	vld.idx.msk [tilespmem:v3+s11+$0x0], $0xffff  }
0x4a: {  	v12 =	vld.idx.msk [tilespmem:v12+s11+$0x0], $0xffff  }
0x4b: {  	v13 =	vld.idx.msk [tilespmem:v13+s11+$0x0], $0xffff  }
0x4c: {  	v15 =	vor.u32 $0x600, v0;
	v14 =	vld.idx.msk [tilespmem:v14+s11+$0x0], $0xffff;
	[tilespmem:s28+$0x6E10] =	vst v4  }
0x4d: {  	[tilespmem:s28+$0x7810] =	vst v5  }
0x4e: {  	v4 =	vor.u32 $0x700, v0;
	[tilespmem:s28+$0x7D10] =	vst v7  }
0x4f: {  	[tilespmem:s28+$0x8210] =	vst v9;
	v5 =	vor.u32 $0x1900, v1  }
0x50: {  	v39 =	vor.u32 $0x1A00, v1;
	[tilespmem:s28+$0x7310] =	vst v3  }
0x51: {  	v7 =	vld.idx.msk [tilespmem:v15+s11+$0x0], $0xffff;
	v15 =	vor.u32 $0x1D00, v1;
	[tilespmem:s28+$0x8710] =	vst v12  }
0x52: {  	v3 =	vor.u32 $0x1800, v1;
	[tilespmem:s28+$0x8C10] =	vst v13;
	v13 =	vld.idx.msk [tilespmem:v0+s11+$0x0], $0xffff  }
0x53: {  	v12 =	vor.u32 $0x1B00, v1;
	[tilespmem:s28+$0x9110] =	vst v14;
	v4 =	vld.idx.msk [tilespmem:v4+s11+$0x0], $0xffff  }
0x54: {  	v14 =	vor.u32 $0x1C00, v1;
	[tilespmem:s28+$0x2300] =	vst v6;
	v5 =	vld.idx.msk [tilespmem:v5+s11+$0x0], $0xffff  }
0x55: {  	[tilespmem:s28+$0x2800] =	vst v34;
	v40 =	vld.idx.msk [tilespmem:v39+s11+$0x0], $0xffff  }
0x56: {  	v6 =	vor.u32 $0x1E00, v1;
	[tilespmem:s28+$0x2D00] =	vst v2;
	v43 =	vld.idx.msk [tilespmem:v15+s11+$0x0], $0xffff  }
0x57: {  	v41 =	vor.u32 $0x1F00, v1;
	[tilespmem:s28+$0x3200] =	vst v35;
	v3 =	vld.idx.msk [tilespmem:v3+s11+$0x0], $0xffff  }
0x58: {  	[tilespmem:s28+$0x3C00] =	vst v7;
	v7 =	vor.u32 $0xA00, v0;
	v2 =	vld.idx.msk [tilespmem:v12+s11+$0x0], $0xffff  }
0x59: {  	s29 =	simm.s32 $0x20;
	v44 =	vor.u32 $0xB00, v0;
	[tilespmem:s28+$0x3700] =	vst v36;
	v42 =	vld.idx.msk [tilespmem:v14+s11+$0x0], $0xffff  }
0x5a: {  	v15 =	vor.u32 $0xC00, v0;
	[tilespmem:s28+$0x1E00] =	vst v13;
	v13 =	vld [tilespmem:s29+$0x510]  }
0x5b: {  	v12 =	vor.u32 $0x800, v0;
	v6 =	vld.idx.msk [tilespmem:v6+s11+$0x0], $0xffff;
	[tilespmem:s28+$0x4100] =	vst v4  }
0x5c: {  	v14 =	vor.u32 $0x900, v0;
	v4 =	vld.idx.msk [tilespmem:v41+s11+$0x0], $0xffff;
	[tilespmem:s28+$0x9B10] =	vst v5  }
0x5d: {  	v5 =	vor.u32 $0xE00, v0;
	[tilespmem:s28+$0xA010] =	vst v40;
	v16 =	vld.idx.msk [tilespmem:v7+s11+$0x0], $0xffff  }
0x5e: {  	v17 =	vld.idx.msk [tilespmem:v44+s11+$0x0], $0xffff;
	[tilespmem:s28+$0x9610] =	vst v3;
	v3 =	vor.u32 $0xD00, v0  }
0x5f: {  	v46 =	vld.idx.msk [tilespmem:v15+s11+$0x0], $0xffff;
	[tilespmem:s28+$0xA510] =	vst v2;
	v2 =	vor.u32 $0x2600, v1  }
0x60: {  	[tilespmem:s28+$0xAF10] =	vst v43;
	v12 =	vld.idx.msk [tilespmem:v12+s11+$0x0], $0xffff;
	v45 =	vand.u32 $0xFF, v13  }
0x61: {  	v14 =	vld.idx.msk [tilespmem:v14+s11+$0x0], $0xffff;
	[tilespmem:s28+$0xAA10] =	vst v42;
	v7 =	vor.u32 $0x100, v45  }
0x62: {  	v13 =	vld.idx.msk [tilespmem:v5+s11+$0x0], $0xffff;
	[tilespmem:s28+$0xB910] =	vst v4;
	v4 =	vor.u32 $0x300, v45  }
0x63: {  	[tilespmem:s28+$0xB410] =	vst v6;
	v48 =	vor.u32 $0x500, v45;
	v47 =	vld.idx.msk [tilespmem:v3+s11+$0x0], $0xffff  }
0x64: {  	v18 =	vor.u32 $0x700, v45;
	v6 =	vld.idx.msk [tilespmem:v2+s11+$0x0], $0xffff  }
0x65: {  	v3 =	vor.u32 $0x200, v45;
	v5 =	vld.idx.msk [tilespmem:v45+s11+$0x0], $0xffff  }
0x66: {  	v2 =	vor.u32 $0x400, v45;
	v15 =	vld.idx.msk [tilespmem:v7+s11+$0x0], $0xffff  }
0x67: {  	v7 =	vor.u32 $0x600, v45;
	v4 =	vld.idx.msk [tilespmem:v4+s11+$0x0], $0xffff  }
0x68: {  	v19 =	vor.u32 $0x2000, v1;
	v22 =	vld.idx.msk [tilespmem:v48+s11+$0x0], $0xffff  }
0x69: {  	v20 =	vor.u32 $0x2100, v1;
	v18 =	vld.idx.msk [tilespmem:v18+s11+$0x0], $0xffff  }
0x6a: {  	v26 =	vor.u32 $0xF00, v0;
	v3 =	vld.idx.msk [tilespmem:v3+s11+$0x0], $0xffff  }
0x6b: {  	v21 =	vor.u32 $0x2200, v1;
	v2 =	vld.idx.msk [tilespmem:v2+s11+$0x0], $0xffff  }
0x6c: {  	v23 =	vor.u32 $0x2300, v1;
	v24 =	vld.idx.msk [tilespmem:v7+s11+$0x0], $0xffff  }
0x6d: {  	v7 =	vld.idx.msk [tilespmem:v19+s11+$0x0], $0xffff;
	v19 =	vor.u32 $0x2500, v1;
	[tilespmem:s29+$0x1E10] =	vst v5  }
0x6e: {  	v49 =	vld.idx.msk [tilespmem:v20+s11+$0x0], $0xffff;
	[tilespmem:s29+$0x2310] =	vst v15  }
0x6f: {  	v25 =	vor.u32 $0x2400, v1;
	v20 =	vld.idx.msk [tilespmem:v26+s11+$0x0], $0xffff;
	[tilespmem:s29+$0x2D10] =	vst v4  }
0x70: {  	v5 =	vld.idx.msk [tilespmem:v21+s11+$0x0], $0xffff;
	v15 =	vor.u32 $0x800, v45;
	[tilespmem:s29+$0x3710] =	vst v22  }
0x71: {  	v1 =	vld.idx.msk [tilespmem:v23+s11+$0x0], $0xffff;
	[tilespmem:s29+$0x3210] =	vst v2;
	v2 =	vor.u32 $0x900, v45  }
0x72: {  	[tilespmem:s29+$0x4110] =	vst v18;
	v4 =	vld.idx.msk [tilespmem:v19+s11+$0x0], $0xffff;
	v19 =	vor.u32 $0xA00, v45  }
0x73: {  	v21 =	vor.u32 $0xB00, v45;
	v22 =	vld [tilespmem:s29+$0x500];
	[tilespmem:s29+$0x2810] =	vst v3  }
0x74: {  	v18 =	vor.u32 $0xC00, v45;
	v3 =	vld.idx.msk [tilespmem:v25+s11+$0x0], $0xffff;
	[tilespmem:s29+$0x3C10] =	vst v24  }
0x75: {  	[tilespmem:s28+$0x4600] =	vst v12;
	v12 =	vld.idx.msk [tilespmem:v15+s11+$0x0], $0xffff;
	v15 =	vor.u32 $0xD00, v45  }
0x76: {  	[tilespmem:s28+$0x4B00] =	vst v14;
	v14 =	vld.idx.msk [tilespmem:v2+s11+$0x0], $0xffff;
	v2 =	vor.u32 $0xE00, v45  }
0x77: {  	[tilespmem:s28+$0x5000] =	vst v16;
	v16 =	vld.idx.msk [tilespmem:v19+s11+$0x0], $0xffff;
	v19 =	vor.u32 $0xF00, v45  }
0x78: {  	[tilespmem:s28+$0x5500] =	vst v17;
	v17 =	vld.idx.msk [tilespmem:v21+s11+$0x0], $0xffff;
	v21 =	vor.u32 $0x1100, v0  }
0x79: {  	[tilespmem:s28+$0x5A00] =	vst v46;
	v50 =	vld.idx.msk [tilespmem:v18+s11+$0x0], $0xffff;
	v18 =	vor.u32 $0x1200, v0  }
0x7a: {  	[tilespmem:s28+$0x6400] =	vst v13;
	v23 =	vor.u32 $0x1000, v0;
	v51 =	vld.idx.msk [tilespmem:v15+s11+$0x0], $0xffff  }
0x7b: {  	[tilespmem:s28+$0x6900] =	vst v20;
	v24 =	vor.u32 $0x1400, v0;
	v13 =	vld.idx.msk [tilespmem:v2+s11+$0x0], $0xffff;
	v2 =	vand.u32 $0xFF, v22  }
0x7c: {  	[tilespmem:s28+$0x5F00] =	vst v47;
	v19 =	vld.idx.msk [tilespmem:v19+s11+$0x0], $0xffff;
	v22 =	vor.u32 $0x100, v2  }
0x7d: {  	[tilespmem:s29+$0x4610] =	vst v12;
	v12 =	vld.idx.msk [tilespmem:v21+s11+$0x0], $0xffff;
	v21 =	vor.u32 $0x200, v2  }
0x7e: {  	[tilespmem:s29+$0x4B10] =	vst v14;
	v14 =	vld.idx.msk [tilespmem:v18+s11+$0x0], $0xffff;
	v18 =	vor.u32 $0x300, v2  }
0x7f: {  	v20 =	vld.idx.msk [tilespmem:v23+s11+$0x0], $0xffff;
	v26 =	vor.u32 $0x400, v2  }
0x80: {  	[tilespmem:s29+$0x5510] =	vst v17;
	v17 =	vld.idx.msk [tilespmem:v24+s11+$0x0], $0xffff;
	v27 =	vor.u32 $0x500, v2  }
0x81: {  	v28 =	vor.u32 $0x600, v2;
	v22 =	vld.idx.msk [tilespmem:v22+s11+$0x0], $0xffff  }
0x82: {  	v29 =	vor.u32 $0x700, v2;
	v21 =	vld.idx.msk [tilespmem:v21+s11+$0x0], $0xffff  }
0x83: {  	v18 =	vld.idx.msk [tilespmem:v18+s11+$0x0], $0xffff  }
0x84: {  	[tilespmem:s29+$0x5010] =	vst v16;
	v16 =	vor.u32 $0x1000, v45;
	v26 =	vld.idx.msk [tilespmem:v26+s11+$0x0], $0xffff  }
0x85: {  	v52 =	vor.u32 $0x1100, v45;
	[tilespmem:s29+$0x5A10] =	vst v50;
	v27 =	vld.idx.msk [tilespmem:v27+s11+$0x0], $0xffff  }
0x86: {  	v53 =	vor.u32 $0x1200, v45;
	[tilespmem:s29+$0x5F10] =	vst v51;
	v28 =	vld.idx.msk [tilespmem:v28+s11+$0x0], $0xffff  }
0x87: {  	v23 =	vor.u32 $0x1500, v45;
	[tilespmem:s29+$0x6410] =	vst v13;
	v55 =	vld.idx.msk [tilespmem:v29+s11+$0x0], $0xffff  }
0x88: {  	v24 =	vor.u32 $0x1600, v45;
	[tilespmem:s29+$0x6910] =	vst v19;
	v29 =	vld.idx.msk [tilespmem:v2+s11+$0x0], $0xffff  }
0x89: {  	v25 =	vor.u32 $0x1700, v45;
	v16 =	vld.idx.msk [tilespmem:v16+s11+$0x0], $0xffff;
	[tilespmem:s29+$0x2300] =	vst v22  }
0x8a: {  	v13 =	vor.u32 $0x1300, v45;
	v10 =	vld.idx.msk [tilespmem:v52+s11+$0x0], $0xffff;
	[tilespmem:s29+$0x2800] =	vst v21  }
0x8b: {  	v19 =	vor.u32 $0x1400, v45;
	v11 =	vld.idx.msk [tilespmem:v53+s11+$0x0], $0xffff;
	[tilespmem:s29+$0x2D00] =	vst v18  }
0x8c: {  	v23 =	vld.idx.msk [tilespmem:v23+s11+$0x0], $0xffff;
	[tilespmem:s29+$0x3200] =	vst v26  }
0x8d: {  	v24 =	vld.idx.msk [tilespmem:v24+s11+$0x0], $0xffff;
	[tilespmem:s29+$0x3700] =	vst v27  }
0x8e: {  	v25 =	vld.idx.msk [tilespmem:v25+s11+$0x0], $0xffff;
	[tilespmem:s29+$0x3C00] =	vst v28  }
0x8f: {  	v30 =	vor.u32 $0x1500, v0;
	v13 =	vld.idx.msk [tilespmem:v13+s11+$0x0], $0xffff;
	[tilespmem:s29+$0x4100] =	vst v55  }
0x90: {  	v54 =	vor.u32 $0x1700, v0;
	v19 =	vld.idx.msk [tilespmem:v19+s11+$0x0], $0xffff;
	[tilespmem:s29+$0x6E10] =	vst v16  }
0x91: {  	v15 =	vor.u32 $0x1300, v0;
	[tilespmem:s29+$0x7310] =	vst v10  }
0x92: {  	v16 =	vor.u32 $0x1600, v0;
	[tilespmem:s29+$0x7810] =	vst v11  }
0x93: {  	[tilespmem:s29+$0x8710] =	vst v23;
	v23 =	vor.u32 $0x1A00, v45  }
0x94: {  	v30 =	vld.idx.msk [tilespmem:v30+s11+$0x0], $0xffff;
	[tilespmem:s29+$0x8C10] =	vst v24;
	v24 =	vor.u32 $0x1B00, v45  }
0x95: {  	v56 =	vor.u32 $0x1C00, v45;
	v31 =	vld.idx.msk [tilespmem:v54+s11+$0x0], $0xffff;
	[tilespmem:s29+$0x9110] =	vst v25  }
0x96: {  	v15 =	vld.idx.msk [tilespmem:v15+s11+$0x0], $0xffff;
	v22 =	vor.u32 $0x1D00, v45;
	[tilespmem:s29+$0x7D10] =	vst v13  }
0x97: {  	v21 =	vor.u32 $0x1E00, v45;
	[tilespmem:s29+$0x8210] =	vst v19;
	v16 =	vld.idx.msk [tilespmem:v16+s11+$0x0], $0xffff  }
0x98: {  	[tilespmem:s29+$0x1E00] =	vst v29;
	v19 =	vor.u32 $0x1900, v45;
	v18 =	vld.idx.msk [tilespmem:v23+s11+$0x0], $0xffff  }
0x99: {  	v13 =	vor.u32 $0x1800, v45;
	v24 =	vld.idx.msk [tilespmem:v24+s11+$0x0], $0xffff;
	[tilespmem:s28+$0x6E00] =	vst v20  }
0x9a: {  	v23 =	vor.u32 $0x1F00, v45;
	v10 =	vld.idx.msk [tilespmem:v56+s11+$0x0], $0xffff;
	[tilespmem:s28+$0x7300] =	vst v12  }
0x9b: {  	v27 =	vor.u32 $0xA00, v2;
	v22 =	vld.idx.msk [tilespmem:v22+s11+$0x0], $0xffff;
	[tilespmem:s28+$0x7800] =	vst v14  }
0x9c: {  	v57 =	vld.idx.msk [tilespmem:v21+s11+$0x0], $0xffff;
	v21 =	vor.u32 $0xC00, v2;
	[tilespmem:s28+$0x7D00] =	vst v15  }
0x9d: {  	v26 =	vor.u32 $0x900, v2;
	[tilespmem:s28+$0x8200] =	vst v17;
	v19 =	vld.idx.msk [tilespmem:v19+s11+$0x0], $0xffff  }
0x9e: {  	v28 =	vor.u32 $0xB00, v2;
	[tilespmem:s28+$0x8700] =	vst v30;
	v13 =	vld.idx.msk [tilespmem:v13+s11+$0x0], $0xffff  }
0x9f: {  	[tilespmem:s28+$0x9100] =	vst v31;
	v23 =	vld.idx.msk [tilespmem:v23+s11+$0x0], $0xffff  }
0xa0: {  	v29 =	vor.u32 $0xD00, v2;
	[tilespmem:s29+$0xA010] =	vst v18;
	v18 =	vld.idx.msk [tilespmem:v27+s11+$0x0], $0xffff  }
0xa1: {  	v32 =	vor.u32 $0xF00, v2;
	[tilespmem:s29+$0xA510] =	vst v24;
	v21 =	vld.idx.msk [tilespmem:v21+s11+$0x0], $0xffff  }
0xa2: {  	v25 =	vor.u32 $0x800, v2;
	[tilespmem:s29+$0x9B10] =	vst v19;
	v19 =	vld.idx.msk [tilespmem:v26+s11+$0x0], $0xffff  }
0xa3: {  	s30 =	simm.s32 $0x40;
	v31 =	vor.u32 $0x1C00, v0;
	[tilespmem:s29+$0xAA10] =	vst v10;
	v26 =	vld.idx.msk [tilespmem:v28+s11+$0x0], $0xffff  }
0xa4: {  	v24 =	vor.u32 $0x2600, v45;
	[tilespmem:s29+$0xAF10] =	vst v22;
	v28 =	vld [tilespmem:s30+$0x510]  }
0xa5: {  	v20 =	vor.u32 $0x2400, v45;
	v27 =	vld.idx.msk [tilespmem:v29+s11+$0x0], $0xffff;
	[tilespmem:s29+$0xB410] =	vst v57  }
0xa6: {  	v8 =	vor.u32 $0x2500, v45;
	[tilespmem:s28+$0x8C00] =	vst v16;
	v16 =	vld.idx.msk [tilespmem:v32+s11+$0x0], $0xffff  }
0xa7: {  	[tilespmem:s29+$0x9610] =	vst v13;
	v13 =	vld.idx.msk [tilespmem:v25+s11+$0x0], $0xffff;
	v25 =	vor.u32 $0xE00, v2  }
0xa8: {  	v63 =	vld.idx.msk [tilespmem:v31+s11+$0x0], $0xffff;
	[tilespmem:s29+$0xB910] =	vst v23;
	v23 =	vor.u32 $0x2300, v45  }
0xa9: {  	v24 =	vld.idx.msk [tilespmem:v24+s11+$0x0], $0xffff;
	v12 =	vand.u32 $0xFF, v28  }
0xaa: {  	v60 =	vld.idx.msk [tilespmem:v20+s11+$0x0], $0xffff;
	v15 =	vor.u32 $0x100, v12  }
0xab: {  	v61 =	vld.idx.msk [tilespmem:v8+s11+$0x0], $0xffff;
	v17 =	vor.u32 $0x200, v12  }
0xac: {  	v25 =	vld.idx.msk [tilespmem:v25+s11+$0x0], $0xffff;
	v62 =	vor.u32 $0x300, v12  }
0xad: {  	[tilespmem:s29+$0x4600] =	vst v13;
	v14 =	vld.idx.msk [tilespmem:v23+s11+$0x0], $0xffff;
	v20 =	vor.u32 $0x400, v12  }
0xae: {  	[tilespmem:s29+$0x5000] =	vst v18;
	v23 =	vor.u32 $0x500, v12;
	v13 =	vld.idx.msk [tilespmem:v12+s11+$0x0], $0xffff  }
0xaf: {  	[tilespmem:s29+$0x4B00] =	vst v19;
	v18 =	vor.u32 $0x700, v12;
	v19 =	vld.idx.msk [tilespmem:v15+s11+$0x0], $0xffff  }
0xb0: {  	[tilespmem:s29+$0x5A00] =	vst v21;
	v15 =	vor.u32 $0x600, v12;
	v17 =	vld.idx.msk [tilespmem:v17+s11+$0x0], $0xffff  }
0xb1: {  	[tilespmem:s29+$0x5500] =	vst v26;
	v26 =	vor.u32 $0x1900, v0;
	v8 =	vld.idx.msk [tilespmem:v62+s11+$0x0], $0xffff  }
0xb2: {  	[tilespmem:s29+$0x5F00] =	vst v27;
	v27 =	vor.u32 $0x1B00, v0;
	v20 =	vld.idx.msk [tilespmem:v20+s11+$0x0], $0xffff  }
0xb3: {  	[tilespmem:s29+$0x6900] =	vst v16;
	v21 =	vld.idx.msk [tilespmem:v23+s11+$0x0], $0xffff;
	v23 =	vor.u32 $0x1A00, v0  }
0xb4: {  	v28 =	vor.u32 $0x1800, v0;
	[tilespmem:s29+$0x6400] =	vst v25;
	v30 =	vld.idx.msk [tilespmem:v18+s11+$0x0], $0xffff  }
0xb5: {  	v25 =	vld.idx.msk [tilespmem:v15+s11+$0x0], $0xffff;
	[tilespmem:s30+$0x1E10] =	vst v13  }
0xb6: {  	v16 =	vld.idx.msk [tilespmem:v26+s11+$0x0], $0xffff;
	v26 =	vor.u32 $0x1100, v2;
	[tilespmem:s30+$0x2310] =	vst v19  }
0xb7: {  	v18 =	vld.idx.msk [tilespmem:v27+s11+$0x0], $0xffff;
	v13 =	vor.u32 $0x1000, v2;
	[tilespmem:s30+$0x2810] =	vst v17  }
0xb8: {  	v17 =	vld.idx.msk [tilespmem:v23+s11+$0x0], $0xffff;
	[tilespmem:s30+$0x2D10] =	vst v8;
	v23 =	vor.u32 $0x800, v12  }
0xb9: {  	v27 =	vor.u32 $0x900, v12;
	v15 =	vld.idx.msk [tilespmem:v28+s11+$0x0], $0xffff;
	[tilespmem:s30+$0x3210] =	vst v20  }
0xba: {  	v28 =	vld [tilespmem:s30+$0x500];
	[tilespmem:s30+$0x3710] =	vst v21;
	v21 =	vor.u32 $0xA00, v12  }
0xbb: {  	v20 =	vld.idx.msk [tilespmem:v26+s11+$0x0], $0xffff;
	[tilespmem:s30+$0x4110] =	vst v30;
	v26 =	vor.u32 $0xD00, v12  }
0xbc: {  	v19 =	vld.idx.msk [tilespmem:v13+s11+$0x0], $0xffff;
	[tilespmem:s30+$0x3C10] =	vst v25;
	v13 =	vor.u32 $0xB00, v12  }
0xbd: {  	v25 =	vor.u32 $0xC00, v12;
	v23 =	vld.idx.msk [tilespmem:v23+s11+$0x0], $0xffff  }
0xbe: {  	v30 =	vor.u32 $0xE00, v12;
	v27 =	vld.idx.msk [tilespmem:v27+s11+$0x0], $0xffff  }
0xbf: {  	v31 =	vor.u32 $0xF00, v12;
	v21 =	vld.idx.msk [tilespmem:v21+s11+$0x0], $0xffff  }
0xc0: {  	v58 =	vor.u32 $0x2000, v45;
	[tilespmem:s28+$0xDC10] =	vst v6;
	v26 =	vld.idx.msk [tilespmem:v26+s11+$0x0], $0xffff  }
0xc1: {  	[tilespmem:s28+$0xBE10] =	vst v7;
	v22 =	vor.u32 $0x2100, v45;
	v34 =	vld.idx.msk [tilespmem:v13+s11+$0x0], $0xffff  }
0xc2: {  	v59 =	vor.u32 $0x2200, v45;
	[tilespmem:s28+$0xC310] =	vst v49;
	v25 =	vld.idx.msk [tilespmem:v25+s11+$0x0], $0xffff  }
0xc3: {  	[tilespmem:s28+$0xC810] =	vst v5;
	v35 =	vor.u32 $0x1300, v2;
	v13 =	vand.u32 $0xFF, v28;
	v28 =	vld.idx.msk [tilespmem:v30+s11+$0x0], $0xffff  }
0xc4: {  	v30 =	vld.idx.msk [tilespmem:v31+s11+$0x0], $0xffff;
	v7 =	vor.u32 $0x100, v13;
	[tilespmem:s30+$0x4610] =	vst v23  }
0xc5: {  	v29 =	vld.idx.msk [tilespmem:v58+s11+$0x0], $0xffff;
	v44 =	vor.u32 $0x200, v13;
	[tilespmem:s30+$0x4B10] =	vst v27  }
0xc6: {  	v22 =	vld.idx.msk [tilespmem:v22+s11+$0x0], $0xffff;
	v45 =	vor.u32 $0x300, v13;
	[tilespmem:s30+$0x5010] =	vst v21  }
0xc7: {  	v33 =	vld.idx.msk [tilespmem:v59+s11+$0x0], $0xffff;
	v21 =	vor.u32 $0x1000, v12;
	[tilespmem:s30+$0x5F10] =	vst v26  }
0xc8: {  	v35 =	vld.idx.msk [tilespmem:v35+s11+$0x0], $0xffff;
	v26 =	vor.u32 $0x1200, v12;
	[tilespmem:s30+$0x5510] =	vst v34  }
0xc9: {  	[tilespmem:s30+$0x5A10] =	vst v25;
	v25 =	vor.u32 $0x1100, v12;
	v7 =	vld.idx.msk [tilespmem:v7+s11+$0x0], $0xffff  }
0xca: {  	[tilespmem:s30+$0x6410] =	vst v28;
	v28 =	vor.u32 $0x1300, v12;
	v9 =	vld.idx.msk [tilespmem:v44+s11+$0x0], $0xffff  }
0xcb: {  	[tilespmem:s30+$0x6910] =	vst v30;
	v30 =	vor.u32 $0x1400, v12;
	v32 =	vld.idx.msk [tilespmem:v45+s11+$0x0], $0xffff  }
0xcc: {  	[tilespmem:s28+$0xCD10] =	vst v1;
	v5 =	vld.idx.msk [tilespmem:v21+s11+$0x0], $0xffff;
	v21 =	vor.u32 $0x1500, v12  }
0xcd: {  	[tilespmem:s28+$0xD210] =	vst v3;
	v3 =	vld.idx.msk [tilespmem:v26+s11+$0x0], $0xffff;
	v26 =	vor.u32 $0x1700, v12  }
0xce: {  	[tilespmem:s28+$0xD710] =	vst v4;
	v1 =	vld.idx.msk [tilespmem:v25+s11+$0x0], $0xffff;
	v25 =	vor.u32 $0x1600, v12  }
0xcf: {  	[tilespmem:s29+$0xDC10] =	vst v24;
	v23 =	vor.u32 $0x400, v13;
	v28 =	vld.idx.msk [tilespmem:v28+s11+$0x0], $0xffff  }
0xd0: {  	[tilespmem:s29+$0xBE10] =	vst v29;
	v27 =	vor.u32 $0x500, v13;
	v30 =	vld.idx.msk [tilespmem:v30+s11+$0x0], $0xffff  }
0xd1: {  	[tilespmem:s29+$0xC310] =	vst v22;
	v4 =	vor.u32 $0x600, v13;
	v21 =	vld.idx.msk [tilespmem:v21+s11+$0x0], $0xffff  }
0xd2: {  	[tilespmem:s29+$0xC810] =	vst v33;
	v24 =	vor.u32 $0x700, v13;
	v26 =	vld.idx.msk [tilespmem:v26+s11+$0x0], $0xffff  }
0xd3: {  	v22 =	vld.idx.msk [tilespmem:v25+s11+$0x0], $0xffff;
	[tilespmem:s30+$0x6E10] =	vst v5  }
0xd4: {  	v6 =	vor.u32 $0x1400, v2;
	v23 =	vld.idx.msk [tilespmem:v23+s11+$0x0], $0xffff;
	[tilespmem:s30+$0x7310] =	vst v1  }
0xd5: {  	v46 =	vor.u32 $0x1700, v2;
	v27 =	vld.idx.msk [tilespmem:v27+s11+$0x0], $0xffff;
	[tilespmem:s30+$0x7810] =	vst v3  }
0xd6: {  	v29 =	vor.u32 $0x1500, v2;
	v47 =	vld.idx.msk [tilespmem:v4+s11+$0x0], $0xffff;
	[tilespmem:s30+$0x7D10] =	vst v28  }
0xd7: {  	v43 =	vor.u32 $0x1200, v2;
	v5 =	vld.idx.msk [tilespmem:v24+s11+$0x0], $0xffff;
	[tilespmem:s30+$0x8210] =	vst v30  }
0xd8: {  	v4 =	vor.u32 $0x1D00, v0;
	v24 =	vld.idx.msk [tilespmem:v13+s11+$0x0], $0xffff;
	[tilespmem:s30+$0x2300] =	vst v7  }
0xd9: {  	v49 =	vor.u32 $0x1F00, v0;
	v6 =	vld.idx.msk [tilespmem:v6+s11+$0x0], $0xffff;
	[tilespmem:s30+$0x2800] =	vst v9  }
0xda: {  	v33 =	vld.idx.msk [tilespmem:v46+s11+$0x0], $0xffff;
	v25 =	vor.u32 $0x1600, v2;
	[tilespmem:s30+$0x2D00] =	vst v32  }
0xdb: {  	v29 =	vld.idx.msk [tilespmem:v29+s11+$0x0], $0xffff;
	v1 =	vor.u32 $0x1E00, v0;
	[tilespmem:s30+$0x3200] =	vst v23  }
0xdc: {  	v31 =	vld.idx.msk [tilespmem:v43+s11+$0x0], $0xffff;
	[tilespmem:s30+$0x3700] =	vst v27  }
0xdd: {  	v28 =	vor.u32 $0x1800, v12;
	v3 =	vld.idx.msk [tilespmem:v4+s11+$0x0], $0xffff;
	[tilespmem:s30+$0x3C00] =	vst v47  }
0xde: {  	v30 =	vor.u32 $0x1900, v12;
	v32 =	vld.idx.msk [tilespmem:v49+s11+$0x0], $0xffff;
	[tilespmem:s30+$0x8710] =	vst v21  }
0xdf: {  	v21 =	vor.u32 $0x1A00, v12;
	[tilespmem:s30+$0x9110] =	vst v26;
	v25 =	vld.idx.msk [tilespmem:v25+s11+$0x0], $0xffff  }
0xe0: {  	s31 =	simm.s32 $0x60;
	v26 =	vor.u32 $0x1D00, v12;
	[tilespmem:s30+$0x8C10] =	vst v22;
	v4 =	vld.idx.msk [tilespmem:v1+s11+$0x0], $0xffff  }
0xe1: {  	v23 =	vor.u32 $0x800, v13;
	[tilespmem:s29+$0x8200] =	vst v6;
	v6 =	vld [tilespmem:s31+$0x510]  }
0xe2: {  	v27 =	vor.u32 $0x900, v13;
	[tilespmem:s30+$0x4100] =	vst v5;
	v7 =	vld.idx.msk [tilespmem:v28+s11+$0x0], $0xffff  }
0xe3: {  	v22 =	vor.u32 $0x1B00, v12;
	[tilespmem:s30+$0x1E00] =	vst v24;
	v48 =	vld.idx.msk [tilespmem:v30+s11+$0x0], $0xffff  }
0xe4: {  	v1 =	vor.u32 $0x1C00, v12;
	[tilespmem:s29+$0x6E00] =	vst v19;
	v21 =	vld.idx.msk [tilespmem:v21+s11+$0x0], $0xffff  }
0xe5: {  	[tilespmem:s29+$0x7300] =	vst v20;
	v28 =	vor.u32 $0x1E00, v12;
	v26 =	vld.idx.msk [tilespmem:v26+s11+$0x0], $0xffff  }
0xe6: {  	[tilespmem:s29+$0x7800] =	vst v31;
	v30 =	vor.u32 $0x1F00, v12;
	v23 =	vld.idx.msk [tilespmem:v23+s11+$0x0], $0xffff  }
0xe7: {  	v51 =	vor.u32 $0xE00, v13;
	[tilespmem:s29+$0x7D00] =	vst v35;
	v27 =	vld.idx.msk [tilespmem:v27+s11+$0x0], $0xffff  }
0xe8: {  	v20 =	vor.u32 $0xF00, v13;
	[tilespmem:s29+$0x8700] =	vst v29;
	v22 =	vld.idx.msk [tilespmem:v22+s11+$0x0], $0xffff  }
0xe9: {  	v50 =	vor.u32 $0xA00, v13;
	[tilespmem:s29+$0x9100] =	vst v33;
	v1 =	vld.idx.msk [tilespmem:v1+s11+$0x0], $0xffff  }
0xea: {  	v36 =	vor.u32 $0x1C00, v2;
	[tilespmem:s29+$0x8C00] =	vst v25;
	v5 =	vld.idx.msk [tilespmem:v28+s11+$0x0], $0xffff  }
0xeb: {  	v28 =	vor.u32 $0xB00, v13;
	v24 =	vld.idx.msk [tilespmem:v30+s11+$0x0], $0xffff;
	[tilespmem:s30+$0x9610] =	vst v7  }
0xec: {  	v9 =	vld.idx.msk [tilespmem:v51+s11+$0x0], $0xffff;
	v30 =	vor.u32 $0xC00, v13;
	[tilespmem:s30+$0x9B10] =	vst v48  }
0xed: {  	v54 =	vld.idx.msk [tilespmem:v20+s11+$0x0], $0xffff;
	v7 =	vor.u32 $0xD00, v13;
	[tilespmem:s30+$0xA010] =	vst v21  }
0xee: {  	v19 =	vor.u32 $0x2400, v12;
	v21 =	vld.idx.msk [tilespmem:v50+s11+$0x0], $0xffff;
	[tilespmem:s30+$0xAF10] =	vst v26  }
0xef: {  	v56 =	vld.idx.msk [tilespmem:v36+s11+$0x0], $0xffff;
	[tilespmem:s30+$0xAA10] =	vst v1;
	v1 =	vor.u32 $0x2000, v12  }
0xf0: {  	[tilespmem:s30+$0xA510] =	vst v22;
	v22 =	vor.u32 $0x2600, v12;
	v28 =	vld.idx.msk [tilespmem:v28+s11+$0x0], $0xffff  }
0xf1: {  	v26 =	vor.u32 $0x2100, v12;
	v30 =	vld.idx.msk [tilespmem:v30+s11+$0x0], $0xffff;
	[tilespmem:s30+$0xB410] =	vst v5  }
0xf2: {  	v7 =	vld.idx.msk [tilespmem:v7+s11+$0x0], $0xffff;
	v5 =	vor.u32 $0x2200, v12;
	[tilespmem:s30+$0xB910] =	vst v24  }
0xf3: {  	v24 =	vor.u32 $0x2300, v12;
	v19 =	vld.idx.msk [tilespmem:v19+s11+$0x0], $0xffff  }
0xf4: {  	v52 =	vld.idx.msk [tilespmem:v1+s11+$0x0], $0xffff;
	v1 =	vor.u32 $0x2500, v12  }
0xf5: {  	[tilespmem:s29+$0xCD10] =	vst v14;
	v14 =	vld.idx.msk [tilespmem:v22+s11+$0x0], $0xffff;
	v22 =	vor.u32 $0x1900, v2  }
0xf6: {  	v12 =	vld.idx.msk [tilespmem:v26+s11+$0x0], $0xffff;
	v26 =	vor.u32 $0x1A00, v2  }
0xf7: {  	v31 =	vld.idx.msk [tilespmem:v5+s11+$0x0], $0xffff;
	v5 =	vor.u32 $0x1800, v2  }
0xf8: {  	[tilespmem:s29+$0xD210] =	vst v60;
	v53 =	vld.idx.msk [tilespmem:v24+s11+$0x0], $0xffff  }
0xf9: {  	[tilespmem:s29+$0xD710] =	vst v61;
	v29 =	vld.idx.msk [tilespmem:v1+s11+$0x0], $0xffff;
	v1 =	vor.u32 $0x1B00, v2  }
0xfa: {  	[tilespmem:s28+$0x9600] =	vst v15;
	v41 =	vld.idx.msk [tilespmem:v22+s11+$0x0], $0xffff  }
0xfb: {  	[tilespmem:s28+$0x9B00] =	vst v16;
	v22 =	vld.idx.msk [tilespmem:v26+s11+$0x0], $0xffff  }
0xfc: {  	[tilespmem:s28+$0xA000] =	vst v17;
	v24 =	vld.idx.msk [tilespmem:v5+s11+$0x0], $0xffff  }
0xfd: {  	[tilespmem:s28+$0xA500] =	vst v18;
	v5 =	vld [tilespmem:s31+$0x500]  }
0xfe: {  	v25 =	vand.u32 $0xFF, v6;
	v26 =	vld.idx.msk [tilespmem:v1+s11+$0x0], $0xffff;
	[tilespmem:$0x1FF10] =	vst v56  }
0xff: {  	v6 =	vor.u32 $0x100, v25;
	[tilespmem:s30+$0x4600] =	vst v23  }
0x100: {  	v55 =	vor.u32 $0x200, v25;
	[tilespmem:s30+$0x4B00] =	vst v27  }
0x101: {  	v57 =	vor.u32 $0x400, v25;
	[tilespmem:s30+$0x5000] =	vst v21  }
0x102: {  	v16 =	vor.u32 $0x500, v25;
	[tilespmem:s30+$0x5500] =	vst v28  }
0x103: {  	v18 =	vor.u32 $0x700, v25;
	v15 =	vld.idx.msk [tilespmem:v25+s11+$0x0], $0xffff;
	[tilespmem:s30+$0x5A00] =	vst v30  }
0x104: {  	v37 =	vor.u32 $0x1400, v13;
	v17 =	vld.idx.msk [tilespmem:v6+s11+$0x0], $0xffff;
	[tilespmem:s30+$0x5F00] =	vst v7  }
0x105: {  	v62 =	vor.u32 $0x1600, v13;
	v10 =	vld.idx.msk [tilespmem:v55+s11+$0x0], $0xffff;
	[tilespmem:s30+$0x6400] =	vst v9  }
0x106: {  	v39 =	vor.u32 $0x2300, v0;
	v11 =	vld.idx.msk [tilespmem:v57+s11+$0x0], $0xffff;
	[tilespmem:s30+$0x6900] =	vst v54  }
0x107: {  	v1 =	vor.u32 $0x300, v25;
	v16 =	vld.idx.msk [tilespmem:v16+s11+$0x0], $0xffff;
	[tilespmem:s28+$0xAA00] =	vst v63  }
0x108: {  	v6 =	vor.u32 $0x600, v25;
	v18 =	vld.idx.msk [tilespmem:v18+s11+$0x0], $0xffff;
	[tilespmem:s28+$0xAF00] =	vst v3  }
0x109: {  	v21 =	vor.u32 $0x1000, v13;
	v36 =	vand.u32 $0xFF, v5;
	[tilespmem:s28+$0xB400] =	vst v4;
	v5 =	vld.idx.msk [tilespmem:v37+s11+$0x0], $0xffff  }
0x10a: {  	v27 =	vor.u32 $0x1200, v13;
	[tilespmem:s28+$0xB900] =	vst v32;
	v33 =	vld.idx.msk [tilespmem:v62+s11+$0x0], $0xffff  }
0x10b: {  	[tilespmem:s30+$0xD710] =	vst v29;
	v29 =	vor.u32 $0x2200, v0;
	v55 =	vld.idx.msk [tilespmem:v39+s11+$0x0], $0xffff  }
0x10c: {  	[tilespmem:s30+$0xDC10] =	vst v14;
	v4 =	vor.u32 $0x400, v36;
	v23 =	vld.idx.msk [tilespmem:v1+s11+$0x0], $0xffff  }
0x10d: {  	v1 =	vor.u32 $0x1100, v13;
	v30 =	vld.idx.msk [tilespmem:v6+s11+$0x0], $0xffff;
	[tilespmem:s31+$0x1E10] =	vst v15  }
0x10e: {  	v28 =	vor.u32 $0x1300, v13;
	v6 =	vld.idx.msk [tilespmem:v21+s11+$0x0], $0xffff;
	[tilespmem:s31+$0x2310] =	vst v17  }
0x10f: {  	v21 =	vor.u32 $0x100, v36;
	v9 =	vld.idx.msk [tilespmem:v27+s11+$0x0], $0xffff;
	[tilespmem:s31+$0x2810] =	vst v10  }
0x110: {  	v58 =	vor.u32 $0x800, v25;
	[tilespmem:s31+$0x3210] =	vst v11;
	v54 =	vld.idx.msk [tilespmem:v29+s11+$0x0], $0xffff  }
0x111: {  	v59 =	vor.u32 $0x900, v25;
	[tilespmem:s31+$0x3710] =	vst v16;
	v4 =	vld.idx.msk [tilespmem:v4+s11+$0x0], $0xffff  }
0x112: {  	v16 =	vor.u32 $0xA00, v25;
	[tilespmem:s31+$0x4110] =	vst v18;
	v7 =	vld.idx.msk [tilespmem:v1+s11+$0x0], $0xffff  }
0x113: {  	v18 =	vor.u32 $0xC00, v25;
	v1 =	vld.idx.msk [tilespmem:v28+s11+$0x0], $0xffff;
	[tilespmem:s31+$0x2D10] =	vst v23  }
0x114: {  	v14 =	vor.u32 $0xD00, v25;
	v21 =	vld.idx.msk [tilespmem:v21+s11+$0x0], $0xffff;
	[tilespmem:s31+$0x3C10] =	vst v30  }
0x115: {  	v61 =	vor.u32 $0xE00, v25;
	v10 =	vld.idx.msk [tilespmem:v58+s11+$0x0], $0xffff  }
0x116: {  	v23 =	vor.u32 $0xB00, v25;
	v60 =	vld.idx.msk [tilespmem:v59+s11+$0x0], $0xffff  }
0x117: {  	v3 =	vld.idx.msk [tilespmem:v16+s11+$0x0], $0xffff;
	v16 =	vor.u32 $0xF00, v25  }
0x118: {  	[tilespmem:s30+$0xBE10] =	vst v52;
	v15 =	vor.u32 $0x200, v36;
	v18 =	vld.idx.msk [tilespmem:v18+s11+$0x0], $0xffff  }
0x119: {  	[tilespmem:s30+$0xC310] =	vst v12;
	v17 =	vor.u32 $0x300, v36;
	v14 =	vld.idx.msk [tilespmem:v14+s11+$0x0], $0xffff  }
0x11a: {  	[tilespmem:s30+$0xC810] =	vst v31;
	v27 =	vor.u32 $0x500, v36;
	v11 =	vld.idx.msk [tilespmem:v61+s11+$0x0], $0xffff  }
0x11b: {  	[tilespmem:s30+$0xD210] =	vst v19;
	v28 =	vor.u32 $0x600, v36;
	v23 =	vld.idx.msk [tilespmem:v23+s11+$0x0], $0xffff  }
0x11c: {  	v30 =	vor.u32 $0x700, v36;
	v12 =	vld.idx.msk [tilespmem:v16+s11+$0x0], $0xffff;
	[tilespmem:s31+$0x4610] =	vst v10  }
0x11d: {  	v15 =	vld.idx.msk [tilespmem:v15+s11+$0x0], $0xffff;
	[tilespmem:s31+$0x4B10] =	vst v60  }
0x11e: {  	v17 =	vld.idx.msk [tilespmem:v17+s11+$0x0], $0xffff;
	v16 =	vor.u32 $0x1500, v13;
	[tilespmem:s31+$0x5010] =	vst v3  }
0x11f: {  	v31 =	vld.idx.msk [tilespmem:v27+s11+$0x0], $0xffff;
	[tilespmem:s31+$0x5A10] =	vst v18;
	v18 =	vor.u32 $0x1100, v25  }
0x120: {  	v28 =	vld.idx.msk [tilespmem:v28+s11+$0x0], $0xffff;
	[tilespmem:s31+$0x5F10] =	vst v14;
	v14 =	vor.u32 $0x1200, v25  }
0x121: {  	v37 =	vor.u32 $0x1300, v25;
	v3 =	vld.idx.msk [tilespmem:v30+s11+$0x0], $0xffff;
	[tilespmem:s31+$0x6410] =	vst v11  }
0x122: {  	v38 =	vor.u32 $0x1400, v25;
	v30 =	vld.idx.msk [tilespmem:v36+s11+$0x0], $0xffff;
	[tilespmem:s31+$0x5510] =	vst v23  }
0x123: {  	v19 =	vor.u32 $0x1700, v25;
	v32 =	vld.idx.msk [tilespmem:v16+s11+$0x0], $0xffff;
	[tilespmem:s31+$0x6910] =	vst v12  }
0x124: {  	[tilespmem:s30+$0xCD10] =	vst v53;
	v23 =	vor.u32 $0x1000, v25;
	v16 =	vld.idx.msk [tilespmem:v18+s11+$0x0], $0xffff  }
0x125: {  	[tilespmem:s31+$0x2300] =	vst v21;
	v12 =	vor.u32 $0x1500, v25;
	v14 =	vld.idx.msk [tilespmem:v14+s11+$0x0], $0xffff  }
0x126: {  	[tilespmem:s31+$0x2800] =	vst v15;
	v18 =	vor.u32 $0x1600, v25;
	v10 =	vld.idx.msk [tilespmem:v37+s11+$0x0], $0xffff  }
0x127: {  	v63 =	vor.u32 $0x1700, v13;
	[tilespmem:s31+$0x2D00] =	vst v17;
	v8 =	vld.idx.msk [tilespmem:v38+s11+$0x0], $0xffff  }
0x128: {  	v21 =	vor.u32 $0x1E00, v2;
	[tilespmem:s31+$0x3200] =	vst v4;
	v19 =	vld.idx.msk [tilespmem:v19+s11+$0x0], $0xffff  }
0x129: {  	v15 =	vor.u32 $0x1F00, v2;
	[tilespmem:s31+$0x3700] =	vst v31;
	v11 =	vld.idx.msk [tilespmem:v23+s11+$0x0], $0xffff  }
0x12a: {  	v17 =	vor.u32 $0x2000, v0;
	[tilespmem:s31+$0x3C00] =	vst v28;
	v12 =	vld.idx.msk [tilespmem:v12+s11+$0x0], $0xffff  }
0x12b: {  	v23 =	vor.u32 $0x1D00, v2;
	v4 =	vld.idx.msk [tilespmem:v18+s11+$0x0], $0xffff;
	[tilespmem:s31+$0x7310] =	vst v16  }
0x12c: {  	v27 =	vld.idx.msk [tilespmem:v63+s11+$0x0], $0xffff;
	v18 =	vor.u32 $0x2100, v0;
	[tilespmem:s31+$0x7810] =	vst v14  }
0x12d: {  	v47 =	vld.idx.msk [tilespmem:v21+s11+$0x0], $0xffff;
	v16 =	vor.u32 $0x2400, v0;
	[tilespmem:s31+$0x7D10] =	vst v10  }
0x12e: {  	v40 =	vor.u32 $0x1800, v25;
	v48 =	vld.idx.msk [tilespmem:v15+s11+$0x0], $0xffff;
	[tilespmem:s31+$0x8210] =	vst v8  }
0x12f: {  	v42 =	vor.u32 $0x1900, v25;
	v52 =	vld.idx.msk [tilespmem:v17+s11+$0x0], $0xffff;
	[tilespmem:s31+$0x9110] =	vst v19  }
0x130: {  	v43 =	vor.u32 $0x1C00, v25;
	v46 =	vld.idx.msk [tilespmem:v23+s11+$0x0], $0xffff;
	[tilespmem:s31+$0x6E10] =	vst v11  }
0x131: {  	v14 =	vor.u32 $0x1D00, v25;
	[tilespmem:s31+$0x8710] =	vst v12;
	v53 =	vld.idx.msk [tilespmem:v18+s11+$0x0], $0xffff  }
0x132: {  	v44 =	vor.u32 $0x1E00, v25;
	[tilespmem:s31+$0x8C10] =	vst v4;
	v56 =	vld.idx.msk [tilespmem:v16+s11+$0x0], $0xffff  }
0x133: {  	[tilespmem:s31+$0x4100] =	vst v3;
	v12 =	vor.u32 $0x1A00, v25;
	v10 =	vld.idx.msk [tilespmem:v40+s11+$0x0], $0xffff  }
0x134: {  	[tilespmem:s31+$0x1E00] =	vst v30;
	v4 =	vor.u32 $0x1B00, v25;
	v3 =	vld.idx.msk [tilespmem:v42+s11+$0x0], $0xffff  }
0x135: {  	[tilespmem:s30+$0x6E00] =	vst v6;
	v11 =	vld.idx.msk [tilespmem:v43+s11+$0x0], $0xffff  }
0x136: {  	[tilespmem:s30+$0x7300] =	vst v7;
	v45 =	vld.idx.msk [tilespmem:v14+s11+$0x0], $0xffff  }
0x137: {  	v15 =	vor.u32 $0x1F00, v25;
	[tilespmem:s30+$0x7800] =	vst v9;
	v14 =	vld.idx.msk [tilespmem:v44+s11+$0x0], $0xffff  }
0x138: {  	[tilespmem:s30+$0x7D00] =	vst v1;
	v1 =	vor.u32 $0x2000, v2;
	v12 =	vld.idx.msk [tilespmem:v12+s11+$0x0], $0xffff  }
0x139: {  	v16 =	vor.u32 $0x2500, v0;
	v4 =	vld.idx.msk [tilespmem:v4+s11+$0x0], $0xffff;
	[tilespmem:$0x1FF20] =	vst v1;
	v1 =	vor.u32 $0x2100, v2  }
0x13a: {  	[tilespmem:$0x1FF30] =	vst v1  }
0x13b: {  	v17 =	vor.u32 $0x800, v36;
	[tilespmem:s30+$0x8200] =	vst v5;
	v5 =	vor.u32 $0x2200, v2  }
0x13c: {  	v18 =	vor.u32 $0x900, v36;
	v29 =	vld.idx.msk [tilespmem:v15+s11+$0x0], $0xffff;
	[tilespmem:$0x1FF40] =	vst v5  }
0x13d: {  	v28 =	vor.u32 $0x2600, v0;
	v0 =	vor.u32 $0xA00, v36;
	v5 =	vor.u32 $0x2400, v2;
	[tilespmem:s31+$0x9610] =	vst v10  }
0x13e: {  	v58 =	vld.idx.msk [tilespmem:v16+s11+$0x0], $0xffff;
	[tilespmem:$0x1FF50] =	vst v5  }
0x13f: {  	v1 =	vor.u32 $0xB00, v36;
	[tilespmem:s31+$0x9B10] =	vst v3  }
0x140: {  	v15 =	vor.u32 $0x2300, v2;
	v59 =	vld.idx.msk [tilespmem:v17+s11+$0x0], $0xffff;
	[tilespmem:s31+$0xA010] =	vst v12  }
0x141: {  	v16 =	vor.u32 $0x2500, v2;
	v17 =	vor.u32 $0x2600, v2;
	v20 =	vld.idx.msk [tilespmem:v18+s11+$0x0], $0xffff;
	[tilespmem:s31+$0xA510] =	vst v4;
	v2 =	vor.u32 $0x1B00, v13  }
0x142: {  	v0 =	vld.idx.msk [tilespmem:v0+s11+$0x0], $0xffff;
	[tilespmem:$0x1FF60] =	vst v2;
	v2 =	vor.u32 $0x1C00, v13  }
0x143: {  	v60 =	vor.u32 $0xC00, v36;
	[tilespmem:$0x1FF70] =	vst v2  }
0x144: {  	v49 =	vld.idx.msk [tilespmem:v1+s11+$0x0], $0xffff;
	[tilespmem:s31+$0xAA10] =	vst v11;
	v1 =	vor.u32 $0x1D00, v13  }
0x145: {  	v61 =	vor.u32 $0xD00, v36;
	[tilespmem:$0x1FF80] =	vst v1;
	v1 =	vor.u32 $0x1E00, v13  }
0x146: {  	[tilespmem:$0x1FF90] =	vst v1  }
0x147: {  	v30 =	vor.u32 $0xE00, v36;
	v2 =	vor.u32 $0x1F00, v13;
	[tilespmem:s31+$0xAF10] =	vst v45  }
0x148: {  	v1 =	vld.idx.msk [tilespmem:v60+s11+$0x0], $0xffff;
	[tilespmem:$0x1FFA0] =	vst v2  }
0x149: {  	v31 =	vor.u32 $0x2600, v25;
	v2 =	vor.u32 $0x2100, v13;
	[tilespmem:s31+$0xB410] =	vst v14  }
0x14a: {  	v62 =	vor.u32 $0x2000, v25;
	v3 =	vld.idx.msk [tilespmem:v61+s11+$0x0], $0xffff;
	[tilespmem:$0x1FFB0] =	vst v2  }
0x14b: {  	v63 =	vor.u32 $0x2100, v25;
	v2 =	vor.u32 $0x2300, v13;
	[tilespmem:s31+$0xB910] =	vst v29  }
0x14c: {  	v42 =	vor.u32 $0x2200, v25;
	v4 =	vld.idx.msk [tilespmem:v30+s11+$0x0], $0xffff;
	[tilespmem:$0x1FFC0] =	vst v2  }
0x14d: {  	v29 =	vor.u32 $0x2300, v25;
	[tilespmem:s30+$0x8700] =	vst v32  }
0x14e: {  	v30 =	vor.u32 $0x2400, v25;
	v31 =	vld.idx.msk [tilespmem:v31+s11+$0x0], $0xffff;
	[tilespmem:s30+$0x8C00] =	vst v33  }
0x14f: {  	v25 =	vor.u32 $0x2500, v25;
	v50 =	vld.idx.msk [tilespmem:v62+s11+$0x0], $0xffff;
	[tilespmem:s30+$0x9100] =	vst v27  }
0x150: {  	v57 =	vor.u32 $0xF00, v36;
	v39 =	vor.u32 $0x1200, v36;
	v63 =	vld.idx.msk [tilespmem:v63+s11+$0x0], $0xffff;
	[tilespmem:s29+$0x9600] =	vst v24  }
0x151: {  	v35 =	vor.u32 $0x1500, v36;
	v34 =	vor.u32 $0x1600, v36;
	v21 =	vor.u32 $0x2400, v13;
	v62 =	vld.idx.msk [tilespmem:v42+s11+$0x0], $0xffff;
	[tilespmem:s29+$0x9B00] =	vst v41  }
0x152: {  	v38 =	vor.u32 $0x1300, v36;
	v37 =	vor.u32 $0x1400, v36;
	v19 =	vor.u32 $0x1A00, v13;
	[tilespmem:s29+$0xA000] =	vst v22;
	v60 =	vld.idx.msk [tilespmem:v29+s11+$0x0], $0xffff  }
0x153: {  	v23 =	vor.u32 $0x1900, v13;
	v43 =	vor.u32 $0x1000, v36;
	v40 =	vor.u32 $0x1100, v36;
	[tilespmem:s29+$0xA500] =	vst v26;
	v61 =	vld.idx.msk [tilespmem:v30+s11+$0x0], $0xffff  }
0x154: {  	v44 =	vor.u32 $0x1A00, v36;
	v5 =	vor.u32 $0x1800, v13;
	v2 =	vor.u32 $0x2000, v36;
	v51 =	vld.idx.msk [tilespmem:v25+s11+$0x0], $0xffff;
	[tilespmem:s31+$0xDC10] =	vst v31  }
0x155: {  	v12 =	vor.u32 $0x2000, v13;
	v18 =	vor.u32 $0x2500, v13;
	v45 =	vor.u32 $0x1900, v36;
	v57 =	vld.idx.msk [tilespmem:v57+s11+$0x0], $0xffff;
	[tilespmem:$0x1FFD0] =	vst v2  }
0x156: {  	v14 =	vor.u32 $0x2200, v13;
	v13 =	vor.u32 $0x2600, v13;
	v2 =	vor.u32 $0x2300, v36;
	[tilespmem:s31+$0x4600] =	vst v59  }
0x157: {  	v33 =	vor.u32 $0x1700, v36;
	v32 =	vor.u32 $0x1800, v36;
	v41 =	vor.u32 $0x1B00, v36;
	v59 =	vld.idx.msk [tilespmem:v28+s11+$0x0], $0xffff;
	[tilespmem:$0x1FFE0] =	vst v2  }
0x158: {  	v42 =	vor.u32 $0x1C00, v36;
	v27 =	vor.u32 $0x2200, v36;
	v2 =	vor.u32 $0x2400, v36;
	[tilespmem:s31+$0x4B00] =	vst v20  }
0x159: {  	v26 =	vor.u32 $0x2500, v36;
	v29 =	vor.u32 $0x1D00, v36;
	v30 =	vor.u32 $0x1E00, v36;
	[tilespmem:$0x1FFF0] =	vst v2  }
0x15a: {  	s1 =	simm.s32 $0x200;
	s0 =	simm.s32 $0x60;
	v25 =	vor.u32 $0x2600, v36;
	v31 =	vor.u32 $0x1F00, v36;
	v28 =	vor.u32 $0x2100, v36;
	v36 =	vld.idx.msk [tilespmem:v5+s11+$0x0], $0xffff  }
.LBB2_3:
0x15b: {  	_ =	sdelay $0x1  }
0x15c: {  	[tilespmem:s31+$0x5000] =	vst v0  }
0x15d: {  	s5 =	sshra.s32 s1, $0x2;
	v0 =	vld.idx.msk [tilespmem:v23+s11+$0x0], $0xffff;
	[tilespmem:s31+$0x5500] =	vst v49  }
0x15e: {  	v8 =	vld [tilespmem:s5+$0x500];
	[tilespmem:s31+$0x5A00] =	vst v1  }
0x15f: {  	[tilespmem:s31+$0x5F00] =	vst v3  }
0x160: {  	v1 =	vld.idx.msk [tilespmem:v19+s11+$0x0], $0xffff;
	_ =	sdelay $0x4  }
0x161: {  	[tilespmem:$0x1FED0] =	vst v1;
	v1 =	vmov v44  }
0x162: {  	[tilespmem:$0x1FDE0] =	vst v1;
	v1 =	vld [tilespmem:$0x1FF60];
	_ =	sdelay $0x4  }
0x163: {  	[tilespmem:s31+$0x6400] =	vst v4  }
0x164: {  	[tilespmem:$0x1FEC0] =	vst v0;
	v0 =	vmov v45  }
0x165: {  	[tilespmem:$0x1FDF0] =	vst v0;
	v0 =	vld [tilespmem:s5+$0x510]  }
0x166: {  	v1 =	vld.idx.msk [tilespmem:v1+s11+$0x0], $0xffff;
	_ =	sdelay $0x2  }
0x167: {  	[tilespmem:s31+$0x6900] =	vst v57  }
0x168: {  	v57 =	vand.u32 $0xFF, v0;
	v0 =	vld.idx.msk [tilespmem:v43+s11+$0x0], $0xffff  }
0x169: {  	[tilespmem:$0x1FEE0] =	vst v1;
	v1 =	vmov v41  }
0x16a: {  	[tilespmem:$0x1FF60] =	vst v1;
	v1 =	vld [tilespmem:$0x1FF70];
	_ =	sdelay $0x2  }
0x16b: {  	[tilespmem:$0x1FE00] =	vst v0;
	v0 =	vld [tilespmem:$0x1FF10];
	_ =	sdelay $0x4  }
0x16c: {  	v2 =	vmov v42;
	v1 =	vld.idx.msk [tilespmem:v1+s11+$0x0], $0xffff;
	[tilespmem:s29+$0xAA00] =	vst v0  }
0x16d: {  	[tilespmem:$0x1FF70] =	vst v2;
	v2 =	vld.idx.msk [tilespmem:v40+s11+$0x0], $0xffff;
	_ =	sdelay $0x3  }
0x16e: {  	[tilespmem:s29+$0xAF00] =	vst v46  }
0x16f: {  	[tilespmem:$0x1FE10] =	vst v2;
	v2 =	vld.idx.msk [tilespmem:v39+s11+$0x0], $0xffff;
	_ =	sdelay $0x1  }
0x170: {  	v11 =	vor.u32 $0x400, v57;
	_ =	sdelay $0x1  }
0x171: {  	[tilespmem:s29+$0xB400] =	vst v47  }
0x172: {  	v49 =	vand.u32 $0xFF, v8;
	[tilespmem:$0x1FE20] =	vst v2;
	v2 =	vld.idx.msk [tilespmem:v38+s11+$0x0], $0xffff  }
0x173: {  	v6 =	vor.u32 $0x800, v49  }
0x174: {  	[tilespmem:$0x1FE50] =	vst v6;
	v7 =	vld.idx.msk [tilespmem:v11+s11+$0x0], $0xffff;
	v11 =	vor.u32 $0x1800, v49  }
0x175: {  	[tilespmem:$0x1FF00] =	vst v11  }
0x176: {  	[tilespmem:s29+$0xB900] =	vst v48  }
0x177: {  	[tilespmem:$0x1FE30] =	vst v2  }
0x178: {  	v2 =	vld.idx.msk [tilespmem:v37+s11+$0x0], $0xffff;
	[tilespmem:s28+$0xBE00] =	vst v52  }
0x179: {  	[tilespmem:s28+$0xC300] =	vst v53  }
0x17a: {  	[tilespmem:s28+$0xC800] =	vst v54  }
0x17b: {  	v10 =	vor.u32 $0x300, v57;
	[tilespmem:s28+$0xCD00] =	vst v55  }
0x17c: {  	v0 =	vor.u32 $0x100, v57;
	[tilespmem:s28+$0xD200] =	vst v56  }
0x17d: {  	v9 =	vor.u32 $0x200, v57;
	[tilespmem:$0x1FE40] =	vst v2;
	v2 =	vmov v1;
	v1 =	vor.u32 $0x900, v49  }
0x17e: {  	v45 =	vor.u32 $0x500, v57;
	[tilespmem:$0x1FE60] =	vst v1;
	v1 =	vor.u32 $0xA00, v49  }
0x17f: {  	v42 =	vld.idx.msk [tilespmem:v57+s11+$0x0], $0xffff;
	[tilespmem:$0x1FE70] =	vst v1;
	v1 =	vor.u32 $0x600, v57  }
0x180: {  	v6 =	vld.idx.msk [tilespmem:v10+s11+$0x0], $0xffff;
	v54 =	vor.u32 $0x700, v57;
	[tilespmem:s28+$0xD700] =	vst v58  }
0x181: {  	v0 =	vld.idx.msk [tilespmem:v0+s11+$0x0], $0xffff;
	[tilespmem:s28+$0xDC00] =	vst v59  }
0x182: {  	v3 =	vor.u32 $0x100, v49;
	v53 =	vld.idx.msk [tilespmem:v9+s11+$0x0], $0xffff;
	[tilespmem:$0x1FF10] =	vst v2;
	v2 =	vor.u32 $0xB00, v49  }
0x183: {  	v4 =	vor.u32 $0x200, v49;
	v8 =	vld.idx.msk [tilespmem:v45+s11+$0x0], $0xffff;
	s28 =	smov.u32 s29;
	s29 =	smov.u32 s30;
	s30 =	smov.u32 s31;
	[tilespmem:$0x1FE80] =	vst v2  }
0x184: {  	v47 =	vor.u32 $0x400, v49;
	s31 =	smov.u32 s5;
	v1 =	vld.idx.msk [tilespmem:v1+s11+$0x0], $0xffff;
	[tilespmem:s30+$0xBE10] =	vst v50  }
0x185: {  	v48 =	vor.u32 $0x500, v49;
	v50 =	vld.idx.msk [tilespmem:v54+s11+$0x0], $0xffff;
	[tilespmem:s31+$0x1E10] =	vst v42  }
0x186: {  	v5 =	vor.u32 $0x600, v49;
	[tilespmem:s31+$0x2310] =	vst v0  }
0x187: {  	v46 =	vor.u32 $0x300, v49;
	v3 =	vld.idx.msk [tilespmem:v3+s11+$0x0], $0xffff;
	[tilespmem:s31+$0x2810] =	vst v53  }
0x188: {  	v4 =	vld.idx.msk [tilespmem:v4+s11+$0x0], $0xffff;
	[tilespmem:s31+$0x2D10] =	vst v6;
	v6 =	vor.u32 $0x800, v57  }
0x189: {  	v19 =	vmov v17;
	v17 =	vmov v15;
	v15 =	vld.idx.msk [tilespmem:v47+s11+$0x0], $0xffff;
	[tilespmem:s31+$0x3210] =	vst v7;
	v7 =	vor.u32 $0x900, v57  }
0x18a: {  	v24 =	vmov v18;
	v18 =	vmov v16;
	v16 =	vld.idx.msk [tilespmem:v48+s11+$0x0], $0xffff;
	[tilespmem:s31+$0x3710] =	vst v8;
	v8 =	vor.u32 $0xA00, v57  }
0x18b: {  	v5 =	vld.idx.msk [tilespmem:v5+s11+$0x0], $0xffff;
	[tilespmem:s31+$0x3C10] =	vst v1;
	v1 =	vor.u32 $0xB00, v57  }
0x18c: {  	v53 =	vld.idx.msk [tilespmem:v46+s11+$0x0], $0xffff;
	[tilespmem:s31+$0x4110] =	vst v50  }
0x18d: {  	v46 =	vor.u32 $0xC00, v57;
	v6 =	vld.idx.msk [tilespmem:v6+s11+$0x0], $0xffff;
	[tilespmem:s30+$0xC310] =	vst v63  }
0x18e: {  	v47 =	vor.u32 $0xD00, v57;
	v7 =	vld.idx.msk [tilespmem:v7+s11+$0x0], $0xffff;
	[tilespmem:s30+$0xC810] =	vst v62  }
0x18f: {  	v2 =	vor.u32 $0xC00, v49;
	v63 =	vor.u32 $0xE00, v57;
	v8 =	vld.idx.msk [tilespmem:v8+s11+$0x0], $0xffff;
	[tilespmem:s30+$0xCD10] =	vst v60  }
0x190: {  	v20 =	vmovc v12;
	v22 =	vmovc v21;
	v44 =	vor.u32 $0x1A00, v49;
	v12 =	vor.u32 $0x1F00, v49;
	[tilespmem:$0x1FE90] =	vst v2;
	v62 =	vor.u32 $0xF00, v57;
	v1 =	vld.idx.msk [tilespmem:v1+s11+$0x0], $0xffff  }
0x191: {  	v21 =	vmovc v14;
	v23 =	vmovc v13;
	v13 =	vor.u32 $0x2000, v49;
	v14 =	vor.u32 $0x2100, v49;
	v43 =	vor.u32 $0x1000, v49;
	[tilespmem:s30+$0xD210] =	vst v61;
	v61 =	vld [tilespmem:$0x1FFA0]  }
0x192: {  	v41 =	vor.u32 $0x1B00, v49;
	v10 =	vor.u32 $0x1700, v49;
	v2 =	vor.u32 $0xD00, v49;
	v46 =	vld.idx.msk [tilespmem:v46+s11+$0x0], $0xffff;
	[tilespmem:s30+$0xD710] =	vst v51  }
0x193: {  	v45 =	vor.u32 $0x1900, v49;
	v11 =	vor.u32 $0x1E00, v49;
	[tilespmem:$0x1FEA0] =	vst v2;
	v2 =	vor.u32 $0xE00, v49;
	v47 =	vld.idx.msk [tilespmem:v47+s11+$0x0], $0xffff  }
0x194: {  	v40 =	vor.u32 $0x1100, v49;
	v39 =	vor.u32 $0x1200, v49;
	[tilespmem:$0x1FEB0] =	vst v2;
	v2 =	vor.u32 $0xF00, v49;
	v48 =	vld.idx.msk [tilespmem:v63+s11+$0x0], $0xffff  }
0x195: {  	v38 =	vor.u32 $0x1300, v49;
	v52 =	vor.u32 $0x700, v49;
	v37 =	vor.u32 $0x1400, v49;
	[tilespmem:$0x1FEF0] =	vst v2;
	v60 =	vld.idx.msk [tilespmem:v62+s11+$0x0], $0xffff  }
0x196: {  	v9 =	vor.u32 $0x1600, v49;
	v55 =	vor.u32 $0x2200, v49;
	v56 =	vor.u32 $0x2300, v49;
	[tilespmem:s31+$0x4610] =	vst v6;
	v6 =	vld.idx.msk [tilespmem:v49+s11+$0x0], $0xffff  }
0x197: {  	v58 =	vor.u32 $0x2400, v49;
	v59 =	vor.u32 $0x2500, v49;
	v2 =	vor.u32 $0x1500, v49;
	[tilespmem:s31+$0x4B10] =	vst v7;
	v7 =	vld.idx.msk [tilespmem:v35+s11+$0x0], $0xffff  }
0x198: {  	v42 =	vor.u32 $0x1C00, v49;
	v54 =	vor.u32 $0x1D00, v49;
	v0 =	vor.u32 $0x2600, v49;
	v49 =	vld [tilespmem:$0x1FF90];
	[tilespmem:s31+$0x5010] =	vst v8  }
0x199: {  	v35 =	vmov v2;
	v2 =	vor.u32 $0x1100, v57;
	[tilespmem:s31+$0x5A10] =	vst v46;
	v46 =	vld [tilespmem:$0x1FF80]  }
0x19a: {  	v52 =	vld.idx.msk [tilespmem:v52+s11+$0x0], $0xffff;
	v63 =	vor.u32 $0x1200, v57;
	[tilespmem:s31+$0x5510] =	vst v1  }
0x19b: {  	v50 =	vld.idx.msk [tilespmem:v34+s11+$0x0], $0xffff;
	[tilespmem:s31+$0x5F10] =	vst v47  }
0x19c: {  	v51 =	vld.idx.msk [tilespmem:v33+s11+$0x0], $0xffff;
	[tilespmem:s31+$0x6410] =	vst v48  }
0x19d: {  	v34 =	vmov v9;
	v9 =	vor.u32 $0x1300, v57;
	[tilespmem:s31+$0x6910] =	vst v60;
	v48 =	vld.idx.msk [tilespmem:v61+s11+$0x0], $0xffff  }
0x19e: {  	v1 =	vor.u32 $0x1000, v57;
	v2 =	vld.idx.msk [tilespmem:v2+s11+$0x0], $0xffff  }
0x19f: {  	v47 =	vmov v29;
	v60 =	vor.u32 $0x1400, v57;
	v8 =	vld.idx.msk [tilespmem:v63+s11+$0x0], $0xffff  }
0x1a0: {  	[tilespmem:$0x1FF80] =	vst v47;
	v63 =	vor.u32 $0x1700, v57;
	v47 =	vld.idx.msk [tilespmem:v49+s11+$0x0], $0xffff  }
0x1a1: {  	v46 =	vld.idx.msk [tilespmem:v46+s11+$0x0], $0xffff;
	[tilespmem:s31+$0x2300] =	vst v3;
	v3 =	vor.u32 $0x1500, v57  }
0x1a2: {  	v9 =	vld.idx.msk [tilespmem:v9+s11+$0x0], $0xffff;
	[tilespmem:s31+$0x2800] =	vst v4;
	v4 =	vor.u32 $0x1600, v57  }
0x1a3: {  	v1 =	vld.idx.msk [tilespmem:v1+s11+$0x0], $0xffff  }
0x1a4: {  	v33 =	vmov v10;
	v10 =	vld.idx.msk [tilespmem:v60+s11+$0x0], $0xffff  }
0x1a5: {  	[tilespmem:s31+$0x3C00] =	vst v5;
	v5 =	vld.idx.msk [tilespmem:v63+s11+$0x0], $0xffff  }
0x1a6: {  	v3 =	vld.idx.msk [tilespmem:v3+s11+$0x0], $0xffff  }
0x1a7: {  	v4 =	vld.idx.msk [tilespmem:v4+s11+$0x0], $0xffff  }
0x1a8: {  	[tilespmem:s31+$0x6E10] =	vst v1;
	v1 =	vld [tilespmem:$0x1FF20];
	_ =	sdelay $0x1  }
0x1a9: {  	v62 =	vmov v31  }
0x1aa: {  	[tilespmem:$0x1FFA0] =	vst v62  }
0x1ab: {  	[tilespmem:s31+$0x2D00] =	vst v53  }
0x1ac: {  	[tilespmem:s31+$0x3200] =	vst v15  }
0x1ad: {  	[tilespmem:s31+$0x3700] =	vst v16  }
0x1ae: {  	v62 =	vld [tilespmem:$0x1FF50];
	[tilespmem:s31+$0x4100] =	vst v52  }
0x1af: {  	v52 =	vld.idx.msk [tilespmem:v1+s11+$0x0], $0xffff;
	v1 =	vmov v20  }
0x1b0: {  	[tilespmem:$0x1FF20] =	vst v1;
	v1 =	vld [tilespmem:$0x1FFD0];
	_ =	sdelay $0x2  }
0x1b1: {  	v61 =	vmov v56;
	[tilespmem:s31+$0x7310] =	vst v2;
	v2 =	vld [tilespmem:$0x1FFB0]  }
0x1b2: {  	v60 =	vld [tilespmem:$0x1FFE0];
	[tilespmem:$0x1FFE0] =	vst v61;
	v63 =	vmov v22  }
0x1b3: {  	v31 =	vmov v12;
	v49 =	vld [tilespmem:$0x1FFC0];
	[tilespmem:$0x1FF50] =	vst v63;
	v12 =	vmov v1;
	v1 =	vmov v13  }
0x1b4: {  	[tilespmem:$0x1FFD0] =	vst v1;
	v1 =	vld [tilespmem:$0x1FF30]  }
0x1b5: {  	v61 =	vld [tilespmem:$0x1FE00];
	[tilespmem:s31+$0x7810] =	vst v8  }
0x1b6: {  	v56 =	vld.idx.msk [tilespmem:v62+s11+$0x0], $0xffff;
	[tilespmem:s31+$0x7D10] =	vst v9;
	v2 =	vmov v2  }
0x1b7: {  	[tilespmem:$0x1FF30] =	vst v2;
	v2 =	vld [tilespmem:$0x1FF40]  }
0x1b8: {  	v63 =	vld [tilespmem:$0x1FE10];
	[tilespmem:s31+$0x8210] =	vst v10  }
0x1b9: {  	v15 =	vmovc v49;
	v49 =	vld [tilespmem:$0x1FFF0];
	v9 =	vmov v60;
	v60 =	vmov v58;
	[tilespmem:s31+$0x9110] =	vst v5;
	v5 =	vor.u32 $0x1C00, v57  }
0x1ba: {  	v58 =	vld.idx.msk [tilespmem:v18+s11+$0x0], $0xffff;
	[tilespmem:$0x1FFF0] =	vst v60  }
0x1bb: {  	v18 =	vmov v26;
	v26 =	vmov v59;
	v59 =	vld.idx.msk [tilespmem:v19+s11+$0x0], $0xffff;
	[tilespmem:s31+$0x8710] =	vst v3  }
0x1bc: {  	v3 =	vor.u32 $0x1A00, v57;
	[tilespmem:s31+$0x8C10] =	vst v4;
	v53 =	vld.idx.msk [tilespmem:v1+s11+$0x0], $0xffff;
	v1 =	vmov v28  }
0x1bd: {  	v60 =	vld [tilespmem:$0x1FE30];
	[tilespmem:$0x1FFB0] =	vst v1;
	v1 =	vor.u32 $0x1800, v57  }
0x1be: {  	v29 =	vmov v54;
	v54 =	vmov v30;
	v4 =	vor.u32 $0x1B00, v57;
	v5 =	vld.idx.msk [tilespmem:v5+s11+$0x0], $0xffff  }
0x1bf: {  	[tilespmem:$0x1FF90] =	vst v54;
	v62 =	vor.u32 $0x1F00, v57;
	v54 =	vld.idx.msk [tilespmem:v2+s11+$0x0], $0xffff  }
0x1c0: {  	v28 =	vmovc v14;
	v2 =	vmovc v21;
	v14 =	vmov v27;
	v27 =	vmov v55;
	v55 =	vld.idx.msk [tilespmem:v17+s11+$0x0], $0xffff;
	[tilespmem:s31+$0x1E00] =	vst v6;
	v6 =	vor.u32 $0x1E00, v57  }
0x1c1: {  	v3 =	vld.idx.msk [tilespmem:v3+s11+$0x0], $0xffff;
	[tilespmem:$0x1FF40] =	vst v2;
	v2 =	vor.u32 $0x1900, v57  }
0x1c2: {  	v13 =	vmov v25;
	v25 =	vmov v0;
	v0 =	vld.idx.msk [tilespmem:v1+s11+$0x0], $0xffff;
	v1 =	vor.u32 $0x1D00, v57  }
0x1c3: {  	v4 =	vld.idx.msk [tilespmem:v4+s11+$0x0], $0xffff  }
0x1c4: {  	[tilespmem:s30+$0x8700] =	vst v7;
	v7 =	vld.idx.msk [tilespmem:v62+s11+$0x0], $0xffff  }
0x1c5: {  	v6 =	vld.idx.msk [tilespmem:v6+s11+$0x0], $0xffff  }
0x1c6: {  	v2 =	vld.idx.msk [tilespmem:v2+s11+$0x0], $0xffff  }
0x1c7: {  	[tilespmem:s30+$0x6E00] =	vst v61;
	v61 =	vld.idx.msk [tilespmem:v1+s11+$0x0], $0xffff  }
0x1c8: {  	[tilespmem:s31+$0x9610] =	vst v0;
	v0 =	vld [tilespmem:$0x1FE50]  }
0x1c9: {  	v21 =	vmov v49;
	v49 =	vld [tilespmem:$0x1FE20]  }
0x1ca: {  	v1 =	vld [tilespmem:$0x1FE40];
	_ =	sdelay $0x1  }
0x1cb: {  	[tilespmem:s30+$0x7300] =	vst v63  }
0x1cc: {  	[tilespmem:s30+$0x7D00] =	vst v60  }
0x1cd: {  	[tilespmem:s30+$0x7800] =	vst v49  }
0x1ce: {  	[tilespmem:s30+$0x8200] =	vst v1;
	v1 =	vld [tilespmem:$0x1FE80]  }
0x1cf: {  	v8 =	vld.idx.msk [tilespmem:v0+s11+$0x0], $0xffff  }
0x1d0: {  	v0 =	vld [tilespmem:$0x1FE60];
	_ =	sdelay $0x3  }
0x1d1: {  	[tilespmem:s31+$0xA010] =	vst v3;
	v3 =	vld [tilespmem:$0x1FEA0]  }
0x1d2: {  	[tilespmem:s31+$0xA510] =	vst v4;
	v4 =	vld [tilespmem:$0x1FEB0]  }
0x1d3: {  	v62 =	vor.u32 $0x2600, v57;
	[tilespmem:s31+$0x9B10] =	vst v2;
	v49 =	vld.idx.msk [tilespmem:v1+s11+$0x0], $0xffff  }
0x1d4: {  	[tilespmem:s31+$0xB410] =	vst v6;
	v6 =	vor.u32 $0x2200, v57;
	v1 =	vld [tilespmem:$0x1FE90]  }
0x1d5: {  	[tilespmem:s31+$0xAA10] =	vst v5;
	v2 =	vld.idx.msk [tilespmem:v0+s11+$0x0], $0xffff  }
0x1d6: {  	[tilespmem:s31+$0xB910] =	vst v7;
	v0 =	vld [tilespmem:$0x1FE70]  }
0x1d7: {  	[tilespmem:s31+$0xAF10] =	vst v61  }
0x1d8: {  	v10 =	vld.idx.msk [tilespmem:v62+s11+$0x0], $0xffff  }
0x1d9: {  	v62 =	vld.idx.msk [tilespmem:v6+s11+$0x0], $0xffff  }
0x1da: {  	v5 =	vor.u32 $0x2000, v57;
	v6 =	vld [tilespmem:$0x1FEC0]  }
0x1db: {  	v3 =	vld.idx.msk [tilespmem:v3+s11+$0x0], $0xffff  }
0x1dc: {  	v4 =	vld.idx.msk [tilespmem:v4+s11+$0x0], $0xffff  }
0x1dd: {  	v1 =	vld.idx.msk [tilespmem:v1+s11+$0x0], $0xffff  }
0x1de: {  	v0 =	vld.idx.msk [tilespmem:v0+s11+$0x0], $0xffff  }
0x1df: {  	[tilespmem:s30+$0x8C00] =	vst v50;
	v50 =	vld.idx.msk [tilespmem:v5+s11+$0x0], $0xffff;
	v5 =	vor.u32 $0x2500, v57;
	_ =	sdelay $0x1  }
0x1e0: {  	[tilespmem:s30+$0x9100] =	vst v51  }
0x1e1: {  	[tilespmem:s29+$0x9B00] =	vst v6;
	v6 =	vld [tilespmem:$0x1FED0];
	_ =	sdelay $0x1  }
0x1e2: {  	v51 =	vld.idx.msk [tilespmem:v5+s11+$0x0], $0xffff  }
0x1e3: {  	v5 =	vld [tilespmem:$0x1FEF0];
	_ =	sdelay $0x1  }
0x1e4: {  	[tilespmem:s29+$0xA000] =	vst v6;
	v6 =	vld [tilespmem:$0x1FEE0];
	_ =	sdelay $0x3  }
0x1e5: {  	v63 =	vor.u32 $0x2100, v57;
	[tilespmem:s29+$0x9600] =	vst v36  }
0x1e6: {  	v19 =	vld [tilespmem:$0x1FDE0];
	v7 =	vor.u32 $0x2300, v57;
	[tilespmem:s29+$0xA500] =	vst v6  }
0x1e7: {  	s0 =	sadd.s32 $0x20, s0;
	v30 =	vmov v11;
	v11 =	vor.u32 $0x2400, v57;
	v57 =	vld.idx.msk [tilespmem:v5+s11+$0x0], $0xffff  }
0x1e8: {  	p1 =	slt.u32 s0, $0x4E0;
	[tilespmem:s31+$0x4B00] =	vst v2;
	v2 =	vld [tilespmem:$0x1FF00]  }
.Ltmp0:
0x1e9: {  	v17 =	vmov v23;
	v23 =	vld [tilespmem:$0x1FDF0];
	(pc) =	sbr.rel @p1 .LBB2_3-.Ltmp0, $4  }
0x1ea: {  	v63 =	vld.idx.msk [tilespmem:v63+s11+$0x0], $0xffff  }
0x1eb: {  	[tilespmem:$0x1FFC0] =	vst v9;
	v60 =	vld.idx.msk [tilespmem:v7+s11+$0x0], $0xffff  }
0x1ec: {  	v61 =	vld.idx.msk [tilespmem:v11+s11+$0x0], $0xffff;
	[tilespmem:s31+$0x4600] =	vst v8  }
0x1ed: {  	s1 =	sadd.s32 $0x80, s1;
	v16 =	vmov v24;
	[tilespmem:s31+$0xDC10] =	vst v10;
	v36 =	vld.idx.msk [tilespmem:v32+s11+$0x0], $0xffff;
	v32 =	vmov v2  }
0x1ee: {  	[tilespmem:s31+$0x5000] =	vst v0  }
0x1ef: {  	[tilespmem:s31+$0x5500] =	vst v49  }
0x1f0: {  	[tilespmem:s31+$0x5A00] =	vst v1  }
0x1f1: {  	[tilespmem:s31+$0x5F00] =	vst v3  }
0x1f2: {  	[tilespmem:s31+$0x6400] =	vst v4  }
0x1f3: {  	[tilespmem:s31+$0x6900] =	vst v57  }
0x1f4: {  	v0 =	vld [tilespmem:$0x1FF10];
	[tilespmem:s29+$0xAF00] =	vst v46  }
0x1f5: {  	[tilespmem:s29+$0xB400] =	vst v47  }
0x1f6: {  	[tilespmem:s29+$0xB900] =	vst v48  }
0x1f7: {  	[tilespmem:s28+$0xBE00] =	vst v52  }
0x1f8: {  	[tilespmem:s28+$0xC300] =	vst v53  }
0x1f9: {  	[tilespmem:s28+$0xC800] =	vst v54  }
0x1fa: {  	[tilespmem:s29+$0xAA00] =	vst v0  }
0x1fb: {  	[tilespmem:s28+$0xCD00] =	vst v55  }
0x1fc: {  	[tilespmem:s28+$0xD200] =	vst v56  }
0x1fd: {  	[tilespmem:s28+$0xD700] =	vst v58  }
0x1fe: {  	[tilespmem:s28+$0xDC00] =	vst v59;
	v0 =	vld.idx.msk [tilespmem:v43+s11+$0x0], $0xffff  }
0x1ff: {  	[tilespmem:s31+$0xBE10] =	vst v50;
	v1 =	vld.idx.msk [tilespmem:v40+s11+$0x0], $0xffff  }
0x200: {  	[tilespmem:s31+$0xC310] =	vst v63;
	v2 =	vld.idx.msk [tilespmem:v39+s11+$0x0], $0xffff  }
0x201: {  	[tilespmem:s31+$0xC810] =	vst v62;
	v3 =	vld.idx.msk [tilespmem:v38+s11+$0x0], $0xffff  }
0x202: {  	[tilespmem:s31+$0xCD10] =	vst v60;
	v63 =	vld.idx.msk [tilespmem:v37+s11+$0x0], $0xffff  }
0x203: {  	[tilespmem:s31+$0xD210] =	vst v61;
	v5 =	vld.idx.msk [tilespmem:v35+s11+$0x0], $0xffff  }
0x204: {  	[tilespmem:s31+$0xD710] =	vst v51;
	v6 =	vld.idx.msk [tilespmem:v34+s11+$0x0], $0xffff  }
0x205: {  	v7 =	vld.idx.msk [tilespmem:v33+s11+$0x0], $0xffff;
	[tilespmem:s31+$0x6E00] =	vst v0  }
0x206: {  	[tilespmem:s31+$0x7300] =	vst v1  }
0x207: {  	[tilespmem:s31+$0x7800] =	vst v2  }
0x208: {  	v2 =	vld [tilespmem:$0x1FF60];
	[tilespmem:s31+$0x7D00] =	vst v3  }
0x209: {  	v3 =	vld [tilespmem:$0x1FF70];
	[tilespmem:s31+$0x8200] =	vst v63  }
0x20a: {  	v4 =	vld [tilespmem:$0x1FF80];
	[tilespmem:s31+$0x8700] =	vst v5  }
0x20b: {  	v5 =	vld [tilespmem:$0x1FF90];
	[tilespmem:s31+$0x8C00] =	vst v6  }
0x20c: {  	v6 =	vld [tilespmem:$0x1FFA0]  }
0x20d: {  	v0 =	vld.idx.msk [tilespmem:v23+s11+$0x0], $0xffff  }
0x20e: {  	v1 =	vld.idx.msk [tilespmem:v19+s11+$0x0], $0xffff;
	[tilespmem:s31+$0x9100] =	vst v7  }
0x20f: {  	v7 =	vld [tilespmem:$0x1FF20]  }
0x210: {  	v2 =	vld.idx.msk [tilespmem:v2+s11+$0x0], $0xffff  }
0x211: {  	v3 =	vld.idx.msk [tilespmem:v3+s11+$0x0], $0xffff  }
0x212: {  	v4 =	vld.idx.msk [tilespmem:v4+s11+$0x0], $0xffff  }
0x213: {  	v5 =	vld.idx.msk [tilespmem:v5+s11+$0x0], $0xffff  }
0x214: {  	v6 =	vld.idx.msk [tilespmem:v6+s11+$0x0], $0xffff;
	[tilespmem:s30+$0x9600] =	vst v36  }
0x215: {  	v8 =	vld [tilespmem:$0x1FF30];
	[tilespmem:s30+$0x9B00] =	vst v0  }
0x216: {  	v0 =	vld [tilespmem:$0x1FF40];
	[tilespmem:s30+$0xA000] =	vst v1  }
0x217: {  	[tilespmem:s30+$0xA500] =	vst v2  }
0x218: {  	v2 =	vld [tilespmem:$0x1FF50]  }
0x219: {  	v37 =	vld.idx.msk [tilespmem:v17+s11+$0x0], $0xffff  }
0x21a: {  	v38 =	vld.idx.msk [tilespmem:v32+s11+$0x0], $0xffff  }
0x21b: {  	v7 =	vld.idx.msk [tilespmem:v7+s11+$0x0], $0xffff  }
0x21c: {  	v1 =	vld.idx.msk [tilespmem:v15+s11+$0x0], $0xffff;
	[tilespmem:s30+$0xAA00] =	vst v3  }
0x21d: {  	v3 =	vld.idx.msk [tilespmem:v16+s11+$0x0], $0xffff;
	[tilespmem:s30+$0xAF00] =	vst v4  }
0x21e: {  	[tilespmem:s30+$0xB400] =	vst v5;
	v8 =	vld.idx.msk [tilespmem:v8+s11+$0x0], $0xffff  }
0x21f: {  	[tilespmem:s30+$0xB900] =	vst v6;
	v0 =	vld.idx.msk [tilespmem:v0+s11+$0x0], $0xffff  }
0x220: {  	v2 =	vld.idx.msk [tilespmem:v2+s11+$0x0], $0xffff;
	[tilespmem:s29+$0xBE00] =	vst v7  }
0x221: {  	v39 =	vld.idx.msk [tilespmem:v45+s11+$0x0], $0xffff;
	[tilespmem:s29+$0xCD00] =	vst v1  }
0x222: {  	v40 =	vld.idx.msk [tilespmem:v44+s11+$0x0], $0xffff;
	[tilespmem:s29+$0xD700] =	vst v3  }
0x223: {  	v1 =	vld.idx.msk [tilespmem:v29+s11+$0x0], $0xffff;
	[tilespmem:s29+$0xDC00] =	vst v37  }
0x224: {  	v3 =	vld.idx.msk [tilespmem:v31+s11+$0x0], $0xffff;
	[tilespmem:s29+$0xC300] =	vst v8  }
0x225: {  	v8 =	vld.idx.msk [tilespmem:v41+s11+$0x0], $0xffff;
	[tilespmem:s29+$0xC800] =	vst v0  }
0x226: {  	v0 =	vld.idx.msk [tilespmem:v42+s11+$0x0], $0xffff;
	[tilespmem:s29+$0xD200] =	vst v2  }
0x227: {  	v2 =	vld.idx.msk [tilespmem:v30+s11+$0x0], $0xffff;
	[tilespmem:s31+$0x9600] =	vst v38  }
0x228: {  	[tilespmem:s31+$0x9B00] =	vst v39  }
0x229: {  	v5 =	vld [tilespmem:$0x1FFB0];
	[tilespmem:s31+$0xA000] =	vst v40  }
0x22a: {  	[tilespmem:s31+$0xA500] =	vst v8  }
0x22b: {  	v7 =	vld [tilespmem:$0x1FFC0];
	_ =	sdelay $0x2  }
0x22c: {  	v41 =	vld.idx.msk [tilespmem:v12+s11+$0x0], $0xffff  }
0x22d: {  	v42 =	vld.idx.msk [tilespmem:v14+s11+$0x0], $0xffff  }
0x22e: {  	[tilespmem:s31+$0xAA00] =	vst v0;
	v0 =	vld.idx.msk [tilespmem:v21+s11+$0x0], $0xffff  }
0x22f: {  	[tilespmem:s31+$0xAF00] =	vst v1;
	v1 =	vld.idx.msk [tilespmem:v18+s11+$0x0], $0xffff  }
0x230: {  	[tilespmem:s31+$0xB900] =	vst v3;
	v5 =	vld.idx.msk [tilespmem:v5+s11+$0x0], $0xffff  }
0x231: {  	[tilespmem:s31+$0xB400] =	vst v2;
	v7 =	vld.idx.msk [tilespmem:v7+s11+$0x0], $0xffff  }
0x232: {  	v2 =	vld.idx.msk [tilespmem:v13+s11+$0x0], $0xffff;
	[tilespmem:s30+$0xBE00] =	vst v41  }
0x233: {  	v3 =	vld [tilespmem:$0x1FFD0]  }
0x234: {  	[tilespmem:s30+$0xC800] =	vst v42  }
0x235: {  	[tilespmem:s30+$0xC300] =	vst v5  }
0x236: {  	[tilespmem:s30+$0xCD00] =	vst v7  }
0x237: {  	v6 =	vld [tilespmem:$0x1FFE0];
	[tilespmem:s30+$0xD200] =	vst v0  }
0x238: {  	v0 =	vld [tilespmem:$0x1FFF0];
	_ =	sdelay $0x1  }
0x239: {  	v43 =	vld.idx.msk [tilespmem:v28+s11+$0x0], $0xffff  }
0x23a: {  	v3 =	vld.idx.msk [tilespmem:v3+s11+$0x0], $0xffff  }
0x23b: {  	v44 =	vld.idx.msk [tilespmem:v27+s11+$0x0], $0xffff  }
0x23c: {  	[tilespmem:s30+$0xD700] =	vst v1;
	v1 =	vld.idx.msk [tilespmem:v26+s11+$0x0], $0xffff  }
0x23d: {  	[tilespmem:s30+$0xDC00] =	vst v2;
	v2 =	vld.idx.msk [tilespmem:v25+s11+$0x0], $0xffff  }
0x23e: {  	v6 =	vld.idx.msk [tilespmem:v6+s11+$0x0], $0xffff  }
0x23f: {  	v0 =	vld.idx.msk [tilespmem:v0+s11+$0x0], $0xffff;
	[tilespmem:s31+$0xBE00] =	vst v3  }
0x240: {  	[tilespmem:s31+$0xC300] =	vst v43  }
0x241: {  	[tilespmem:s31+$0xC800] =	vst v44  }
0x242: {  	[tilespmem:s31+$0xD700] =	vst v1  }
0x243: {  	[tilespmem:s31+$0xDC00] =	vst v2  }
0x244: {  	[tilespmem:s31+$0xCD00] =	vst v6  }
0x245: {  	s26 =	sadd.s32 s7, s26;
	s0 =	simm.s32 @!p0 $0x4;
	[tilespmem:s31+$0xD200] =	vst v0  }
0x246: {  	[hbm4b:s26+s14] =	stream.strided.scatter [tilespmem:s18], [sflag:$0x3], $0xC300, s15, s14, $0x38;
	[tilespmem:$0x1EB00] =	vst v63  }
0x247: {  	_ =	swait.ge @!p0 [sflag:s0], $0xBE00  }
0x248: {  	[sflag:s0] =	ssyncset.done @!p0 $0x0  }
0x249: {  	s28 =	simm.s32 $0x0;
	[sflag:s0] =	ssyncadd.s32 @!p0 $0xFFFF4200  }
0x24a: {  	v0 =	vld [tilespmem:s28+$0x510];
	_ =	sdelay $0x4  }
0x24b: {  	v2 =	vand.u32 $0xFF, v0  }
0x24c: {  	v0 =	vor.u32 $0x2700, v2  }
0x24d: {  	v1 =	vor.u32 $0x2800, v2  }
0x24e: {  	v3 =	vor.u32 $0x2900, v2  }
0x24f: {  	v45 =	vor.u32 $0x2A00, v2  }
0x250: {  	v46 =	vor.u32 $0x2B00, v2  }
0x251: {  	v47 =	vor.u32 $0x2C00, v2;
	v0 =	vld.idx.msk [tilespmem:v0+s11+$0x0], $0xffff  }
0x252: {  	v48 =	vor.u32 $0x2D00, v2;
	v1 =	vld.idx.msk [tilespmem:v1+s11+$0x0], $0xffff  }
0x253: {  	v8 =	vor.u32 $0x2E00, v2;
	v3 =	vld.idx.msk [tilespmem:v3+s11+$0x0], $0xffff  }
0x254: {  	v4 =	vld.idx.msk [tilespmem:v45+s11+$0x0], $0xffff  }
0x255: {  	v5 =	vld.idx.msk [tilespmem:v46+s11+$0x0], $0xffff  }
0x256: {  	v6 =	vld.idx.msk [tilespmem:v47+s11+$0x0], $0xffff  }
0x257: {  	v7 =	vld.idx.msk [tilespmem:v48+s11+$0x0], $0xffff  }
0x258: {  	v8 =	vld.idx.msk [tilespmem:v8+s11+$0x0], $0xffff;
	[tilespmem:s28+$0xE110] =	vst v0  }
0x259: {  	[tilespmem:s28+$0xE610] =	vst v1  }
0x25a: {  	[tilespmem:s28+$0xEB10] =	vst v3  }
0x25b: {  	v49 =	vor.u32 $0x3000, v2;
	[tilespmem:s28+$0xF010] =	vst v4  }
0x25c: {  	v51 =	vor.u32 $0x3100, v2;
	[tilespmem:s28+$0xF510] =	vst v5  }
0x25d: {  	v50 =	vld [tilespmem:s28+$0x500];
	v52 =	vor.u32 $0x3200, v2;
	[tilespmem:s28+$0xFA10] =	vst v6  }
0x25e: {  	v9 =	vor.u32 $0x3400, v2;
	[tilespmem:s28+$0xFF10] =	vst v7  }
0x25f: {  	v57 =	vld [tilespmem:s28+$0x10];
	v10 =	vor.u32 $0x3500, v2;
	[tilespmem:s28+$0x10410] =	vst v8  }
0x260: {  	v11 =	vor.u32 $0x3600, v2;
	v4 =	vld.idx.msk [tilespmem:v49+s11+$0x0], $0xffff  }
0x261: {  	v3 =	vor.u32 $0x2F00, v2;
	v6 =	vld.idx.msk [tilespmem:v51+s11+$0x0], $0xffff  }
0x262: {  	v8 =	vor.u32 $0x3300, v2;
	v5 =	vand.u32 $0xFF, v50;
	v7 =	vld.idx.msk [tilespmem:v52+s11+$0x0], $0xffff  }
0x263: {  	v12 =	vor.u32 $0x2700, v5;
	v9 =	vld.idx.msk [tilespmem:v9+s11+$0x0], $0xffff  }
0x264: {  	v13 =	vor.u32 $0x2800, v5;
	v10 =	vld.idx.msk [tilespmem:v10+s11+$0x0], $0xffff  }
0x265: {  	v14 =	vor.u32 $0x2900, v5;
	v11 =	vld.idx.msk [tilespmem:v11+s11+$0x0], $0xffff  }
0x266: {  	v15 =	vor.u32 $0x2A00, v5;
	v3 =	vld.idx.msk [tilespmem:v3+s11+$0x0], $0xffff  }
0x267: {  	v16 =	vor.u32 $0x2B00, v5;
	v8 =	vld.idx.msk [tilespmem:v8+s11+$0x0], $0xffff;
	[tilespmem:s28+$0x10E10] =	vst v4  }
0x268: {  	v17 =	vor.u32 $0x2C00, v5;
	v12 =	vld.idx.msk [tilespmem:v12+s11+$0x0], $0xffff;
	[tilespmem:s28+$0x11310] =	vst v6  }
0x269: {  	v53 =	vor.u32 $0x2D00, v5;
	v13 =	vld.idx.msk [tilespmem:v13+s11+$0x0], $0xffff;
	[tilespmem:s28+$0x11810] =	vst v7  }
0x26a: {  	v54 =	vor.u32 $0x2E00, v5;
	v14 =	vld.idx.msk [tilespmem:v14+s11+$0x0], $0xffff;
	[tilespmem:s28+$0x12210] =	vst v9  }
0x26b: {  	v55 =	vor.u32 $0x3700, v2;
	v15 =	vld.idx.msk [tilespmem:v15+s11+$0x0], $0xffff;
	[tilespmem:s28+$0x12710] =	vst v10  }
0x26c: {  	v16 =	vld.idx.msk [tilespmem:v16+s11+$0x0], $0xffff;
	v9 =	vor.u32 $0x3900, v2;
	[tilespmem:s28+$0x12C10] =	vst v11  }
0x26d: {  	v17 =	vld.idx.msk [tilespmem:v17+s11+$0x0], $0xffff;
	v10 =	vor.u32 $0x3A00, v2;
	[tilespmem:s28+$0x10910] =	vst v3  }
0x26e: {  	v4 =	vld.idx.msk [tilespmem:v53+s11+$0x0], $0xffff;
	v11 =	vor.u32 $0x3B00, v2;
	[tilespmem:s28+$0x11D10] =	vst v8  }
0x26f: {  	v18 =	vor.u32 $0x3C00, v2;
	v6 =	vld.idx.msk [tilespmem:v54+s11+$0x0], $0xffff;
	[tilespmem:s28+$0xE100] =	vst v12  }
0x270: {  	v19 =	vor.u32 $0x3D00, v2;
	v7 =	vld.idx.msk [tilespmem:v55+s11+$0x0], $0xffff;
	[tilespmem:s28+$0xE600] =	vst v13  }
0x271: {  	v8 =	vor.u32 $0x3800, v2;
	v9 =	vld.idx.msk [tilespmem:v9+s11+$0x0], $0xffff;
	[tilespmem:s28+$0xEB00] =	vst v14  }
0x272: {  	v12 =	vor.u32 $0x3E00, v2;
	v10 =	vld.idx.msk [tilespmem:v10+s11+$0x0], $0xffff;
	[tilespmem:s28+$0xF000] =	vst v15  }
0x273: {  	v11 =	vld.idx.msk [tilespmem:v11+s11+$0x0], $0xffff;
	[tilespmem:s28+$0xF500] =	vst v16  }
0x274: {  	v13 =	vld.idx.msk [tilespmem:v18+s11+$0x0], $0xffff;
	[tilespmem:s28+$0xFA00] =	vst v17  }
0x275: {  	v14 =	vld.idx.msk [tilespmem:v19+s11+$0x0], $0xffff;
	[tilespmem:s28+$0xFF00] =	vst v4  }
0x276: {  	[tilespmem:s28+$0x10400] =	vst v6;
	v8 =	vld.idx.msk [tilespmem:v8+s11+$0x0], $0xffff  }
0x277: {  	v12 =	vld.idx.msk [tilespmem:v12+s11+$0x0], $0xffff;
	[tilespmem:s28+$0x13110] =	vst v7  }
0x278: {  	v1 =	vld [tilespmem:s28+$0x0];
	v56 =	vor.u32 $0x2F00, v5;
	[tilespmem:s28+$0x13B10] =	vst v9  }
0x279: {  	s29 =	simm.s32 $0x20;
	v0 =	vld [tilespmem:s28+$0xA00];
	v58 =	vor.u32 $0x3400, v5;
	[tilespmem:s28+$0x14010] =	vst v10  }
0x27a: {  	v49 =	vld [tilespmem:s29+$0x0];
	v2 =	vor.u32 $0x3F00, v2;
	[tilespmem:s28+$0x14510] =	vst v11  }
0x27b: {  	v3 =	vld [tilespmem:s28+$0xA10];
	[tilespmem:s28+$0x14A10] =	vst v13;
	v10 =	vor.u32 $0x3200, v5  }
0x27c: {  	v4 =	vand.u32 $0xFF, v57;
	v57 =	vld [tilespmem:s29+$0xA00];
	[tilespmem:s28+$0x14F10] =	vst v14  }
0x27d: {  	v15 =	vld.idx.msk [tilespmem:v56+s11+$0x0], $0xffff;
	v9 =	vor.u32 $0x3100, v5;
	[tilespmem:s28+$0x13610] =	vst v8  }
0x27e: {  	v25 =	vld.idx.msk [tilespmem:v58+s11+$0x0], $0xffff;
	v11 =	vor.u32 $0x3300, v5;
	[tilespmem:s28+$0x15410] =	vst v12  }
0x27f: {  	v8 =	vor.u32 $0x3000, v5;
	v2 =	vld.idx.msk [tilespmem:v2+s11+$0x0], $0xffff  }
0x280: {  	v23 =	vld.idx.msk [tilespmem:v10+s11+$0x0], $0xffff  }
0x281: {  	v59 =	vor.u32 $0x100, v4;
	v10 =	vld [tilespmem:s29+$0x510]  }
0x282: {  	v18 =	vld.idx.msk [tilespmem:v9+s11+$0x0], $0xffff;
	v9 =	vor.u32 $0x300, v4  }
0x283: {  	v60 =	vor.u32 $0xB00, v4;
	v24 =	vld.idx.msk [tilespmem:v11+s11+$0x0], $0xffff  }
0x284: {  	v61 =	vor.u32 $0x500, v4;
	v17 =	vld.idx.msk [tilespmem:v8+s11+$0x0], $0xffff;
	[tilespmem:s28+$0x15910] =	vst v2  }
0x285: {  	v8 =	vor.u32 $0x200, v4;
	v21 =	vld.idx.msk [tilespmem:v4+s13+$0x0], $0xffff  }
0x286: {  	v16 =	vand.u32 $0xFF, v10;
	v2 =	vor.u32 $0x400, v4;
	v20 =	vld.idx.msk [tilespmem:v59+s13+$0x0], $0xffff  }
0x287: {  	v10 =	vor.u32 $0x2800, v16;
	v11 =	vld.idx.msk [tilespmem:v9+s13+$0x0], $0xffff  }
0x288: {  	v14 =	vor.u32 $0x2900, v16;
	v22 =	vld.idx.msk [tilespmem:v60+s13+$0x0], $0xffff  }
0x289: {  	v26 =	vor.u32 $0x2C00, v16;
	v19 =	vld.idx.msk [tilespmem:v61+s13+$0x0], $0xffff  }
0x28a: {  	v9 =	vor.u32 $0x700, v4;
	v13 =	vld.idx.msk [tilespmem:v8+s13+$0x0], $0xffff  }
0x28b: {  	v8 =	vor.u32 $0x600, v4;
	v12 =	vld.idx.msk [tilespmem:v2+s13+$0x0], $0xffff  }
0x28c: {  	v28 =	vor.u32 $0x2E00, v16;
	v27 =	vld.idx.msk [tilespmem:v10+s11+$0x0], $0xffff  }
0x28d: {  	v2 =	vor.u32 $0x2700, v16;
	v14 =	vld.idx.msk [tilespmem:v14+s11+$0x0], $0xffff  }
0x28e: {  	v10 =	vor.u32 $0x2D00, v16;
	v26 =	vld.idx.msk [tilespmem:v26+s11+$0x0], $0xffff  }
0x28f: {  	v6 =	vld.idx.msk [tilespmem:v9+s13+$0x0], $0xffff;
	v9 =	vor.u32 $0x2B00, v16  }
0x290: {  	v7 =	vld.idx.msk [tilespmem:v8+s13+$0x0], $0xffff;
	v8 =	vor.u32 $0x2A00, v16  }
0x291: {  	v29 =	vor.u32 $0x800, v4;
	v28 =	vld.idx.msk [tilespmem:v28+s11+$0x0], $0xffff  }
0x292: {  	v36 =	vor.u32 $0x3600, v5;
	v2 =	vld.idx.msk [tilespmem:v2+s11+$0x0], $0xffff  }
0x293: {  	v62 =	vor.u32 $0x3500, v5;
	v63 =	vld.idx.msk [tilespmem:v10+s11+$0x0], $0xffff  }
0x294: {  	v31 =	vld.idx.msk [tilespmem:v9+s11+$0x0], $0xffff  }
0x295: {  	v30 =	vld.idx.msk [tilespmem:v8+s11+$0x0], $0xffff;
	[tilespmem:s29+$0xE610] =	vst v27  }
0x296: {  	v10 =	vld.idx.msk [tilespmem:v29+s13+$0x0], $0xffff;
	v8 =	vor.u32 $0x900, v4;
	[tilespmem:s29+$0xEB10] =	vst v14  }
0x297: {  	v29 =	vld.idx.msk [tilespmem:v36+s11+$0x0], $0xffff;
	v4 =	vor.u32 $0xA00, v4;
	[tilespmem:s29+$0xFA10] =	vst v26  }
0x298: {  	v37 =	vor.u32 $0x2F00, v16;
	v27 =	vld.idx.msk [tilespmem:v62+s11+$0x0], $0xffff;
	[tilespmem:s29+$0x10410] =	vst v28  }
0x299: {  	v26 =	vor.u32 $0x3100, v16;
	[tilespmem:s29+$0xE110] =	vst v2;
	v2 =	vld [tilespmem:s29+$0xA10]  }
0x29a: {  	v38 =	vor.u32 $0x3200, v16;
	[tilespmem:s29+$0xF510] =	vst v31;
	v31 =	vld [tilespmem:s29+$0x500]  }
0x29b: {  	v28 =	vor.u32 $0x3300, v16;
	[tilespmem:s29+$0xFF10] =	vst v63;
	v9 =	vld.idx.msk [tilespmem:v8+s13+$0x0], $0xffff  }
0x29c: {  	v39 =	vor.u32 $0x3400, v16;
	v8 =	vld.idx.msk [tilespmem:v4+s13+$0x0], $0xffff;
	[tilespmem:s29+$0xF010] =	vst v30  }
0x29d: {  	v30 =	vor.u32 $0x3000, v16;
	v33 =	vld.idx.msk [tilespmem:v37+s11+$0x0], $0xffff  }
0x29e: {  	v40 =	vor.u32 $0x3500, v16;
	[tilespmem:s28+$0x10900] =	vst v15;
	v26 =	vld.idx.msk [tilespmem:v26+s11+$0x0], $0xffff  }
0x29f: {  	[tilespmem:s28+$0x10E00] =	vst v17;
	v32 =	vld.idx.msk [tilespmem:v38+s11+$0x0], $0xffff;
	v4 =	vand.u32 $0xFF, v31;
	v31 =	vor.u32 $0x3600, v16  }
0x2a0: {  	[tilespmem:s28+$0x11300] =	vst v18;
	v28 =	vld.idx.msk [tilespmem:v28+s11+$0x0], $0xffff;
	v15 =	vor.u32 $0x2700, v4  }
0x2a1: {  	[tilespmem:s28+$0x11800] =	vst v23;
	v34 =	vld.idx.msk [tilespmem:v39+s11+$0x0], $0xffff;
	v17 =	vor.u32 $0x2800, v4  }
0x2a2: {  	[tilespmem:s28+$0x11D00] =	vst v24;
	v18 =	vor.u32 $0x2900, v4;
	v30 =	vld.idx.msk [tilespmem:v30+s11+$0x0], $0xffff  }
0x2a3: {  	[tilespmem:s28+$0x12200] =	vst v25;
	v35 =	vld.idx.msk [tilespmem:v40+s11+$0x0], $0xffff;
	v23 =	vor.u32 $0x2A00, v4  }
0x2a4: {  	v42 =	vor.u32 $0x2C00, v4;
	v24 =	vld.idx.msk [tilespmem:v31+s11+$0x0], $0xffff;
	[tilespmem:s29+$0x10910] =	vst v33  }
0x2a5: {  	[tilespmem:s29+$0x11310] =	vst v26;
	v41 =	vld.idx.msk [tilespmem:v15+s11+$0x0], $0xffff  }
0x2a6: {  	v31 =	vor.u32 $0x2B00, v4;
	[tilespmem:s29+$0x11810] =	vst v32;
	v17 =	vld.idx.msk [tilespmem:v17+s11+$0x0], $0xffff  }
0x2a7: {  	v26 =	vor.u32 $0x2E00, v4;
	v18 =	vld.idx.msk [tilespmem:v18+s11+$0x0], $0xffff;
	[tilespmem:s29+$0x10E10] =	vst v30  }
0x2a8: {  	v47 =	vor.u32 $0x3700, v5;
	v23 =	vld.idx.msk [tilespmem:v23+s11+$0x0], $0xffff;
	[tilespmem:$0x1FDA0] =	vst v2  }
0x2a9: {  	s30 =	simm.s32 $0x40;
	v48 =	vor.u32 $0x3800, v5;
	[tilespmem:s29+$0x11D10] =	vst v28;
	v43 =	vld.idx.msk [tilespmem:v42+s11+$0x0], $0xffff  }
0x2aa: {  	v25 =	vor.u32 $0x3700, v16;
	[tilespmem:s29+$0x12210] =	vst v34;
	v2 =	vld [tilespmem:s30+$0xA00]  }
0x2ab: {  	v44 =	vor.u32 $0x3900, v16;
	[tilespmem:s28+$0x12700] =	vst v27;
	v31 =	vld.idx.msk [tilespmem:v31+s11+$0x0], $0xffff  }
0x2ac: {  	v30 =	vor.u32 $0x2D00, v4;
	[tilespmem:s28+$0x12C00] =	vst v29;
	v26 =	vld.idx.msk [tilespmem:v26+s11+$0x0], $0xffff  }
0x2ad: {  	v46 =	vor.u32 $0x3E00, v16;
	[tilespmem:s29+$0x12710] =	vst v35;
	v51 =	vld.idx.msk [tilespmem:v47+s11+$0x0], $0xffff  }
0x2ae: {  	v45 =	vor.u32 $0x3A00, v16;
	[tilespmem:s29+$0x12C10] =	vst v24;
	v34 =	vld.idx.msk [tilespmem:v48+s11+$0x0], $0xffff  }
0x2af: {  	v25 =	vld.idx.msk [tilespmem:v25+s11+$0x0], $0xffff  }
0x2b0: {  	v28 =	vor.u32 $0x3800, v16;
	v33 =	vld.idx.msk [tilespmem:v44+s11+$0x0], $0xffff  }
0x2b1: {  	v24 =	vor.u32 $0x3B00, v16;
	v30 =	vld.idx.msk [tilespmem:v30+s11+$0x0], $0xffff;
	[tilespmem:s29+$0xE100] =	vst v41  }
0x2b2: {  	v27 =	vor.u32 $0x3C00, v16;
	v50 =	vld.idx.msk [tilespmem:v46+s11+$0x0], $0xffff;
	[tilespmem:s29+$0xE600] =	vst v17  }
0x2b3: {  	v29 =	vor.u32 $0x3D00, v16;
	v17 =	vld.idx.msk [tilespmem:v45+s11+$0x0], $0xffff;
	[tilespmem:s29+$0xEB00] =	vst v18  }
0x2b4: {  	[tilespmem:s29+$0xF000] =	vst v23;
	v45 =	vld [tilespmem:s30+$0x510]  }
0x2b5: {  	v63 =	vor.u32 $0x3500, v4;
	v28 =	vld.idx.msk [tilespmem:v28+s11+$0x0], $0xffff;
	[tilespmem:s29+$0xFA00] =	vst v43  }
0x2b6: {  	v18 =	vld.idx.msk [tilespmem:v24+s11+$0x0], $0xffff;
	v24 =	vor.u32 $0x3900, v5;
	[tilespmem:s29+$0xF500] =	vst v31  }
0x2b7: {  	v23 =	vld.idx.msk [tilespmem:v27+s11+$0x0], $0xffff;
	v27 =	vor.u32 $0x3A00, v5;
	[tilespmem:s29+$0x10400] =	vst v26  }
0x2b8: {  	v29 =	vld.idx.msk [tilespmem:v29+s11+$0x0], $0xffff;
	v31 =	vor.u32 $0x3B00, v5;
	[tilespmem:s29+$0x13110] =	vst v25  }
0x2b9: {  	v26 =	vor.u32 $0x3400, v4;
	[tilespmem:s29+$0xFF00] =	vst v30;
	v30 =	vld [tilespmem:s29+$0x10]  }
0x2ba: {  	v25 =	vor.u32 $0x3C00, v5;
	[tilespmem:s29+$0x13B10] =	vst v33;
	v44 =	vld.idx.msk [tilespmem:v63+s11+$0x0], $0xffff  }
0x2bb: {  	[tilespmem:s29+$0x15410] =	vst v50;
	v52 =	vld.idx.msk [tilespmem:v24+s11+$0x0], $0xffff;
	v24 =	vor.u32 $0x3E00, v5  }
0x2bc: {  	v16 =	vor.u32 $0x3F00, v16;
	[tilespmem:s29+$0x14010] =	vst v17;
	v27 =	vld.idx.msk [tilespmem:v27+s11+$0x0], $0xffff  }
0x2bd: {  	[tilespmem:s29+$0x13610] =	vst v28;
	v28 =	vor.u32 $0x3D00, v5;
	v17 =	vld.idx.msk [tilespmem:v31+s11+$0x0], $0xffff  }
0x2be: {  	[tilespmem:s29+$0x14A10] =	vst v23;
	v23 =	vor.u32 $0x3100, v4;
	v60 =	vld.idx.msk [tilespmem:v26+s11+$0x0], $0xffff  }
0x2bf: {  	[tilespmem:s29+$0x14F10] =	vst v29;
	v29 =	vor.u32 $0x3200, v4;
	v53 =	vld.idx.msk [tilespmem:v25+s11+$0x0], $0xffff  }
0x2c0: {  	[tilespmem:s29+$0x14510] =	vst v18;
	v54 =	vld.idx.msk [tilespmem:v24+s11+$0x0], $0xffff;
	v24 =	vor.u32 $0x3300, v4  }
0x2c1: {  	v18 =	vor.u32 $0x2F00, v4;
	v16 =	vld.idx.msk [tilespmem:v16+s11+$0x0], $0xffff  }
0x2c2: {  	v28 =	vld.idx.msk [tilespmem:v28+s11+$0x0], $0xffff  }
0x2c3: {  	v25 =	vor.u32 $0x3000, v4;
	v56 =	vand.u32 $0xFF, v30;
	v58 =	vld.idx.msk [tilespmem:v23+s11+$0x0], $0xffff  }
0x2c4: {  	v23 =	vor.u32 $0x100, v56;
	v29 =	vld.idx.msk [tilespmem:v29+s11+$0x0], $0xffff  }
0x2c5: {  	v59 =	vld.idx.msk [tilespmem:v24+s11+$0x0], $0xffff;
	v24 =	vor.u32 $0x300, v56  }
0x2c6: {  	v18 =	vld.idx.msk [tilespmem:v18+s11+$0x0], $0xffff;
	[tilespmem:s29+$0x15910] =	vst v16;
	v16 =	vor.u32 $0x400, v56  }
0x2c7: {  	[tilespmem:s28+$0x13100] =	vst v51;
	v51 =	vld [tilespmem:s30+$0x500]  }
0x2c8: {  	v26 =	vor.u32 $0xB00, v56;
	v55 =	vld.idx.msk [tilespmem:v25+s11+$0x0], $0xffff  }
0x2c9: {  	v62 =	vor.u32 $0x600, v56;
	[tilespmem:s28+$0x13600] =	vst v34;
	v31 =	vld.idx.msk [tilespmem:v23+s13+$0x0], $0xffff  }
0x2ca: {  	v43 =	vor.u32 $0x900, v56;
	[tilespmem:s28+$0x13B00] =	vst v52;
	v23 =	vld.idx.msk [tilespmem:v24+s13+$0x0], $0xffff  }
0x2cb: {  	[tilespmem:s28+$0x14000] =	vst v27;
	v24 =	vld.idx.msk [tilespmem:v16+s13+$0x0], $0xffff;
	v16 =	vor.u32 $0x3600, v4  }
0x2cc: {  	v27 =	vor.u32 $0x700, v56;
	[tilespmem:s28+$0x14500] =	vst v17;
	v42 =	vld.idx.msk [tilespmem:v56+s13+$0x0], $0xffff  }
0x2cd: {  	v17 =	vor.u32 $0x800, v56;
	[tilespmem:s28+$0x14A00] =	vst v53;
	v34 =	vld.idx.msk [tilespmem:v26+s13+$0x0], $0xffff  }
0x2ce: {  	v25 =	vor.u32 $0x200, v56;
	v26 =	vld.idx.msk [tilespmem:v62+s13+$0x0], $0xffff;
	[tilespmem:s28+$0x14F00] =	vst v28  }
0x2cf: {  	v61 =	vor.u32 $0x500, v56;
	v15 =	vld.idx.msk [tilespmem:v43+s13+$0x0], $0xffff;
	[tilespmem:s28+$0x15400] =	vst v54  }
0x2d0: {  	v46 =	vor.u32 $0x3F00, v5;
	v47 =	vld.idx.msk [tilespmem:v16+s11+$0x0], $0xffff;
	[tilespmem:s29+$0x10900] =	vst v18  }
0x2d1: {  	v28 =	vor.u32 $0xA00, v56;
	v27 =	vld.idx.msk [tilespmem:v27+s13+$0x0], $0xffff;
	[tilespmem:s29+$0x10E00] =	vst v55  }
0x2d2: {  	v32 =	vand.u32 $0xFF, v45;
	v5 =	vld.idx.msk [tilespmem:v17+s13+$0x0], $0xffff;
	[tilespmem:s29+$0x11300] =	vst v58  }
0x2d3: {  	v50 =	vor.u32 $0x2700, v32;
	v30 =	vld.idx.msk [tilespmem:v25+s13+$0x0], $0xffff;
	[tilespmem:s29+$0x11800] =	vst v29  }
0x2d4: {  	v52 =	vor.u32 $0x2800, v32;
	v25 =	vld.idx.msk [tilespmem:v61+s13+$0x0], $0xffff;
	[tilespmem:s29+$0x11D00] =	vst v59  }
0x2d5: {  	v53 =	vor.u32 $0x2900, v32;
	v36 =	vld.idx.msk [tilespmem:v46+s11+$0x0], $0xffff;
	[tilespmem:s29+$0x12200] =	vst v60  }
0x2d6: {  	v54 =	vor.u32 $0x2A00, v32;
	v16 =	vld.idx.msk [tilespmem:v28+s13+$0x0], $0xffff;
	[tilespmem:s29+$0x12700] =	vst v44  }
0x2d7: {  	v56 =	vor.u32 $0x2C00, v32;
	v18 =	vld [tilespmem:s30+$0x0];
	[tilespmem:$0x1FDD0] =	vst v2  }
0x2d8: {  	v38 =	vld.idx.msk [tilespmem:v50+s11+$0x0], $0xffff;
	[tilespmem:s28+$0x19510] =	vst v22  }
0x2d9: {  	v55 =	vor.u32 $0x2B00, v32;
	v40 =	vld.idx.msk [tilespmem:v52+s11+$0x0], $0xffff;
	[tilespmem:s28+$0x15E10] =	vst v21  }
0x2da: {  	v48 =	vor.u32 $0x3700, v4;
	v35 =	vld.idx.msk [tilespmem:v53+s11+$0x0], $0xffff;
	[tilespmem:s28+$0x16310] =	vst v20  }
0x2db: {  	v59 =	vor.u32 $0x3A00, v4;
	v37 =	vld.idx.msk [tilespmem:v54+s11+$0x0], $0xffff;
	[tilespmem:s28+$0x16810] =	vst v13  }
0x2dc: {  	v22 =	vor.u32 $0x2D00, v32;
	[tilespmem:s28+$0x16D10] =	vst v11;
	v41 =	vld.idx.msk [tilespmem:v56+s11+$0x0], $0xffff  }
0x2dd: {  	v21 =	vor.u32 $0x2E00, v32;
	[tilespmem:s28+$0x17210] =	vst v12;
	v28 =	vld [tilespmem:s30+$0xA10]  }
0x2de: {  	v58 =	vor.u32 $0x3800, v4;
	[tilespmem:s29+$0x12C00] =	vst v47;
	v13 =	vld.idx.msk [tilespmem:v55+s11+$0x0], $0xffff  }
0x2df: {  	v20 =	vor.u32 $0x3900, v4;
	[tilespmem:s28+$0x17710] =	vst v19;
	v29 =	vld.idx.msk [tilespmem:v48+s11+$0x0], $0xffff  }
0x2e0: {  	v60 =	vor.u32 $0x3B00, v4;
	[tilespmem:s28+$0x17C10] =	vst v7;
	v11 =	vld.idx.msk [tilespmem:v59+s11+$0x0], $0xffff  }
0x2e1: {  	v12 =	vor.u32 $0x3C00, v4;
	v19 =	vand.u32 $0xFF, v51;
	[tilespmem:s28+$0x18B10] =	vst v9;
	v61 =	vld.idx.msk [tilespmem:v22+s11+$0x0], $0xffff  }
0x2e2: {  	[tilespmem:s28+$0x19010] =	vst v8;
	v39 =	vor.u32 $0x2800, v19;
	v62 =	vld.idx.msk [tilespmem:v21+s11+$0x0], $0xffff  }
0x2e3: {  	v9 =	vor.u32 $0x2900, v19;
	v22 =	vld.idx.msk [tilespmem:v58+s11+$0x0], $0xffff;
	[tilespmem:s30+$0xE110] =	vst v38  }
0x2e4: {  	v8 =	vor.u32 $0x2A00, v19;
	v50 =	vld.idx.msk [tilespmem:v20+s11+$0x0], $0xffff;
	[tilespmem:s30+$0xE610] =	vst v40  }
0x2e5: {  	v63 =	vor.u32 $0x3D00, v4;
	[tilespmem:s30+$0xEB10] =	vst v35;
	v20 =	vld.idx.msk [tilespmem:v60+s11+$0x0], $0xffff  }
0x2e6: {  	v51 =	vor.u32 $0x2F00, v32;
	[tilespmem:s30+$0xF010] =	vst v37;
	v12 =	vld.idx.msk [tilespmem:v12+s11+$0x0], $0xffff  }
0x2e7: {  	v52 =	vor.u32 $0x3000, v32;
	[tilespmem:s30+$0xFA10] =	vst v41;
	v39 =	vld.idx.msk [tilespmem:v39+s11+$0x0], $0xffff  }
0x2e8: {  	v53 =	vor.u32 $0x3100, v32;
	v9 =	vld.idx.msk [tilespmem:v9+s11+$0x0], $0xffff;
	[tilespmem:s30+$0xF510] =	vst v13  }
0x2e9: {  	v54 =	vor.u32 $0x3200, v32;
	v8 =	vld.idx.msk [tilespmem:v8+s11+$0x0], $0xffff;
	[tilespmem:s30+$0xFF10] =	vst v61  }
0x2ea: {  	v55 =	vor.u32 $0x3300, v32;
	v13 =	vld.idx.msk [tilespmem:v63+s11+$0x0], $0xffff;
	[tilespmem:s30+$0x10410] =	vst v62  }
0x2eb: {  	v3 =	vcvt.s32.f32 v3;
	[tilespmem:s28+$0x18110] =	vst v6;
	v58 =	vor.u32 $0x3400, v32;
	v56 =	vld.idx.msk [tilespmem:v51+s11+$0x0], $0xffff  }
0x2ec: {  	[tilespmem:s28+$0x18610] =	vst v10;
	v60 =	vor.u32 $0x3500, v32;
	v59 =	vld.idx.msk [tilespmem:v52+s11+$0x0], $0xffff  }
0x2ed: {  	[tilespmem:s28+$0x19A10] =	vst v3;
	v61 =	vor.u32 $0x3600, v32;
	v10 =	vld.idx.msk [tilespmem:v53+s11+$0x0], $0xffff  }
0x2ee: {  	[tilespmem:s29+$0x19510] =	vst v34;
	v3 =	vor.u32 $0x2B00, v19;
	v40 =	vld.idx.msk [tilespmem:v54+s11+$0x0], $0xffff  }
0x2ef: {  	[tilespmem:s29+$0x15E10] =	vst v42;
	v45 =	vor.u32 $0x2E00, v19;
	v41 =	vld.idx.msk [tilespmem:v55+s11+$0x0], $0xffff  }
0x2f0: {  	[tilespmem:s28+$0x15900] =	vst v36;
	v48 =	vor.u32 $0x2700, v19;
	v33 =	vld.idx.msk [tilespmem:v58+s11+$0x0], $0xffff  }
0x2f1: {  	v46 =	vor.u32 $0x3E00, v4;
	[tilespmem:s29+$0x16310] =	vst v31;
	v35 =	vld.idx.msk [tilespmem:v60+s11+$0x0], $0xffff  }
0x2f2: {  	v63 =	vor.u32 $0x2D00, v19;
	v37 =	vld.idx.msk [tilespmem:v61+s11+$0x0], $0xffff;
	[tilespmem:s30+$0x10910] =	vst v56  }
0x2f3: {  	v3 =	vld.idx.msk [tilespmem:v3+s11+$0x0], $0xffff;
	v62 =	vor.u32 $0x2C00, v19;
	[tilespmem:s30+$0x10E10] =	vst v59  }
0x2f4: {  	v7 =	vld.idx.msk [tilespmem:v45+s11+$0x0], $0xffff;
	[tilespmem:s30+$0x11310] =	vst v10;
	v10 =	vand.u32 $0xFF, v1  }
0x2f5: {  	v47 =	vor.u32 $0x3700, v32;
	v38 =	vld.idx.msk [tilespmem:v48+s11+$0x0], $0xffff;
	[tilespmem:s30+$0x11810] =	vst v40  }
0x2f6: {  	v48 =	vor.u32 $0x3800, v32;
	v52 =	vld.idx.msk [tilespmem:v46+s11+$0x0], $0xffff;
	[tilespmem:s30+$0x11D10] =	vst v41  }
0x2f7: {  	v43 =	vld.idx.msk [tilespmem:v63+s11+$0x0], $0xffff;
	[tilespmem:s30+$0x12210] =	vst v33;
	v56 =	vor.u32 $0x3900, v32  }
0x2f8: {  	v58 =	vor.u32 $0x3A00, v32;
	v34 =	vld.idx.msk [tilespmem:v62+s11+$0x0], $0xffff;
	[tilespmem:s30+$0x12710] =	vst v35  }
0x2f9: {  	v59 =	vor.u32 $0x3B00, v32;
	[tilespmem:s30+$0x12C10] =	vst v37;
	v36 =	vld.idx.msk [tilespmem:v10+s13+$0x0], $0xffff  }
0x2fa: {  	[tilespmem:s29+$0x16810] =	vst v30;
	v60 =	vor.u32 $0x3C00, v32;
	v31 =	vld.idx.msk [tilespmem:v47+s11+$0x0], $0xffff  }
0x2fb: {  	v61 =	vor.u32 $0x3D00, v32;
	[tilespmem:s30+$0xE100] =	vst v38;
	v30 =	vld.idx.msk [tilespmem:v48+s11+$0x0], $0xffff  }
0x2fc: {  	v62 =	vor.u32 $0x3E00, v32;
	[tilespmem:s30+$0xE600] =	vst v39;
	v33 =	vld.idx.msk [tilespmem:v56+s11+$0x0], $0xffff  }
0x2fd: {  	[tilespmem:s30+$0xEB00] =	vst v9;
	v6 =	vld.idx.msk [tilespmem:v58+s11+$0x0], $0xffff  }
0x2fe: {  	[tilespmem:s30+$0xF000] =	vst v8;
	v38 =	vor.u32 $0x3400, v19;
	v9 =	vld.idx.msk [tilespmem:v59+s11+$0x0], $0xffff  }
0x2ff: {  	[tilespmem:s30+$0xF500] =	vst v3;
	v63 =	vor.u32 $0x100, v10;
	v8 =	vld.idx.msk [tilespmem:v60+s11+$0x0], $0xffff  }
0x300: {  	[tilespmem:s30+$0x10400] =	vst v7;
	v51 =	vor.u32 $0x300, v10;
	v3 =	vld.idx.msk [tilespmem:v61+s11+$0x0], $0xffff  }
0x301: {  	v53 =	vor.u32 $0x400, v10;
	[tilespmem:s30+$0xFF00] =	vst v43;
	v55 =	vld.idx.msk [tilespmem:v62+s11+$0x0], $0xffff  }
0x302: {  	v54 =	vor.u32 $0x500, v10;
	[tilespmem:s30+$0xFA00] =	vst v34;
	v59 =	vld [tilespmem:s30+$0x10]  }
0x303: {  	v37 =	vor.u32 $0x3000, v19;
	v60 =	vld.idx.msk [tilespmem:v38+s11+$0x0], $0xffff;
	[tilespmem:s30+$0x13110] =	vst v31  }
0x304: {  	v48 =	vor.u32 $0x200, v10;
	v40 =	vld.idx.msk [tilespmem:v63+s13+$0x0], $0xffff;
	[tilespmem:s30+$0x13610] =	vst v30  }
0x305: {  	v56 =	vor.u32 $0x800, v10;
	v42 =	vld.idx.msk [tilespmem:v51+s13+$0x0], $0xffff;
	[tilespmem:s30+$0x13B10] =	vst v33  }
0x306: {  	v58 =	vor.u32 $0x3F00, v32;
	v44 =	vld.idx.msk [tilespmem:v53+s13+$0x0], $0xffff;
	[tilespmem:s30+$0x14010] =	vst v6  }
0x307: {  	v45 =	vld.idx.msk [tilespmem:v54+s13+$0x0], $0xffff;
	v31 =	vor.u32 $0x600, v10;
	[tilespmem:s30+$0x14510] =	vst v9  }
0x308: {  	v62 =	vld.idx.msk [tilespmem:v37+s11+$0x0], $0xffff;
	v30 =	vor.u32 $0x700, v10;
	[tilespmem:s30+$0x14A10] =	vst v8  }
0x309: {  	v41 =	vld.idx.msk [tilespmem:v48+s13+$0x0], $0xffff;
	[tilespmem:s30+$0x14F10] =	vst v3;
	v3 =	vor.u32 $0x3200, v19  }
0x30a: {  	v8 =	vor.u32 $0x3100, v19;
	v48 =	vld.idx.msk [tilespmem:v56+s13+$0x0], $0xffff;
	[tilespmem:s30+$0x15410] =	vst v55  }
0x30b: {  	[tilespmem:s29+$0x16D10] =	vst v23;
	v9 =	vor.u32 $0x2F00, v19;
	v6 =	vld.idx.msk [tilespmem:v58+s11+$0x0], $0xffff  }
0x30c: {  	[tilespmem:s29+$0x17210] =	vst v24;
	v23 =	vand.u32 $0xFF, v59;
	v46 =	vld.idx.msk [tilespmem:v31+s13+$0x0], $0xffff  }
0x30d: {  	[tilespmem:s29+$0x17710] =	vst v25;
	v47 =	vld.idx.msk [tilespmem:v30+s13+$0x0], $0xffff;
	v30 =	vor.u32 $0x3300, v19  }
0x30e: {  	[tilespmem:s29+$0x17C10] =	vst v26;
	v56 =	vld.idx.msk [tilespmem:v3+s11+$0x0], $0xffff;
	v3 =	vor.u32 $0x200, v23  }
0x30f: {  	[tilespmem:s29+$0x18110] =	vst v27;
	v2 =	vld.idx.msk [tilespmem:v8+s11+$0x0], $0xffff;
	v8 =	vor.u32 $0x100, v23  }
0x310: {  	v14 =	vld.idx.msk [tilespmem:v9+s11+$0x0], $0xffff;
	[tilespmem:s30+$0x15910] =	vst v6  }
0x311: {  	[tilespmem:s29+$0x18610] =	vst v5;
	v24 =	vld.idx.msk [tilespmem:v23+s13+$0x0], $0xffff  }
0x312: {  	[tilespmem:s29+$0x13100] =	vst v29;
	v1 =	vand.u32 $0xFF, v49;
	v9 =	vor.u32 $0x300, v23;
	v59 =	vld.idx.msk [tilespmem:v30+s11+$0x0], $0xffff  }
0x313: {  	[tilespmem:s29+$0x13600] =	vst v22;
	v49 =	vld.idx.msk [tilespmem:v3+s13+$0x0], $0xffff;
	v3 =	vor.u32 $0x100, v1  }
0x314: {  	v58 =	vld.idx.msk [tilespmem:v8+s13+$0x0], $0xffff;
	[tilespmem:$0x1FD10] =	vst v3;
	v3 =	vor.u32 $0x200, v1  }
0x315: {  	v39 =	vor.u32 $0x400, v23;
	[tilespmem:$0x1FD20] =	vst v3  }
0x316: {  	v3 =	vor.u32 $0x300, v1;
	[tilespmem:s29+$0x13B00] =	vst v50  }
0x317: {  	v50 =	vld.idx.msk [tilespmem:v9+s13+$0x0], $0xffff;
	[tilespmem:$0x1FD30] =	vst v3;
	v3 =	vor.u32 $0x400, v1  }
0x318: {  	v55 =	vor.u32 $0xB00, v23;
	[tilespmem:$0x1FD40] =	vst v3  }
0x319: {  	v3 =	vor.u32 $0x500, v1;
	[tilespmem:s29+$0x14000] =	vst v11  }
0x31a: {  	v51 =	vld.idx.msk [tilespmem:v39+s13+$0x0], $0xffff;
	[tilespmem:$0x1FD50] =	vst v3;
	v3 =	vor.u32 $0x600, v1  }
0x31b: {  	v63 =	vcvt.s32.f32 v0;
	v0 =	vor.u32 $0x500, v23;
	[tilespmem:$0x1FD60] =	vst v3  }
0x31c: {  	v3 =	vor.u32 $0x700, v1;
	[tilespmem:s29+$0x14500] =	vst v20  }
0x31d: {  	v7 =	vld.idx.msk [tilespmem:v55+s13+$0x0], $0xffff;
	[tilespmem:$0x1FD70] =	vst v3;
	v3 =	vor.u32 $0x800, v1  }
0x31e: {  	[tilespmem:$0x1FD80] =	vst v3  }
0x31f: {  	v3 =	vor.u32 $0x900, v1;
	[tilespmem:s29+$0x14A00] =	vst v12  }
0x320: {  	v53 =	vld.idx.msk [tilespmem:v0+s13+$0x0], $0xffff;
	[tilespmem:$0x1FD90] =	vst v3  }
0x321: {  	[tilespmem:s29+$0x14F00] =	vst v13  }
0x322: {  	v22 =	vor.u32 $0x600, v23;
	[tilespmem:s29+$0x15400] =	vst v52  }
0x323: {  	v25 =	vor.u32 $0x700, v23;
	v3 =	vld [tilespmem:$0x1FDA0]  }
0x324: {  	v27 =	vor.u32 $0x800, v23  }
0x325: {  	v0 =	vor.u32 $0xA00, v23  }
0x326: {  	v20 =	vor.u32 $0x900, v23  }
0x327: {  	v55 =	vld.idx.msk [tilespmem:v22+s13+$0x0], $0xffff  }
0x328: {  	v23 =	vor.u32 $0x3500, v19;
	v13 =	vcvt.s32.f32 v57;
	v57 =	vld.idx.msk [tilespmem:v25+s13+$0x0], $0xffff;
	[tilespmem:s29+$0x18B10] =	vst v15;
	v22 =	vcvt.s32.f32 v3  }
0x329: {  	v11 =	vor.u32 $0xA00, v1;
	v52 =	vld.idx.msk [tilespmem:v27+s13+$0x0], $0xffff;
	[tilespmem:s29+$0x19010] =	vst v16;
	v3 =	vand.u32 $0xFF, v18  }
0x32a: {  	v17 =	vmovc v1;
	v12 =	vor.u32 $0xB00, v1;
	v1 =	vor.u32 $0x3600, v19;
	v31 =	vld.idx.msk [tilespmem:v0+s13+$0x0], $0xffff;
	v0 =	vor.u32 $0x100, v3;
	[tilespmem:s29+$0x19A10] =	vst v22  }
0x32b: {  	v30 =	vld.idx.msk [tilespmem:v20+s13+$0x0], $0xffff;
	[tilespmem:$0x1FDB0] =	vst v0  }
0x32c: {  	v61 =	vor.u32 $0x300, v3;
	[tilespmem:s30+$0x19510] =	vst v7  }
0x32d: {  	v0 =	vld.idx.msk [tilespmem:v23+s11+$0x0], $0xffff;
	[tilespmem:$0x1FDC0] =	vst v61  }
0x32e: {  	[tilespmem:s30+$0x15E10] =	vst v24  }
0x32f: {  	v61 =	vld.idx.msk [tilespmem:v1+s11+$0x0], $0xffff;
	[tilespmem:s30+$0x10900] =	vst v14  }
0x330: {  	v21 =	vor.u32 $0x3F00, v4;
	v28 =	vcvt.s32.f32 v28;
	v54 =	vor.u32 $0x900, v10;
	[tilespmem:s30+$0x10E00] =	vst v62  }
0x331: {  	v29 =	vor.u32 $0x3E00, v19;
	v35 =	vor.u32 $0x3A00, v19;
	v26 =	vor.u32 $0xB00, v10;
	[tilespmem:s30+$0x11300] =	vst v2  }
0x332: {  	v43 =	vor.u32 $0xA00, v10;
	v34 =	vor.u32 $0x3B00, v19;
	v38 =	vor.u32 $0x3800, v19;
	v1 =	vld [tilespmem:$0x1FDD0]  }
0x333: {  	v32 =	vor.u32 $0x3D00, v19;
	v37 =	vor.u32 $0x3900, v19;
	v33 =	vor.u32 $0x3C00, v19  }
0x334: {  	v39 =	vor.u32 $0x3700, v19;
	v27 =	vor.u32 $0x3F00, v19;
	v25 =	vor.u32 $0x200, v3  }
0x335: {  	v16 =	vor.u32 $0x400, v3;
	v20 =	vor.u32 $0x600, v3;
	v15 =	vor.u32 $0x700, v3;
	v54 =	vld.idx.msk [tilespmem:v54+s13+$0x0], $0xffff  }
0x336: {  	v19 =	vor.u32 $0x800, v3;
	v23 =	vor.u32 $0x900, v3;
	v24 =	vor.u32 $0x500, v3;
	v62 =	vld.idx.msk [tilespmem:v21+s11+$0x0], $0xffff  }
0x337: {  	s1 =	simm.s32 $0x180;
	s0 =	simm.s32 $0x40;
	v18 =	vmovc v3;
	v21 =	vor.u32 $0xA00, v3;
	v14 =	vcvt.s32.f32 v1;
	v1 =	vld.idx.msk [tilespmem:v43+s13+$0x0], $0xffff;
	v43 =	vor.u32 $0xB00, v3  }
.LBB2_5:
0x338: {  	[tilespmem:$0x1FCE0] =	vst v11  }
0x339: {  	[tilespmem:s30+$0x11800] =	vst v56;
	v2 =	vmov v43  }
0x33a: {  	[tilespmem:$0x1FCA0] =	vst v2  }
0x33b: {  	s31 =	sshra.s32 s1, $0x2;
	v3 =	vld.idx.msk [tilespmem:v26+s13+$0x0], $0xffff;
	[tilespmem:s30+$0x11D00] =	vst v59  }
0x33c: {  	v56 =	vld [tilespmem:s31+$0x500];
	[tilespmem:s30+$0x12200] =	vst v60  }
0x33d: {  	v2 =	vld [tilespmem:s31+$0x0];
	[tilespmem:s30+$0x12700] =	vst v0  }
0x33e: {  	v4 =	vld [tilespmem:s31+$0xA00];
	[tilespmem:s30+$0x12C00] =	vst v61  }
0x33f: {  	v0 =	vld.idx.msk [tilespmem:v39+s11+$0x0], $0xffff;
	[tilespmem:s29+$0x15900] =	vst v62  }
0x340: {  	v5 =	vld.idx.msk [tilespmem:v38+s11+$0x0], $0xffff;
	[tilespmem:s28+$0x15E00] =	vst v36  }
0x341: {  	v62 =	vld.idx.msk [tilespmem:v37+s11+$0x0], $0xffff;
	[tilespmem:s28+$0x16300] =	vst v40  }
0x342: {  	v36 =	vand.u32 $0xFF, v56;
	v35 =	vld.idx.msk [tilespmem:v35+s11+$0x0], $0xffff;
	[tilespmem:s28+$0x16800] =	vst v41  }
0x343: {  	v9 =	vor.u32 $0x3200, v36;
	v6 =	vld.idx.msk [tilespmem:v34+s11+$0x0], $0xffff;
	[tilespmem:s28+$0x16D00] =	vst v42  }
0x344: {  	v10 =	vor.u32 $0x3300, v36;
	[tilespmem:$0x1FC20] =	vst v9  }
0x345: {  	v11 =	vor.u32 $0x3500, v36;
	[tilespmem:$0x1FC40] =	vst v10  }
0x346: {  	[tilespmem:$0x1FCB0] =	vst v11  }
0x347: {  	[tilespmem:$0x1FBF0] =	vst v0  }
0x348: {  	v10 =	vor.u32 $0x3400, v36;
	v7 =	vld.idx.msk [tilespmem:v33+s11+$0x0], $0xffff;
	[tilespmem:s28+$0x17200] =	vst v44  }
0x349: {  	v43 =	vld [tilespmem:s31+$0x510];
	v11 =	vor.u32 $0x3600, v36;
	[tilespmem:$0x1FC60] =	vst v10  }
0x34a: {  	[tilespmem:$0x1FCC0] =	vst v11  }
0x34b: {  	[tilespmem:$0x1FC00] =	vst v5  }
0x34c: {  	v8 =	vld.idx.msk [tilespmem:v32+s11+$0x0], $0xffff;
	[tilespmem:s28+$0x17700] =	vst v45  }
0x34d: {  	[tilespmem:s28+$0x17C00] =	vst v46  }
0x34e: {  	v0 =	vand.u32 $0xFF, v43;
	[tilespmem:s28+$0x18100] =	vst v47  }
0x34f: {  	v38 =	vor.u32 $0x2700, v0;
	[tilespmem:s28+$0x18600] =	vst v48  }
0x350: {  	v40 =	vor.u32 $0x2700, v36;
	v37 =	vor.u32 $0x2800, v0;
	[tilespmem:s28+$0x18B00] =	vst v54  }
0x351: {  	v41 =	vor.u32 $0x2900, v36;
	v59 =	vor.u32 $0x2F00, v36;
	v39 =	vor.u32 $0x2900, v0;
	[tilespmem:s28+$0x19000] =	vst v1  }
0x352: {  	v60 =	vor.u32 $0x3000, v36;
	v56 =	vor.u32 $0x3100, v36;
	v34 =	vor.u32 $0x2A00, v0;
	[tilespmem:s28+$0x19500] =	vst v3  }
0x353: {  	v2 =	vand.u32 $0xFF, v2;
	v33 =	vor.u32 $0x2B00, v0;
	v1 =	vor.u32 $0x3F00, v36;
	[tilespmem:$0x1FC10] =	vst v62  }
0x354: {  	v42 =	vor.u32 $0x2B00, v36;
	v43 =	vor.u32 $0x2800, v36;
	v62 =	vor.u32 $0x2D00, v0;
	[tilespmem:$0x1FCD0] =	vst v1;
	v45 =	vld.idx.msk [tilespmem:v38+s11+$0x0], $0xffff  }
0x355: {  	v44 =	vor.u32 $0x2D00, v36;
	v5 =	vor.u32 $0x2A00, v36;
	[tilespmem:$0x1FC80] =	vst v8;
	v8 =	vor.u32 $0x2C00, v0;
	v9 =	vld.idx.msk [tilespmem:v37+s11+$0x0], $0xffff  }
0x356: {  	v47 =	vor.u32 $0x2E00, v0;
	v32 =	vor.u32 $0x3D00, v36;
	v3 =	vor.u32 $0x3E00, v36;
	[tilespmem:$0x1FC30] =	vst v35;
	v10 =	vld.idx.msk [tilespmem:v39+s11+$0x0], $0xffff  }
0x357: {  	v1 =	vor.u32 $0xA00, v2;
	v35 =	vor.u32 $0x3A00, v36;
	[tilespmem:$0x1FC50] =	vst v6;
	v6 =	vor.u32 $0x2C00, v36;
	v11 =	vld.idx.msk [tilespmem:v34+s11+$0x0], $0xffff  }
0x358: {  	v26 =	vmovc v12;
	[tilespmem:$0x1FC70] =	vst v7;
	v7 =	vor.u32 $0x2E00, v36;
	v39 =	vor.u32 $0x3700, v36;
	v38 =	vor.u32 $0x3800, v36;
	v12 =	vld.idx.msk [tilespmem:v33+s11+$0x0], $0xffff  }
0x359: {  	[tilespmem:$0x1FD00] =	vst v1;
	v37 =	vor.u32 $0x3900, v36;
	v34 =	vor.u32 $0x3B00, v36;
	v33 =	vor.u32 $0x3C00, v36;
	v36 =	vld.idx.msk [tilespmem:v62+s11+$0x0], $0xffff  }
0x35a: {  	v8 =	vld.idx.msk [tilespmem:v8+s11+$0x0], $0xffff;
	[tilespmem:s30+$0x16310] =	vst v58  }
0x35b: {  	v61 =	vmov v63;
	v63 =	vld.idx.msk [tilespmem:v47+s11+$0x0], $0xffff;
	[tilespmem:s31+$0xE110] =	vst v45  }
0x35c: {  	[tilespmem:s31+$0xE610] =	vst v9  }
0x35d: {  	[tilespmem:s31+$0xEB10] =	vst v10  }
0x35e: {  	[tilespmem:s31+$0xF010] =	vst v11;
	v11 =	vor.u32 $0x2F00, v0  }
0x35f: {  	v1 =	vcvt.s32.f32 v4;
	v4 =	vor.u32 $0x3000, v0;
	[tilespmem:s31+$0xF510] =	vst v12  }
0x360: {  	v22 =	vmov v19;
	v19 =	vmov v15;
	v15 =	vld.idx.msk [tilespmem:v40+s11+$0x0], $0xffff;
	[tilespmem:s31+$0xFA10] =	vst v8;
	v8 =	vor.u32 $0x3100, v0  }
0x361: {  	v10 =	vld.idx.msk [tilespmem:v41+s11+$0x0], $0xffff;
	[tilespmem:s31+$0xFF10] =	vst v36;
	v36 =	vor.u32 $0x3200, v0  }
0x362: {  	v40 =	vor.u32 $0x3300, v0;
	v12 =	vld.idx.msk [tilespmem:v42+s11+$0x0], $0xffff;
	[tilespmem:s31+$0x10410] =	vst v63  }
0x363: {  	v41 =	vor.u32 $0x3400, v0;
	v11 =	vld.idx.msk [tilespmem:v11+s11+$0x0], $0xffff;
	[tilespmem:s30+$0x16810] =	vst v49  }
0x364: {  	v42 =	vor.u32 $0x3500, v0;
	v4 =	vld.idx.msk [tilespmem:v4+s11+$0x0], $0xffff;
	[tilespmem:s30+$0x16D10] =	vst v50  }
0x365: {  	v63 =	vor.u32 $0x3600, v0;
	v8 =	vld.idx.msk [tilespmem:v8+s11+$0x0], $0xffff;
	[tilespmem:s30+$0x17210] =	vst v51  }
0x366: {  	v36 =	vld.idx.msk [tilespmem:v36+s11+$0x0], $0xffff;
	[tilespmem:s30+$0x17710] =	vst v53  }
0x367: {  	v40 =	vld.idx.msk [tilespmem:v40+s11+$0x0], $0xffff;
	[tilespmem:s30+$0x17C10] =	vst v55  }
0x368: {  	v41 =	vld.idx.msk [tilespmem:v41+s11+$0x0], $0xffff;
	[tilespmem:s30+$0x18110] =	vst v57  }
0x369: {  	v42 =	vld.idx.msk [tilespmem:v42+s11+$0x0], $0xffff;
	[tilespmem:s30+$0x18610] =	vst v52  }
0x36a: {  	v49 =	vld.idx.msk [tilespmem:v63+s11+$0x0], $0xffff  }
0x36b: {  	[tilespmem:s31+$0x10910] =	vst v11;
	v11 =	vld [tilespmem:$0x1FD10];
	_ =	sdelay $0x7  }
0x36c: {  	v62 =	vmov v13;
	v13 =	vor.u32 $0x100, v2;
	[tilespmem:s31+$0x11D10] =	vst v40;
	v40 =	vld.idx.msk [tilespmem:v11+s13+$0x0], $0xffff  }
0x36d: {  	v11 =	vmov v13;
	v13 =	vld [tilespmem:$0x1FD20];
	_ =	sdelay $0x1  }
0x36e: {  	v55 =	vld [tilespmem:$0x1FDB0];
	_ =	sdelay $0x3  }
0x36f: {  	[tilespmem:$0x1FC90] =	vst v14;
	v44 =	vld.idx.msk [tilespmem:v44+s11+$0x0], $0xffff  }
0x370: {  	v5 =	vld.idx.msk [tilespmem:v5+s11+$0x0], $0xffff;
	[tilespmem:s31+$0x12210] =	vst v41;
	v41 =	vmov v55  }
0x371: {  	v14 =	vor.u32 $0x200, v2;
	[tilespmem:$0x1FD10] =	vst v41;
	v41 =	vld.idx.msk [tilespmem:v13+s13+$0x0], $0xffff  }
0x372: {  	[tilespmem:$0x1FCF0] =	vst v21;
	v13 =	vmov v25;
	v25 =	vmov v14;
	v14 =	vld [tilespmem:$0x1FD30]  }
0x373: {  	v6 =	vld.idx.msk [tilespmem:v6+s11+$0x0], $0xffff;
	[tilespmem:s31+$0x10E10] =	vst v4  }
0x374: {  	v21 =	vmovc v20;
	v20 =	vmovc v16;
	v16 =	vor.u32 $0x300, v2;
	v50 =	vld.idx.msk [tilespmem:v29+s11+$0x0], $0xffff;
	v29 =	vmov v3;
	v3 =	vor.u32 $0x3700, v0;
	[tilespmem:s31+$0x11310] =	vst v8  }
0x375: {  	v46 =	vor.u32 $0x500, v2;
	v48 =	vor.u32 $0x700, v2;
	v54 =	vor.u32 $0x800, v2;
	v9 =	vld.idx.msk [tilespmem:v43+s11+$0x0], $0xffff;
	[tilespmem:s31+$0x11810] =	vst v36  }
0x376: {  	v7 =	vld.idx.msk [tilespmem:v7+s11+$0x0], $0xffff;
	v58 =	vor.u32 $0x900, v2;
	v45 =	vor.u32 $0x400, v2;
	v8 =	vor.u32 $0x3800, v0;
	[tilespmem:s31+$0x12710] =	vst v42  }
0x377: {  	v47 =	vor.u32 $0x600, v2;
	v43 =	vor.u32 $0xB00, v2;
	v36 =	vld.idx.msk [tilespmem:v17+s13+$0x0], $0xffff;
	v17 =	vmovc v18;
	v18 =	vmovc v2;
	v2 =	vor.u32 $0x3900, v0;
	[tilespmem:s31+$0x12C10] =	vst v49  }
0x378: {  	v57 =	vld [tilespmem:$0x1FDC0];
	[tilespmem:$0x1FDB0] =	vst v11;
	v11 =	vor.u32 $0x3A00, v0  }
0x379: {  	v3 =	vld.idx.msk [tilespmem:v3+s11+$0x0], $0xffff;
	[tilespmem:$0x1FD20] =	vst v13;
	v13 =	vor.u32 $0x3B00, v0  }
0x37a: {  	v42 =	vld.idx.msk [tilespmem:v14+s13+$0x0], $0xffff;
	[tilespmem:s31+$0xE600] =	vst v9;
	v9 =	vor.u32 $0x3D00, v0  }
0x37b: {  	v8 =	vld.idx.msk [tilespmem:v8+s11+$0x0], $0xffff;
	v14 =	vmov v16;
	[tilespmem:s31+$0xEB00] =	vst v10;
	v10 =	vor.u32 $0x3E00, v0  }
0x37c: {  	v2 =	vld.idx.msk [tilespmem:v2+s11+$0x0], $0xffff;
	[tilespmem:$0x1FDC0] =	vst v14;
	v14 =	vor.u32 $0x3C00, v0  }
0x37d: {  	v63 =	vld.idx.msk [tilespmem:v11+s11+$0x0], $0xffff  }
0x37e: {  	v11 =	vld.idx.msk [tilespmem:v13+s11+$0x0], $0xffff  }
0x37f: {  	v9 =	vld.idx.msk [tilespmem:v9+s11+$0x0], $0xffff  }
0x380: {  	v49 =	vmov v57;
	v10 =	vld.idx.msk [tilespmem:v10+s11+$0x0], $0xffff  }
0x381: {  	[tilespmem:$0x1FD30] =	vst v49;
	v49 =	vld.idx.msk [tilespmem:v14+s11+$0x0], $0xffff  }
0x382: {  	[tilespmem:s31+$0x13110] =	vst v3;
	v3 =	vld [tilespmem:$0x1FD40]  }
0x383: {  	[tilespmem:s31+$0x13B10] =	vst v2;
	v2 =	vld [tilespmem:$0x1FD50];
	_ =	sdelay $0x1  }
0x384: {  	[tilespmem:s31+$0xE100] =	vst v15  }
0x385: {  	[tilespmem:s31+$0xF000] =	vst v5  }
0x386: {  	[tilespmem:s31+$0xF500] =	vst v12  }
0x387: {  	[tilespmem:s31+$0xFA00] =	vst v6  }
0x388: {  	[tilespmem:s31+$0xFF00] =	vst v44  }
0x389: {  	v44 =	vld.idx.msk [tilespmem:v3+s13+$0x0], $0xffff  }
0x38a: {  	v16 =	vmov v45;
	v45 =	vld.idx.msk [tilespmem:v2+s13+$0x0], $0xffff;
	v2 =	vmov v24  }
0x38b: {  	v3 =	vmov v20;
	[tilespmem:$0x1FD50] =	vst v2;
	v2 =	vld [tilespmem:$0x1FD60]  }
0x38c: {  	[tilespmem:$0x1FD40] =	vst v3;
	v3 =	vld [tilespmem:$0x1FD80];
	_ =	sdelay $0x6  }
0x38d: {  	v24 =	vmov v46;
	v46 =	vld.idx.msk [tilespmem:v2+s13+$0x0], $0xffff  }
0x38e: {  	v15 =	vmov v48;
	v2 =	vmov v21;
	v48 =	vld.idx.msk [tilespmem:v3+s13+$0x0], $0xffff  }
0x38f: {  	v3 =	vmov v22;
	[tilespmem:$0x1FD60] =	vst v2;
	v2 =	vld [tilespmem:$0x1FD70]  }
0x390: {  	[tilespmem:$0x1FD80] =	vst v3;
	v3 =	vld [tilespmem:$0x1FD90];
	_ =	sdelay $0x3  }
0x391: {  	v51 =	vld [tilespmem:$0x1FBF0]  }
0x392: {  	v52 =	vld [tilespmem:$0x1FC00]  }
0x393: {  	[tilespmem:s31+$0x13610] =	vst v8;
	v8 =	vld [tilespmem:$0x1FC10]  }
0x394: {  	v20 =	vmov v47;
	v47 =	vld.idx.msk [tilespmem:v2+s13+$0x0], $0xffff  }
0x395: {  	v2 =	vmov v19;
	v19 =	vmov v54;
	v54 =	vld.idx.msk [tilespmem:v3+s13+$0x0], $0xffff;
	v3 =	vmov v23;
	[tilespmem:s31+$0x10400] =	vst v7  }
0x396: {  	[tilespmem:$0x1FD90] =	vst v3  }
0x397: {  	v3 =	vld.idx.msk [tilespmem:v59+s11+$0x0], $0xffff;
	[tilespmem:s30+$0x13100] =	vst v51  }
0x398: {  	v5 =	vld.idx.msk [tilespmem:v60+s11+$0x0], $0xffff;
	[tilespmem:s30+$0x13600] =	vst v52  }
0x399: {  	v6 =	vld.idx.msk [tilespmem:v56+s11+$0x0], $0xffff  }
0x39a: {  	[tilespmem:s30+$0x13B00] =	vst v8;
	v8 =	vld [tilespmem:$0x1FC20];
	_ =	sdelay $0x3  }
0x39b: {  	[tilespmem:s31+$0x14F10] =	vst v9;
	v9 =	vld [tilespmem:$0x1FC30];
	_ =	sdelay $0x3  }
0x39c: {  	v56 =	vld.idx.msk [tilespmem:v8+s11+$0x0], $0xffff  }
0x39d: {  	[tilespmem:s30+$0x14000] =	vst v9;
	v9 =	vld [tilespmem:$0x1FC40];
	_ =	sdelay $0x3  }
0x39e: {  	[tilespmem:s31+$0x15410] =	vst v10;
	v10 =	vld [tilespmem:$0x1FC50]  }
0x39f: {  	v0 =	vor.u32 $0x3F00, v0;
	[tilespmem:$0x1FD70] =	vst v2;
	v2 =	vld [tilespmem:s31+$0x10]  }
0x3a0: {  	v53 =	vld [tilespmem:s31+$0xA10];
	[tilespmem:s31+$0x14010] =	vst v63  }
0x3a1: {  	[tilespmem:s31+$0x14510] =	vst v11  }
0x3a2: {  	[tilespmem:s31+$0x14A10] =	vst v49;
	v59 =	vld.idx.msk [tilespmem:v9+s11+$0x0], $0xffff  }
0x3a3: {  	[tilespmem:s30+$0x14500] =	vst v10;
	v10 =	vld [tilespmem:$0x1FC60]  }
0x3a4: {  	v0 =	vld.idx.msk [tilespmem:v0+s11+$0x0], $0xffff;
	v2 =	vand.u32 $0xFF, v2  }
0x3a5: {  	v4 =	vcvt.s32.f32 v53;
	v53 =	vor.u32 $0x100, v2;
	_ =	sdelay $0x1  }
0x3a6: {  	v12 =	vld [tilespmem:$0x1FC70]  }
0x3a7: {  	v8 =	vor.u32 $0x200, v2  }
0x3a8: {  	v14 =	vld [tilespmem:$0x1FC90];
	[tilespmem:s31+$0x15910] =	vst v0  }
0x3a9: {  	v23 =	vmov v58;
	v58 =	vld.idx.msk [tilespmem:v53+s13+$0x0], $0xffff;
	v9 =	vor.u32 $0x300, v2  }
0x3aa: {  	v0 =	vor.u32 $0x400, v2;
	v60 =	vld.idx.msk [tilespmem:v10+s11+$0x0], $0xffff  }
0x3ab: {  	[tilespmem:s30+$0x14A00] =	vst v12;
	v12 =	vld [tilespmem:$0x1FC80]  }
0x3ac: {  	v11 =	vor.u32 $0xB00, v2;
	v49 =	vld.idx.msk [tilespmem:v8+s13+$0x0], $0xffff  }
0x3ad: {  	v57 =	vor.u32 $0x500, v2;
	v10 =	vld.idx.msk [tilespmem:v2+s13+$0x0], $0xffff;
	[tilespmem:s30+$0x15400] =	vst v50  }
0x3ae: {  	v13 =	vmov v14;
	v14 =	vmov v1;
	v1 =	vor.u32 $0xA00, v2;
	v50 =	vld.idx.msk [tilespmem:v9+s13+$0x0], $0xffff;
	[tilespmem:s30+$0x18B10] =	vst v30  }
0x3af: {  	v51 =	vld.idx.msk [tilespmem:v0+s13+$0x0], $0xffff;
	[tilespmem:s30+$0x19010] =	vst v31  }
0x3b0: {  	[tilespmem:s30+$0x14F00] =	vst v12  }
0x3b1: {  	v0 =	vor.u32 $0x800, v2;
	v11 =	vld.idx.msk [tilespmem:v11+s13+$0x0], $0xffff;
	[tilespmem:s28+$0x19A00] =	vst v61;
	s28 =	smov.u32 s29;
	s29 =	smov.u32 s30  }
0x3b2: {  	v53 =	vld.idx.msk [tilespmem:v57+s13+$0x0], $0xffff;
	[tilespmem:s29+$0x19A10] =	vst v28  }
0x3b3: {  	v31 =	vld.idx.msk [tilespmem:v1+s13+$0x0], $0xffff  }
0x3b4: {  	v1 =	vld [tilespmem:$0x1FCC0];
	_ =	sdelay $0x1  }
0x3b5: {  	v52 =	vld.idx.msk [tilespmem:v0+s13+$0x0], $0xffff  }
0x3b6: {  	v0 =	vld [tilespmem:$0x1FCB0];
	_ =	sdelay $0x3  }
0x3b7: {  	v8 =	vor.u32 $0x600, v2  }
0x3b8: {  	v61 =	vld.idx.msk [tilespmem:v1+s11+$0x0], $0xffff  }
0x3b9: {  	v1 =	vld [tilespmem:$0x1FCD0]  }
0x3ba: {  	v9 =	vor.u32 $0x700, v2;
	v12 =	vor.u32 $0x900, v2;
	v2 =	vld [tilespmem:$0x1FCF0];
	s30 =	smov.u32 s31  }
0x3bb: {  	v0 =	vld.idx.msk [tilespmem:v0+s11+$0x0], $0xffff;
	[tilespmem:s30+$0x10900] =	vst v3  }
0x3bc: {  	v55 =	vld.idx.msk [tilespmem:v8+s13+$0x0], $0xffff;
	[tilespmem:s30+$0x10E00] =	vst v5  }
0x3bd: {  	v63 =	vmov v62;
	v62 =	vld.idx.msk [tilespmem:v27+s11+$0x0], $0xffff  }
0x3be: {  	v27 =	vmov v1;
	v1 =	vld [tilespmem:$0x1FCE0]  }
0x3bf: {  	v57 =	vld.idx.msk [tilespmem:v9+s13+$0x0], $0xffff  }
0x3c0: {  	s0 =	sadd.s32 $0x20, s0;
	v30 =	vld.idx.msk [tilespmem:v12+s13+$0x0], $0xffff  }
0x3c1: {  	p0 =	slt.u32 s0, $0x4E0;
	[tilespmem:s30+$0x19510] =	vst v11;
	v11 =	vmov v2;
	v2 =	vld [tilespmem:$0x1FD00]  }
.Ltmp1:
0x3c2: {  	_ = 	snop;
	(pc) =	sbr.rel @p0 .LBB2_5-.Ltmp1, $3  }
0x3c3: {  	_ =	sdelay $0x1  }
0x3c4: {  	v12 =	vld [tilespmem:$0x1FCA0];
	[tilespmem:s30+$0x11300] =	vst v6  }
0x3c5: {  	s1 =	sadd.s32 $0x80, s1;
	v28 =	vmov v4;
	[tilespmem:s30+$0x15E10] =	vst v10;
	v21 =	vmov v2;
	v1 =	vld.idx.msk [tilespmem:v1+s13+$0x0], $0xffff  }
0x3c6: {  	[tilespmem:s30+$0x11800] =	vst v56  }
0x3c7: {  	[tilespmem:s30+$0x11D00] =	vst v59  }
0x3c8: {  	[tilespmem:s30+$0x12200] =	vst v60  }
0x3c9: {  	[tilespmem:s30+$0x12700] =	vst v0  }
0x3ca: {  	[tilespmem:s30+$0x12C00] =	vst v61  }
0x3cb: {  	[tilespmem:s29+$0x15900] =	vst v62  }
0x3cc: {  	v0 =	vld.idx.msk [tilespmem:v26+s13+$0x0], $0xffff;
	[tilespmem:s28+$0x15E00] =	vst v36  }
0x3cd: {  	[tilespmem:s28+$0x16300] =	vst v40  }
0x3ce: {  	[tilespmem:s28+$0x16800] =	vst v41  }
0x3cf: {  	[tilespmem:s28+$0x16D00] =	vst v42  }
0x3d0: {  	[tilespmem:s28+$0x17200] =	vst v44  }
0x3d1: {  	[tilespmem:s28+$0x17700] =	vst v45  }
0x3d2: {  	[tilespmem:s28+$0x17C00] =	vst v46  }
0x3d3: {  	[tilespmem:s28+$0x18100] =	vst v47  }
0x3d4: {  	[tilespmem:s28+$0x18600] =	vst v48  }
0x3d5: {  	[tilespmem:s28+$0x18B00] =	vst v54  }
0x3d6: {  	[tilespmem:s30+$0x16310] =	vst v58;
	v2 =	vld.idx.msk [tilespmem:v37+s11+$0x0], $0xffff  }
0x3d7: {  	[tilespmem:s30+$0x16810] =	vst v49;
	v3 =	vld.idx.msk [tilespmem:v35+s11+$0x0], $0xffff  }
0x3d8: {  	[tilespmem:s30+$0x16D10] =	vst v50;
	v4 =	vld.idx.msk [tilespmem:v34+s11+$0x0], $0xffff  }
0x3d9: {  	[tilespmem:s30+$0x17210] =	vst v51;
	v5 =	vld.idx.msk [tilespmem:v33+s11+$0x0], $0xffff  }
0x3da: {  	[tilespmem:s28+$0x19000] =	vst v1;
	v1 =	vld.idx.msk [tilespmem:v39+s11+$0x0], $0xffff  }
0x3db: {  	[tilespmem:s28+$0x19500] =	vst v0;
	v0 =	vld.idx.msk [tilespmem:v38+s11+$0x0], $0xffff  }
0x3dc: {  	[tilespmem:s30+$0x17710] =	vst v53;
	v6 =	vld.idx.msk [tilespmem:v32+s11+$0x0], $0xffff  }
0x3dd: {  	[tilespmem:s30+$0x17C10] =	vst v55;
	v7 =	vld.idx.msk [tilespmem:v29+s11+$0x0], $0xffff  }
0x3de: {  	[tilespmem:s30+$0x18110] =	vst v57;
	v11 =	vld.idx.msk [tilespmem:v11+s13+$0x0], $0xffff  }
0x3df: {  	v12 =	vld.idx.msk [tilespmem:v12+s13+$0x0], $0xffff;
	[tilespmem:s30+$0x13100] =	vst v1  }
0x3e0: {  	v1 =	vld.idx.msk [tilespmem:v17+s13+$0x0], $0xffff;
	[tilespmem:s30+$0x13600] =	vst v0  }
0x3e1: {  	v0 =	vld [tilespmem:$0x1FD10];
	[tilespmem:s30+$0x13B00] =	vst v2  }
0x3e2: {  	v2 =	vld [tilespmem:$0x1FD20];
	[tilespmem:s30+$0x14000] =	vst v3  }
0x3e3: {  	v3 =	vld [tilespmem:$0x1FD30];
	[tilespmem:s30+$0x14500] =	vst v4  }
0x3e4: {  	v4 =	vld [tilespmem:$0x1FD40];
	[tilespmem:s30+$0x14A00] =	vst v5  }
0x3e5: {  	v5 =	vld [tilespmem:$0x1FD50];
	[tilespmem:s30+$0x14F00] =	vst v6  }
0x3e6: {  	v6 =	vld [tilespmem:$0x1FD60];
	[tilespmem:s30+$0x15400] =	vst v7  }
0x3e7: {  	[tilespmem:s30+$0x18610] =	vst v52;
	v7 =	vld.idx.msk [tilespmem:v27+s11+$0x0], $0xffff  }
0x3e8: {  	v8 =	vld [tilespmem:$0x1FD70];
	[tilespmem:s30+$0x18B10] =	vst v30  }
0x3e9: {  	v9 =	vld [tilespmem:$0x1FD80]  }
0x3ea: {  	[tilespmem:s30+$0x19010] =	vst v31;
	v0 =	vld.idx.msk [tilespmem:v0+s13+$0x0], $0xffff  }
0x3eb: {  	v10 =	vld [tilespmem:$0x1FD90]  }
0x3ec: {  	v2 =	vld.idx.msk [tilespmem:v2+s13+$0x0], $0xffff  }
0x3ed: {  	v3 =	vld.idx.msk [tilespmem:v3+s13+$0x0], $0xffff  }
0x3ee: {  	v4 =	vld.idx.msk [tilespmem:v4+s13+$0x0], $0xffff  }
0x3ef: {  	[tilespmem:s30+$0x15900] =	vst v7;
	v5 =	vld.idx.msk [tilespmem:v5+s13+$0x0], $0xffff  }
0x3f0: {  	v7 =	vld.idx.msk [tilespmem:v15+s13+$0x0], $0xffff  }
0x3f1: {  	v6 =	vld.idx.msk [tilespmem:v6+s13+$0x0], $0xffff  }
0x3f2: {  	[tilespmem:s28+$0x19A00] =	vst v63;
	v8 =	vld.idx.msk [tilespmem:v8+s13+$0x0], $0xffff  }
0x3f3: {  	[tilespmem:s30+$0x19A10] =	vst v28;
	v9 =	vld.idx.msk [tilespmem:v9+s13+$0x0], $0xffff  }
0x3f4: {  	v10 =	vld.idx.msk [tilespmem:v10+s13+$0x0], $0xffff;
	[tilespmem:s29+$0x15E00] =	vst v1  }
0x3f5: {  	v56 =	vld.idx.msk [tilespmem:v19+s13+$0x0], $0xffff;
	[tilespmem:s29+$0x16300] =	vst v0  }
0x3f6: {  	v57 =	vld.idx.msk [tilespmem:v23+s13+$0x0], $0xffff;
	[tilespmem:s29+$0x16800] =	vst v2  }
0x3f7: {  	v1 =	vld [tilespmem:$0x1FDB0];
	[tilespmem:s29+$0x16D00] =	vst v3  }
0x3f8: {  	v58 =	vld.idx.msk [tilespmem:v21+s13+$0x0], $0xffff;
	[tilespmem:s29+$0x17200] =	vst v4  }
0x3f9: {  	v3 =	vld [tilespmem:$0x1FDC0];
	[tilespmem:s29+$0x17700] =	vst v5  }
0x3fa: {  	v59 =	vld.idx.msk [tilespmem:v43+s13+$0x0], $0xffff;
	[tilespmem:s29+$0x17C00] =	vst v6  }
0x3fb: {  	v0 =	vld.idx.msk [tilespmem:v18+s13+$0x0], $0xffff;
	[tilespmem:s29+$0x19000] =	vst v11  }
0x3fc: {  	v2 =	vld.idx.msk [tilespmem:v25+s13+$0x0], $0xffff;
	[tilespmem:s29+$0x19500] =	vst v12  }
0x3fd: {  	v4 =	vld.idx.msk [tilespmem:v16+s13+$0x0], $0xffff;
	[tilespmem:s29+$0x19A00] =	vst v13  }
0x3fe: {  	v5 =	vld.idx.msk [tilespmem:v24+s13+$0x0], $0xffff;
	[tilespmem:s29+$0x18100] =	vst v8  }
0x3ff: {  	v6 =	vld.idx.msk [tilespmem:v20+s13+$0x0], $0xffff;
	[tilespmem:s29+$0x18600] =	vst v9  }
0x400: {  	[tilespmem:s29+$0x18B00] =	vst v10;
	v1 =	vld.idx.msk [tilespmem:v1+s13+$0x0], $0xffff  }
0x401: {  	v3 =	vld.idx.msk [tilespmem:v3+s13+$0x0], $0xffff;
	[tilespmem:s30+$0x15E00] =	vst v0  }
0x402: {  	[tilespmem:s30+$0x16800] =	vst v2  }
0x403: {  	[tilespmem:s30+$0x17200] =	vst v4  }
0x404: {  	[tilespmem:s30+$0x17700] =	vst v5  }
0x405: {  	[tilespmem:s30+$0x17C00] =	vst v6  }
0x406: {  	[tilespmem:s30+$0x18100] =	vst v7  }
0x407: {  	[tilespmem:s30+$0x18600] =	vst v56  }
0x408: {  	[tilespmem:s30+$0x18B00] =	vst v57  }
0x409: {  	[tilespmem:s30+$0x19000] =	vst v58  }
0x40a: {  	[tilespmem:s30+$0x19500] =	vst v59  }
0x40b: {  	[tilespmem:s30+$0x19A00] =	vst v14  }
0x40c: {  	[tilespmem:s30+$0x16300] =	vst v1  }
0x40d: {  	s0 =	sadd.s32 $0x3CF000, s26;
	s25 =	sadd.s32 s25, s9;
	p0 =	seq.s32 s24, $0x9;
	[tilespmem:s30+$0x16D00] =	vst v3  }
0x40e: {  	[hbm4b:s0+s14] =	stream.strided.scatter [tilespmem:s19], [sflag:$0x4], $0xBE00, s15, s14, $0x38;
	[tilespmem:$0x1EB00] =	vst v63  }
0x40f: {  	s1 =	simm.s32 @!p0 $0x500;
	s0 =	sshrl.u32 @!p0 s25, $0x3;
	_ =	swait.ge [sflag:s20], $0xF00  }
0x410: {  	s5 =	simm.s32 @!p0 $0xC8000;
	s0 =	sadd.s32 @!p0 s4, s0;
	[sflag:s20] =	ssyncset.done $0x0  }
0x411: {  	s26 =	simm.s32 @!p0 $0x0;
	s0 =	sadd.s32 @!p0 $0xA0, s0;
	[sflag:s20] =	ssyncadd.s32 $0xFFFFF100  }
0x412: {  	[tilespmem:s26], [sflag:$0x1] =	stream.strided.gather @!p0 [hbm4b:s0+s1], $0xF00, s5, s1, $0x38;
	[tilespmem:$0x1EB00] =	vst v63  }
0x413: {  	_ =	swait.ge [sflag:s21], $0xC300  }
0x414: {  	[sflag:s21] =	ssyncset.done $0x0  }
0x415: {  	s26 =	simm.s32 $0x0;
	[sflag:s21] =	ssyncadd.s32 $0xFFFF3D00  }
0x416: {  	v0 =	vld [tilespmem:s26+$0x1410];
	_ =	sdelay $0x4  }
0x417: {  	v1 =	vand.u32 $0xFF, v0  }
0x418: {  	v0 =	vor.u32 $0x100, v1  }
0x419: {  	v2 =	vld [tilespmem:s26+$0x1400];
	v3 =	vor.u32 $0x200, v1  }
0x41a: {  	v4 =	vor.u32 $0x300, v1  }
0x41b: {  	v5 =	vor.u32 $0x400, v1  }
0x41c: {  	v7 =	vor.u32 $0x500, v1;
	v6 =	vld.idx.msk [tilespmem:v1+s11+$0x0], $0xffff  }
0x41d: {  	v61 =	vor.u32 $0x600, v1;
	v60 =	vld.idx.msk [tilespmem:v0+s11+$0x0], $0xffff  }
0x41e: {  	v0 =	vand.u32 $0xFF, v2;
	v2 =	vld.idx.msk [tilespmem:v3+s11+$0x0], $0xffff;
	v3 =	vor.u32 $0x700, v1  }
0x41f: {  	v4 =	vld.idx.msk [tilespmem:v4+s11+$0x0], $0xffff  }
0x420: {  	v5 =	vld.idx.msk [tilespmem:v5+s11+$0x0], $0xffff  }
0x421: {  	v7 =	vld.idx.msk [tilespmem:v7+s11+$0x0], $0xffff  }
0x422: {  	v9 =	vld.idx.msk [tilespmem:v61+s11+$0x0], $0xffff  }
0x423: {  	v12 =	vor.u32 $0x300, v0;
	v3 =	vld.idx.msk [tilespmem:v3+s11+$0x0], $0xffff;
	[tilespmem:s26+$0x1E10] =	vst v6  }
0x424: {  	v13 =	vor.u32 $0x400, v0;
	[tilespmem:s26+$0x2310] =	vst v60  }
0x425: {  	v14 =	vor.u32 $0x500, v0;
	[tilespmem:s26+$0x2810] =	vst v2  }
0x426: {  	[tilespmem:s26+$0x2D10] =	vst v4;
	v4 =	vor.u32 $0x800, v1  }
0x427: {  	[tilespmem:s26+$0x3210] =	vst v5;
	v5 =	vor.u32 $0x900, v1  }
0x428: {  	[tilespmem:s26+$0x3710] =	vst v7;
	v7 =	vor.u32 $0xA00, v1;
	v2 =	vld.idx.msk [tilespmem:v12+s11+$0x0], $0xffff  }
0x429: {  	v35 =	vor.u32 $0xB00, v1;
	[tilespmem:s26+$0x3C10] =	vst v9;
	v33 =	vld.idx.msk [tilespmem:v13+s11+$0x0], $0xffff  }
0x42a: {  	v34 =	vld.idx.msk [tilespmem:v14+s11+$0x0], $0xffff;
	v12 =	vor.u32 $0xD00, v1;
	[tilespmem:s26+$0x4110] =	vst v3  }
0x42b: {  	v13 =	vor.u32 $0xE00, v1;
	v4 =	vld.idx.msk [tilespmem:v4+s11+$0x0], $0xffff  }
0x42c: {  	v3 =	vor.u32 $0xC00, v1;
	v5 =	vld.idx.msk [tilespmem:v5+s11+$0x0], $0xffff  }
0x42d: {  	v14 =	vor.u32 $0xF00, v1;
	v7 =	vld.idx.msk [tilespmem:v7+s11+$0x0], $0xffff  }
0x42e: {  	v9 =	vld.idx.msk [tilespmem:v35+s11+$0x0], $0xffff  }
0x42f: {  	v12 =	vld.idx.msk [tilespmem:v12+s11+$0x0], $0xffff  }
0x430: {  	v62 =	vor.u32 $0x100, v0;
	v13 =	vld.idx.msk [tilespmem:v13+s11+$0x0], $0xffff  }
0x431: {  	v63 =	vor.u32 $0x200, v0;
	v3 =	vld.idx.msk [tilespmem:v3+s11+$0x0], $0xffff  }
0x432: {  	v14 =	vld.idx.msk [tilespmem:v14+s11+$0x0], $0xffff;
	[tilespmem:s26+$0x4610] =	vst v4  }
0x433: {  	[tilespmem:s26+$0x4B10] =	vst v5  }
0x434: {  	[tilespmem:s26+$0x5010] =	vst v7  }
0x435: {  	v6 =	vld.idx.msk [tilespmem:v62+s11+$0x0], $0xffff;
	[tilespmem:s26+$0x5510] =	vst v9;
	v4 =	vor.u32 $0x1000, v1  }
0x436: {  	v32 =	vld.idx.msk [tilespmem:v63+s11+$0x0], $0xffff;
	v5 =	vor.u32 $0x1200, v1;
	[tilespmem:s26+$0x5A10] =	vst v3  }
0x437: {  	v7 =	vor.u32 $0x1300, v1;
	[tilespmem:s26+$0x5F10] =	vst v12  }
0x438: {  	v36 =	vor.u32 $0x1400, v1;
	[tilespmem:s26+$0x6410] =	vst v13  }
0x439: {  	v3 =	vor.u32 $0x1100, v1;
	[tilespmem:s26+$0x6910] =	vst v14  }
0x43a: {  	v12 =	vor.u32 $0x1500, v1;
	v4 =	vld.idx.msk [tilespmem:v4+s11+$0x0], $0xffff  }
0x43b: {  	v13 =	vor.u32 $0x1600, v1;
	v5 =	vld.idx.msk [tilespmem:v5+s11+$0x0], $0xffff  }
0x43c: {  	v14 =	vor.u32 $0x1700, v1;
	v7 =	vld.idx.msk [tilespmem:v7+s11+$0x0], $0xffff  }
0x43d: {  	v9 =	vld.idx.msk [tilespmem:v36+s11+$0x0], $0xffff  }
0x43e: {  	v3 =	vld.idx.msk [tilespmem:v3+s11+$0x0], $0xffff  }
0x43f: {  	v12 =	vld.idx.msk [tilespmem:v12+s11+$0x0], $0xffff  }
0x440: {  	v13 =	vld.idx.msk [tilespmem:v13+s11+$0x0], $0xffff  }
0x441: {  	v15 =	vor.u32 $0x600, v0;
	v14 =	vld.idx.msk [tilespmem:v14+s11+$0x0], $0xffff;
	[tilespmem:s26+$0x6E10] =	vst v4  }
0x442: {  	[tilespmem:s26+$0x7810] =	vst v5  }
0x443: {  	v4 =	vor.u32 $0x700, v0;
	[tilespmem:s26+$0x7D10] =	vst v7  }
0x444: {  	[tilespmem:s26+$0x8210] =	vst v9;
	v5 =	vor.u32 $0x1900, v1  }
0x445: {  	v37 =	vor.u32 $0x1A00, v1;
	[tilespmem:s26+$0x7310] =	vst v3  }
0x446: {  	v7 =	vld.idx.msk [tilespmem:v15+s11+$0x0], $0xffff;
	v15 =	vor.u32 $0x1D00, v1;
	[tilespmem:s26+$0x8710] =	vst v12  }
0x447: {  	v3 =	vor.u32 $0x1800, v1;
	[tilespmem:s26+$0x8C10] =	vst v13;
	v13 =	vld.idx.msk [tilespmem:v0+s11+$0x0], $0xffff  }
0x448: {  	v12 =	vor.u32 $0x1B00, v1;
	[tilespmem:s26+$0x9110] =	vst v14;
	v4 =	vld.idx.msk [tilespmem:v4+s11+$0x0], $0xffff  }
0x449: {  	v14 =	vor.u32 $0x1C00, v1;
	[tilespmem:s26+$0x2300] =	vst v6;
	v5 =	vld.idx.msk [tilespmem:v5+s11+$0x0], $0xffff  }
0x44a: {  	[tilespmem:s26+$0x2800] =	vst v32;
	v38 =	vld.idx.msk [tilespmem:v37+s11+$0x0], $0xffff  }
0x44b: {  	v6 =	vor.u32 $0x1E00, v1;
	[tilespmem:s26+$0x2D00] =	vst v2;
	v41 =	vld.idx.msk [tilespmem:v15+s11+$0x0], $0xffff  }
0x44c: {  	v39 =	vor.u32 $0x1F00, v1;
	[tilespmem:s26+$0x3200] =	vst v33;
	v3 =	vld.idx.msk [tilespmem:v3+s11+$0x0], $0xffff  }
0x44d: {  	[tilespmem:s26+$0x3C00] =	vst v7;
	v7 =	vor.u32 $0xA00, v0;
	v2 =	vld.idx.msk [tilespmem:v12+s11+$0x0], $0xffff  }
0x44e: {  	s28 =	simm.s32 $0x20;
	v42 =	vor.u32 $0xB00, v0;
	[tilespmem:s26+$0x3700] =	vst v34;
	v40 =	vld.idx.msk [tilespmem:v14+s11+$0x0], $0xffff  }
0x44f: {  	v15 =	vor.u32 $0xC00, v0;
	[tilespmem:s26+$0x1E00] =	vst v13;
	v13 =	vld [tilespmem:s28+$0x1410]  }
0x450: {  	v12 =	vor.u32 $0x800, v0;
	v6 =	vld.idx.msk [tilespmem:v6+s11+$0x0], $0xffff;
	[tilespmem:s26+$0x4100] =	vst v4  }
0x451: {  	v14 =	vor.u32 $0x900, v0;
	v4 =	vld.idx.msk [tilespmem:v39+s11+$0x0], $0xffff;
	[tilespmem:s26+$0x9B10] =	vst v5  }
0x452: {  	v5 =	vor.u32 $0xE00, v0;
	[tilespmem:s26+$0xA010] =	vst v38;
	v16 =	vld.idx.msk [tilespmem:v7+s11+$0x0], $0xffff  }
0x453: {  	v17 =	vld.idx.msk [tilespmem:v42+s11+$0x0], $0xffff;
	[tilespmem:s26+$0x9610] =	vst v3;
	v3 =	vor.u32 $0xD00, v0  }
0x454: {  	v44 =	vld.idx.msk [tilespmem:v15+s11+$0x0], $0xffff;
	[tilespmem:s26+$0xA510] =	vst v2;
	v2 =	vor.u32 $0x2600, v1  }
0x455: {  	[tilespmem:s26+$0xAF10] =	vst v41;
	v12 =	vld.idx.msk [tilespmem:v12+s11+$0x0], $0xffff;
	v43 =	vand.u32 $0xFF, v13  }
0x456: {  	v14 =	vld.idx.msk [tilespmem:v14+s11+$0x0], $0xffff;
	[tilespmem:s26+$0xAA10] =	vst v40;
	v7 =	vor.u32 $0x100, v43  }
0x457: {  	v13 =	vld.idx.msk [tilespmem:v5+s11+$0x0], $0xffff;
	[tilespmem:s26+$0xB910] =	vst v4;
	v4 =	vor.u32 $0x300, v43  }
0x458: {  	[tilespmem:s26+$0xB410] =	vst v6;
	v46 =	vor.u32 $0x500, v43;
	v45 =	vld.idx.msk [tilespmem:v3+s11+$0x0], $0xffff  }
0x459: {  	v18 =	vor.u32 $0x700, v43;
	v6 =	vld.idx.msk [tilespmem:v2+s11+$0x0], $0xffff  }
0x45a: {  	v3 =	vor.u32 $0x200, v43;
	v5 =	vld.idx.msk [tilespmem:v43+s11+$0x0], $0xffff  }
0x45b: {  	v2 =	vor.u32 $0x400, v43;
	v15 =	vld.idx.msk [tilespmem:v7+s11+$0x0], $0xffff  }
0x45c: {  	v7 =	vor.u32 $0x600, v43;
	v4 =	vld.idx.msk [tilespmem:v4+s11+$0x0], $0xffff  }
0x45d: {  	v19 =	vor.u32 $0x2000, v1;
	v22 =	vld.idx.msk [tilespmem:v46+s11+$0x0], $0xffff  }
0x45e: {  	v20 =	vor.u32 $0x2100, v1;
	v18 =	vld.idx.msk [tilespmem:v18+s11+$0x0], $0xffff  }
0x45f: {  	v26 =	vor.u32 $0xF00, v0;
	v3 =	vld.idx.msk [tilespmem:v3+s11+$0x0], $0xffff  }
0x460: {  	v21 =	vor.u32 $0x2200, v1;
	v2 =	vld.idx.msk [tilespmem:v2+s11+$0x0], $0xffff  }
0x461: {  	v23 =	vor.u32 $0x2300, v1;
	v24 =	vld.idx.msk [tilespmem:v7+s11+$0x0], $0xffff  }
0x462: {  	v7 =	vld.idx.msk [tilespmem:v19+s11+$0x0], $0xffff;
	v19 =	vor.u32 $0x2500, v1;
	[tilespmem:s28+$0x1E10] =	vst v5  }
0x463: {  	v47 =	vld.idx.msk [tilespmem:v20+s11+$0x0], $0xffff;
	[tilespmem:s28+$0x2310] =	vst v15  }
0x464: {  	v25 =	vor.u32 $0x2400, v1;
	v20 =	vld.idx.msk [tilespmem:v26+s11+$0x0], $0xffff;
	[tilespmem:s28+$0x2D10] =	vst v4  }
0x465: {  	v5 =	vld.idx.msk [tilespmem:v21+s11+$0x0], $0xffff;
	v15 =	vor.u32 $0x800, v43;
	[tilespmem:s28+$0x3710] =	vst v22  }
0x466: {  	v1 =	vld.idx.msk [tilespmem:v23+s11+$0x0], $0xffff;
	[tilespmem:s28+$0x3210] =	vst v2;
	v2 =	vor.u32 $0x900, v43  }
0x467: {  	[tilespmem:s28+$0x4110] =	vst v18;
	v4 =	vld.idx.msk [tilespmem:v19+s11+$0x0], $0xffff;
	v19 =	vor.u32 $0xA00, v43  }
0x468: {  	v21 =	vor.u32 $0xB00, v43;
	v22 =	vld [tilespmem:s28+$0x1400];
	[tilespmem:s28+$0x2810] =	vst v3  }
0x469: {  	v18 =	vor.u32 $0xC00, v43;
	v3 =	vld.idx.msk [tilespmem:v25+s11+$0x0], $0xffff;
	[tilespmem:s28+$0x3C10] =	vst v24  }
0x46a: {  	[tilespmem:s26+$0x4600] =	vst v12;
	v12 =	vld.idx.msk [tilespmem:v15+s11+$0x0], $0xffff;
	v15 =	vor.u32 $0xD00, v43  }
0x46b: {  	[tilespmem:s26+$0x4B00] =	vst v14;
	v14 =	vld.idx.msk [tilespmem:v2+s11+$0x0], $0xffff;
	v2 =	vor.u32 $0xE00, v43  }
0x46c: {  	[tilespmem:s26+$0x5000] =	vst v16;
	v16 =	vld.idx.msk [tilespmem:v19+s11+$0x0], $0xffff;
	v19 =	vor.u32 $0xF00, v43  }
0x46d: {  	[tilespmem:s26+$0x5500] =	vst v17;
	v17 =	vld.idx.msk [tilespmem:v21+s11+$0x0], $0xffff;
	v21 =	vor.u32 $0x1100, v0  }
0x46e: {  	[tilespmem:s26+$0x5A00] =	vst v44;
	v48 =	vld.idx.msk [tilespmem:v18+s11+$0x0], $0xffff;
	v18 =	vor.u32 $0x1200, v0  }
0x46f: {  	[tilespmem:s26+$0x6400] =	vst v13;
	v23 =	vor.u32 $0x1000, v0;
	v49 =	vld.idx.msk [tilespmem:v15+s11+$0x0], $0xffff  }
0x470: {  	[tilespmem:s26+$0x6900] =	vst v20;
	v24 =	vor.u32 $0x1400, v0;
	v13 =	vld.idx.msk [tilespmem:v2+s11+$0x0], $0xffff;
	v2 =	vand.u32 $0xFF, v22  }
0x471: {  	[tilespmem:s26+$0x5F00] =	vst v45;
	v19 =	vld.idx.msk [tilespmem:v19+s11+$0x0], $0xffff;
	v22 =	vor.u32 $0x100, v2  }
0x472: {  	[tilespmem:s28+$0x4610] =	vst v12;
	v12 =	vld.idx.msk [tilespmem:v21+s11+$0x0], $0xffff;
	v21 =	vor.u32 $0x200, v2  }
0x473: {  	[tilespmem:s28+$0x4B10] =	vst v14;
	v14 =	vld.idx.msk [tilespmem:v18+s11+$0x0], $0xffff;
	v18 =	vor.u32 $0x300, v2  }
0x474: {  	v20 =	vld.idx.msk [tilespmem:v23+s11+$0x0], $0xffff;
	v26 =	vor.u32 $0x400, v2  }
0x475: {  	[tilespmem:s28+$0x5510] =	vst v17;
	v17 =	vld.idx.msk [tilespmem:v24+s11+$0x0], $0xffff;
	v27 =	vor.u32 $0x500, v2  }
0x476: {  	v28 =	vor.u32 $0x600, v2;
	v22 =	vld.idx.msk [tilespmem:v22+s11+$0x0], $0xffff  }
0x477: {  	v29 =	vor.u32 $0x700, v2;
	v21 =	vld.idx.msk [tilespmem:v21+s11+$0x0], $0xffff  }
0x478: {  	v18 =	vld.idx.msk [tilespmem:v18+s11+$0x0], $0xffff  }
0x479: {  	[tilespmem:s28+$0x5010] =	vst v16;
	v16 =	vor.u32 $0x1000, v43;
	v26 =	vld.idx.msk [tilespmem:v26+s11+$0x0], $0xffff  }
0x47a: {  	v50 =	vor.u32 $0x1100, v43;
	[tilespmem:s28+$0x5A10] =	vst v48;
	v27 =	vld.idx.msk [tilespmem:v27+s11+$0x0], $0xffff  }
0x47b: {  	v51 =	vor.u32 $0x1200, v43;
	[tilespmem:s28+$0x5F10] =	vst v49;
	v28 =	vld.idx.msk [tilespmem:v28+s11+$0x0], $0xffff  }
0x47c: {  	v23 =	vor.u32 $0x1500, v43;
	[tilespmem:s28+$0x6410] =	vst v13;
	v53 =	vld.idx.msk [tilespmem:v29+s11+$0x0], $0xffff  }
0x47d: {  	v24 =	vor.u32 $0x1600, v43;
	[tilespmem:s28+$0x6910] =	vst v19;
	v29 =	vld.idx.msk [tilespmem:v2+s11+$0x0], $0xffff  }
0x47e: {  	v25 =	vor.u32 $0x1700, v43;
	v16 =	vld.idx.msk [tilespmem:v16+s11+$0x0], $0xffff;
	[tilespmem:s28+$0x2300] =	vst v22  }
0x47f: {  	v13 =	vor.u32 $0x1300, v43;
	v10 =	vld.idx.msk [tilespmem:v50+s11+$0x0], $0xffff;
	[tilespmem:s28+$0x2800] =	vst v21  }
0x480: {  	v19 =	vor.u32 $0x1400, v43;
	v11 =	vld.idx.msk [tilespmem:v51+s11+$0x0], $0xffff;
	[tilespmem:s28+$0x2D00] =	vst v18  }
0x481: {  	v23 =	vld.idx.msk [tilespmem:v23+s11+$0x0], $0xffff;
	[tilespmem:s28+$0x3200] =	vst v26  }
0x482: {  	v24 =	vld.idx.msk [tilespmem:v24+s11+$0x0], $0xffff;
	[tilespmem:s28+$0x3700] =	vst v27  }
0x483: {  	v25 =	vld.idx.msk [tilespmem:v25+s11+$0x0], $0xffff;
	[tilespmem:s28+$0x3C00] =	vst v28  }
0x484: {  	v30 =	vor.u32 $0x1500, v0;
	v13 =	vld.idx.msk [tilespmem:v13+s11+$0x0], $0xffff;
	[tilespmem:s28+$0x4100] =	vst v53  }
0x485: {  	v52 =	vor.u32 $0x1700, v0;
	v19 =	vld.idx.msk [tilespmem:v19+s11+$0x0], $0xffff;
	[tilespmem:s28+$0x6E10] =	vst v16  }
0x486: {  	v15 =	vor.u32 $0x1300, v0;
	[tilespmem:s28+$0x7310] =	vst v10  }
0x487: {  	v16 =	vor.u32 $0x1600, v0;
	[tilespmem:s28+$0x7810] =	vst v11  }
0x488: {  	[tilespmem:s28+$0x8710] =	vst v23;
	v23 =	vor.u32 $0x1A00, v43  }
0x489: {  	v30 =	vld.idx.msk [tilespmem:v30+s11+$0x0], $0xffff;
	[tilespmem:s28+$0x8C10] =	vst v24;
	v24 =	vor.u32 $0x1B00, v43  }
0x48a: {  	v54 =	vor.u32 $0x1C00, v43;
	v31 =	vld.idx.msk [tilespmem:v52+s11+$0x0], $0xffff;
	[tilespmem:s28+$0x9110] =	vst v25  }
0x48b: {  	v15 =	vld.idx.msk [tilespmem:v15+s11+$0x0], $0xffff;
	v22 =	vor.u32 $0x1D00, v43;
	[tilespmem:s28+$0x7D10] =	vst v13  }
0x48c: {  	v21 =	vor.u32 $0x1E00, v43;
	[tilespmem:s28+$0x8210] =	vst v19;
	v16 =	vld.idx.msk [tilespmem:v16+s11+$0x0], $0xffff  }
0x48d: {  	[tilespmem:s28+$0x1E00] =	vst v29;
	v19 =	vor.u32 $0x1900, v43;
	v18 =	vld.idx.msk [tilespmem:v23+s11+$0x0], $0xffff  }
0x48e: {  	v13 =	vor.u32 $0x1800, v43;
	v24 =	vld.idx.msk [tilespmem:v24+s11+$0x0], $0xffff;
	[tilespmem:s26+$0x6E00] =	vst v20  }
0x48f: {  	v23 =	vor.u32 $0x1F00, v43;
	v10 =	vld.idx.msk [tilespmem:v54+s11+$0x0], $0xffff;
	[tilespmem:s26+$0x7300] =	vst v12  }
0x490: {  	v27 =	vor.u32 $0xA00, v2;
	v22 =	vld.idx.msk [tilespmem:v22+s11+$0x0], $0xffff;
	[tilespmem:s26+$0x7800] =	vst v14  }
0x491: {  	v55 =	vld.idx.msk [tilespmem:v21+s11+$0x0], $0xffff;
	v21 =	vor.u32 $0xC00, v2;
	[tilespmem:s26+$0x7D00] =	vst v15  }
0x492: {  	v26 =	vor.u32 $0x900, v2;
	[tilespmem:s26+$0x8200] =	vst v17;
	v19 =	vld.idx.msk [tilespmem:v19+s11+$0x0], $0xffff  }
0x493: {  	v28 =	vor.u32 $0xB00, v2;
	[tilespmem:s26+$0x8700] =	vst v30;
	v13 =	vld.idx.msk [tilespmem:v13+s11+$0x0], $0xffff  }
0x494: {  	[tilespmem:s26+$0x9100] =	vst v31;
	v23 =	vld.idx.msk [tilespmem:v23+s11+$0x0], $0xffff  }
0x495: {  	v29 =	vor.u32 $0xD00, v2;
	[tilespmem:s28+$0xA010] =	vst v18;
	v18 =	vld.idx.msk [tilespmem:v27+s11+$0x0], $0xffff  }
0x496: {  	v58 =	vor.u32 $0xF00, v2;
	[tilespmem:s28+$0xA510] =	vst v24;
	v21 =	vld.idx.msk [tilespmem:v21+s11+$0x0], $0xffff  }
0x497: {  	v25 =	vor.u32 $0x800, v2;
	[tilespmem:s28+$0x9B10] =	vst v19;
	v19 =	vld.idx.msk [tilespmem:v26+s11+$0x0], $0xffff  }
0x498: {  	s29 =	simm.s32 $0x40;
	v31 =	vor.u32 $0x1C00, v0;
	[tilespmem:s28+$0xAA10] =	vst v10;
	v26 =	vld.idx.msk [tilespmem:v28+s11+$0x0], $0xffff  }
0x499: {  	v24 =	vor.u32 $0x2600, v43;
	[tilespmem:s28+$0xAF10] =	vst v22;
	v28 =	vld [tilespmem:s29+$0x1410]  }
0x49a: {  	v20 =	vor.u32 $0x2400, v43;
	v27 =	vld.idx.msk [tilespmem:v29+s11+$0x0], $0xffff;
	[tilespmem:s28+$0xB410] =	vst v55  }
0x49b: {  	v8 =	vor.u32 $0x2500, v43;
	[tilespmem:s26+$0x8C00] =	vst v16;
	v16 =	vld.idx.msk [tilespmem:v58+s11+$0x0], $0xffff  }
0x49c: {  	[tilespmem:s28+$0x9610] =	vst v13;
	v13 =	vld.idx.msk [tilespmem:v25+s11+$0x0], $0xffff;
	v25 =	vor.u32 $0xE00, v2  }
0x49d: {  	v63 =	vld.idx.msk [tilespmem:v31+s11+$0x0], $0xffff;
	[tilespmem:s28+$0xB910] =	vst v23;
	v23 =	vor.u32 $0x2300, v43  }
0x49e: {  	v24 =	vld.idx.msk [tilespmem:v24+s11+$0x0], $0xffff;
	v12 =	vand.u32 $0xFF, v28  }
0x49f: {  	v60 =	vld.idx.msk [tilespmem:v20+s11+$0x0], $0xffff;
	v15 =	vor.u32 $0x100, v12  }
0x4a0: {  	v61 =	vld.idx.msk [tilespmem:v8+s11+$0x0], $0xffff;
	v17 =	vor.u32 $0x200, v12  }
0x4a1: {  	v25 =	vld.idx.msk [tilespmem:v25+s11+$0x0], $0xffff;
	v62 =	vor.u32 $0x300, v12  }
0x4a2: {  	[tilespmem:s28+$0x4600] =	vst v13;
	v14 =	vld.idx.msk [tilespmem:v23+s11+$0x0], $0xffff;
	v20 =	vor.u32 $0x400, v12  }
0x4a3: {  	[tilespmem:s28+$0x5000] =	vst v18;
	v23 =	vor.u32 $0x500, v12;
	v13 =	vld.idx.msk [tilespmem:v12+s11+$0x0], $0xffff  }
0x4a4: {  	[tilespmem:s28+$0x4B00] =	vst v19;
	v18 =	vor.u32 $0x700, v12;
	v19 =	vld.idx.msk [tilespmem:v15+s11+$0x0], $0xffff  }
0x4a5: {  	[tilespmem:s28+$0x5A00] =	vst v21;
	v15 =	vor.u32 $0x600, v12;
	v17 =	vld.idx.msk [tilespmem:v17+s11+$0x0], $0xffff  }
0x4a6: {  	[tilespmem:s28+$0x5500] =	vst v26;
	v26 =	vor.u32 $0x1900, v0;
	v8 =	vld.idx.msk [tilespmem:v62+s11+$0x0], $0xffff  }
0x4a7: {  	[tilespmem:s28+$0x5F00] =	vst v27;
	v27 =	vor.u32 $0x1B00, v0;
	v20 =	vld.idx.msk [tilespmem:v20+s11+$0x0], $0xffff  }
0x4a8: {  	[tilespmem:s28+$0x6900] =	vst v16;
	v21 =	vld.idx.msk [tilespmem:v23+s11+$0x0], $0xffff;
	v23 =	vor.u32 $0x1A00, v0  }
0x4a9: {  	v28 =	vor.u32 $0x1800, v0;
	[tilespmem:s28+$0x6400] =	vst v25;
	v30 =	vld.idx.msk [tilespmem:v18+s11+$0x0], $0xffff  }
0x4aa: {  	v25 =	vld.idx.msk [tilespmem:v15+s11+$0x0], $0xffff;
	[tilespmem:s29+$0x1E10] =	vst v13  }
0x4ab: {  	v16 =	vld.idx.msk [tilespmem:v26+s11+$0x0], $0xffff;
	v26 =	vor.u32 $0x1100, v2;
	[tilespmem:s29+$0x2310] =	vst v19  }
0x4ac: {  	v18 =	vld.idx.msk [tilespmem:v27+s11+$0x0], $0xffff;
	v13 =	vor.u32 $0x1000, v2;
	[tilespmem:s29+$0x2810] =	vst v17  }
0x4ad: {  	v17 =	vld.idx.msk [tilespmem:v23+s11+$0x0], $0xffff;
	[tilespmem:s29+$0x2D10] =	vst v8;
	v23 =	vor.u32 $0x800, v12  }
0x4ae: {  	v27 =	vor.u32 $0x900, v12;
	v15 =	vld.idx.msk [tilespmem:v28+s11+$0x0], $0xffff;
	[tilespmem:s29+$0x3210] =	vst v20  }
0x4af: {  	v28 =	vld [tilespmem:s29+$0x1400];
	[tilespmem:s29+$0x3710] =	vst v21;
	v21 =	vor.u32 $0xA00, v12  }
0x4b0: {  	v20 =	vld.idx.msk [tilespmem:v26+s11+$0x0], $0xffff;
	[tilespmem:s29+$0x4110] =	vst v30;
	v26 =	vor.u32 $0xD00, v12  }
0x4b1: {  	v19 =	vld.idx.msk [tilespmem:v13+s11+$0x0], $0xffff;
	[tilespmem:s29+$0x3C10] =	vst v25;
	v13 =	vor.u32 $0xB00, v12  }
0x4b2: {  	v25 =	vor.u32 $0xC00, v12;
	v23 =	vld.idx.msk [tilespmem:v23+s11+$0x0], $0xffff  }
0x4b3: {  	v30 =	vor.u32 $0xE00, v12;
	v27 =	vld.idx.msk [tilespmem:v27+s11+$0x0], $0xffff  }
0x4b4: {  	v31 =	vor.u32 $0xF00, v12;
	v21 =	vld.idx.msk [tilespmem:v21+s11+$0x0], $0xffff  }
0x4b5: {  	v56 =	vor.u32 $0x2000, v43;
	v26 =	vld.idx.msk [tilespmem:v26+s11+$0x0], $0xffff  }
0x4b6: {  	v57 =	vor.u32 $0x2200, v43;
	[tilespmem:s26+$0xDC10] =	vst v6;
	v22 =	vor.u32 $0x2100, v43;
	v43 =	vld.idx.msk [tilespmem:v13+s11+$0x0], $0xffff  }
0x4b7: {  	[tilespmem:s26+$0xBE10] =	vst v7;
	v25 =	vld.idx.msk [tilespmem:v25+s11+$0x0], $0xffff  }
0x4b8: {  	[tilespmem:s26+$0xC310] =	vst v47;
	v44 =	vor.u32 $0x1300, v2;
	v13 =	vand.u32 $0xFF, v28;
	v28 =	vld.idx.msk [tilespmem:v30+s11+$0x0], $0xffff  }
0x4b9: {  	v30 =	vld.idx.msk [tilespmem:v31+s11+$0x0], $0xffff;
	v7 =	vor.u32 $0x100, v13;
	[tilespmem:s29+$0x4610] =	vst v23  }
0x4ba: {  	v29 =	vld.idx.msk [tilespmem:v56+s11+$0x0], $0xffff;
	v45 =	vor.u32 $0x200, v13;
	[tilespmem:s29+$0x4B10] =	vst v27  }
0x4bb: {  	v22 =	vld.idx.msk [tilespmem:v22+s11+$0x0], $0xffff;
	v46 =	vor.u32 $0x300, v13;
	[tilespmem:s29+$0x5010] =	vst v21  }
0x4bc: {  	v59 =	vld.idx.msk [tilespmem:v57+s11+$0x0], $0xffff;
	v21 =	vor.u32 $0x1000, v12;
	[tilespmem:s29+$0x5F10] =	vst v26  }
0x4bd: {  	v35 =	vld.idx.msk [tilespmem:v44+s11+$0x0], $0xffff;
	v26 =	vor.u32 $0x1200, v12;
	[tilespmem:s29+$0x5510] =	vst v43  }
0x4be: {  	[tilespmem:s29+$0x5A10] =	vst v25;
	v25 =	vor.u32 $0x1100, v12;
	v7 =	vld.idx.msk [tilespmem:v7+s11+$0x0], $0xffff  }
0x4bf: {  	[tilespmem:s29+$0x6410] =	vst v28;
	v28 =	vor.u32 $0x1300, v12;
	v9 =	vld.idx.msk [tilespmem:v45+s11+$0x0], $0xffff  }
0x4c0: {  	[tilespmem:s29+$0x6910] =	vst v30;
	v30 =	vor.u32 $0x1400, v12;
	v32 =	vld.idx.msk [tilespmem:v46+s11+$0x0], $0xffff  }
0x4c1: {  	[tilespmem:s26+$0xC810] =	vst v5;
	v5 =	vld.idx.msk [tilespmem:v21+s11+$0x0], $0xffff;
	v21 =	vor.u32 $0x1500, v12  }
0x4c2: {  	[tilespmem:s26+$0xD210] =	vst v3;
	v3 =	vld.idx.msk [tilespmem:v26+s11+$0x0], $0xffff;
	v26 =	vor.u32 $0x1700, v12  }
0x4c3: {  	[tilespmem:s26+$0xCD10] =	vst v1;
	v1 =	vld.idx.msk [tilespmem:v25+s11+$0x0], $0xffff;
	v25 =	vor.u32 $0x1600, v12  }
0x4c4: {  	[tilespmem:s26+$0xD710] =	vst v4;
	v23 =	vor.u32 $0x400, v13;
	v28 =	vld.idx.msk [tilespmem:v28+s11+$0x0], $0xffff  }
0x4c5: {  	[tilespmem:s28+$0xDC10] =	vst v24;
	v27 =	vor.u32 $0x500, v13;
	v30 =	vld.idx.msk [tilespmem:v30+s11+$0x0], $0xffff  }
0x4c6: {  	[tilespmem:s28+$0xBE10] =	vst v29;
	v4 =	vor.u32 $0x600, v13;
	v21 =	vld.idx.msk [tilespmem:v21+s11+$0x0], $0xffff  }
0x4c7: {  	[tilespmem:s28+$0xC310] =	vst v22;
	v24 =	vor.u32 $0x700, v13;
	v26 =	vld.idx.msk [tilespmem:v26+s11+$0x0], $0xffff  }
0x4c8: {  	v22 =	vld.idx.msk [tilespmem:v25+s11+$0x0], $0xffff;
	[tilespmem:s29+$0x6E10] =	vst v5  }
0x4c9: {  	v6 =	vor.u32 $0x1400, v2;
	v23 =	vld.idx.msk [tilespmem:v23+s11+$0x0], $0xffff;
	[tilespmem:s29+$0x7310] =	vst v1  }
0x4ca: {  	v47 =	vor.u32 $0x1700, v2;
	v27 =	vld.idx.msk [tilespmem:v27+s11+$0x0], $0xffff;
	[tilespmem:s29+$0x7810] =	vst v3  }
0x4cb: {  	v29 =	vor.u32 $0x1500, v2;
	v48 =	vld.idx.msk [tilespmem:v4+s11+$0x0], $0xffff;
	[tilespmem:s29+$0x7D10] =	vst v28  }
0x4cc: {  	v42 =	vor.u32 $0x1200, v2;
	v5 =	vld.idx.msk [tilespmem:v24+s11+$0x0], $0xffff;
	[tilespmem:s29+$0x8210] =	vst v30  }
0x4cd: {  	v4 =	vor.u32 $0x1D00, v0;
	v24 =	vld.idx.msk [tilespmem:v13+s11+$0x0], $0xffff;
	[tilespmem:s29+$0x2300] =	vst v7  }
0x4ce: {  	v50 =	vor.u32 $0x1F00, v0;
	v6 =	vld.idx.msk [tilespmem:v6+s11+$0x0], $0xffff;
	[tilespmem:s29+$0x2800] =	vst v9  }
0x4cf: {  	v33 =	vld.idx.msk [tilespmem:v47+s11+$0x0], $0xffff;
	v25 =	vor.u32 $0x1600, v2;
	[tilespmem:s29+$0x2D00] =	vst v32  }
0x4d0: {  	v29 =	vld.idx.msk [tilespmem:v29+s11+$0x0], $0xffff;
	v1 =	vor.u32 $0x1E00, v0;
	[tilespmem:s29+$0x3200] =	vst v23  }
0x4d1: {  	v31 =	vld.idx.msk [tilespmem:v42+s11+$0x0], $0xffff;
	[tilespmem:s29+$0x3700] =	vst v27  }
0x4d2: {  	v28 =	vor.u32 $0x1800, v12;
	v3 =	vld.idx.msk [tilespmem:v4+s11+$0x0], $0xffff;
	[tilespmem:s29+$0x3C00] =	vst v48  }
0x4d3: {  	v30 =	vor.u32 $0x1900, v12;
	v32 =	vld.idx.msk [tilespmem:v50+s11+$0x0], $0xffff;
	[tilespmem:s29+$0x8710] =	vst v21  }
0x4d4: {  	v21 =	vor.u32 $0x1A00, v12;
	[tilespmem:s29+$0x9110] =	vst v26;
	v25 =	vld.idx.msk [tilespmem:v25+s11+$0x0], $0xffff  }
0x4d5: {  	s30 =	simm.s32 $0x60;
	v26 =	vor.u32 $0x1D00, v12;
	[tilespmem:s29+$0x8C10] =	vst v22;
	v4 =	vld.idx.msk [tilespmem:v1+s11+$0x0], $0xffff  }
0x4d6: {  	v23 =	vor.u32 $0x800, v13;
	[tilespmem:s28+$0x8200] =	vst v6;
	v6 =	vld [tilespmem:s30+$0x1410]  }
0x4d7: {  	v27 =	vor.u32 $0x900, v13;
	[tilespmem:s29+$0x4100] =	vst v5;
	v7 =	vld.idx.msk [tilespmem:v28+s11+$0x0], $0xffff  }
0x4d8: {  	v22 =	vor.u32 $0x1B00, v12;
	[tilespmem:s29+$0x1E00] =	vst v24;
	v49 =	vld.idx.msk [tilespmem:v30+s11+$0x0], $0xffff  }
0x4d9: {  	v1 =	vor.u32 $0x1C00, v12;
	[tilespmem:s28+$0x6E00] =	vst v19;
	v21 =	vld.idx.msk [tilespmem:v21+s11+$0x0], $0xffff  }
0x4da: {  	[tilespmem:s28+$0x7300] =	vst v20;
	v28 =	vor.u32 $0x1E00, v12;
	v26 =	vld.idx.msk [tilespmem:v26+s11+$0x0], $0xffff  }
0x4db: {  	[tilespmem:s28+$0x7800] =	vst v31;
	v30 =	vor.u32 $0x1F00, v12;
	v23 =	vld.idx.msk [tilespmem:v23+s11+$0x0], $0xffff  }
0x4dc: {  	v52 =	vor.u32 $0xE00, v13;
	[tilespmem:s28+$0x7D00] =	vst v35;
	v27 =	vld.idx.msk [tilespmem:v27+s11+$0x0], $0xffff  }
0x4dd: {  	v20 =	vor.u32 $0xF00, v13;
	[tilespmem:s28+$0x8700] =	vst v29;
	v22 =	vld.idx.msk [tilespmem:v22+s11+$0x0], $0xffff  }
0x4de: {  	v51 =	vor.u32 $0xA00, v13;
	[tilespmem:s28+$0x9100] =	vst v33;
	v1 =	vld.idx.msk [tilespmem:v1+s11+$0x0], $0xffff  }
0x4df: {  	v56 =	vor.u32 $0x1C00, v2;
	[tilespmem:s28+$0x8C00] =	vst v25;
	v5 =	vld.idx.msk [tilespmem:v28+s11+$0x0], $0xffff  }
0x4e0: {  	v28 =	vor.u32 $0xB00, v13;
	v24 =	vld.idx.msk [tilespmem:v30+s11+$0x0], $0xffff;
	[tilespmem:s29+$0x9610] =	vst v7  }
0x4e1: {  	v9 =	vld.idx.msk [tilespmem:v52+s11+$0x0], $0xffff;
	v30 =	vor.u32 $0xC00, v13;
	[tilespmem:s29+$0x9B10] =	vst v49  }
0x4e2: {  	v55 =	vld.idx.msk [tilespmem:v20+s11+$0x0], $0xffff;
	v7 =	vor.u32 $0xD00, v13;
	[tilespmem:s29+$0xA010] =	vst v21  }
0x4e3: {  	v19 =	vor.u32 $0x2400, v12;
	v21 =	vld.idx.msk [tilespmem:v51+s11+$0x0], $0xffff;
	[tilespmem:s29+$0xAF10] =	vst v26  }
0x4e4: {  	v58 =	vld.idx.msk [tilespmem:v56+s11+$0x0], $0xffff;
	[tilespmem:s29+$0xAA10] =	vst v1;
	v1 =	vor.u32 $0x2000, v12  }
0x4e5: {  	[tilespmem:s29+$0xA510] =	vst v22;
	v22 =	vor.u32 $0x2600, v12;
	v28 =	vld.idx.msk [tilespmem:v28+s11+$0x0], $0xffff  }
0x4e6: {  	v26 =	vor.u32 $0x2100, v12;
	v30 =	vld.idx.msk [tilespmem:v30+s11+$0x0], $0xffff;
	[tilespmem:s29+$0xB410] =	vst v5  }
0x4e7: {  	v7 =	vld.idx.msk [tilespmem:v7+s11+$0x0], $0xffff;
	v5 =	vor.u32 $0x2200, v12;
	[tilespmem:s29+$0xB910] =	vst v24  }
0x4e8: {  	v24 =	vor.u32 $0x2300, v12;
	v19 =	vld.idx.msk [tilespmem:v19+s11+$0x0], $0xffff  }
0x4e9: {  	v53 =	vld.idx.msk [tilespmem:v1+s11+$0x0], $0xffff;
	v1 =	vor.u32 $0x2500, v12  }
0x4ea: {  	[tilespmem:s28+$0xCD10] =	vst v14;
	v14 =	vld.idx.msk [tilespmem:v22+s11+$0x0], $0xffff;
	v22 =	vor.u32 $0x1900, v2  }
0x4eb: {  	v12 =	vld.idx.msk [tilespmem:v26+s11+$0x0], $0xffff;
	v26 =	vor.u32 $0x1A00, v2  }
0x4ec: {  	[tilespmem:s28+$0xC810] =	vst v59;
	v31 =	vld.idx.msk [tilespmem:v5+s11+$0x0], $0xffff;
	v5 =	vor.u32 $0x1800, v2  }
0x4ed: {  	[tilespmem:s28+$0xD210] =	vst v60;
	v54 =	vld.idx.msk [tilespmem:v24+s11+$0x0], $0xffff  }
0x4ee: {  	[tilespmem:s28+$0xD710] =	vst v61;
	v29 =	vld.idx.msk [tilespmem:v1+s11+$0x0], $0xffff;
	v1 =	vor.u32 $0x1B00, v2  }
0x4ef: {  	[tilespmem:s26+$0x9600] =	vst v15;
	v41 =	vld.idx.msk [tilespmem:v22+s11+$0x0], $0xffff  }
0x4f0: {  	[tilespmem:s26+$0x9B00] =	vst v16;
	v22 =	vld.idx.msk [tilespmem:v26+s11+$0x0], $0xffff  }
0x4f1: {  	[tilespmem:s26+$0xA000] =	vst v17;
	v24 =	vld.idx.msk [tilespmem:v5+s11+$0x0], $0xffff  }
0x4f2: {  	[tilespmem:s26+$0xA500] =	vst v18;
	v5 =	vld [tilespmem:s30+$0x1400]  }
0x4f3: {  	v26 =	vld.idx.msk [tilespmem:v1+s11+$0x0], $0xffff;
	[tilespmem:$0x1FB00] =	vst v58  }
0x4f4: {  	v25 =	vand.u32 $0xFF, v6;
	[tilespmem:s29+$0x4600] =	vst v23  }
0x4f5: {  	v6 =	vor.u32 $0x100, v25;
	[tilespmem:s29+$0x4B00] =	vst v27  }
0x4f6: {  	v57 =	vor.u32 $0x200, v25;
	[tilespmem:s29+$0x5000] =	vst v21  }
0x4f7: {  	v59 =	vor.u32 $0x400, v25;
	[tilespmem:s29+$0x5500] =	vst v28  }
0x4f8: {  	v16 =	vor.u32 $0x500, v25;
	[tilespmem:s29+$0x5A00] =	vst v30  }
0x4f9: {  	v18 =	vor.u32 $0x700, v25;
	v15 =	vld.idx.msk [tilespmem:v25+s11+$0x0], $0xffff;
	[tilespmem:s29+$0x5F00] =	vst v7  }
0x4fa: {  	v60 =	vor.u32 $0x1400, v13;
	v17 =	vld.idx.msk [tilespmem:v6+s11+$0x0], $0xffff;
	[tilespmem:s29+$0x6400] =	vst v9  }
0x4fb: {  	v43 =	vor.u32 $0x2300, v0;
	v10 =	vld.idx.msk [tilespmem:v57+s11+$0x0], $0xffff;
	[tilespmem:s29+$0x6900] =	vst v55  }
0x4fc: {  	v1 =	vor.u32 $0x300, v25;
	v11 =	vld.idx.msk [tilespmem:v59+s11+$0x0], $0xffff;
	[tilespmem:s26+$0xAA00] =	vst v63  }
0x4fd: {  	v6 =	vor.u32 $0x600, v25;
	v16 =	vld.idx.msk [tilespmem:v16+s11+$0x0], $0xffff;
	[tilespmem:s26+$0xAF00] =	vst v3  }
0x4fe: {  	v21 =	vor.u32 $0x1000, v13;
	v18 =	vld.idx.msk [tilespmem:v18+s11+$0x0], $0xffff;
	[tilespmem:s26+$0xB400] =	vst v4  }
0x4ff: {  	v27 =	vor.u32 $0x1200, v13;
	v36 =	vand.u32 $0xFF, v5;
	[tilespmem:s26+$0xB900] =	vst v32;
	v5 =	vld.idx.msk [tilespmem:v60+s11+$0x0], $0xffff  }
0x500: {  	[tilespmem:s29+$0xD710] =	vst v29;
	v29 =	vor.u32 $0x2200, v0;
	v55 =	vld.idx.msk [tilespmem:v43+s11+$0x0], $0xffff  }
0x501: {  	[tilespmem:s29+$0xDC10] =	vst v14;
	v4 =	vor.u32 $0x400, v36;
	v23 =	vld.idx.msk [tilespmem:v1+s11+$0x0], $0xffff  }
0x502: {  	[tilespmem:s29+$0xCD10] =	vst v54;
	v1 =	vor.u32 $0x1100, v13;
	v30 =	vld.idx.msk [tilespmem:v6+s11+$0x0], $0xffff  }
0x503: {  	v28 =	vor.u32 $0x1300, v13;
	v6 =	vld.idx.msk [tilespmem:v21+s11+$0x0], $0xffff;
	[tilespmem:s30+$0x1E10] =	vst v15  }
0x504: {  	v21 =	vor.u32 $0x100, v36;
	[tilespmem:s30+$0x2310] =	vst v17;
	v9 =	vld.idx.msk [tilespmem:v27+s11+$0x0], $0xffff  }
0x505: {  	v15 =	vor.u32 $0x200, v36;
	[tilespmem:s30+$0x2810] =	vst v10;
	v54 =	vld.idx.msk [tilespmem:v29+s11+$0x0], $0xffff  }
0x506: {  	v61 =	vor.u32 $0x800, v25;
	[tilespmem:s30+$0x3210] =	vst v11;
	v4 =	vld.idx.msk [tilespmem:v4+s11+$0x0], $0xffff  }
0x507: {  	v62 =	vor.u32 $0x900, v25;
	[tilespmem:s30+$0x3710] =	vst v16;
	v7 =	vld.idx.msk [tilespmem:v1+s11+$0x0], $0xffff  }
0x508: {  	v16 =	vor.u32 $0xA00, v25;
	[tilespmem:s30+$0x4110] =	vst v18;
	v1 =	vld.idx.msk [tilespmem:v28+s11+$0x0], $0xffff  }
0x509: {  	v18 =	vor.u32 $0xC00, v25;
	[tilespmem:s30+$0x2D10] =	vst v23;
	v21 =	vld.idx.msk [tilespmem:v21+s11+$0x0], $0xffff  }
0x50a: {  	v14 =	vor.u32 $0xD00, v25;
	v15 =	vld.idx.msk [tilespmem:v15+s11+$0x0], $0xffff;
	[tilespmem:s30+$0x3C10] =	vst v30  }
0x50b: {  	v33 =	vor.u32 $0xE00, v25;
	v10 =	vld.idx.msk [tilespmem:v61+s11+$0x0], $0xffff  }
0x50c: {  	v23 =	vor.u32 $0xB00, v25;
	v63 =	vld.idx.msk [tilespmem:v62+s11+$0x0], $0xffff  }
0x50d: {  	v3 =	vld.idx.msk [tilespmem:v16+s11+$0x0], $0xffff;
	v16 =	vor.u32 $0xF00, v25  }
0x50e: {  	v17 =	vor.u32 $0x300, v36;
	v18 =	vld.idx.msk [tilespmem:v18+s11+$0x0], $0xffff  }
0x50f: {  	[tilespmem:s29+$0xC310] =	vst v12;
	v27 =	vor.u32 $0x500, v36;
	v14 =	vld.idx.msk [tilespmem:v14+s11+$0x0], $0xffff  }
0x510: {  	v38 =	vor.u32 $0x1700, v13;
	[tilespmem:s29+$0xC810] =	vst v31;
	v11 =	vld.idx.msk [tilespmem:v33+s11+$0x0], $0xffff  }
0x511: {  	[tilespmem:s29+$0xD210] =	vst v19;
	v28 =	vor.u32 $0x600, v36;
	v23 =	vld.idx.msk [tilespmem:v23+s11+$0x0], $0xffff  }
0x512: {  	v30 =	vor.u32 $0x700, v36;
	v12 =	vld.idx.msk [tilespmem:v16+s11+$0x0], $0xffff;
	[tilespmem:s30+$0x4610] =	vst v10  }
0x513: {  	v17 =	vld.idx.msk [tilespmem:v17+s11+$0x0], $0xffff;
	[tilespmem:s30+$0x4B10] =	vst v63  }
0x514: {  	v31 =	vld.idx.msk [tilespmem:v27+s11+$0x0], $0xffff;
	v16 =	vor.u32 $0x1500, v13;
	[tilespmem:s30+$0x5010] =	vst v3  }
0x515: {  	v27 =	vld.idx.msk [tilespmem:v38+s11+$0x0], $0xffff;
	[tilespmem:s30+$0x5A10] =	vst v18;
	v18 =	vor.u32 $0x1100, v25  }
0x516: {  	v28 =	vld.idx.msk [tilespmem:v28+s11+$0x0], $0xffff;
	[tilespmem:s30+$0x5F10] =	vst v14;
	v14 =	vor.u32 $0x1200, v25  }
0x517: {  	v40 =	vor.u32 $0x1300, v25;
	v3 =	vld.idx.msk [tilespmem:v30+s11+$0x0], $0xffff;
	[tilespmem:s30+$0x6410] =	vst v11  }
0x518: {  	v42 =	vor.u32 $0x1400, v25;
	v30 =	vld.idx.msk [tilespmem:v36+s11+$0x0], $0xffff;
	[tilespmem:s30+$0x5510] =	vst v23  }
0x519: {  	v19 =	vor.u32 $0x1700, v25;
	v39 =	vld.idx.msk [tilespmem:v16+s11+$0x0], $0xffff;
	[tilespmem:s30+$0x6910] =	vst v12  }
0x51a: {  	[tilespmem:s29+$0xBE10] =	vst v53;
	v23 =	vor.u32 $0x1000, v25;
	v16 =	vld.idx.msk [tilespmem:v18+s11+$0x0], $0xffff  }
0x51b: {  	[tilespmem:s30+$0x2300] =	vst v21;
	v12 =	vor.u32 $0x1500, v25;
	v14 =	vld.idx.msk [tilespmem:v14+s11+$0x0], $0xffff  }
0x51c: {  	[tilespmem:s30+$0x2800] =	vst v15;
	v18 =	vor.u32 $0x1600, v25;
	v10 =	vld.idx.msk [tilespmem:v40+s11+$0x0], $0xffff  }
0x51d: {  	v37 =	vor.u32 $0x1600, v13;
	[tilespmem:s30+$0x2D00] =	vst v17;
	v8 =	vld.idx.msk [tilespmem:v42+s11+$0x0], $0xffff  }
0x51e: {  	v21 =	vor.u32 $0x1E00, v2;
	[tilespmem:s30+$0x3200] =	vst v4;
	v19 =	vld.idx.msk [tilespmem:v19+s11+$0x0], $0xffff  }
0x51f: {  	v15 =	vor.u32 $0x1F00, v2;
	[tilespmem:s30+$0x3700] =	vst v31;
	v11 =	vld.idx.msk [tilespmem:v23+s11+$0x0], $0xffff  }
0x520: {  	v17 =	vor.u32 $0x2000, v0;
	[tilespmem:s30+$0x3C00] =	vst v28;
	v12 =	vld.idx.msk [tilespmem:v12+s11+$0x0], $0xffff  }
0x521: {  	v23 =	vor.u32 $0x1D00, v2;
	v4 =	vld.idx.msk [tilespmem:v18+s11+$0x0], $0xffff;
	[tilespmem:s30+$0x7310] =	vst v16  }
0x522: {  	v33 =	vld.idx.msk [tilespmem:v37+s11+$0x0], $0xffff;
	v18 =	vor.u32 $0x2100, v0;
	[tilespmem:s30+$0x7810] =	vst v14  }
0x523: {  	v47 =	vld.idx.msk [tilespmem:v21+s11+$0x0], $0xffff;
	v16 =	vor.u32 $0x2400, v0;
	[tilespmem:s30+$0x7D10] =	vst v10  }
0x524: {  	v50 =	vor.u32 $0x1800, v25;
	v48 =	vld.idx.msk [tilespmem:v15+s11+$0x0], $0xffff;
	[tilespmem:s30+$0x8210] =	vst v8  }
0x525: {  	v51 =	vor.u32 $0x1900, v25;
	v52 =	vld.idx.msk [tilespmem:v17+s11+$0x0], $0xffff;
	[tilespmem:s30+$0x9110] =	vst v19  }
0x526: {  	v58 =	vor.u32 $0x1C00, v25;
	v46 =	vld.idx.msk [tilespmem:v23+s11+$0x0], $0xffff;
	[tilespmem:s30+$0x6E10] =	vst v11  }
0x527: {  	v14 =	vor.u32 $0x1D00, v25;
	[tilespmem:s30+$0x8710] =	vst v12;
	v53 =	vld.idx.msk [tilespmem:v18+s11+$0x0], $0xffff  }
0x528: {  	v59 =	vor.u32 $0x1E00, v25;
	[tilespmem:s30+$0x8C10] =	vst v4;
	v56 =	vld.idx.msk [tilespmem:v16+s11+$0x0], $0xffff  }
0x529: {  	[tilespmem:s30+$0x4100] =	vst v3;
	v12 =	vor.u32 $0x1A00, v25;
	v10 =	vld.idx.msk [tilespmem:v50+s11+$0x0], $0xffff  }
0x52a: {  	[tilespmem:s30+$0x1E00] =	vst v30;
	v4 =	vor.u32 $0x1B00, v25;
	v3 =	vld.idx.msk [tilespmem:v51+s11+$0x0], $0xffff  }
0x52b: {  	[tilespmem:s29+$0x6E00] =	vst v6;
	v11 =	vld.idx.msk [tilespmem:v58+s11+$0x0], $0xffff  }
0x52c: {  	[tilespmem:s29+$0x7300] =	vst v7;
	v60 =	vld.idx.msk [tilespmem:v14+s11+$0x0], $0xffff  }
0x52d: {  	v15 =	vor.u32 $0x1F00, v25;
	[tilespmem:s29+$0x7800] =	vst v9;
	v14 =	vld.idx.msk [tilespmem:v59+s11+$0x0], $0xffff  }
0x52e: {  	[tilespmem:s29+$0x7D00] =	vst v1;
	v1 =	vor.u32 $0x2000, v2;
	v12 =	vld.idx.msk [tilespmem:v12+s11+$0x0], $0xffff  }
0x52f: {  	v16 =	vor.u32 $0x2500, v0;
	v4 =	vld.idx.msk [tilespmem:v4+s11+$0x0], $0xffff;
	[tilespmem:$0x1FB10] =	vst v1;
	v1 =	vor.u32 $0x2100, v2  }
0x530: {  	[tilespmem:$0x1FB20] =	vst v1  }
0x531: {  	v17 =	vor.u32 $0x800, v36;
	[tilespmem:s29+$0x8200] =	vst v5;
	v5 =	vor.u32 $0x2200, v2  }
0x532: {  	v18 =	vor.u32 $0x900, v36;
	v29 =	vld.idx.msk [tilespmem:v15+s11+$0x0], $0xffff;
	[tilespmem:$0x1FB30] =	vst v5  }
0x533: {  	v28 =	vor.u32 $0x2600, v0;
	v0 =	vor.u32 $0xA00, v36;
	v5 =	vor.u32 $0x2400, v2;
	[tilespmem:s30+$0x9610] =	vst v10  }
0x534: {  	v58 =	vld.idx.msk [tilespmem:v16+s11+$0x0], $0xffff;
	[tilespmem:$0x1FB40] =	vst v5  }
0x535: {  	v1 =	vor.u32 $0xB00, v36;
	[tilespmem:s30+$0x9B10] =	vst v3  }
0x536: {  	v15 =	vor.u32 $0x2300, v2;
	v59 =	vld.idx.msk [tilespmem:v17+s11+$0x0], $0xffff;
	[tilespmem:s30+$0xA010] =	vst v12  }
0x537: {  	v16 =	vor.u32 $0x2500, v2;
	v17 =	vor.u32 $0x2600, v2;
	v20 =	vld.idx.msk [tilespmem:v18+s11+$0x0], $0xffff;
	[tilespmem:s30+$0xA510] =	vst v4;
	v2 =	vor.u32 $0x1B00, v13  }
0x538: {  	v0 =	vld.idx.msk [tilespmem:v0+s11+$0x0], $0xffff;
	[tilespmem:$0x1FB50] =	vst v2;
	v2 =	vor.u32 $0x1C00, v13  }
0x539: {  	v61 =	vor.u32 $0xC00, v36;
	[tilespmem:$0x1FB60] =	vst v2  }
0x53a: {  	v49 =	vld.idx.msk [tilespmem:v1+s11+$0x0], $0xffff;
	[tilespmem:s30+$0xAA10] =	vst v11;
	v1 =	vor.u32 $0x1D00, v13  }
0x53b: {  	v62 =	vor.u32 $0xD00, v36;
	[tilespmem:$0x1FB70] =	vst v1;
	v1 =	vor.u32 $0x1E00, v13  }
0x53c: {  	[tilespmem:$0x1FB80] =	vst v1  }
0x53d: {  	v30 =	vor.u32 $0xE00, v36;
	v2 =	vor.u32 $0x1F00, v13;
	[tilespmem:s30+$0xAF10] =	vst v60  }
0x53e: {  	v1 =	vld.idx.msk [tilespmem:v61+s11+$0x0], $0xffff;
	[tilespmem:$0x1FB90] =	vst v2  }
0x53f: {  	v31 =	vor.u32 $0x2600, v25;
	v2 =	vor.u32 $0x2100, v13;
	[tilespmem:s30+$0xB410] =	vst v14  }
0x540: {  	v63 =	vor.u32 $0x2000, v25;
	v3 =	vld.idx.msk [tilespmem:v62+s11+$0x0], $0xffff;
	[tilespmem:$0x1FBA0] =	vst v2  }
0x541: {  	v9 =	vor.u32 $0x2100, v25;
	v2 =	vor.u32 $0x2300, v13;
	[tilespmem:s30+$0xB910] =	vst v29  }
0x542: {  	v10 =	vor.u32 $0x2200, v25;
	v4 =	vld.idx.msk [tilespmem:v30+s11+$0x0], $0xffff;
	[tilespmem:$0x1FBB0] =	vst v2  }
0x543: {  	v29 =	vor.u32 $0x2300, v25;
	[tilespmem:s29+$0x8700] =	vst v39  }
0x544: {  	v30 =	vor.u32 $0x2400, v25;
	v31 =	vld.idx.msk [tilespmem:v31+s11+$0x0], $0xffff;
	[tilespmem:s29+$0x8C00] =	vst v33  }
0x545: {  	v25 =	vor.u32 $0x2500, v25;
	v50 =	vld.idx.msk [tilespmem:v63+s11+$0x0], $0xffff;
	[tilespmem:s29+$0x9100] =	vst v27  }
0x546: {  	v43 =	vor.u32 $0x1000, v36;
	v11 =	vor.u32 $0xF00, v36;
	v63 =	vld.idx.msk [tilespmem:v9+s11+$0x0], $0xffff;
	[tilespmem:s28+$0x9600] =	vst v24  }
0x547: {  	v35 =	vor.u32 $0x1500, v36;
	v34 =	vor.u32 $0x1600, v36;
	v32 =	vor.u32 $0x1800, v36;
	v62 =	vld.idx.msk [tilespmem:v10+s11+$0x0], $0xffff;
	[tilespmem:s28+$0x9B00] =	vst v41  }
0x548: {  	v45 =	vor.u32 $0x1900, v36;
	v44 =	vor.u32 $0x1A00, v36;
	v38 =	vor.u32 $0x1300, v36;
	[tilespmem:s28+$0xA000] =	vst v22;
	v60 =	vld.idx.msk [tilespmem:v29+s11+$0x0], $0xffff  }
0x549: {  	v37 =	vor.u32 $0x1400, v36;
	v21 =	vor.u32 $0x2400, v13;
	v40 =	vor.u32 $0x1100, v36;
	[tilespmem:s28+$0xA500] =	vst v26;
	v61 =	vld.idx.msk [tilespmem:v30+s11+$0x0], $0xffff  }
0x54a: {  	v42 =	vor.u32 $0x1C00, v36;
	v19 =	vor.u32 $0x1A00, v13;
	v2 =	vor.u32 $0x2000, v36;
	v51 =	vld.idx.msk [tilespmem:v25+s11+$0x0], $0xffff;
	[tilespmem:s30+$0xDC10] =	vst v31  }
0x54b: {  	v23 =	vor.u32 $0x1900, v13;
	v5 =	vor.u32 $0x1800, v13;
	v12 =	vor.u32 $0x2000, v13;
	v57 =	vld.idx.msk [tilespmem:v11+s11+$0x0], $0xffff;
	[tilespmem:$0x1FBC0] =	vst v2  }
0x54c: {  	v18 =	vor.u32 $0x2500, v13;
	v14 =	vor.u32 $0x2200, v13;
	v2 =	vor.u32 $0x2300, v36;
	[tilespmem:s30+$0x4600] =	vst v59  }
0x54d: {  	v13 =	vor.u32 $0x2600, v13;
	v39 =	vor.u32 $0x1200, v36;
	v33 =	vor.u32 $0x1700, v36;
	v59 =	vld.idx.msk [tilespmem:v28+s11+$0x0], $0xffff;
	[tilespmem:$0x1FBD0] =	vst v2  }
0x54e: {  	v41 =	vor.u32 $0x1B00, v36;
	v27 =	vor.u32 $0x2200, v36;
	v2 =	vor.u32 $0x2400, v36;
	[tilespmem:s30+$0x4B00] =	vst v20  }
0x54f: {  	v26 =	vor.u32 $0x2500, v36;
	v29 =	vor.u32 $0x1D00, v36;
	v30 =	vor.u32 $0x1E00, v36;
	[tilespmem:$0x1FBE0] =	vst v2  }
0x550: {  	s0 =	simm.s32 $0x60;
	s1 =	simm.s32 $0x200;
	v25 =	vor.u32 $0x2600, v36;
	v31 =	vor.u32 $0x1F00, v36;
	v28 =	vor.u32 $0x2100, v36;
	v36 =	vld.idx.msk [tilespmem:v5+s11+$0x0], $0xffff  }
.LBB2_7:
0x551: {  	_ =	sdelay $0x1  }
0x552: {  	[tilespmem:s30+$0x5000] =	vst v0  }
0x553: {  	s5 =	sshra.s32 s1, $0x2;
	v0 =	vld.idx.msk [tilespmem:v23+s11+$0x0], $0xffff;
	[tilespmem:s30+$0x5500] =	vst v49  }
0x554: {  	v8 =	vld [tilespmem:s5+$0x1400];
	[tilespmem:s30+$0x5A00] =	vst v1  }
0x555: {  	[tilespmem:s30+$0x5F00] =	vst v3  }
0x556: {  	v1 =	vld.idx.msk [tilespmem:v19+s11+$0x0], $0xffff;
	_ =	sdelay $0x4  }
0x557: {  	[tilespmem:$0x1FAC0] =	vst v1;
	v1 =	vmov v44  }
0x558: {  	[tilespmem:$0x1F9D0] =	vst v1;
	v1 =	vld [tilespmem:$0x1FB50];
	_ =	sdelay $0x4  }
0x559: {  	[tilespmem:s30+$0x6400] =	vst v4  }
0x55a: {  	[tilespmem:$0x1FAB0] =	vst v0;
	v0 =	vmov v45  }
0x55b: {  	[tilespmem:$0x1F9E0] =	vst v0;
	v0 =	vld [tilespmem:s5+$0x1410]  }
0x55c: {  	v1 =	vld.idx.msk [tilespmem:v1+s11+$0x0], $0xffff;
	_ =	sdelay $0x2  }
0x55d: {  	[tilespmem:s30+$0x6900] =	vst v57  }
0x55e: {  	v57 =	vand.u32 $0xFF, v0;
	v0 =	vld.idx.msk [tilespmem:v43+s11+$0x0], $0xffff  }
0x55f: {  	[tilespmem:$0x1FAD0] =	vst v1;
	v1 =	vmov v41  }
0x560: {  	[tilespmem:$0x1FB50] =	vst v1;
	v1 =	vld [tilespmem:$0x1FB60];
	_ =	sdelay $0x2  }
0x561: {  	[tilespmem:$0x1F9F0] =	vst v0;
	v0 =	vld [tilespmem:$0x1FB00];
	_ =	sdelay $0x4  }
0x562: {  	v2 =	vmov v42;
	v1 =	vld.idx.msk [tilespmem:v1+s11+$0x0], $0xffff;
	[tilespmem:s28+$0xAA00] =	vst v0  }
0x563: {  	[tilespmem:$0x1FB60] =	vst v2;
	v2 =	vld.idx.msk [tilespmem:v40+s11+$0x0], $0xffff;
	_ =	sdelay $0x3  }
0x564: {  	[tilespmem:s28+$0xAF00] =	vst v46  }
0x565: {  	[tilespmem:$0x1FA00] =	vst v2;
	v2 =	vld.idx.msk [tilespmem:v39+s11+$0x0], $0xffff;
	_ =	sdelay $0x1  }
0x566: {  	v11 =	vor.u32 $0x400, v57;
	_ =	sdelay $0x1  }
0x567: {  	[tilespmem:s28+$0xB400] =	vst v47  }
0x568: {  	v49 =	vand.u32 $0xFF, v8;
	[tilespmem:$0x1FA10] =	vst v2;
	v2 =	vld.idx.msk [tilespmem:v38+s11+$0x0], $0xffff  }
0x569: {  	v6 =	vor.u32 $0x800, v49  }
0x56a: {  	[tilespmem:$0x1FA40] =	vst v6;
	v7 =	vld.idx.msk [tilespmem:v11+s11+$0x0], $0xffff;
	v11 =	vor.u32 $0x1800, v49  }
0x56b: {  	[tilespmem:$0x1FAF0] =	vst v11  }
0x56c: {  	[tilespmem:s28+$0xB900] =	vst v48  }
0x56d: {  	[tilespmem:$0x1FA20] =	vst v2  }
0x56e: {  	v2 =	vld.idx.msk [tilespmem:v37+s11+$0x0], $0xffff;
	[tilespmem:s26+$0xBE00] =	vst v52  }
0x56f: {  	[tilespmem:s26+$0xC300] =	vst v53  }
0x570: {  	[tilespmem:s26+$0xC800] =	vst v54  }
0x571: {  	v10 =	vor.u32 $0x300, v57;
	[tilespmem:s26+$0xCD00] =	vst v55  }
0x572: {  	v0 =	vor.u32 $0x100, v57;
	[tilespmem:s26+$0xD200] =	vst v56  }
0x573: {  	v9 =	vor.u32 $0x200, v57;
	[tilespmem:$0x1FA30] =	vst v2;
	v2 =	vmov v1;
	v1 =	vor.u32 $0x900, v49  }
0x574: {  	v45 =	vor.u32 $0x500, v57;
	[tilespmem:$0x1FA50] =	vst v1;
	v1 =	vor.u32 $0xA00, v49  }
0x575: {  	v42 =	vld.idx.msk [tilespmem:v57+s11+$0x0], $0xffff;
	[tilespmem:$0x1FA60] =	vst v1;
	v1 =	vor.u32 $0x600, v57  }
0x576: {  	v6 =	vld.idx.msk [tilespmem:v10+s11+$0x0], $0xffff;
	v54 =	vor.u32 $0x700, v57;
	[tilespmem:s26+$0xD700] =	vst v58  }
0x577: {  	v0 =	vld.idx.msk [tilespmem:v0+s11+$0x0], $0xffff;
	[tilespmem:s26+$0xDC00] =	vst v59  }
0x578: {  	v3 =	vor.u32 $0x100, v49;
	v53 =	vld.idx.msk [tilespmem:v9+s11+$0x0], $0xffff;
	[tilespmem:$0x1FB00] =	vst v2;
	v2 =	vor.u32 $0xB00, v49  }
0x579: {  	v4 =	vor.u32 $0x200, v49;
	v8 =	vld.idx.msk [tilespmem:v45+s11+$0x0], $0xffff;
	s26 =	smov.u32 s28;
	s28 =	smov.u32 s29;
	s29 =	smov.u32 s30;
	[tilespmem:$0x1FA70] =	vst v2  }
0x57a: {  	v47 =	vor.u32 $0x400, v49;
	s30 =	smov.u32 s5;
	v1 =	vld.idx.msk [tilespmem:v1+s11+$0x0], $0xffff;
	[tilespmem:s29+$0xBE10] =	vst v50  }
0x57b: {  	v48 =	vor.u32 $0x500, v49;
	v50 =	vld.idx.msk [tilespmem:v54+s11+$0x0], $0xffff;
	[tilespmem:s30+$0x1E10] =	vst v42  }
0x57c: {  	v5 =	vor.u32 $0x600, v49;
	[tilespmem:s30+$0x2310] =	vst v0  }
0x57d: {  	v46 =	vor.u32 $0x300, v49;
	v3 =	vld.idx.msk [tilespmem:v3+s11+$0x0], $0xffff;
	[tilespmem:s30+$0x2810] =	vst v53  }
0x57e: {  	v4 =	vld.idx.msk [tilespmem:v4+s11+$0x0], $0xffff;
	[tilespmem:s30+$0x2D10] =	vst v6;
	v6 =	vor.u32 $0x800, v57  }
0x57f: {  	v19 =	vmov v17;
	v17 =	vmov v15;
	v15 =	vld.idx.msk [tilespmem:v47+s11+$0x0], $0xffff;
	[tilespmem:s30+$0x3210] =	vst v7;
	v7 =	vor.u32 $0x900, v57  }
0x580: {  	v24 =	vmov v18;
	v18 =	vmov v16;
	v16 =	vld.idx.msk [tilespmem:v48+s11+$0x0], $0xffff;
	[tilespmem:s30+$0x3710] =	vst v8;
	v8 =	vor.u32 $0xA00, v57  }
0x581: {  	v5 =	vld.idx.msk [tilespmem:v5+s11+$0x0], $0xffff;
	[tilespmem:s30+$0x3C10] =	vst v1;
	v1 =	vor.u32 $0xB00, v57  }
0x582: {  	v53 =	vld.idx.msk [tilespmem:v46+s11+$0x0], $0xffff;
	[tilespmem:s30+$0x4110] =	vst v50  }
0x583: {  	v46 =	vor.u32 $0xC00, v57;
	v6 =	vld.idx.msk [tilespmem:v6+s11+$0x0], $0xffff;
	[tilespmem:s29+$0xC310] =	vst v63  }
0x584: {  	v47 =	vor.u32 $0xD00, v57;
	v7 =	vld.idx.msk [tilespmem:v7+s11+$0x0], $0xffff;
	[tilespmem:s29+$0xC810] =	vst v62  }
0x585: {  	v2 =	vor.u32 $0xC00, v49;
	v63 =	vor.u32 $0xE00, v57;
	v8 =	vld.idx.msk [tilespmem:v8+s11+$0x0], $0xffff;
	[tilespmem:s29+$0xCD10] =	vst v60  }
0x586: {  	v20 =	vmovc v12;
	v22 =	vmovc v21;
	v44 =	vor.u32 $0x1A00, v49;
	v12 =	vor.u32 $0x1F00, v49;
	[tilespmem:$0x1FA80] =	vst v2;
	v62 =	vor.u32 $0xF00, v57;
	v1 =	vld.idx.msk [tilespmem:v1+s11+$0x0], $0xffff  }
0x587: {  	v21 =	vmovc v14;
	v23 =	vmovc v13;
	v13 =	vor.u32 $0x2000, v49;
	v14 =	vor.u32 $0x2100, v49;
	v43 =	vor.u32 $0x1000, v49;
	[tilespmem:s29+$0xD210] =	vst v61;
	v61 =	vld [tilespmem:$0x1FB90]  }
0x588: {  	v41 =	vor.u32 $0x1B00, v49;
	v10 =	vor.u32 $0x1700, v49;
	v2 =	vor.u32 $0xD00, v49;
	v46 =	vld.idx.msk [tilespmem:v46+s11+$0x0], $0xffff;
	[tilespmem:s29+$0xD710] =	vst v51  }
0x589: {  	v45 =	vor.u32 $0x1900, v49;
	v11 =	vor.u32 $0x1E00, v49;
	[tilespmem:$0x1FA90] =	vst v2;
	v2 =	vor.u32 $0xE00, v49;
	v47 =	vld.idx.msk [tilespmem:v47+s11+$0x0], $0xffff  }
0x58a: {  	v40 =	vor.u32 $0x1100, v49;
	v39 =	vor.u32 $0x1200, v49;
	[tilespmem:$0x1FAA0] =	vst v2;
	v2 =	vor.u32 $0xF00, v49;
	v48 =	vld.idx.msk [tilespmem:v63+s11+$0x0], $0xffff  }
0x58b: {  	v38 =	vor.u32 $0x1300, v49;
	v52 =	vor.u32 $0x700, v49;
	v37 =	vor.u32 $0x1400, v49;
	[tilespmem:$0x1FAE0] =	vst v2;
	v60 =	vld.idx.msk [tilespmem:v62+s11+$0x0], $0xffff  }
0x58c: {  	v9 =	vor.u32 $0x1600, v49;
	v55 =	vor.u32 $0x2200, v49;
	v56 =	vor.u32 $0x2300, v49;
	[tilespmem:s30+$0x4610] =	vst v6;
	v6 =	vld.idx.msk [tilespmem:v49+s11+$0x0], $0xffff  }
0x58d: {  	v58 =	vor.u32 $0x2400, v49;
	v59 =	vor.u32 $0x2500, v49;
	v2 =	vor.u32 $0x1500, v49;
	[tilespmem:s30+$0x4B10] =	vst v7;
	v7 =	vld.idx.msk [tilespmem:v35+s11+$0x0], $0xffff  }
0x58e: {  	v42 =	vor.u32 $0x1C00, v49;
	v54 =	vor.u32 $0x1D00, v49;
	v0 =	vor.u32 $0x2600, v49;
	v49 =	vld [tilespmem:$0x1FB80];
	[tilespmem:s30+$0x5010] =	vst v8  }
0x58f: {  	v35 =	vmov v2;
	v2 =	vor.u32 $0x1100, v57;
	[tilespmem:s30+$0x5A10] =	vst v46;
	v46 =	vld [tilespmem:$0x1FB70]  }
0x590: {  	v52 =	vld.idx.msk [tilespmem:v52+s11+$0x0], $0xffff;
	v63 =	vor.u32 $0x1200, v57;
	[tilespmem:s30+$0x5510] =	vst v1  }
0x591: {  	v50 =	vld.idx.msk [tilespmem:v34+s11+$0x0], $0xffff;
	[tilespmem:s30+$0x5F10] =	vst v47  }
0x592: {  	v51 =	vld.idx.msk [tilespmem:v33+s11+$0x0], $0xffff;
	[tilespmem:s30+$0x6410] =	vst v48  }
0x593: {  	v34 =	vmov v9;
	v9 =	vor.u32 $0x1300, v57;
	[tilespmem:s30+$0x6910] =	vst v60;
	v48 =	vld.idx.msk [tilespmem:v61+s11+$0x0], $0xffff  }
0x594: {  	v1 =	vor.u32 $0x1000, v57;
	v2 =	vld.idx.msk [tilespmem:v2+s11+$0x0], $0xffff  }
0x595: {  	v47 =	vmov v29;
	v60 =	vor.u32 $0x1400, v57;
	v8 =	vld.idx.msk [tilespmem:v63+s11+$0x0], $0xffff  }
0x596: {  	[tilespmem:$0x1FB70] =	vst v47;
	v63 =	vor.u32 $0x1700, v57;
	v47 =	vld.idx.msk [tilespmem:v49+s11+$0x0], $0xffff  }
0x597: {  	v46 =	vld.idx.msk [tilespmem:v46+s11+$0x0], $0xffff;
	[tilespmem:s30+$0x2300] =	vst v3;
	v3 =	vor.u32 $0x1500, v57  }
0x598: {  	v9 =	vld.idx.msk [tilespmem:v9+s11+$0x0], $0xffff;
	[tilespmem:s30+$0x2800] =	vst v4;
	v4 =	vor.u32 $0x1600, v57  }
0x599: {  	v1 =	vld.idx.msk [tilespmem:v1+s11+$0x0], $0xffff  }
0x59a: {  	v33 =	vmov v10;
	v10 =	vld.idx.msk [tilespmem:v60+s11+$0x0], $0xffff  }
0x59b: {  	[tilespmem:s30+$0x3C00] =	vst v5;
	v5 =	vld.idx.msk [tilespmem:v63+s11+$0x0], $0xffff  }
0x59c: {  	v3 =	vld.idx.msk [tilespmem:v3+s11+$0x0], $0xffff  }
0x59d: {  	v4 =	vld.idx.msk [tilespmem:v4+s11+$0x0], $0xffff  }
0x59e: {  	[tilespmem:s30+$0x6E10] =	vst v1;
	v1 =	vld [tilespmem:$0x1FB10];
	_ =	sdelay $0x1  }
0x59f: {  	v62 =	vmov v31  }
0x5a0: {  	[tilespmem:$0x1FB90] =	vst v62  }
0x5a1: {  	[tilespmem:s30+$0x2D00] =	vst v53  }
0x5a2: {  	[tilespmem:s30+$0x3200] =	vst v15  }
0x5a3: {  	[tilespmem:s30+$0x3700] =	vst v16  }
0x5a4: {  	v62 =	vld [tilespmem:$0x1FB40];
	[tilespmem:s30+$0x4100] =	vst v52  }
0x5a5: {  	v52 =	vld.idx.msk [tilespmem:v1+s11+$0x0], $0xffff;
	v1 =	vmov v20  }
0x5a6: {  	[tilespmem:$0x1FB10] =	vst v1;
	v1 =	vld [tilespmem:$0x1FBC0];
	_ =	sdelay $0x2  }
0x5a7: {  	v61 =	vmov v56;
	[tilespmem:s30+$0x7310] =	vst v2;
	v2 =	vld [tilespmem:$0x1FBA0]  }
0x5a8: {  	v60 =	vld [tilespmem:$0x1FBD0];
	[tilespmem:$0x1FBD0] =	vst v61;
	v63 =	vmov v22  }
0x5a9: {  	v31 =	vmov v12;
	v49 =	vld [tilespmem:$0x1FBB0];
	[tilespmem:$0x1FB40] =	vst v63;
	v12 =	vmov v1;
	v1 =	vmov v13  }
0x5aa: {  	[tilespmem:$0x1FBC0] =	vst v1;
	v1 =	vld [tilespmem:$0x1FB20]  }
0x5ab: {  	v61 =	vld [tilespmem:$0x1F9F0];
	[tilespmem:s30+$0x7810] =	vst v8  }
0x5ac: {  	v56 =	vld.idx.msk [tilespmem:v62+s11+$0x0], $0xffff;
	[tilespmem:s30+$0x7D10] =	vst v9;
	v2 =	vmov v2  }
0x5ad: {  	[tilespmem:$0x1FB20] =	vst v2;
	v2 =	vld [tilespmem:$0x1FB30]  }
0x5ae: {  	v63 =	vld [tilespmem:$0x1FA00];
	[tilespmem:s30+$0x8210] =	vst v10  }
0x5af: {  	v15 =	vmovc v49;
	v49 =	vld [tilespmem:$0x1FBE0];
	v9 =	vmov v60;
	v60 =	vmov v58;
	[tilespmem:s30+$0x9110] =	vst v5;
	v5 =	vor.u32 $0x1C00, v57  }
0x5b0: {  	v58 =	vld.idx.msk [tilespmem:v18+s11+$0x0], $0xffff;
	[tilespmem:$0x1FBE0] =	vst v60  }
0x5b1: {  	v18 =	vmov v26;
	v26 =	vmov v59;
	v59 =	vld.idx.msk [tilespmem:v19+s11+$0x0], $0xffff;
	[tilespmem:s30+$0x8710] =	vst v3  }
0x5b2: {  	v3 =	vor.u32 $0x1A00, v57;
	[tilespmem:s30+$0x8C10] =	vst v4;
	v53 =	vld.idx.msk [tilespmem:v1+s11+$0x0], $0xffff;
	v1 =	vmov v28  }
0x5b3: {  	v60 =	vld [tilespmem:$0x1FA20];
	[tilespmem:$0x1FBA0] =	vst v1;
	v1 =	vor.u32 $0x1800, v57  }
0x5b4: {  	v29 =	vmov v54;
	v54 =	vmov v30;
	v4 =	vor.u32 $0x1B00, v57;
	v5 =	vld.idx.msk [tilespmem:v5+s11+$0x0], $0xffff  }
0x5b5: {  	[tilespmem:$0x1FB80] =	vst v54;
	v62 =	vor.u32 $0x1F00, v57;
	v54 =	vld.idx.msk [tilespmem:v2+s11+$0x0], $0xffff  }
0x5b6: {  	v28 =	vmovc v14;
	v2 =	vmovc v21;
	v14 =	vmov v27;
	v27 =	vmov v55;
	v55 =	vld.idx.msk [tilespmem:v17+s11+$0x0], $0xffff;
	[tilespmem:s30+$0x1E00] =	vst v6;
	v6 =	vor.u32 $0x1E00, v57  }
0x5b7: {  	v3 =	vld.idx.msk [tilespmem:v3+s11+$0x0], $0xffff;
	[tilespmem:$0x1FB30] =	vst v2;
	v2 =	vor.u32 $0x1900, v57  }
0x5b8: {  	v13 =	vmov v25;
	v25 =	vmov v0;
	v0 =	vld.idx.msk [tilespmem:v1+s11+$0x0], $0xffff;
	v1 =	vor.u32 $0x1D00, v57  }
0x5b9: {  	v4 =	vld.idx.msk [tilespmem:v4+s11+$0x0], $0xffff  }
0x5ba: {  	[tilespmem:s29+$0x8700] =	vst v7;
	v7 =	vld.idx.msk [tilespmem:v62+s11+$0x0], $0xffff  }
0x5bb: {  	v6 =	vld.idx.msk [tilespmem:v6+s11+$0x0], $0xffff  }
0x5bc: {  	v2 =	vld.idx.msk [tilespmem:v2+s11+$0x0], $0xffff  }
0x5bd: {  	[tilespmem:s29+$0x6E00] =	vst v61;
	v61 =	vld.idx.msk [tilespmem:v1+s11+$0x0], $0xffff  }
0x5be: {  	[tilespmem:s30+$0x9610] =	vst v0;
	v0 =	vld [tilespmem:$0x1FA40]  }
0x5bf: {  	v21 =	vmov v49;
	v49 =	vld [tilespmem:$0x1FA10]  }
0x5c0: {  	v1 =	vld [tilespmem:$0x1FA30];
	_ =	sdelay $0x1  }
0x5c1: {  	[tilespmem:s29+$0x7300] =	vst v63  }
0x5c2: {  	[tilespmem:s29+$0x7D00] =	vst v60  }
0x5c3: {  	[tilespmem:s29+$0x7800] =	vst v49  }
0x5c4: {  	[tilespmem:s29+$0x8200] =	vst v1;
	v1 =	vld [tilespmem:$0x1FA70]  }
0x5c5: {  	v8 =	vld.idx.msk [tilespmem:v0+s11+$0x0], $0xffff  }
0x5c6: {  	v0 =	vld [tilespmem:$0x1FA50];
	_ =	sdelay $0x3  }
0x5c7: {  	[tilespmem:s30+$0xA010] =	vst v3;
	v3 =	vld [tilespmem:$0x1FA90]  }
0x5c8: {  	[tilespmem:s30+$0xA510] =	vst v4;
	v4 =	vld [tilespmem:$0x1FAA0]  }
0x5c9: {  	v62 =	vor.u32 $0x2600, v57;
	[tilespmem:s30+$0x9B10] =	vst v2;
	v49 =	vld.idx.msk [tilespmem:v1+s11+$0x0], $0xffff  }
0x5ca: {  	[tilespmem:s30+$0xB410] =	vst v6;
	v6 =	vor.u32 $0x2200, v57;
	v1 =	vld [tilespmem:$0x1FA80]  }
0x5cb: {  	[tilespmem:s30+$0xAA10] =	vst v5;
	v2 =	vld.idx.msk [tilespmem:v0+s11+$0x0], $0xffff  }
0x5cc: {  	[tilespmem:s30+$0xB910] =	vst v7;
	v0 =	vld [tilespmem:$0x1FA60]  }
0x5cd: {  	[tilespmem:s30+$0xAF10] =	vst v61  }
0x5ce: {  	v10 =	vld.idx.msk [tilespmem:v62+s11+$0x0], $0xffff  }
0x5cf: {  	v62 =	vld.idx.msk [tilespmem:v6+s11+$0x0], $0xffff  }
0x5d0: {  	v5 =	vor.u32 $0x2000, v57;
	v6 =	vld [tilespmem:$0x1FAB0]  }
0x5d1: {  	v3 =	vld.idx.msk [tilespmem:v3+s11+$0x0], $0xffff  }
0x5d2: {  	v4 =	vld.idx.msk [tilespmem:v4+s11+$0x0], $0xffff  }
0x5d3: {  	v1 =	vld.idx.msk [tilespmem:v1+s11+$0x0], $0xffff  }
0x5d4: {  	v0 =	vld.idx.msk [tilespmem:v0+s11+$0x0], $0xffff  }
0x5d5: {  	[tilespmem:s29+$0x8C00] =	vst v50;
	v50 =	vld.idx.msk [tilespmem:v5+s11+$0x0], $0xffff;
	v5 =	vor.u32 $0x2500, v57;
	_ =	sdelay $0x1  }
0x5d6: {  	[tilespmem:s29+$0x9100] =	vst v51  }
0x5d7: {  	[tilespmem:s28+$0x9B00] =	vst v6;
	v6 =	vld [tilespmem:$0x1FAC0];
	_ =	sdelay $0x1  }
0x5d8: {  	v51 =	vld.idx.msk [tilespmem:v5+s11+$0x0], $0xffff  }
0x5d9: {  	v5 =	vld [tilespmem:$0x1FAE0];
	_ =	sdelay $0x1  }
0x5da: {  	[tilespmem:s28+$0xA000] =	vst v6;
	v6 =	vld [tilespmem:$0x1FAD0];
	_ =	sdelay $0x3  }
0x5db: {  	v63 =	vor.u32 $0x2100, v57;
	[tilespmem:s28+$0x9600] =	vst v36  }
0x5dc: {  	v19 =	vld [tilespmem:$0x1F9D0];
	v7 =	vor.u32 $0x2300, v57;
	[tilespmem:s28+$0xA500] =	vst v6  }
0x5dd: {  	s0 =	sadd.s32 $0x20, s0;
	v30 =	vmov v11;
	v11 =	vor.u32 $0x2400, v57;
	v57 =	vld.idx.msk [tilespmem:v5+s11+$0x0], $0xffff  }
0x5de: {  	p0 =	slt.u32 s0, $0x4E0;
	[tilespmem:s30+$0x4B00] =	vst v2;
	v2 =	vld [tilespmem:$0x1FAF0]  }
.Ltmp2:
0x5df: {  	v17 =	vmov v23;
	v23 =	vld [tilespmem:$0x1F9E0];
	(pc) =	sbr.rel @p0 .LBB2_7-.Ltmp2, $4  }
0x5e0: {  	v63 =	vld.idx.msk [tilespmem:v63+s11+$0x0], $0xffff  }
0x5e1: {  	[tilespmem:$0x1FBB0] =	vst v9;
	v60 =	vld.idx.msk [tilespmem:v7+s11+$0x0], $0xffff  }
0x5e2: {  	v61 =	vld.idx.msk [tilespmem:v11+s11+$0x0], $0xffff;
	[tilespmem:s30+$0x4600] =	vst v8  }
0x5e3: {  	s1 =	sadd.s32 $0x80, s1;
	v16 =	vmov v24;
	[tilespmem:s30+$0xDC10] =	vst v10;
	v36 =	vld.idx.msk [tilespmem:v32+s11+$0x0], $0xffff;
	v32 =	vmov v2  }
0x5e4: {  	[tilespmem:s30+$0x5000] =	vst v0  }
0x5e5: {  	[tilespmem:s30+$0x5500] =	vst v49  }
0x5e6: {  	[tilespmem:s30+$0x5A00] =	vst v1  }
0x5e7: {  	[tilespmem:s30+$0x5F00] =	vst v3  }
0x5e8: {  	[tilespmem:s30+$0x6400] =	vst v4  }
0x5e9: {  	[tilespmem:s30+$0x6900] =	vst v57  }
0x5ea: {  	v0 =	vld [tilespmem:$0x1FB00]  }
0x5eb: {  	[tilespmem:s28+$0xAF00] =	vst v46  }
0x5ec: {  	[tilespmem:s28+$0xB400] =	vst v47  }
0x5ed: {  	[tilespmem:s28+$0xB900] =	vst v48  }
0x5ee: {  	[tilespmem:s26+$0xBE00] =	vst v52  }
0x5ef: {  	[tilespmem:s28+$0xAA00] =	vst v0  }
0x5f0: {  	[tilespmem:s26+$0xC300] =	vst v53  }
0x5f1: {  	[tilespmem:s26+$0xC800] =	vst v54  }
0x5f2: {  	[tilespmem:s26+$0xCD00] =	vst v55  }
0x5f3: {  	[tilespmem:s26+$0xD200] =	vst v56  }
0x5f4: {  	[tilespmem:s26+$0xD700] =	vst v58  }
0x5f5: {  	[tilespmem:s26+$0xDC00] =	vst v59;
	v0 =	vld.idx.msk [tilespmem:v43+s11+$0x0], $0xffff  }
0x5f6: {  	[tilespmem:s30+$0xBE10] =	vst v50;
	v1 =	vld.idx.msk [tilespmem:v40+s11+$0x0], $0xffff  }
0x5f7: {  	[tilespmem:s30+$0xC310] =	vst v63;
	v2 =	vld.idx.msk [tilespmem:v39+s11+$0x0], $0xffff  }
0x5f8: {  	[tilespmem:s30+$0xC810] =	vst v62;
	v3 =	vld.idx.msk [tilespmem:v38+s11+$0x0], $0xffff  }
0x5f9: {  	[tilespmem:s30+$0xCD10] =	vst v60;
	v63 =	vld.idx.msk [tilespmem:v37+s11+$0x0], $0xffff  }
0x5fa: {  	[tilespmem:s30+$0xD210] =	vst v61;
	v5 =	vld.idx.msk [tilespmem:v35+s11+$0x0], $0xffff  }
0x5fb: {  	[tilespmem:s30+$0xD710] =	vst v51;
	v6 =	vld.idx.msk [tilespmem:v34+s11+$0x0], $0xffff  }
0x5fc: {  	v7 =	vld.idx.msk [tilespmem:v33+s11+$0x0], $0xffff;
	[tilespmem:s30+$0x6E00] =	vst v0  }
0x5fd: {  	[tilespmem:s30+$0x7300] =	vst v1  }
0x5fe: {  	[tilespmem:s30+$0x7800] =	vst v2  }
0x5ff: {  	v2 =	vld [tilespmem:$0x1FB50];
	[tilespmem:s30+$0x7D00] =	vst v3  }
0x600: {  	v3 =	vld [tilespmem:$0x1FB60];
	[tilespmem:s30+$0x8200] =	vst v63  }
0x601: {  	v4 =	vld [tilespmem:$0x1FB70];
	[tilespmem:s30+$0x8700] =	vst v5  }
0x602: {  	v5 =	vld [tilespmem:$0x1FB80];
	[tilespmem:s30+$0x8C00] =	vst v6  }
0x603: {  	v6 =	vld [tilespmem:$0x1FB90]  }
0x604: {  	v0 =	vld.idx.msk [tilespmem:v23+s11+$0x0], $0xffff  }
0x605: {  	v1 =	vld.idx.msk [tilespmem:v19+s11+$0x0], $0xffff;
	[tilespmem:s30+$0x9100] =	vst v7  }
0x606: {  	v7 =	vld [tilespmem:$0x1FB10]  }
0x607: {  	v2 =	vld.idx.msk [tilespmem:v2+s11+$0x0], $0xffff  }
0x608: {  	v3 =	vld.idx.msk [tilespmem:v3+s11+$0x0], $0xffff  }
0x609: {  	v4 =	vld.idx.msk [tilespmem:v4+s11+$0x0], $0xffff  }
0x60a: {  	v5 =	vld.idx.msk [tilespmem:v5+s11+$0x0], $0xffff  }
0x60b: {  	v6 =	vld.idx.msk [tilespmem:v6+s11+$0x0], $0xffff;
	[tilespmem:s29+$0x9600] =	vst v36  }
0x60c: {  	v8 =	vld [tilespmem:$0x1FB20];
	[tilespmem:s29+$0x9B00] =	vst v0  }
0x60d: {  	v0 =	vld [tilespmem:$0x1FB30];
	[tilespmem:s29+$0xA000] =	vst v1  }
0x60e: {  	[tilespmem:s29+$0xA500] =	vst v2  }
0x60f: {  	v2 =	vld [tilespmem:$0x1FB40]  }
0x610: {  	v37 =	vld.idx.msk [tilespmem:v17+s11+$0x0], $0xffff  }
0x611: {  	v38 =	vld.idx.msk [tilespmem:v32+s11+$0x0], $0xffff  }
0x612: {  	v7 =	vld.idx.msk [tilespmem:v7+s11+$0x0], $0xffff  }
0x613: {  	v1 =	vld.idx.msk [tilespmem:v15+s11+$0x0], $0xffff;
	[tilespmem:s29+$0xAA00] =	vst v3  }
0x614: {  	v3 =	vld.idx.msk [tilespmem:v16+s11+$0x0], $0xffff;
	[tilespmem:s29+$0xAF00] =	vst v4  }
0x615: {  	[tilespmem:s29+$0xB400] =	vst v5;
	v8 =	vld.idx.msk [tilespmem:v8+s11+$0x0], $0xffff  }
0x616: {  	[tilespmem:s29+$0xB900] =	vst v6;
	v0 =	vld.idx.msk [tilespmem:v0+s11+$0x0], $0xffff  }
0x617: {  	v2 =	vld.idx.msk [tilespmem:v2+s11+$0x0], $0xffff;
	[tilespmem:s28+$0xBE00] =	vst v7  }
0x618: {  	v39 =	vld.idx.msk [tilespmem:v45+s11+$0x0], $0xffff;
	[tilespmem:s28+$0xCD00] =	vst v1  }
0x619: {  	v40 =	vld.idx.msk [tilespmem:v44+s11+$0x0], $0xffff;
	[tilespmem:s28+$0xD700] =	vst v3  }
0x61a: {  	v1 =	vld.idx.msk [tilespmem:v29+s11+$0x0], $0xffff;
	[tilespmem:s28+$0xDC00] =	vst v37  }
0x61b: {  	v3 =	vld.idx.msk [tilespmem:v31+s11+$0x0], $0xffff;
	[tilespmem:s28+$0xC300] =	vst v8  }
0x61c: {  	v8 =	vld.idx.msk [tilespmem:v41+s11+$0x0], $0xffff;
	[tilespmem:s28+$0xC800] =	vst v0  }
0x61d: {  	v0 =	vld.idx.msk [tilespmem:v42+s11+$0x0], $0xffff;
	[tilespmem:s28+$0xD200] =	vst v2  }
0x61e: {  	v2 =	vld.idx.msk [tilespmem:v30+s11+$0x0], $0xffff;
	[tilespmem:s30+$0x9600] =	vst v38  }
0x61f: {  	[tilespmem:s30+$0x9B00] =	vst v39  }
0x620: {  	v5 =	vld [tilespmem:$0x1FBA0];
	[tilespmem:s30+$0xA000] =	vst v40  }
0x621: {  	[tilespmem:s30+$0xA500] =	vst v8  }
0x622: {  	v7 =	vld [tilespmem:$0x1FBB0];
	_ =	sdelay $0x2  }
0x623: {  	v41 =	vld.idx.msk [tilespmem:v12+s11+$0x0], $0xffff  }
0x624: {  	v42 =	vld.idx.msk [tilespmem:v14+s11+$0x0], $0xffff  }
0x625: {  	[tilespmem:s30+$0xAA00] =	vst v0;
	v0 =	vld.idx.msk [tilespmem:v21+s11+$0x0], $0xffff  }
0x626: {  	[tilespmem:s30+$0xAF00] =	vst v1;
	v1 =	vld.idx.msk [tilespmem:v18+s11+$0x0], $0xffff  }
0x627: {  	[tilespmem:s30+$0xB900] =	vst v3;
	v5 =	vld.idx.msk [tilespmem:v5+s11+$0x0], $0xffff  }
0x628: {  	[tilespmem:s30+$0xB400] =	vst v2;
	v7 =	vld.idx.msk [tilespmem:v7+s11+$0x0], $0xffff  }
0x629: {  	v2 =	vld.idx.msk [tilespmem:v13+s11+$0x0], $0xffff;
	[tilespmem:s29+$0xBE00] =	vst v41  }
0x62a: {  	v3 =	vld [tilespmem:$0x1FBC0]  }
0x62b: {  	[tilespmem:s29+$0xC800] =	vst v42  }
0x62c: {  	[tilespmem:s29+$0xC300] =	vst v5  }
0x62d: {  	[tilespmem:s29+$0xCD00] =	vst v7  }
0x62e: {  	v6 =	vld [tilespmem:$0x1FBD0];
	[tilespmem:s29+$0xD200] =	vst v0  }
0x62f: {  	v0 =	vld [tilespmem:$0x1FBE0];
	_ =	sdelay $0x1  }
0x630: {  	v43 =	vld.idx.msk [tilespmem:v28+s11+$0x0], $0xffff  }
0x631: {  	v3 =	vld.idx.msk [tilespmem:v3+s11+$0x0], $0xffff  }
0x632: {  	v44 =	vld.idx.msk [tilespmem:v27+s11+$0x0], $0xffff  }
0x633: {  	[tilespmem:s29+$0xD700] =	vst v1;
	v1 =	vld.idx.msk [tilespmem:v26+s11+$0x0], $0xffff  }
0x634: {  	[tilespmem:s29+$0xDC00] =	vst v2;
	v2 =	vld.idx.msk [tilespmem:v25+s11+$0x0], $0xffff  }
0x635: {  	v6 =	vld.idx.msk [tilespmem:v6+s11+$0x0], $0xffff  }
0x636: {  	v0 =	vld.idx.msk [tilespmem:v0+s11+$0x0], $0xffff;
	[tilespmem:s30+$0xBE00] =	vst v3  }
0x637: {  	[tilespmem:s30+$0xC300] =	vst v43  }
0x638: {  	[tilespmem:s30+$0xC800] =	vst v44  }
0x639: {  	[tilespmem:s30+$0xD700] =	vst v1  }
0x63a: {  	[tilespmem:s30+$0xDC00] =	vst v2  }
0x63b: {  	s0 =	sshrl.u32 s25, $0x3;
	[tilespmem:s30+$0xCD00] =	vst v6  }
0x63c: {  	s25 =	sadd.s32 s7, s0;
	[tilespmem:s30+$0xD200] =	vst v0  }
0x63d: {  	[hbm4b:s25+s14] =	stream.strided.scatter [tilespmem:s18], [sflag:$0x3], $0xC300, s15, s14, $0x38;
	[tilespmem:$0x1EB00] =	vst v63  }
0x63e: {  	_ =	swait.ge [sflag:s22], $0xBE00  }
0x63f: {  	[sflag:s22] =	ssyncset.done $0x0  }
0x640: {  	s26 =	simm.s32 $0x0;
	[sflag:s22] =	ssyncadd.s32 $0xFFFF4200  }
0x641: {  	v0 =	vld [tilespmem:s26+$0x1410];
	_ =	sdelay $0x4  }
0x642: {  	v2 =	vand.u32 $0xFF, v0  }
0x643: {  	v0 =	vor.u32 $0x2700, v2  }
0x644: {  	v1 =	vor.u32 $0x2800, v2  }
0x645: {  	v3 =	vor.u32 $0x2900, v2  }
0x646: {  	v45 =	vor.u32 $0x2A00, v2  }
0x647: {  	v46 =	vor.u32 $0x2B00, v2  }
0x648: {  	v47 =	vor.u32 $0x2C00, v2;
	v0 =	vld.idx.msk [tilespmem:v0+s11+$0x0], $0xffff  }
0x649: {  	v48 =	vor.u32 $0x2D00, v2;
	v1 =	vld.idx.msk [tilespmem:v1+s11+$0x0], $0xffff  }
0x64a: {  	v8 =	vor.u32 $0x2E00, v2;
	v3 =	vld.idx.msk [tilespmem:v3+s11+$0x0], $0xffff  }
0x64b: {  	v4 =	vld.idx.msk [tilespmem:v45+s11+$0x0], $0xffff  }
0x64c: {  	v5 =	vld.idx.msk [tilespmem:v46+s11+$0x0], $0xffff  }
0x64d: {  	v6 =	vld.idx.msk [tilespmem:v47+s11+$0x0], $0xffff  }
0x64e: {  	v7 =	vld.idx.msk [tilespmem:v48+s11+$0x0], $0xffff  }
0x64f: {  	v8 =	vld.idx.msk [tilespmem:v8+s11+$0x0], $0xffff;
	[tilespmem:s26+$0xE110] =	vst v0  }
0x650: {  	[tilespmem:s26+$0xE610] =	vst v1  }
0x651: {  	[tilespmem:s26+$0xEB10] =	vst v3  }
0x652: {  	v49 =	vor.u32 $0x3000, v2;
	[tilespmem:s26+$0xF010] =	vst v4  }
0x653: {  	v51 =	vor.u32 $0x3100, v2;
	[tilespmem:s26+$0xF510] =	vst v5  }
0x654: {  	v50 =	vld [tilespmem:s26+$0x1400];
	v52 =	vor.u32 $0x3200, v2;
	[tilespmem:s26+$0xFA10] =	vst v6  }
0x655: {  	v9 =	vor.u32 $0x3400, v2;
	[tilespmem:s26+$0xFF10] =	vst v7  }
0x656: {  	v57 =	vld [tilespmem:s26+$0xF10];
	v10 =	vor.u32 $0x3500, v2;
	[tilespmem:s26+$0x10410] =	vst v8  }
0x657: {  	v11 =	vor.u32 $0x3600, v2;
	v4 =	vld.idx.msk [tilespmem:v49+s11+$0x0], $0xffff  }
0x658: {  	v3 =	vor.u32 $0x2F00, v2;
	v6 =	vld.idx.msk [tilespmem:v51+s11+$0x0], $0xffff  }
0x659: {  	v8 =	vor.u32 $0x3300, v2;
	v5 =	vand.u32 $0xFF, v50;
	v7 =	vld.idx.msk [tilespmem:v52+s11+$0x0], $0xffff  }
0x65a: {  	v12 =	vor.u32 $0x2700, v5;
	v9 =	vld.idx.msk [tilespmem:v9+s11+$0x0], $0xffff  }
0x65b: {  	v13 =	vor.u32 $0x2800, v5;
	v10 =	vld.idx.msk [tilespmem:v10+s11+$0x0], $0xffff  }
0x65c: {  	v14 =	vor.u32 $0x2900, v5;
	v11 =	vld.idx.msk [tilespmem:v11+s11+$0x0], $0xffff  }
0x65d: {  	v15 =	vor.u32 $0x2A00, v5;
	v3 =	vld.idx.msk [tilespmem:v3+s11+$0x0], $0xffff  }
0x65e: {  	v16 =	vor.u32 $0x2B00, v5;
	v8 =	vld.idx.msk [tilespmem:v8+s11+$0x0], $0xffff;
	[tilespmem:s26+$0x10E10] =	vst v4  }
0x65f: {  	v17 =	vor.u32 $0x2C00, v5;
	v12 =	vld.idx.msk [tilespmem:v12+s11+$0x0], $0xffff;
	[tilespmem:s26+$0x11310] =	vst v6  }
0x660: {  	v53 =	vor.u32 $0x2D00, v5;
	v13 =	vld.idx.msk [tilespmem:v13+s11+$0x0], $0xffff;
	[tilespmem:s26+$0x11810] =	vst v7  }
0x661: {  	v54 =	vor.u32 $0x2E00, v5;
	v14 =	vld.idx.msk [tilespmem:v14+s11+$0x0], $0xffff;
	[tilespmem:s26+$0x12210] =	vst v9  }
0x662: {  	v55 =	vor.u32 $0x3700, v2;
	v15 =	vld.idx.msk [tilespmem:v15+s11+$0x0], $0xffff;
	[tilespmem:s26+$0x12710] =	vst v10  }
0x663: {  	v16 =	vld.idx.msk [tilespmem:v16+s11+$0x0], $0xffff;
	v9 =	vor.u32 $0x3900, v2;
	[tilespmem:s26+$0x12C10] =	vst v11  }
0x664: {  	v17 =	vld.idx.msk [tilespmem:v17+s11+$0x0], $0xffff;
	v10 =	vor.u32 $0x3A00, v2;
	[tilespmem:s26+$0x10910] =	vst v3  }
0x665: {  	v4 =	vld.idx.msk [tilespmem:v53+s11+$0x0], $0xffff;
	v11 =	vor.u32 $0x3B00, v2;
	[tilespmem:s26+$0x11D10] =	vst v8  }
0x666: {  	v18 =	vor.u32 $0x3C00, v2;
	v6 =	vld.idx.msk [tilespmem:v54+s11+$0x0], $0xffff;
	[tilespmem:s26+$0xE100] =	vst v12  }
0x667: {  	v19 =	vor.u32 $0x3D00, v2;
	v7 =	vld.idx.msk [tilespmem:v55+s11+$0x0], $0xffff;
	[tilespmem:s26+$0xE600] =	vst v13  }
0x668: {  	v8 =	vor.u32 $0x3800, v2;
	v9 =	vld.idx.msk [tilespmem:v9+s11+$0x0], $0xffff;
	[tilespmem:s26+$0xEB00] =	vst v14  }
0x669: {  	v12 =	vor.u32 $0x3E00, v2;
	v10 =	vld.idx.msk [tilespmem:v10+s11+$0x0], $0xffff;
	[tilespmem:s26+$0xF000] =	vst v15  }
0x66a: {  	v11 =	vld.idx.msk [tilespmem:v11+s11+$0x0], $0xffff;
	[tilespmem:s26+$0xF500] =	vst v16  }
0x66b: {  	v13 =	vld.idx.msk [tilespmem:v18+s11+$0x0], $0xffff;
	[tilespmem:s26+$0xFA00] =	vst v17  }
0x66c: {  	v14 =	vld.idx.msk [tilespmem:v19+s11+$0x0], $0xffff;
	[tilespmem:s26+$0xFF00] =	vst v4  }
0x66d: {  	[tilespmem:s26+$0x10400] =	vst v6;
	v8 =	vld.idx.msk [tilespmem:v8+s11+$0x0], $0xffff  }
0x66e: {  	v12 =	vld.idx.msk [tilespmem:v12+s11+$0x0], $0xffff;
	[tilespmem:s26+$0x13110] =	vst v7  }
0x66f: {  	v1 =	vld [tilespmem:s26+$0xF00];
	v56 =	vor.u32 $0x2F00, v5;
	[tilespmem:s26+$0x13B10] =	vst v9  }
0x670: {  	s28 =	simm.s32 $0x20;
	v0 =	vld [tilespmem:s26+$0x1900];
	v58 =	vor.u32 $0x3400, v5;
	[tilespmem:s26+$0x14010] =	vst v10  }
0x671: {  	v49 =	vld [tilespmem:s28+$0xF00];
	v2 =	vor.u32 $0x3F00, v2;
	[tilespmem:s26+$0x14510] =	vst v11  }
0x672: {  	v3 =	vld [tilespmem:s26+$0x1910];
	[tilespmem:s26+$0x14A10] =	vst v13;
	v10 =	vor.u32 $0x3200, v5  }
0x673: {  	v4 =	vand.u32 $0xFF, v57;
	v57 =	vld [tilespmem:s28+$0x1900];
	[tilespmem:s26+$0x14F10] =	vst v14  }
0x674: {  	v15 =	vld.idx.msk [tilespmem:v56+s11+$0x0], $0xffff;
	v9 =	vor.u32 $0x3100, v5;
	[tilespmem:s26+$0x13610] =	vst v8  }
0x675: {  	v25 =	vld.idx.msk [tilespmem:v58+s11+$0x0], $0xffff;
	v11 =	vor.u32 $0x3300, v5;
	[tilespmem:s26+$0x15410] =	vst v12  }
0x676: {  	v8 =	vor.u32 $0x3000, v5;
	v2 =	vld.idx.msk [tilespmem:v2+s11+$0x0], $0xffff  }
0x677: {  	v23 =	vld.idx.msk [tilespmem:v10+s11+$0x0], $0xffff  }
0x678: {  	v59 =	vor.u32 $0x100, v4;
	v10 =	vld [tilespmem:s28+$0x1410]  }
0x679: {  	v18 =	vld.idx.msk [tilespmem:v9+s11+$0x0], $0xffff;
	v9 =	vor.u32 $0x300, v4  }
0x67a: {  	v60 =	vor.u32 $0xB00, v4;
	v24 =	vld.idx.msk [tilespmem:v11+s11+$0x0], $0xffff  }
0x67b: {  	v61 =	vor.u32 $0x500, v4;
	v17 =	vld.idx.msk [tilespmem:v8+s11+$0x0], $0xffff;
	[tilespmem:s26+$0x15910] =	vst v2  }
0x67c: {  	v8 =	vor.u32 $0x200, v4;
	v21 =	vld.idx.msk [tilespmem:v4+s13+$0x0], $0xffff  }
0x67d: {  	v16 =	vand.u32 $0xFF, v10;
	v2 =	vor.u32 $0x400, v4;
	v20 =	vld.idx.msk [tilespmem:v59+s13+$0x0], $0xffff  }
0x67e: {  	v10 =	vor.u32 $0x2800, v16;
	v11 =	vld.idx.msk [tilespmem:v9+s13+$0x0], $0xffff  }
0x67f: {  	v14 =	vor.u32 $0x2900, v16;
	v22 =	vld.idx.msk [tilespmem:v60+s13+$0x0], $0xffff  }
0x680: {  	v26 =	vor.u32 $0x2C00, v16;
	v19 =	vld.idx.msk [tilespmem:v61+s13+$0x0], $0xffff  }
0x681: {  	v9 =	vor.u32 $0x700, v4;
	v13 =	vld.idx.msk [tilespmem:v8+s13+$0x0], $0xffff  }
0x682: {  	v8 =	vor.u32 $0x600, v4;
	v12 =	vld.idx.msk [tilespmem:v2+s13+$0x0], $0xffff  }
0x683: {  	v28 =	vor.u32 $0x2E00, v16;
	v27 =	vld.idx.msk [tilespmem:v10+s11+$0x0], $0xffff  }
0x684: {  	v2 =	vor.u32 $0x2700, v16;
	v14 =	vld.idx.msk [tilespmem:v14+s11+$0x0], $0xffff  }
0x685: {  	v10 =	vor.u32 $0x2D00, v16;
	v26 =	vld.idx.msk [tilespmem:v26+s11+$0x0], $0xffff  }
0x686: {  	v6 =	vld.idx.msk [tilespmem:v9+s13+$0x0], $0xffff;
	v9 =	vor.u32 $0x2B00, v16  }
0x687: {  	v7 =	vld.idx.msk [tilespmem:v8+s13+$0x0], $0xffff;
	v8 =	vor.u32 $0x2A00, v16  }
0x688: {  	v29 =	vor.u32 $0x800, v4;
	v28 =	vld.idx.msk [tilespmem:v28+s11+$0x0], $0xffff  }
0x689: {  	v36 =	vor.u32 $0x3600, v5;
	v2 =	vld.idx.msk [tilespmem:v2+s11+$0x0], $0xffff  }
0x68a: {  	v62 =	vor.u32 $0x3500, v5;
	v63 =	vld.idx.msk [tilespmem:v10+s11+$0x0], $0xffff  }
0x68b: {  	v31 =	vld.idx.msk [tilespmem:v9+s11+$0x0], $0xffff  }
0x68c: {  	v30 =	vld.idx.msk [tilespmem:v8+s11+$0x0], $0xffff;
	[tilespmem:s28+$0xE610] =	vst v27  }
0x68d: {  	v10 =	vld.idx.msk [tilespmem:v29+s13+$0x0], $0xffff;
	v8 =	vor.u32 $0x900, v4;
	[tilespmem:s28+$0xEB10] =	vst v14  }
0x68e: {  	v29 =	vld.idx.msk [tilespmem:v36+s11+$0x0], $0xffff;
	v4 =	vor.u32 $0xA00, v4;
	[tilespmem:s28+$0xFA10] =	vst v26  }
0x68f: {  	v37 =	vor.u32 $0x2F00, v16;
	v27 =	vld.idx.msk [tilespmem:v62+s11+$0x0], $0xffff;
	[tilespmem:s28+$0x10410] =	vst v28  }
0x690: {  	v26 =	vor.u32 $0x3100, v16;
	[tilespmem:s28+$0xE110] =	vst v2;
	v2 =	vld [tilespmem:s28+$0x1910]  }
0x691: {  	v38 =	vor.u32 $0x3200, v16;
	[tilespmem:s28+$0xF510] =	vst v31;
	v31 =	vld [tilespmem:s28+$0x1400]  }
0x692: {  	v28 =	vor.u32 $0x3300, v16;
	[tilespmem:s28+$0xFF10] =	vst v63;
	v9 =	vld.idx.msk [tilespmem:v8+s13+$0x0], $0xffff  }
0x693: {  	v39 =	vor.u32 $0x3400, v16;
	v8 =	vld.idx.msk [tilespmem:v4+s13+$0x0], $0xffff;
	[tilespmem:s28+$0xF010] =	vst v30  }
0x694: {  	v30 =	vor.u32 $0x3000, v16;
	v33 =	vld.idx.msk [tilespmem:v37+s11+$0x0], $0xffff  }
0x695: {  	v40 =	vor.u32 $0x3500, v16;
	[tilespmem:s26+$0x10900] =	vst v15;
	v26 =	vld.idx.msk [tilespmem:v26+s11+$0x0], $0xffff  }
0x696: {  	[tilespmem:s26+$0x10E00] =	vst v17;
	v32 =	vld.idx.msk [tilespmem:v38+s11+$0x0], $0xffff;
	v4 =	vand.u32 $0xFF, v31;
	v31 =	vor.u32 $0x3600, v16  }
0x697: {  	[tilespmem:s26+$0x11300] =	vst v18;
	v28 =	vld.idx.msk [tilespmem:v28+s11+$0x0], $0xffff;
	v15 =	vor.u32 $0x2700, v4  }
0x698: {  	[tilespmem:s26+$0x11800] =	vst v23;
	v34 =	vld.idx.msk [tilespmem:v39+s11+$0x0], $0xffff;
	v17 =	vor.u32 $0x2800, v4  }
0x699: {  	[tilespmem:s26+$0x11D00] =	vst v24;
	v18 =	vor.u32 $0x2900, v4;
	v30 =	vld.idx.msk [tilespmem:v30+s11+$0x0], $0xffff  }
0x69a: {  	[tilespmem:s26+$0x12200] =	vst v25;
	v35 =	vld.idx.msk [tilespmem:v40+s11+$0x0], $0xffff;
	v23 =	vor.u32 $0x2A00, v4  }
0x69b: {  	v24 =	vld.idx.msk [tilespmem:v31+s11+$0x0], $0xffff;
	[tilespmem:s28+$0x10910] =	vst v33  }
0x69c: {  	v42 =	vor.u32 $0x2C00, v4;
	[tilespmem:s28+$0x11310] =	vst v26;
	v41 =	vld.idx.msk [tilespmem:v15+s11+$0x0], $0xffff  }
0x69d: {  	[tilespmem:s28+$0x11810] =	vst v32;
	v17 =	vld.idx.msk [tilespmem:v17+s11+$0x0], $0xffff  }
0x69e: {  	v31 =	vor.u32 $0x2B00, v4;
	v18 =	vld.idx.msk [tilespmem:v18+s11+$0x0], $0xffff;
	[tilespmem:s28+$0x10E10] =	vst v30  }
0x69f: {  	v26 =	vor.u32 $0x2E00, v4;
	v23 =	vld.idx.msk [tilespmem:v23+s11+$0x0], $0xffff;
	[tilespmem:$0x1F9A0] =	vst v2  }
0x6a0: {  	v47 =	vor.u32 $0x3700, v5;
	[tilespmem:s28+$0x11D10] =	vst v28  }
0x6a1: {  	s29 =	simm.s32 $0x40;
	v25 =	vor.u32 $0x3700, v16;
	v43 =	vld.idx.msk [tilespmem:v42+s11+$0x0], $0xffff;
	[tilespmem:s28+$0x12210] =	vst v34  }
0x6a2: {  	v44 =	vor.u32 $0x3900, v16;
	[tilespmem:s28+$0x12710] =	vst v35;
	v15 =	vld [tilespmem:s29+$0x1900]  }
0x6a3: {  	v30 =	vor.u32 $0x2D00, v4;
	[tilespmem:s26+$0x12700] =	vst v27;
	v31 =	vld.idx.msk [tilespmem:v31+s11+$0x0], $0xffff  }
0x6a4: {  	v46 =	vor.u32 $0x3E00, v16;
	[tilespmem:s26+$0x12C00] =	vst v29;
	v26 =	vld.idx.msk [tilespmem:v26+s11+$0x0], $0xffff  }
0x6a5: {  	v45 =	vor.u32 $0x3A00, v16;
	[tilespmem:s28+$0x12C10] =	vst v24;
	v51 =	vld.idx.msk [tilespmem:v47+s11+$0x0], $0xffff  }
0x6a6: {  	v25 =	vld.idx.msk [tilespmem:v25+s11+$0x0], $0xffff  }
0x6a7: {  	v28 =	vor.u32 $0x3800, v16;
	v33 =	vld.idx.msk [tilespmem:v44+s11+$0x0], $0xffff  }
0x6a8: {  	v27 =	vor.u32 $0x3C00, v16;
	v30 =	vld.idx.msk [tilespmem:v30+s11+$0x0], $0xffff;
	[tilespmem:s28+$0xE100] =	vst v41  }
0x6a9: {  	v29 =	vor.u32 $0x3D00, v16;
	v50 =	vld.idx.msk [tilespmem:v46+s11+$0x0], $0xffff;
	[tilespmem:s28+$0xE600] =	vst v17  }
0x6aa: {  	v24 =	vor.u32 $0x3B00, v16;
	v17 =	vld.idx.msk [tilespmem:v45+s11+$0x0], $0xffff;
	[tilespmem:s28+$0xEB00] =	vst v18  }
0x6ab: {  	v48 =	vor.u32 $0x3800, v5;
	[tilespmem:s28+$0xF000] =	vst v23;
	v45 =	vld [tilespmem:s29+$0x1410]  }
0x6ac: {  	v28 =	vld.idx.msk [tilespmem:v28+s11+$0x0], $0xffff;
	[tilespmem:s28+$0xFA00] =	vst v43  }
0x6ad: {  	v63 =	vor.u32 $0x3500, v4;
	v23 =	vld.idx.msk [tilespmem:v27+s11+$0x0], $0xffff;
	[tilespmem:s28+$0xF500] =	vst v31  }
0x6ae: {  	v27 =	vor.u32 $0x3A00, v5;
	v29 =	vld.idx.msk [tilespmem:v29+s11+$0x0], $0xffff;
	[tilespmem:s28+$0x10400] =	vst v26  }
0x6af: {  	v18 =	vld.idx.msk [tilespmem:v24+s11+$0x0], $0xffff;
	v24 =	vor.u32 $0x3900, v5;
	[tilespmem:s28+$0x13110] =	vst v25  }
0x6b0: {  	v34 =	vld.idx.msk [tilespmem:v48+s11+$0x0], $0xffff;
	v31 =	vor.u32 $0x3B00, v5;
	[tilespmem:s28+$0x13B10] =	vst v33  }
0x6b1: {  	v26 =	vor.u32 $0x3400, v4;
	[tilespmem:s28+$0xFF00] =	vst v30;
	v30 =	vld [tilespmem:s28+$0xF10]  }
0x6b2: {  	v25 =	vor.u32 $0x3C00, v5;
	[tilespmem:s28+$0x15410] =	vst v50;
	v44 =	vld.idx.msk [tilespmem:v63+s11+$0x0], $0xffff  }
0x6b3: {  	v16 =	vor.u32 $0x3F00, v16;
	[tilespmem:s28+$0x14010] =	vst v17;
	v32 =	vand.u32 $0xFF, v45;
	v27 =	vld.idx.msk [tilespmem:v27+s11+$0x0], $0xffff  }
0x6b4: {  	v50 =	vor.u32 $0x2700, v32;
	[tilespmem:s28+$0x13610] =	vst v28;
	v52 =	vld.idx.msk [tilespmem:v24+s11+$0x0], $0xffff  }
0x6b5: {  	v28 =	vor.u32 $0x3D00, v5;
	[tilespmem:s28+$0x14A10] =	vst v23;
	v17 =	vld.idx.msk [tilespmem:v31+s11+$0x0], $0xffff  }
0x6b6: {  	v23 =	vor.u32 $0x3100, v4;
	[tilespmem:s28+$0x14F10] =	vst v29;
	v60 =	vld.idx.msk [tilespmem:v26+s11+$0x0], $0xffff  }
0x6b7: {  	v29 =	vor.u32 $0x3200, v4;
	[tilespmem:s28+$0x14510] =	vst v18;
	v53 =	vld.idx.msk [tilespmem:v25+s11+$0x0], $0xffff  }
0x6b8: {  	v24 =	vor.u32 $0x3E00, v5;
	v16 =	vld.idx.msk [tilespmem:v16+s11+$0x0], $0xffff  }
0x6b9: {  	v18 =	vor.u32 $0x2F00, v4;
	v38 =	vld.idx.msk [tilespmem:v50+s11+$0x0], $0xffff  }
0x6ba: {  	v28 =	vld.idx.msk [tilespmem:v28+s11+$0x0], $0xffff  }
0x6bb: {  	v25 =	vor.u32 $0x3000, v4;
	v58 =	vld.idx.msk [tilespmem:v23+s11+$0x0], $0xffff  }
0x6bc: {  	v56 =	vand.u32 $0xFF, v30;
	v29 =	vld.idx.msk [tilespmem:v29+s11+$0x0], $0xffff  }
0x6bd: {  	v26 =	vor.u32 $0xB00, v56;
	v54 =	vld.idx.msk [tilespmem:v24+s11+$0x0], $0xffff  }
0x6be: {  	[tilespmem:s26+$0x15E10] =	vst v21;
	v62 =	vor.u32 $0x600, v56;
	v18 =	vld.idx.msk [tilespmem:v18+s11+$0x0], $0xffff  }
0x6bf: {  	v43 =	vor.u32 $0x900, v56;
	[tilespmem:s26+$0x13100] =	vst v51;
	v51 =	vld [tilespmem:s29+$0x1400]  }
0x6c0: {  	v21 =	vor.u32 $0x2E00, v32;
	v55 =	vld.idx.msk [tilespmem:v25+s11+$0x0], $0xffff;
	[tilespmem:s28+$0x15910] =	vst v16  }
0x6c1: {  	v23 =	vor.u32 $0x100, v56;
	v42 =	vld.idx.msk [tilespmem:v56+s13+$0x0], $0xffff  }
0x6c2: {  	v24 =	vor.u32 $0x3300, v4;
	[tilespmem:s26+$0x13600] =	vst v34;
	v34 =	vld.idx.msk [tilespmem:v26+s13+$0x0], $0xffff  }
0x6c3: {  	[tilespmem:s26+$0x14000] =	vst v27;
	v27 =	vor.u32 $0x700, v56;
	v26 =	vld.idx.msk [tilespmem:v62+s13+$0x0], $0xffff  }
0x6c4: {  	[tilespmem:s26+$0x14500] =	vst v17;
	v17 =	vor.u32 $0x800, v56;
	v14 =	vld.idx.msk [tilespmem:v43+s13+$0x0], $0xffff  }
0x6c5: {  	[tilespmem:s26+$0x13B00] =	vst v52;
	v52 =	vor.u32 $0x2800, v32;
	v62 =	vld.idx.msk [tilespmem:v21+s11+$0x0], $0xffff  }
0x6c6: {  	[tilespmem:s26+$0x19510] =	vst v22;
	v25 =	vor.u32 $0x200, v56;
	v31 =	vld.idx.msk [tilespmem:v23+s13+$0x0], $0xffff  }
0x6c7: {  	[tilespmem:s26+$0x16310] =	vst v20;
	v59 =	vld.idx.msk [tilespmem:v24+s11+$0x0], $0xffff;
	v24 =	vor.u32 $0x300, v56  }
0x6c8: {  	[tilespmem:s26+$0x16810] =	vst v13;
	v16 =	vor.u32 $0x400, v56;
	v27 =	vld.idx.msk [tilespmem:v27+s13+$0x0], $0xffff  }
0x6c9: {  	[tilespmem:s26+$0x16D10] =	vst v11;
	v46 =	vor.u32 $0x3F00, v5;
	v61 =	vor.u32 $0x500, v56;
	v5 =	vld.idx.msk [tilespmem:v17+s13+$0x0], $0xffff  }
0x6ca: {  	[tilespmem:s26+$0x17710] =	vst v19;
	v40 =	vld.idx.msk [tilespmem:v52+s11+$0x0], $0xffff  }
0x6cb: {  	[tilespmem:s26+$0x14A00] =	vst v53;
	v53 =	vor.u32 $0x2900, v32;
	v30 =	vld.idx.msk [tilespmem:v25+s13+$0x0], $0xffff  }
0x6cc: {  	[tilespmem:s26+$0x17C10] =	vst v7;
	v22 =	vor.u32 $0x2D00, v32;
	v23 =	vld.idx.msk [tilespmem:v24+s13+$0x0], $0xffff  }
0x6cd: {  	[tilespmem:s26+$0x14F00] =	vst v28;
	v24 =	vld.idx.msk [tilespmem:v16+s13+$0x0], $0xffff;
	v16 =	vor.u32 $0x3600, v4  }
0x6ce: {  	v3 =	vcvt.s32.f32 v3;
	[tilespmem:s26+$0x15400] =	vst v54;
	v54 =	vor.u32 $0x2A00, v32;
	v25 =	vld.idx.msk [tilespmem:v61+s13+$0x0], $0xffff  }
0x6cf: {  	[tilespmem:s26+$0x18B10] =	vst v9;
	v28 =	vor.u32 $0xA00, v56;
	v56 =	vor.u32 $0x2C00, v32;
	v19 =	vand.u32 $0xFF, v51;
	v36 =	vld.idx.msk [tilespmem:v46+s11+$0x0], $0xffff  }
0x6d0: {  	[tilespmem:s26+$0x19010] =	vst v8;
	v35 =	vld.idx.msk [tilespmem:v53+s11+$0x0], $0xffff;
	v39 =	vor.u32 $0x2800, v19  }
0x6d1: {  	[tilespmem:s26+$0x19A10] =	vst v3;
	v61 =	vld.idx.msk [tilespmem:v22+s11+$0x0], $0xffff;
	v9 =	vor.u32 $0x2900, v19  }
0x6d2: {  	v8 =	vor.u32 $0x2A00, v19;
	v47 =	vld.idx.msk [tilespmem:v16+s11+$0x0], $0xffff;
	[tilespmem:s28+$0x10900] =	vst v18  }
0x6d3: {  	v3 =	vor.u32 $0x2B00, v19;
	v37 =	vld.idx.msk [tilespmem:v54+s11+$0x0], $0xffff;
	[tilespmem:s28+$0x10E00] =	vst v55  }
0x6d4: {  	v45 =	vor.u32 $0x2E00, v19;
	v41 =	vld.idx.msk [tilespmem:v56+s11+$0x0], $0xffff;
	[tilespmem:s28+$0x11300] =	vst v58  }
0x6d5: {  	v39 =	vld.idx.msk [tilespmem:v39+s11+$0x0], $0xffff;
	[tilespmem:s28+$0x11800] =	vst v29;
	v55 =	vor.u32 $0x2B00, v32  }
0x6d6: {  	v9 =	vld.idx.msk [tilespmem:v9+s11+$0x0], $0xffff;
	[tilespmem:s28+$0x11D00] =	vst v59  }
0x6d7: {  	v8 =	vld.idx.msk [tilespmem:v8+s11+$0x0], $0xffff;
	[tilespmem:s28+$0x12200] =	vst v60  }
0x6d8: {  	v48 =	vor.u32 $0x3700, v4;
	v3 =	vld.idx.msk [tilespmem:v3+s11+$0x0], $0xffff;
	[tilespmem:s28+$0x12700] =	vst v44  }
0x6d9: {  	v7 =	vld.idx.msk [tilespmem:v45+s11+$0x0], $0xffff;
	v58 =	vor.u32 $0x3800, v4;
	[tilespmem:s28+$0x12C00] =	vst v47  }
0x6da: {  	v20 =	vor.u32 $0x3900, v4;
	v13 =	vld.idx.msk [tilespmem:v55+s11+$0x0], $0xffff;
	[tilespmem:s29+$0xE110] =	vst v38  }
0x6db: {  	v16 =	vld.idx.msk [tilespmem:v28+s13+$0x0], $0xffff;
	v59 =	vor.u32 $0x3A00, v4;
	[tilespmem:s29+$0xE610] =	vst v40  }
0x6dc: {  	v18 =	vld [tilespmem:s29+$0xF00];
	v60 =	vor.u32 $0x3B00, v4;
	[tilespmem:s29+$0xEB10] =	vst v35  }
0x6dd: {  	v51 =	vor.u32 $0x2F00, v32;
	[tilespmem:s29+$0xF010] =	vst v37;
	v29 =	vld.idx.msk [tilespmem:v48+s11+$0x0], $0xffff  }
0x6de: {  	v52 =	vor.u32 $0x3000, v32;
	[tilespmem:s29+$0xFA10] =	vst v41;
	v22 =	vld.idx.msk [tilespmem:v58+s11+$0x0], $0xffff  }
0x6df: {  	v53 =	vor.u32 $0x3100, v32;
	[tilespmem:s29+$0xFF10] =	vst v61;
	v50 =	vld.idx.msk [tilespmem:v20+s11+$0x0], $0xffff  }
0x6e0: {  	v54 =	vor.u32 $0x3200, v32;
	[tilespmem:s29+$0x10410] =	vst v62;
	v11 =	vld.idx.msk [tilespmem:v59+s11+$0x0], $0xffff  }
0x6e1: {  	v55 =	vor.u32 $0x3300, v32;
	v20 =	vld.idx.msk [tilespmem:v60+s11+$0x0], $0xffff;
	[tilespmem:s29+$0xF510] =	vst v13  }
0x6e2: {  	v58 =	vor.u32 $0x3400, v32;
	v56 =	vld.idx.msk [tilespmem:v51+s11+$0x0], $0xffff  }
0x6e3: {  	[tilespmem:s26+$0x17210] =	vst v12;
	v60 =	vor.u32 $0x3500, v32;
	v59 =	vld.idx.msk [tilespmem:v52+s11+$0x0], $0xffff  }
0x6e4: {  	[tilespmem:s26+$0x18610] =	vst v10;
	v61 =	vor.u32 $0x3600, v32;
	v10 =	vld.idx.msk [tilespmem:v53+s11+$0x0], $0xffff  }
0x6e5: {  	[tilespmem:s26+$0x18110] =	vst v6;
	v40 =	vld.idx.msk [tilespmem:v54+s11+$0x0], $0xffff  }
0x6e6: {  	v63 =	vor.u32 $0x3D00, v4;
	[tilespmem:s26+$0x15900] =	vst v36;
	v41 =	vld.idx.msk [tilespmem:v55+s11+$0x0], $0xffff  }
0x6e7: {  	v12 =	vor.u32 $0x3C00, v4;
	[tilespmem:s28+$0x19510] =	vst v34;
	v33 =	vld.idx.msk [tilespmem:v58+s11+$0x0], $0xffff  }
0x6e8: {  	[tilespmem:s28+$0x15E10] =	vst v42;
	v48 =	vor.u32 $0x2700, v19;
	v35 =	vld.idx.msk [tilespmem:v60+s11+$0x0], $0xffff  }
0x6e9: {  	v62 =	vor.u32 $0x2C00, v19;
	v37 =	vld.idx.msk [tilespmem:v61+s11+$0x0], $0xffff;
	[tilespmem:s29+$0x10910] =	vst v56  }
0x6ea: {  	v46 =	vor.u32 $0x3E00, v4;
	v28 =	vld [tilespmem:s29+$0x1910];
	[tilespmem:s29+$0x10E10] =	vst v59  }
0x6eb: {  	v13 =	vld.idx.msk [tilespmem:v63+s11+$0x0], $0xffff;
	v63 =	vor.u32 $0x2D00, v19;
	[tilespmem:s29+$0x11310] =	vst v10  }
0x6ec: {  	v47 =	vor.u32 $0x3700, v32;
	v12 =	vld.idx.msk [tilespmem:v12+s11+$0x0], $0xffff;
	[tilespmem:s29+$0x11810] =	vst v40  }
0x6ed: {  	v38 =	vld.idx.msk [tilespmem:v48+s11+$0x0], $0xffff;
	v48 =	vor.u32 $0x3800, v32;
	[tilespmem:s29+$0x11D10] =	vst v41  }
0x6ee: {  	v34 =	vld.idx.msk [tilespmem:v62+s11+$0x0], $0xffff;
	v58 =	vor.u32 $0x3A00, v32;
	[tilespmem:s29+$0x12210] =	vst v33  }
0x6ef: {  	v52 =	vld.idx.msk [tilespmem:v46+s11+$0x0], $0xffff;
	v60 =	vor.u32 $0x3C00, v32;
	[tilespmem:s29+$0x12710] =	vst v35  }
0x6f0: {  	v61 =	vor.u32 $0x3D00, v32;
	v43 =	vld.idx.msk [tilespmem:v63+s11+$0x0], $0xffff;
	[tilespmem:s29+$0x12C10] =	vst v37  }
0x6f1: {  	[tilespmem:s28+$0x16310] =	vst v31;
	v62 =	vor.u32 $0x3E00, v32;
	v31 =	vld.idx.msk [tilespmem:v47+s11+$0x0], $0xffff  }
0x6f2: {  	[tilespmem:s28+$0x16810] =	vst v30;
	v10 =	vand.u32 $0xFF, v1;
	v30 =	vld.idx.msk [tilespmem:v48+s11+$0x0], $0xffff  }
0x6f3: {  	[tilespmem:s29+$0xE600] =	vst v39;
	v56 =	vor.u32 $0x3900, v32;
	v6 =	vld.idx.msk [tilespmem:v58+s11+$0x0], $0xffff  }
0x6f4: {  	[tilespmem:s29+$0xF000] =	vst v8;
	v59 =	vor.u32 $0x3B00, v32;
	v8 =	vld.idx.msk [tilespmem:v60+s11+$0x0], $0xffff  }
0x6f5: {  	[tilespmem:s29+$0xF500] =	vst v3;
	v3 =	vld.idx.msk [tilespmem:v61+s11+$0x0], $0xffff  }
0x6f6: {  	[tilespmem:s29+$0xEB00] =	vst v9;
	v37 =	vor.u32 $0x3000, v19;
	v55 =	vld.idx.msk [tilespmem:v62+s11+$0x0], $0xffff  }
0x6f7: {  	[tilespmem:s29+$0xE100] =	vst v38;
	v38 =	vor.u32 $0x3400, v19;
	v36 =	vld.idx.msk [tilespmem:v10+s13+$0x0], $0xffff  }
0x6f8: {  	[tilespmem:s29+$0xFA00] =	vst v34;
	v63 =	vor.u32 $0x100, v10;
	v33 =	vld.idx.msk [tilespmem:v56+s11+$0x0], $0xffff  }
0x6f9: {  	[tilespmem:s29+$0x10400] =	vst v7;
	v48 =	vor.u32 $0x200, v10;
	v9 =	vld.idx.msk [tilespmem:v59+s11+$0x0], $0xffff  }
0x6fa: {  	v51 =	vor.u32 $0x300, v10;
	[tilespmem:s29+$0xFF00] =	vst v43;
	v59 =	vld [tilespmem:s29+$0xF10]  }
0x6fb: {  	[tilespmem:s28+$0x16D10] =	vst v23;
	v53 =	vor.u32 $0x400, v10;
	v62 =	vld.idx.msk [tilespmem:v37+s11+$0x0], $0xffff  }
0x6fc: {  	v54 =	vor.u32 $0x500, v10;
	v60 =	vld.idx.msk [tilespmem:v38+s11+$0x0], $0xffff;
	[tilespmem:s29+$0x13110] =	vst v31  }
0x6fd: {  	v56 =	vor.u32 $0x800, v10;
	v40 =	vld.idx.msk [tilespmem:v63+s13+$0x0], $0xffff;
	[tilespmem:s29+$0x13610] =	vst v30  }
0x6fe: {  	v41 =	vld.idx.msk [tilespmem:v48+s13+$0x0], $0xffff;
	v30 =	vor.u32 $0x700, v10;
	[tilespmem:s29+$0x14010] =	vst v6  }
0x6ff: {  	v58 =	vor.u32 $0x3F00, v32;
	v42 =	vld.idx.msk [tilespmem:v51+s13+$0x0], $0xffff;
	[tilespmem:s29+$0x14A10] =	vst v8  }
0x700: {  	v31 =	vor.u32 $0x600, v10;
	v44 =	vld.idx.msk [tilespmem:v53+s13+$0x0], $0xffff;
	[tilespmem:s29+$0x14F10] =	vst v3  }
0x701: {  	v45 =	vld.idx.msk [tilespmem:v54+s13+$0x0], $0xffff;
	v3 =	vor.u32 $0x3200, v19;
	[tilespmem:s29+$0x15410] =	vst v55  }
0x702: {  	v8 =	vor.u32 $0x3100, v19;
	[tilespmem:s29+$0x13B10] =	vst v33;
	v48 =	vld.idx.msk [tilespmem:v56+s13+$0x0], $0xffff  }
0x703: {  	[tilespmem:s29+$0x14510] =	vst v9;
	v9 =	vor.u32 $0x2F00, v19;
	v47 =	vld.idx.msk [tilespmem:v30+s13+$0x0], $0xffff  }
0x704: {  	[tilespmem:s28+$0x17210] =	vst v24;
	v30 =	vor.u32 $0x3300, v19;
	v6 =	vld.idx.msk [tilespmem:v58+s11+$0x0], $0xffff  }
0x705: {  	[tilespmem:s28+$0x17710] =	vst v25;
	v23 =	vand.u32 $0xFF, v59;
	v46 =	vld.idx.msk [tilespmem:v31+s13+$0x0], $0xffff  }
0x706: {  	[tilespmem:s28+$0x17C10] =	vst v26;
	v56 =	vld.idx.msk [tilespmem:v3+s11+$0x0], $0xffff;
	v3 =	vor.u32 $0x200, v23  }
0x707: {  	[tilespmem:s28+$0x18110] =	vst v27;
	v2 =	vld.idx.msk [tilespmem:v8+s11+$0x0], $0xffff;
	v8 =	vor.u32 $0x100, v23  }
0x708: {  	[tilespmem:s28+$0x18610] =	vst v5;
	v43 =	vld.idx.msk [tilespmem:v9+s11+$0x0], $0xffff  }
0x709: {  	v59 =	vld.idx.msk [tilespmem:v30+s11+$0x0], $0xffff;
	[tilespmem:s29+$0x15910] =	vst v6  }
0x70a: {  	[tilespmem:s28+$0x13100] =	vst v29;
	v61 =	vand.u32 $0xFF, v49;
	v9 =	vor.u32 $0x300, v23;
	v24 =	vld.idx.msk [tilespmem:v23+s13+$0x0], $0xffff  }
0x70b: {  	[tilespmem:s28+$0x13600] =	vst v22;
	v49 =	vld.idx.msk [tilespmem:v3+s13+$0x0], $0xffff;
	v3 =	vor.u32 $0x100, v61  }
0x70c: {  	v58 =	vld.idx.msk [tilespmem:v8+s13+$0x0], $0xffff;
	[tilespmem:$0x1F910] =	vst v3;
	v3 =	vor.u32 $0x200, v61  }
0x70d: {  	v39 =	vor.u32 $0x400, v23;
	[tilespmem:$0x1F920] =	vst v3  }
0x70e: {  	v3 =	vor.u32 $0x300, v61;
	[tilespmem:s28+$0x13B00] =	vst v50  }
0x70f: {  	v50 =	vld.idx.msk [tilespmem:v9+s13+$0x0], $0xffff;
	[tilespmem:$0x1F930] =	vst v3;
	v3 =	vor.u32 $0x400, v61  }
0x710: {  	v25 =	vor.u32 $0xB00, v23;
	[tilespmem:$0x1F940] =	vst v3  }
0x711: {  	v3 =	vor.u32 $0x500, v61;
	[tilespmem:s28+$0x14000] =	vst v11  }
0x712: {  	v51 =	vld.idx.msk [tilespmem:v39+s13+$0x0], $0xffff;
	[tilespmem:$0x1F950] =	vst v3;
	v3 =	vor.u32 $0x600, v61  }
0x713: {  	v63 =	vcvt.s32.f32 v0;
	v0 =	vor.u32 $0x500, v23;
	[tilespmem:$0x1F960] =	vst v3  }
0x714: {  	v3 =	vor.u32 $0x700, v61;
	[tilespmem:s28+$0x14500] =	vst v20  }
0x715: {  	v25 =	vld.idx.msk [tilespmem:v25+s13+$0x0], $0xffff;
	[tilespmem:$0x1F970] =	vst v3;
	v3 =	vor.u32 $0x800, v61  }
0x716: {  	[tilespmem:$0x1F980] =	vst v3  }
0x717: {  	v3 =	vor.u32 $0x900, v61;
	[tilespmem:s28+$0x14A00] =	vst v12  }
0x718: {  	v22 =	vor.u32 $0x600, v23;
	v53 =	vld.idx.msk [tilespmem:v0+s13+$0x0], $0xffff;
	[tilespmem:$0x1F990] =	vst v3  }
0x719: {  	v27 =	vor.u32 $0x700, v23;
	[tilespmem:s28+$0x14F00] =	vst v13  }
0x71a: {  	v29 =	vor.u32 $0x800, v23;
	[tilespmem:s28+$0x15400] =	vst v52  }
0x71b: {  	v20 =	vor.u32 $0x900, v23;
	v3 =	vld [tilespmem:$0x1F9A0]  }
0x71c: {  	v0 =	vor.u32 $0xA00, v23  }
0x71d: {  	v55 =	vld.idx.msk [tilespmem:v22+s13+$0x0], $0xffff  }
0x71e: {  	v21 =	vor.u32 $0x3F00, v4;
	v23 =	vor.u32 $0x3500, v19;
	v13 =	vcvt.s32.f32 v57;
	v57 =	vld.idx.msk [tilespmem:v27+s13+$0x0], $0xffff  }
0x71f: {  	v28 =	vcvt.s32.f32 v28;
	v34 =	vor.u32 $0x3B00, v19;
	v11 =	vor.u32 $0xA00, v61;
	v52 =	vld.idx.msk [tilespmem:v29+s13+$0x0], $0xffff;
	[tilespmem:s28+$0x18B10] =	vst v14  }
0x720: {  	v17 =	vmovc v61;
	v12 =	vor.u32 $0xB00, v61;
	v61 =	vor.u32 $0x3600, v19;
	v30 =	vld.idx.msk [tilespmem:v20+s13+$0x0], $0xffff;
	[tilespmem:s28+$0x19010] =	vst v16;
	v22 =	vcvt.s32.f32 v3  }
0x721: {  	v35 =	vor.u32 $0x3A00, v19;
	v54 =	vor.u32 $0x900, v10;
	v31 =	vld.idx.msk [tilespmem:v0+s13+$0x0], $0xffff;
	[tilespmem:s29+$0x19510] =	vst v25;
	v3 =	vand.u32 $0xFF, v18  }
0x722: {  	v1 =	vor.u32 $0xA00, v10;
	v26 =	vor.u32 $0xB00, v10;
	v4 =	vor.u32 $0x400, v3;
	[tilespmem:s28+$0x19A10] =	vst v22  }
0x723: {  	v32 =	vor.u32 $0x3D00, v19;
	v38 =	vor.u32 $0x3800, v19;
	v37 =	vor.u32 $0x3900, v19;
	v0 =	vld.idx.msk [tilespmem:v23+s11+$0x0], $0xffff;
	[tilespmem:$0x1F9B0] =	vst v4  }
0x724: {  	v33 =	vor.u32 $0x3C00, v19;
	v39 =	vor.u32 $0x3700, v19;
	v4 =	vor.u32 $0x600, v3;
	[tilespmem:s29+$0x15E10] =	vst v24  }
0x725: {  	v29 =	vor.u32 $0x3E00, v19;
	v27 =	vor.u32 $0x3F00, v19;
	v14 =	vcvt.s32.f32 v15;
	v61 =	vld.idx.msk [tilespmem:v61+s11+$0x0], $0xffff;
	[tilespmem:$0x1F9C0] =	vst v4  }
0x726: {  	v25 =	vor.u32 $0x200, v3;
	v23 =	vor.u32 $0x300, v3;
	v16 =	vor.u32 $0x700, v3;
	v54 =	vld.idx.msk [tilespmem:v54+s13+$0x0], $0xffff;
	[tilespmem:s29+$0x10900] =	vst v43  }
0x727: {  	v19 =	vor.u32 $0x800, v3;
	v20 =	vor.u32 $0x900, v3;
	v22 =	vor.u32 $0x100, v3;
	[tilespmem:s29+$0x10E00] =	vst v62;
	v62 =	vld.idx.msk [tilespmem:v21+s11+$0x0], $0xffff  }
0x728: {  	s1 =	simm.s32 $0x180;
	s0 =	simm.s32 $0x40;
	v18 =	vmovc v3;
	v24 =	vor.u32 $0x500, v3;
	v21 =	vor.u32 $0xA00, v3;
	[tilespmem:s29+$0x11300] =	vst v2;
	v1 =	vld.idx.msk [tilespmem:v1+s13+$0x0], $0xffff;
	v43 =	vor.u32 $0xB00, v3  }
.LBB2_9:
0x729: {  	[tilespmem:$0x1F8E0] =	vst v11  }
0x72a: {  	[tilespmem:s29+$0x11800] =	vst v56;
	v2 =	vmov v43  }
0x72b: {  	[tilespmem:$0x1F8A0] =	vst v2  }
0x72c: {  	s30 =	sshra.s32 s1, $0x2;
	v3 =	vld.idx.msk [tilespmem:v26+s13+$0x0], $0xffff;
	[tilespmem:s29+$0x11D00] =	vst v59  }
0x72d: {  	v56 =	vld [tilespmem:s30+$0x1400];
	[tilespmem:s29+$0x12200] =	vst v60  }
0x72e: {  	v2 =	vld [tilespmem:s30+$0xF00];
	[tilespmem:s29+$0x12700] =	vst v0  }
0x72f: {  	v4 =	vld [tilespmem:s30+$0x1900];
	[tilespmem:s29+$0x12C00] =	vst v61  }
0x730: {  	v0 =	vld.idx.msk [tilespmem:v39+s11+$0x0], $0xffff;
	[tilespmem:s28+$0x15900] =	vst v62  }
0x731: {  	v5 =	vld.idx.msk [tilespmem:v38+s11+$0x0], $0xffff;
	[tilespmem:s26+$0x15E00] =	vst v36  }
0x732: {  	v62 =	vld.idx.msk [tilespmem:v37+s11+$0x0], $0xffff;
	[tilespmem:s26+$0x16300] =	vst v40  }
0x733: {  	v36 =	vand.u32 $0xFF, v56;
	v35 =	vld.idx.msk [tilespmem:v35+s11+$0x0], $0xffff;
	[tilespmem:s26+$0x16800] =	vst v41  }
0x734: {  	v9 =	vor.u32 $0x3200, v36;
	v6 =	vld.idx.msk [tilespmem:v34+s11+$0x0], $0xffff;
	[tilespmem:s26+$0x16D00] =	vst v42  }
0x735: {  	v10 =	vor.u32 $0x3300, v36;
	[tilespmem:$0x1F820] =	vst v9  }
0x736: {  	v11 =	vor.u32 $0x3500, v36;
	[tilespmem:$0x1F840] =	vst v10  }
0x737: {  	[tilespmem:$0x1F8B0] =	vst v11  }
0x738: {  	[tilespmem:$0x1F7F0] =	vst v0  }
0x739: {  	v10 =	vor.u32 $0x3400, v36;
	v7 =	vld.idx.msk [tilespmem:v33+s11+$0x0], $0xffff;
	[tilespmem:s26+$0x17200] =	vst v44  }
0x73a: {  	v43 =	vld [tilespmem:s30+$0x1410];
	v11 =	vor.u32 $0x3600, v36;
	[tilespmem:$0x1F860] =	vst v10  }
0x73b: {  	[tilespmem:$0x1F8C0] =	vst v11  }
0x73c: {  	[tilespmem:$0x1F800] =	vst v5  }
0x73d: {  	v8 =	vld.idx.msk [tilespmem:v32+s11+$0x0], $0xffff;
	[tilespmem:s26+$0x17700] =	vst v45  }
0x73e: {  	[tilespmem:s26+$0x17C00] =	vst v46  }
0x73f: {  	v0 =	vand.u32 $0xFF, v43;
	[tilespmem:s26+$0x18100] =	vst v47  }
0x740: {  	v38 =	vor.u32 $0x2700, v0;
	[tilespmem:s26+$0x18600] =	vst v48  }
0x741: {  	v40 =	vor.u32 $0x2700, v36;
	v37 =	vor.u32 $0x2800, v0;
	[tilespmem:s26+$0x18B00] =	vst v54  }
0x742: {  	v41 =	vor.u32 $0x2900, v36;
	v59 =	vor.u32 $0x2F00, v36;
	v39 =	vor.u32 $0x2900, v0;
	[tilespmem:s26+$0x19000] =	vst v1  }
0x743: {  	v60 =	vor.u32 $0x3000, v36;
	v56 =	vor.u32 $0x3100, v36;
	v34 =	vor.u32 $0x2A00, v0;
	[tilespmem:s26+$0x19500] =	vst v3  }
0x744: {  	v2 =	vand.u32 $0xFF, v2;
	v33 =	vor.u32 $0x2B00, v0;
	v1 =	vor.u32 $0x3F00, v36;
	[tilespmem:$0x1F810] =	vst v62  }
0x745: {  	v42 =	vor.u32 $0x2B00, v36;
	v43 =	vor.u32 $0x2800, v36;
	v62 =	vor.u32 $0x2D00, v0;
	[tilespmem:$0x1F8D0] =	vst v1;
	v45 =	vld.idx.msk [tilespmem:v38+s11+$0x0], $0xffff  }
0x746: {  	v44 =	vor.u32 $0x2D00, v36;
	v5 =	vor.u32 $0x2A00, v36;
	[tilespmem:$0x1F880] =	vst v8;
	v8 =	vor.u32 $0x2C00, v0;
	v9 =	vld.idx.msk [tilespmem:v37+s11+$0x0], $0xffff  }
0x747: {  	v47 =	vor.u32 $0x2E00, v0;
	v32 =	vor.u32 $0x3D00, v36;
	v3 =	vor.u32 $0x3E00, v36;
	[tilespmem:$0x1F830] =	vst v35;
	v10 =	vld.idx.msk [tilespmem:v39+s11+$0x0], $0xffff  }
0x748: {  	v1 =	vor.u32 $0xA00, v2;
	v35 =	vor.u32 $0x3A00, v36;
	[tilespmem:$0x1F850] =	vst v6;
	v6 =	vor.u32 $0x2C00, v36;
	v11 =	vld.idx.msk [tilespmem:v34+s11+$0x0], $0xffff  }
0x749: {  	v26 =	vmovc v12;
	[tilespmem:$0x1F870] =	vst v7;
	v7 =	vor.u32 $0x2E00, v36;
	v39 =	vor.u32 $0x3700, v36;
	v38 =	vor.u32 $0x3800, v36;
	v12 =	vld.idx.msk [tilespmem:v33+s11+$0x0], $0xffff  }
0x74a: {  	[tilespmem:$0x1F900] =	vst v1;
	v37 =	vor.u32 $0x3900, v36;
	v34 =	vor.u32 $0x3B00, v36;
	v33 =	vor.u32 $0x3C00, v36;
	v36 =	vld.idx.msk [tilespmem:v62+s11+$0x0], $0xffff  }
0x74b: {  	v8 =	vld.idx.msk [tilespmem:v8+s11+$0x0], $0xffff;
	[tilespmem:s29+$0x16310] =	vst v58  }
0x74c: {  	v61 =	vmov v63;
	v63 =	vld.idx.msk [tilespmem:v47+s11+$0x0], $0xffff;
	[tilespmem:s30+$0xE110] =	vst v45  }
0x74d: {  	[tilespmem:s30+$0xE610] =	vst v9  }
0x74e: {  	[tilespmem:s30+$0xEB10] =	vst v10  }
0x74f: {  	[tilespmem:s30+$0xF010] =	vst v11;
	v11 =	vor.u32 $0x2F00, v0  }
0x750: {  	v1 =	vcvt.s32.f32 v4;
	v4 =	vor.u32 $0x3000, v0;
	[tilespmem:s30+$0xF510] =	vst v12  }
0x751: {  	v15 =	vld.idx.msk [tilespmem:v40+s11+$0x0], $0xffff;
	[tilespmem:s30+$0xFA10] =	vst v8;
	v8 =	vor.u32 $0x3100, v0  }
0x752: {  	v10 =	vld.idx.msk [tilespmem:v41+s11+$0x0], $0xffff;
	[tilespmem:s30+$0xFF10] =	vst v36;
	v36 =	vor.u32 $0x3200, v0  }
0x753: {  	v40 =	vor.u32 $0x3300, v0;
	v12 =	vld.idx.msk [tilespmem:v42+s11+$0x0], $0xffff;
	[tilespmem:s30+$0x10410] =	vst v63  }
0x754: {  	v41 =	vor.u32 $0x3400, v0;
	v11 =	vld.idx.msk [tilespmem:v11+s11+$0x0], $0xffff;
	[tilespmem:s29+$0x16810] =	vst v49  }
0x755: {  	v42 =	vor.u32 $0x3500, v0;
	v4 =	vld.idx.msk [tilespmem:v4+s11+$0x0], $0xffff;
	[tilespmem:s29+$0x16D10] =	vst v50  }
0x756: {  	v63 =	vor.u32 $0x3600, v0;
	v8 =	vld.idx.msk [tilespmem:v8+s11+$0x0], $0xffff;
	[tilespmem:s29+$0x17210] =	vst v51  }
0x757: {  	v36 =	vld.idx.msk [tilespmem:v36+s11+$0x0], $0xffff;
	[tilespmem:s29+$0x17710] =	vst v53  }
0x758: {  	v40 =	vld.idx.msk [tilespmem:v40+s11+$0x0], $0xffff;
	[tilespmem:s29+$0x17C10] =	vst v55  }
0x759: {  	v41 =	vld.idx.msk [tilespmem:v41+s11+$0x0], $0xffff;
	[tilespmem:s29+$0x18110] =	vst v57  }
0x75a: {  	v42 =	vld.idx.msk [tilespmem:v42+s11+$0x0], $0xffff;
	[tilespmem:s29+$0x18610] =	vst v52  }
0x75b: {  	v49 =	vld.idx.msk [tilespmem:v63+s11+$0x0], $0xffff  }
0x75c: {  	[tilespmem:s30+$0x10910] =	vst v11;
	v11 =	vld [tilespmem:$0x1F910];
	_ =	sdelay $0x7  }
0x75d: {  	v62 =	vmov v13;
	v13 =	vor.u32 $0x100, v2;
	[tilespmem:s30+$0x11D10] =	vst v40;
	v40 =	vld.idx.msk [tilespmem:v11+s13+$0x0], $0xffff  }
0x75e: {  	v11 =	vmov v22;
	v22 =	vmov v13;
	v13 =	vld [tilespmem:$0x1F920];
	_ =	sdelay $0x6  }
0x75f: {  	[tilespmem:$0x1F890] =	vst v14;
	v44 =	vld.idx.msk [tilespmem:v44+s11+$0x0], $0xffff  }
0x760: {  	v14 =	vor.u32 $0x200, v2;
	[tilespmem:s30+$0x12210] =	vst v41;
	v41 =	vld.idx.msk [tilespmem:v13+s13+$0x0], $0xffff  }
0x761: {  	[tilespmem:$0x1F8F0] =	vst v21;
	v13 =	vmov v25;
	v25 =	vmov v14;
	v14 =	vld [tilespmem:$0x1F930]  }
0x762: {  	v21 =	vmov v20;
	v5 =	vld.idx.msk [tilespmem:v5+s11+$0x0], $0xffff;
	[tilespmem:s30+$0x10E10] =	vst v4  }
0x763: {  	v20 =	vmovc v19;
	v19 =	vmovc v16;
	v16 =	vor.u32 $0x300, v2;
	v50 =	vld.idx.msk [tilespmem:v29+s11+$0x0], $0xffff;
	v29 =	vmov v3;
	v3 =	vor.u32 $0x3700, v0;
	[tilespmem:s30+$0x11310] =	vst v8  }
0x764: {  	v46 =	vor.u32 $0x500, v2;
	v48 =	vor.u32 $0x700, v2;
	v54 =	vor.u32 $0x800, v2;
	v9 =	vld.idx.msk [tilespmem:v43+s11+$0x0], $0xffff;
	[tilespmem:s30+$0x11810] =	vst v36  }
0x765: {  	v6 =	vld.idx.msk [tilespmem:v6+s11+$0x0], $0xffff;
	v58 =	vor.u32 $0x900, v2;
	v45 =	vor.u32 $0x400, v2;
	v8 =	vor.u32 $0x3800, v0;
	[tilespmem:s30+$0x12710] =	vst v42  }
0x766: {  	v47 =	vor.u32 $0x600, v2;
	v43 =	vor.u32 $0xB00, v2;
	v36 =	vld.idx.msk [tilespmem:v17+s13+$0x0], $0xffff;
	v17 =	vmovc v18;
	v18 =	vmovc v2;
	v2 =	vor.u32 $0x3900, v0;
	[tilespmem:s30+$0x12C10] =	vst v49  }
0x767: {  	v7 =	vld.idx.msk [tilespmem:v7+s11+$0x0], $0xffff;
	[tilespmem:$0x1F910] =	vst v11;
	v11 =	vor.u32 $0x3A00, v0  }
0x768: {  	v3 =	vld.idx.msk [tilespmem:v3+s11+$0x0], $0xffff;
	[tilespmem:$0x1F920] =	vst v13;
	v13 =	vor.u32 $0x3B00, v0  }
0x769: {  	v42 =	vld.idx.msk [tilespmem:v14+s13+$0x0], $0xffff;
	[tilespmem:s30+$0xE600] =	vst v9;
	v9 =	vor.u32 $0x3D00, v0  }
0x76a: {  	v8 =	vld.idx.msk [tilespmem:v8+s11+$0x0], $0xffff;
	v14 =	vmov v23;
	[tilespmem:s30+$0xEB00] =	vst v10;
	v10 =	vor.u32 $0x3E00, v0  }
0x76b: {  	v2 =	vld.idx.msk [tilespmem:v2+s11+$0x0], $0xffff;
	[tilespmem:$0x1F930] =	vst v14;
	v14 =	vor.u32 $0x3C00, v0  }
0x76c: {  	v63 =	vld.idx.msk [tilespmem:v11+s11+$0x0], $0xffff  }
0x76d: {  	v11 =	vld.idx.msk [tilespmem:v13+s11+$0x0], $0xffff  }
0x76e: {  	v9 =	vld.idx.msk [tilespmem:v9+s11+$0x0], $0xffff  }
0x76f: {  	v10 =	vld.idx.msk [tilespmem:v10+s11+$0x0], $0xffff  }
0x770: {  	v49 =	vld.idx.msk [tilespmem:v14+s11+$0x0], $0xffff  }
0x771: {  	[tilespmem:s30+$0x13110] =	vst v3;
	v3 =	vld [tilespmem:$0x1F940]  }
0x772: {  	[tilespmem:s30+$0xE100] =	vst v15  }
0x773: {  	[tilespmem:s30+$0xF000] =	vst v5  }
0x774: {  	[tilespmem:s30+$0xF500] =	vst v12  }
0x775: {  	[tilespmem:s30+$0x13B10] =	vst v2;
	v2 =	vld [tilespmem:$0x1F950]  }
0x776: {  	[tilespmem:s30+$0xFA00] =	vst v6  }
0x777: {  	[tilespmem:s30+$0xFF00] =	vst v44  }
0x778: {  	[tilespmem:s30+$0x13610] =	vst v8;
	v8 =	vld [tilespmem:$0x1F9B0]  }
0x779: {  	v44 =	vld.idx.msk [tilespmem:v3+s13+$0x0], $0xffff;
	v3 =	vmov v45  }
0x77a: {  	[tilespmem:$0x1F9B0] =	vst v3;
	v3 =	vld [tilespmem:$0x1F9C0];
	_ =	sdelay $0x2  }
0x77b: {  	v45 =	vld.idx.msk [tilespmem:v2+s13+$0x0], $0xffff;
	v2 =	vmov v24  }
0x77c: {  	[tilespmem:$0x1F950] =	vst v2;
	v2 =	vld [tilespmem:$0x1F960]  }
0x77d: {  	v3 =	vmov v3  }
0x77e: {  	[tilespmem:$0x1F960] =	vst v3;
	v3 =	vld [tilespmem:$0x1F980];
	_ =	sdelay $0x5  }
0x77f: {  	v24 =	vmov v46;
	v46 =	vld.idx.msk [tilespmem:v2+s13+$0x0], $0xffff;
	v2 =	vmov v47  }
0x780: {  	[tilespmem:$0x1F9C0] =	vst v2;
	v2 =	vld [tilespmem:$0x1F970]  }
0x781: {  	v23 =	vmov v16;
	v16 =	vmov v48;
	v48 =	vld.idx.msk [tilespmem:v3+s13+$0x0], $0xffff;
	v3 =	vmov v20  }
0x782: {  	[tilespmem:$0x1F980] =	vst v3;
	v3 =	vld [tilespmem:$0x1F990];
	_ =	sdelay $0x3  }
0x783: {  	v51 =	vld [tilespmem:$0x1F7F0]  }
0x784: {  	v52 =	vld [tilespmem:$0x1F800];
	v8 =	vmov v8  }
0x785: {  	[tilespmem:$0x1F940] =	vst v8;
	v8 =	vld [tilespmem:$0x1F810]  }
0x786: {  	v47 =	vld.idx.msk [tilespmem:v2+s13+$0x0], $0xffff  }
0x787: {  	v2 =	vmov v19;
	v19 =	vmov v54;
	v54 =	vld.idx.msk [tilespmem:v3+s13+$0x0], $0xffff;
	v3 =	vmov v21;
	[tilespmem:s30+$0x10400] =	vst v7  }
0x788: {  	[tilespmem:$0x1F990] =	vst v3  }
0x789: {  	v3 =	vld.idx.msk [tilespmem:v59+s11+$0x0], $0xffff;
	[tilespmem:s29+$0x13100] =	vst v51  }
0x78a: {  	v5 =	vld.idx.msk [tilespmem:v60+s11+$0x0], $0xffff;
	[tilespmem:s29+$0x13600] =	vst v52  }
0x78b: {  	v6 =	vld.idx.msk [tilespmem:v56+s11+$0x0], $0xffff  }
0x78c: {  	[tilespmem:s29+$0x13B00] =	vst v8;
	v8 =	vld [tilespmem:$0x1F820];
	_ =	sdelay $0x3  }
0x78d: {  	[tilespmem:s30+$0x14F10] =	vst v9;
	v9 =	vld [tilespmem:$0x1F830];
	_ =	sdelay $0x3  }
0x78e: {  	v56 =	vld.idx.msk [tilespmem:v8+s11+$0x0], $0xffff  }
0x78f: {  	[tilespmem:s29+$0x14000] =	vst v9;
	v9 =	vld [tilespmem:$0x1F840];
	_ =	sdelay $0x3  }
0x790: {  	[tilespmem:s30+$0x15410] =	vst v10;
	v10 =	vld [tilespmem:$0x1F850]  }
0x791: {  	v0 =	vor.u32 $0x3F00, v0;
	[tilespmem:$0x1F970] =	vst v2;
	v2 =	vld [tilespmem:s30+$0xF10]  }
0x792: {  	[tilespmem:s30+$0x14010] =	vst v63  }
0x793: {  	[tilespmem:s30+$0x14510] =	vst v11  }
0x794: {  	[tilespmem:s30+$0x14A10] =	vst v49;
	v59 =	vld.idx.msk [tilespmem:v9+s11+$0x0], $0xffff  }
0x795: {  	[tilespmem:s29+$0x14500] =	vst v10;
	v10 =	vld [tilespmem:$0x1F860]  }
0x796: {  	v0 =	vld.idx.msk [tilespmem:v0+s11+$0x0], $0xffff;
	v2 =	vand.u32 $0xFF, v2  }
0x797: {  	v53 =	vor.u32 $0x100, v2;
	_ =	sdelay $0x1  }
0x798: {  	v12 =	vld [tilespmem:$0x1F870]  }
0x799: {  	v57 =	vld [tilespmem:s30+$0x1910];
	v8 =	vor.u32 $0x200, v2  }
0x79a: {  	v14 =	vld [tilespmem:$0x1F890];
	[tilespmem:s30+$0x15910] =	vst v0  }
0x79b: {  	v20 =	vmov v58;
	v58 =	vld.idx.msk [tilespmem:v53+s13+$0x0], $0xffff;
	v9 =	vor.u32 $0x300, v2  }
0x79c: {  	v0 =	vor.u32 $0x400, v2;
	v60 =	vld.idx.msk [tilespmem:v10+s11+$0x0], $0xffff  }
0x79d: {  	[tilespmem:s29+$0x14A00] =	vst v12;
	v12 =	vld [tilespmem:$0x1F880]  }
0x79e: {  	v11 =	vor.u32 $0xB00, v2;
	v49 =	vld.idx.msk [tilespmem:v8+s13+$0x0], $0xffff  }
0x79f: {  	v4 =	vcvt.s32.f32 v57;
	v57 =	vor.u32 $0x500, v2;
	v10 =	vld.idx.msk [tilespmem:v2+s13+$0x0], $0xffff;
	[tilespmem:s29+$0x15400] =	vst v50  }
0x7a0: {  	v13 =	vmov v14;
	v14 =	vmov v1;
	v1 =	vor.u32 $0xA00, v2;
	v50 =	vld.idx.msk [tilespmem:v9+s13+$0x0], $0xffff;
	[tilespmem:s29+$0x18B10] =	vst v30  }
0x7a1: {  	v51 =	vld.idx.msk [tilespmem:v0+s13+$0x0], $0xffff;
	[tilespmem:s29+$0x19010] =	vst v31  }
0x7a2: {  	[tilespmem:s29+$0x14F00] =	vst v12  }
0x7a3: {  	v0 =	vor.u32 $0x800, v2;
	v11 =	vld.idx.msk [tilespmem:v11+s13+$0x0], $0xffff;
	[tilespmem:s26+$0x19A00] =	vst v61;
	s26 =	smov.u32 s28;
	s28 =	smov.u32 s29  }
0x7a4: {  	v53 =	vld.idx.msk [tilespmem:v57+s13+$0x0], $0xffff;
	[tilespmem:s28+$0x19A10] =	vst v28  }
0x7a5: {  	v31 =	vld.idx.msk [tilespmem:v1+s13+$0x0], $0xffff  }
0x7a6: {  	v1 =	vld [tilespmem:$0x1F8C0];
	_ =	sdelay $0x1  }
0x7a7: {  	v52 =	vld.idx.msk [tilespmem:v0+s13+$0x0], $0xffff  }
0x7a8: {  	v0 =	vld [tilespmem:$0x1F8B0];
	_ =	sdelay $0x3  }
0x7a9: {  	v8 =	vor.u32 $0x600, v2  }
0x7aa: {  	v61 =	vld.idx.msk [tilespmem:v1+s11+$0x0], $0xffff  }
0x7ab: {  	v1 =	vld [tilespmem:$0x1F8D0]  }
0x7ac: {  	v9 =	vor.u32 $0x700, v2;
	v12 =	vor.u32 $0x900, v2;
	v2 =	vld [tilespmem:$0x1F8F0];
	s29 =	smov.u32 s30  }
0x7ad: {  	v0 =	vld.idx.msk [tilespmem:v0+s11+$0x0], $0xffff;
	[tilespmem:s29+$0x10900] =	vst v3  }
0x7ae: {  	v55 =	vld.idx.msk [tilespmem:v8+s13+$0x0], $0xffff;
	[tilespmem:s29+$0x10E00] =	vst v5  }
0x7af: {  	v63 =	vmov v62;
	v62 =	vld.idx.msk [tilespmem:v27+s11+$0x0], $0xffff  }
0x7b0: {  	v27 =	vmov v1;
	v1 =	vld [tilespmem:$0x1F8E0]  }
0x7b1: {  	v57 =	vld.idx.msk [tilespmem:v9+s13+$0x0], $0xffff  }
0x7b2: {  	s0 =	sadd.s32 $0x20, s0;
	v30 =	vld.idx.msk [tilespmem:v12+s13+$0x0], $0xffff  }
0x7b3: {  	p0 =	slt.u32 s0, $0x4E0;
	[tilespmem:s29+$0x19510] =	vst v11;
	v11 =	vmov v2;
	v2 =	vld [tilespmem:$0x1F900]  }
.Ltmp3:
0x7b4: {  	_ = 	snop;
	(pc) =	sbr.rel @p0 .LBB2_9-.Ltmp3, $3  }
0x7b5: {  	_ =	sdelay $0x1  }
0x7b6: {  	v12 =	vld [tilespmem:$0x1F8A0];
	[tilespmem:s29+$0x11300] =	vst v6  }
0x7b7: {  	s1 =	sadd.s32 $0x80, s1;
	v28 =	vmov v4;
	[tilespmem:s29+$0x15E10] =	vst v10;
	v21 =	vmov v2;
	v1 =	vld.idx.msk [tilespmem:v1+s13+$0x0], $0xffff  }
0x7b8: {  	[tilespmem:s29+$0x11800] =	vst v56  }
0x7b9: {  	[tilespmem:s29+$0x11D00] =	vst v59  }
0x7ba: {  	[tilespmem:s29+$0x12200] =	vst v60  }
0x7bb: {  	[tilespmem:s29+$0x12700] =	vst v0  }
0x7bc: {  	[tilespmem:s29+$0x12C00] =	vst v61  }
0x7bd: {  	[tilespmem:s28+$0x15900] =	vst v62  }
0x7be: {  	v26 =	vld.idx.msk [tilespmem:v26+s13+$0x0], $0xffff;
	[tilespmem:s26+$0x15E00] =	vst v36  }
0x7bf: {  	[tilespmem:s26+$0x16300] =	vst v40  }
0x7c0: {  	[tilespmem:s26+$0x16800] =	vst v41  }
0x7c1: {  	[tilespmem:s26+$0x16D00] =	vst v42  }
0x7c2: {  	[tilespmem:s26+$0x17200] =	vst v44  }
0x7c3: {  	[tilespmem:s26+$0x17700] =	vst v45  }
0x7c4: {  	[tilespmem:s26+$0x17C00] =	vst v46  }
0x7c5: {  	[tilespmem:s26+$0x18100] =	vst v47  }
0x7c6: {  	[tilespmem:s26+$0x18600] =	vst v48  }
0x7c7: {  	[tilespmem:s26+$0x18B00] =	vst v54  }
0x7c8: {  	[tilespmem:s29+$0x16310] =	vst v58  }
0x7c9: {  	[tilespmem:s29+$0x16810] =	vst v49;
	v47 =	vld.idx.msk [tilespmem:v39+s11+$0x0], $0xffff  }
0x7ca: {  	[tilespmem:s29+$0x16D10] =	vst v50;
	v48 =	vld.idx.msk [tilespmem:v38+s11+$0x0], $0xffff  }
0x7cb: {  	[tilespmem:s29+$0x17210] =	vst v51;
	v2 =	vld.idx.msk [tilespmem:v37+s11+$0x0], $0xffff  }
0x7cc: {  	[tilespmem:s29+$0x17710] =	vst v53;
	v3 =	vld.idx.msk [tilespmem:v35+s11+$0x0], $0xffff  }
0x7cd: {  	[tilespmem:s29+$0x17C10] =	vst v55;
	v4 =	vld.idx.msk [tilespmem:v34+s11+$0x0], $0xffff  }
0x7ce: {  	[tilespmem:s29+$0x18110] =	vst v57;
	v5 =	vld.idx.msk [tilespmem:v33+s11+$0x0], $0xffff  }
0x7cf: {  	v6 =	vld.idx.msk [tilespmem:v32+s11+$0x0], $0xffff;
	[tilespmem:s26+$0x19000] =	vst v1  }
0x7d0: {  	v7 =	vld.idx.msk [tilespmem:v29+s11+$0x0], $0xffff;
	[tilespmem:s26+$0x19500] =	vst v26  }
0x7d1: {  	v51 =	vld.idx.msk [tilespmem:v17+s13+$0x0], $0xffff;
	[tilespmem:s29+$0x13100] =	vst v47  }
0x7d2: {  	v11 =	vld.idx.msk [tilespmem:v11+s13+$0x0], $0xffff;
	[tilespmem:s29+$0x13600] =	vst v48  }
0x7d3: {  	v53 =	vld.idx.msk [tilespmem:v12+s13+$0x0], $0xffff;
	[tilespmem:s29+$0x13B00] =	vst v2  }
0x7d4: {  	v1 =	vld [tilespmem:$0x1F910];
	[tilespmem:s29+$0x14000] =	vst v3  }
0x7d5: {  	v2 =	vld [tilespmem:$0x1F920];
	[tilespmem:s29+$0x14500] =	vst v4  }
0x7d6: {  	v3 =	vld [tilespmem:$0x1F930];
	[tilespmem:s29+$0x14A00] =	vst v5  }
0x7d7: {  	v4 =	vld [tilespmem:$0x1F940];
	[tilespmem:s29+$0x14F00] =	vst v6  }
0x7d8: {  	v5 =	vld [tilespmem:$0x1F950];
	[tilespmem:s29+$0x15400] =	vst v7  }
0x7d9: {  	v6 =	vld [tilespmem:$0x1F960];
	[tilespmem:s29+$0x18610] =	vst v52  }
0x7da: {  	v7 =	vld.idx.msk [tilespmem:v27+s11+$0x0], $0xffff;
	[tilespmem:s29+$0x18B10] =	vst v30  }
0x7db: {  	v8 =	vld [tilespmem:$0x1F970];
	[tilespmem:s29+$0x19010] =	vst v31  }
0x7dc: {  	v9 =	vld [tilespmem:$0x1F980]  }
0x7dd: {  	[tilespmem:s26+$0x19A00] =	vst v63;
	v1 =	vld.idx.msk [tilespmem:v1+s13+$0x0], $0xffff  }
0x7de: {  	v10 =	vld [tilespmem:$0x1F990]  }
0x7df: {  	v2 =	vld.idx.msk [tilespmem:v2+s13+$0x0], $0xffff  }
0x7e0: {  	v3 =	vld.idx.msk [tilespmem:v3+s13+$0x0], $0xffff  }
0x7e1: {  	v4 =	vld.idx.msk [tilespmem:v4+s13+$0x0], $0xffff  }
0x7e2: {  	v5 =	vld.idx.msk [tilespmem:v5+s13+$0x0], $0xffff  }
0x7e3: {  	v6 =	vld.idx.msk [tilespmem:v6+s13+$0x0], $0xffff  }
0x7e4: {  	[tilespmem:s29+$0x19A10] =	vst v28;
	v8 =	vld.idx.msk [tilespmem:v8+s13+$0x0], $0xffff  }
0x7e5: {  	[tilespmem:s29+$0x15900] =	vst v7;
	v9 =	vld.idx.msk [tilespmem:v9+s13+$0x0], $0xffff  }
0x7e6: {  	v10 =	vld.idx.msk [tilespmem:v10+s13+$0x0], $0xffff;
	[tilespmem:s28+$0x15E00] =	vst v51  }
0x7e7: {  	[tilespmem:s28+$0x16300] =	vst v1  }
0x7e8: {  	[tilespmem:s28+$0x16800] =	vst v2  }
0x7e9: {  	v54 =	vld.idx.msk [tilespmem:v18+s13+$0x0], $0xffff;
	[tilespmem:s28+$0x16D00] =	vst v3  }
0x7ea: {  	v55 =	vld.idx.msk [tilespmem:v22+s13+$0x0], $0xffff;
	[tilespmem:s28+$0x17200] =	vst v4  }
0x7eb: {  	v56 =	vld.idx.msk [tilespmem:v25+s13+$0x0], $0xffff;
	[tilespmem:s28+$0x17700] =	vst v5  }
0x7ec: {  	v4 =	vld [tilespmem:$0x1F9B0];
	[tilespmem:s28+$0x17C00] =	vst v6  }
0x7ed: {  	v57 =	vld.idx.msk [tilespmem:v23+s13+$0x0], $0xffff;
	[tilespmem:s28+$0x18100] =	vst v8  }
0x7ee: {  	v6 =	vld [tilespmem:$0x1F9C0]  }
0x7ef: {  	v58 =	vld.idx.msk [tilespmem:v24+s13+$0x0], $0xffff  }
0x7f0: {  	v59 =	vld.idx.msk [tilespmem:v16+s13+$0x0], $0xffff  }
0x7f1: {  	v60 =	vld.idx.msk [tilespmem:v19+s13+$0x0], $0xffff;
	[tilespmem:s28+$0x18600] =	vst v9  }
0x7f2: {  	v61 =	vld.idx.msk [tilespmem:v20+s13+$0x0], $0xffff;
	[tilespmem:s28+$0x19000] =	vst v11  }
0x7f3: {  	v62 =	vld.idx.msk [tilespmem:v21+s13+$0x0], $0xffff;
	[tilespmem:s28+$0x19500] =	vst v53  }
0x7f4: {  	v63 =	vld.idx.msk [tilespmem:v43+s13+$0x0], $0xffff;
	[tilespmem:s28+$0x19A00] =	vst v13  }
0x7f5: {  	[tilespmem:s28+$0x18B00] =	vst v10;
	v4 =	vld.idx.msk [tilespmem:v4+s13+$0x0], $0xffff  }
0x7f6: {  	v6 =	vld.idx.msk [tilespmem:v6+s13+$0x0], $0xffff;
	[tilespmem:s29+$0x15E00] =	vst v54  }
0x7f7: {  	[tilespmem:s29+$0x16300] =	vst v55  }
0x7f8: {  	[tilespmem:s29+$0x16800] =	vst v56  }
0x7f9: {  	[tilespmem:s29+$0x16D00] =	vst v57  }
0x7fa: {  	[tilespmem:s29+$0x17700] =	vst v58  }
0x7fb: {  	[tilespmem:s29+$0x18100] =	vst v59  }
0x7fc: {  	[tilespmem:s29+$0x18600] =	vst v60  }
0x7fd: {  	s24 =	sadd.s32 $0x1, s24;
	[tilespmem:s29+$0x18B00] =	vst v61  }
0x7fe: {  	p0 =	sne.s32 s24, $0xA;
	[tilespmem:s29+$0x19000] =	vst v62  }
.Ltmp4:
0x7ff: {  	[tilespmem:s29+$0x19500] =	vst v63;
	(pc) =	sbr.rel @p0 .LBB2_2-.Ltmp4, $4  }
0x800: {  	[tilespmem:s29+$0x19A00] =	vst v14  }
0x801: {  	[tilespmem:s29+$0x17200] =	vst v4  }
0x802: {  	s0 =	sadd.s32 $0x3CF000, s25;
	[tilespmem:s29+$0x17C00] =	vst v6  }
0x803: {  	[hbm4b:s0+s14] =	stream.strided.scatter [tilespmem:s19], [sflag:$0x4], $0xBE00, s15, s14, $0x38;
	[tilespmem:$0x1EB00] =	vst v63  }
0x804: {  	s23 =	sadd.s32 $0x1, s23  }
0x805: {  	_ =	swait.ge [sflag:s21], $0xC300;
	p0 =	sne.s32 s23, s10  }
.Ltmp5:
0x806: {  	[sflag:s21] =	ssyncset.done $0x0;
	(pc) =	sbr.rel @p0 .LBB2_1-.Ltmp5, $4  }
0x807: {  	[sflag:s21] =	ssyncadd.s32 $0xFFFF3D00  }
0x808: {  	_ =	swait.ge [sflag:s22], $0xBE00  }
0x809: {  	[sflag:s22] =	ssyncset.done $0x0  }
0x80a: {  	[sflag:s22] =	ssyncadd.s32 $0xFFFF4200  }
0x80b: {  	_ =	sfence.sel $0x180000  }
0x80c: {  	[bflag:$0x0] =	sbarrier.arrive $0xFFFF  }
0x80d: {  	_ =	strace $0x90000047  }
0x80e: {  	s0 =	stileid.u32;
	[bflag:$0x2] =	sbarrier.arrive $0xFFFF  }
0x80f: {  	p0 =	sne.s32 s0, $0x0;
	s0 =	rddreg [dreg:$0x1]  }
0x810: {  	s0 =	sadd.s32 @!p0 $0x100000, s0  }
0x811: {  	[sflag:s0] =	ssyncadd.tile.s32 @!p0 $0x1;
	_ =	shalt  }
.Lfunc_end2:
_tile_overlayer_lowered:
.L_overlay_start_2:
0x812: {  	(tag) =	ssettag $0x2  }
0x813: {  	s0 =	rddreg [dreg:$0x0];
	s2 =	stileid.u32  }
0x814: {  	s1 =	rddreg [dreg:$0x1];
	p0 =	sne.s32 s2, $0x0  }
0x815: {  	s3 =	rddreg [dreg:$0x2];
	[bflag:$0x3] =	sbarrier.arrive $0xFFFF;
	s2 =	simm.s32 @!p0 $0x1C05  }
0x816: {  	[timem:s3], [sflag:s2] =	dma.local @!p0 [hbm:s0], s1  }
0x817: {  	s0 =	simm.s32 @!p0 $0x5  }
0x818: {  	_ =	swait.ge @!p0 [sflag:s0], s1  }
0x819: {  	s1 =	ssub.s32 @!p0 $0x0, s1;
	[sflag:s0] =	ssyncset.done @!p0 $0x0  }
0x81a: {  	[sflag:s0] =	ssyncadd.s32 @!p0 s1  }
0x81b: {  	[bflag:$0x3] =	sbarrier.arrive $0xFFFF  }
0x81c: {  	_ =	shalt  }

</sc_bundles>
